<compile_context>
chip_gen: v7x
topology: tpu7x:2x2x1
jax: 0.10.2.dev20260603
libtpu: 0.0.44.dev20260713+nightly
codegen_flags: <defaults>
</compile_context>

<pallas_src>
import jax
import jax.numpy as jnp
from jax import lax
from jax.experimental import pallas as pl
from jax.experimental.pallas import tpu as pltpu
from jax.experimental.pallas import tpu_sc as plsc

_K = 50
_B = 128
_N = 32768
_NV = _N // 16
_NW = 32
_RPW = _B // _NW
_MIN32 = -2147483648
_U = 8
_UC = 4
_NCH = 4


def _sc_body(x_hbm, out_hbm, xv, cb, hist, tot, ss, sem_in, sem_out):
    nc = 2
    wid = lax.axis_index("s") * nc + lax.axis_index("c")
    lane = lax.iota(jnp.int32, 16)
    lane_c = lane * 257
    ones = jnp.ones((16,), jnp.int32)
    zeros = jnp.zeros((16,), jnp.int32)
    s24 = jnp.full((16,), 24, jnp.int32)
    s16 = jnp.full((16,), 16, jnp.int32)
    s8 = jnp.full((16,), 8, jnp.int32)
    m255 = jnp.full((16,), 255, jnp.int32)
    neg_inf = jnp.full((16,), -jnp.inf, jnp.float32)

    zf = jnp.zeros((16,), jnp.float32)

    def key_of(v):
        bi = lax.bitcast_convert_type(v + zf, jnp.int32)
        return bi ^ ((bi >> 31) | _MIN32)

    def digit_bound(key_s):
        fbits = jnp.where(key_s < 0, key_s ^ _MIN32, ~key_s)
        return lax.bitcast_convert_type(
            jnp.broadcast_to(fbits, (16,)), jnp.float32
        )

    def zero_hist():
        def zh(i, c):
            hist[pl.ds(i * 16, 16)] = zeros
            return c
        lax.fori_loop(0, 258, zh, 0)

    def pick(k_rem):
        @plsc.parallel_loop(0, 16)
        def tj(j):
            base = j * 16
            acc = hist[pl.ds(base, 16)]
            hist[pl.ds(base, 16)] = zeros
            for l in range(1, 16):
                off = l * 257 + base
                acc = acc + hist[pl.ds(off, 16)]
                hist[pl.ds(off, 16)] = zeros
            tot[pl.ds(base, 16)] = acc

        def sj(i, carry):
            c_above, cnt_v = carry
            j = 15 - i
            v = tot[pl.ds(j * 16, 16)]
            cum = plsc.cumsum(v)
            s = cum[15]
            ssv = (s + c_above) - cum + v
            ss[pl.ds(j * 16, 16)] = ssv
            cnt_v = cnt_v + plsc.all_reduce_population_count(ssv >= k_rem)
            return (c_above + s, cnt_v)

        _, cnt_v = lax.fori_loop(0, 16, sj, (jnp.int32(0), zeros))
        dstar = cnt_v[0] - 1
        t_d = tot[pl.ds(dstar, 16)][0]
        ss_d = ss[pl.ds(dstar, 16)][0]
        k_next = k_rem - (ss_d - t_d)
        return dstar, t_d, k_next

    def do_row(r, carry):
        row = wid * _RPW + r
        ch = _N // _NCH
        chv = _NV // _NCH

        in_cp = []
        for c in range(_NCH):
            sl = pl.ds(c * ch, ch)

            @pl.when(r > 0)
            def _drain(c=c, sl=sl):
                pltpu.make_async_copy(
                    xv.at[sl], out_hbm.at[row].at[sl], sem_out[c]
                ).wait()

            in_cp.append(
                pltpu.async_copy(x_hbm.at[row].at[sl], xv.at[sl], sem_in[c])
            )

        for c in range(_NCH):
            in_cp[c].wait()

            @plsc.parallel_loop(c * chv, (c + 1) * chv, unroll=_U)
            def h0(i):
                v = xv[pl.ds(i * 16, 16)]
                d0 = lax.shift_right_logical(key_of(v), s24)
                plsc.addupdate_scatter(hist, [lane_c + d0], ones)

        d0s, n1, k1 = pick(jnp.int32(_K))

        lo_v = digit_bound(d0s * 16777216)
        hi_v = jnp.where(
            jnp.broadcast_to(d0s, (16,)) == 255,
            lax.bitcast_convert_type(
                jnp.full((16,), 0x7F800000, jnp.int32), jnp.float32
            ),
            digit_bound((d0s + 1) * 16777216),
        )

        @plsc.parallel_loop(0, _NV, unroll=_U, carry=zeros)
        def r1(i, base_v):
            v = xv[pl.ds(i * 16, 16)]
            m = (v >= lo_v) & (v < hi_v)
            plsc.store_compressed(cb.at[pl.ds(base_v[0], 16)], v, mask=m)
            return base_v + plsc.all_reduce_population_count(m)

        def h1(g, c):
            for u in range(_UC):
                i = g * _UC + u
                kv = key_of(cb[pl.ds(i * 16, 16)])
                valid = (i * 16 + lane) < n1
                d1 = lax.shift_right_logical(kv, s16) & m255
                plsc.addupdate_scatter(hist, [lane_c + d1], ones, mask=valid)
            return c

        ng0 = (n1 + 16 * _UC - 1) // (16 * _UC)
        lax.fori_loop(0, ng0, h1, 0)
        d1s, n2, k2 = pick(k1)

        def r2(g, base_v):
            for u in range(_UC):
                i = g * _UC + u
                vv = cb[pl.ds(i * 16, 16)]
                kv = key_of(vv)
                valid = (i * 16 + lane) < n1
                d1 = lax.shift_right_logical(kv, s16) & m255
                m = (d1 == d1s) & valid
                plsc.store_compressed(cb.at[pl.ds(base_v[0], 16)], vv, mask=m)
                d2 = lax.shift_right_logical(kv, s8) & m255
                plsc.addupdate_scatter(hist, [lane_c + d2], ones, mask=m)
                base_v = base_v + plsc.all_reduce_population_count(m)
            return base_v

        ng1 = (n1 + 16 * _UC - 1) // (16 * _UC)
        lax.fori_loop(0, ng1, r2, zeros)
        d2s, n3, k3 = pick(k2)

        def r3(g, c):
            for u in range(_UC):
                i = g * _UC + u
                kv = key_of(cb[pl.ds(i * 16, 16)])
                valid = (i * 16 + lane) < n2
                d2 = lax.shift_right_logical(kv, s8) & m255
                m = (d2 == d2s) & valid
                d3 = kv & m255
                plsc.addupdate_scatter(hist, [lane_c + d3], ones, mask=m)
            return c

        ng2 = (n2 + 16 * _UC - 1) // (16 * _UC)
        lax.fori_loop(0, ng2, r3, 0)
        d3s, _, _ = pick(k3)

        tkey = (d0s * 16777216) + (d1s * 65536) + (d2s * 256) + d3s
        tbits = jnp.where(tkey < 0, tkey ^ _MIN32, ~tkey)
        tfv = lax.bitcast_convert_type(jnp.broadcast_to(tbits, (16,)), jnp.float32)

        for c in range(_NCH):

            @plsc.parallel_loop(c * chv, (c + 1) * chv, unroll=_U)
            def w(i):
                v = xv[pl.ds(i * 16, 16)]
                xv[pl.ds(i * 16, 16)] = jnp.where(v < tfv, neg_inf, v)

            sl = pl.ds(c * ch, ch)
            pltpu.async_copy(xv.at[sl], out_hbm.at[row].at[sl], sem_out[c])
        return carry

    zero_hist()
    lax.fori_loop(0, _RPW, do_row, 0)
    last = wid * _RPW + (_RPW - 1)
    for c in range(_NCH):
        sl = pl.ds(c * (_N // _NCH), _N // _NCH)
        pltpu.make_async_copy(xv.at[sl], out_hbm.at[last].at[sl], sem_out[c]).wait()


@jax.jit
def kernel(x):
    mesh = plsc.VectorSubcoreMesh(
        core_axis_name="c", subcore_axis_name="s", num_cores=2, num_subcores=16
    )
    f = pl.kernel(
        _sc_body,
        out_type=jax.ShapeDtypeStruct((_B, _N), jnp.float32),
        mesh=mesh,
        compiler_params=pltpu.CompilerParams(needs_layout_passes=False),
        scratch_types=[
            pltpu.VMEM((_N,), jnp.float32),
            pltpu.VMEM((_N + 16,), jnp.float32),
            pltpu.VMEM((4128,), jnp.int32),
            pltpu.VMEM((272,), jnp.int32),
            pltpu.VMEM((272,), jnp.int32),
            [pltpu.SemaphoreType.DMA] * _NCH,
            [pltpu.SemaphoreType.DMA] * _NCH,
        ],
    )
    return f(x)

# --- scband reference (transcript-rebuilt; emitter-appended) ---
"""Pipeline reference for scband-keep-top-k-38577396252775 (READ-ONLY COPY).

The authoritative reference and input builder live on the scoring server;
editing this copy changes nothing except your own understanding.
"""

import jax, jax.numpy as jnp
import numpy as np

TOP_K = 50

def setup_inputs(seed: int = 0) -> dict:
    key = jax.random.key(seed)
    x = jax.random.normal(key, (128, 32768), dtype=jnp.float32)
    return {"x": x}

def reference(x):
    # KeepTopK.forward: mask everything below the top_k-th largest value per row to -inf
    if TOP_K == 0:
        return x
    topk_vals = jax.lax.top_k(x, TOP_K)[0]          # [B, TOP_K]
    thresh = topk_vals[..., -1:]                     # [B, 1] (kth largest value)
    filter_value = -jnp.inf
    return jnp.where(x < thresh, filter_value, x)

if __name__ == "__main__":
    import jax
    _d = setup_inputs()
    print(jax.jit(kernel)(*tuple(_d.values())))

</pallas_src>

<mosaic_0001>
#map = affine_map<(d0, d1) -> (0, 0)>
module attributes {stable_mosaic.version = 14 : i64} {
  func.func @_sc_body(%arg0: i32, %arg1: i32, %arg2: memref<128x32768xf32, #tpu.memory_space<hbm>>, %arg3: memref<128x32768xf32, #tpu.memory_space<hbm>>, %arg4: memref<32768xf32, #tpu.memory_space<vmem>>, %arg5: memref<32784xf32, #tpu.memory_space<vmem>>, %arg6: memref<4128xi32, #tpu.memory_space<vmem>>, %arg7: memref<272xi32, #tpu.memory_space<vmem>>, %arg8: memref<272xi32, #tpu.memory_space<vmem>>, %arg9: memref<!tpu.dma_semaphore, #tpu.memory_space<semaphore_mem>>, %arg10: memref<!tpu.dma_semaphore, #tpu.memory_space<semaphore_mem>>, %arg11: memref<!tpu.dma_semaphore, #tpu.memory_space<semaphore_mem>>, %arg12: memref<!tpu.dma_semaphore, #tpu.memory_space<semaphore_mem>>, %arg13: memref<!tpu.dma_semaphore, #tpu.memory_space<semaphore_mem>>, %arg14: memref<!tpu.dma_semaphore, #tpu.memory_space<semaphore_mem>>, %arg15: memref<!tpu.dma_semaphore, #tpu.memory_space<semaphore_mem>>, %arg16: memref<!tpu.dma_semaphore, #tpu.memory_space<semaphore_mem>>) attributes {dimension_semantics = [#tpu.dimension_semantics<core_parallel>, #tpu.dimension_semantics<subcore_parallel>], iteration_bounds = array<i64: 2, 16>, scalar_prefetch = 0 : i64, scratch_operands = 13 : i64, tpu.core_type = #tpu.core_type<sc_vector_subcore>, window_params = [{transform_indices = #map}, {transform_indices = #map}]} {
    %mul3A = arith.constant 2 : i32
    %mul3A_0 = arith.muli %arg1, %mul3A : i32
    %add3A = arith.addi %mul3A_0, %arg0 : i32
    %iota3A = tpu.iota {dimensions = array<i32: 0>} : vector<16xi32>
    %mul3A_1 = arith.constant 257 : i32
    %mul3A_2 = vector.broadcast %mul3A_1 : i32 to vector<16xi32>
    %mul3A_3 = arith.muli %iota3A, %mul3A_2 : vector<16xi32>
    %broadcast_in_dim3A = arith.constant 1 : i32
    %broadcast_in_dim3A_4 = vector.broadcast %broadcast_in_dim3A : i32 to vector<16xi32>
    %broadcast_in_dim3A_5 = arith.constant 0 : i32
    %broadcast_in_dim3A_6 = vector.broadcast %broadcast_in_dim3A_5 : i32 to vector<16xi32>
    %broadcast_in_dim3A_7 = arith.constant 24 : i32
    %broadcast_in_dim3A_8 = vector.broadcast %broadcast_in_dim3A_7 : i32 to vector<16xi32>
    %broadcast_in_dim3A_9 = arith.constant 16 : i32
    %broadcast_in_dim3A_10 = vector.broadcast %broadcast_in_dim3A_9 : i32 to vector<16xi32>
    %broadcast_in_dim3A_11 = arith.constant 8 : i32
    %broadcast_in_dim3A_12 = vector.broadcast %broadcast_in_dim3A_11 : i32 to vector<16xi32>
    %broadcast_in_dim3A_13 = arith.constant 255 : i32
    %broadcast_in_dim3A_14 = vector.broadcast %broadcast_in_dim3A_13 : i32 to vector<16xi32>
    %broadcast_in_dim3A_15 = arith.constant 0xFF800000 : f32
    %broadcast_in_dim3A_16 = vector.broadcast %broadcast_in_dim3A_15 : f32 to vector<16xf32>
    %broadcast_in_dim3A_17 = arith.constant 0.000000e+00 : f32
    %broadcast_in_dim3A_18 = vector.broadcast %broadcast_in_dim3A_17 : f32 to vector<16xf32>
    %scan3A = arith.constant 0 : i32
    %scan3A_19 = arith.constant 0 : i32
    %scan3A_20 = arith.constant 258 : i32
    %scan3A_21 = arith.addi %scan3A_19, %scan3A_20 : i32
    %scan3A_22 = arith.constant 1 : i32
    scf.for %scan3A_89 = %scan3A_19 to %scan3A_21 step %scan3A_22  : i32 {
      %mul3A_90 = arith.constant 16 : i32
      %mul3A_91 = arith.muli %scan3A_89, %mul3A_90 : i32
      %swap3A = arith.index_cast %mul3A_91 : i32 to index
      %swap3A_92 = tpu.vector_load %arg6[%swap3A] {strides = array<i32>} : memref<4128xi32, #tpu.memory_space<vmem>>, vector<16xi32>,
      tpu.vector_store %arg6[%swap3A], %broadcast_in_dim3A_6 {strides = array<i32>} : memref<4128xi32, #tpu.memory_space<vmem>>, vector<16xi32>,
    }
    %scan3A_23 = arith.constant 258 : i32
    %scan3A_24 = arith.constant 0 : i32
    %scan3A_25 = arith.constant 0 : i32
    %scan3A_26 = arith.constant 4 : i32
    %scan3A_27 = arith.addi %scan3A_25, %scan3A_26 : i32
    %scan3A_28 = arith.constant 1 : i32
    scf.for %scan3A_89 = %scan3A_25 to %scan3A_27 step %scan3A_28  : i32 {
      %mul3A_90 = arith.constant 4 : i32
      %mul3A_91 = arith.muli %add3A, %mul3A_90 : i32
      %add3A_92 = arith.addi %mul3A_91, %scan3A_89 : i32
      %gt3A = arith.constant 0 : i32
      %gt3A_93 = arith.cmpi sgt, %scan3A_89, %gt3A : i32
      %convert_element_type3A = arith.extui %gt3A_93 : i1 to i32
      %cond3A = arith.constant 0 : i32
      %cond3A_94 = arith.cmpi ne, %convert_element_type3A, %cond3A : i32
      scf.if %cond3A_94 {
        %dma_wait3A_550 = arith.constant 0 : i32
        %dma_wait3A_551 = tpu.memref_slice %arg4[%dma_wait3A_550] : memref<32768xf32, #tpu.memory_space<vmem>> -> memref<8192xf32, #tpu.memory_space<vmem>>
        %dma_wait3A_552 = arith.constant 0 : i32
        %dma_wait3A_553 = tpu.memref_slice %arg3[%add3A_92, %dma_wait3A_552] : memref<128x32768xf32, #tpu.memory_space<hbm>> -> memref<1x32768xf32, #tpu.memory_space<hbm>>
        %dma_wait3A_554 = tpu.memref_squeeze %dma_wait3A_553 : memref<1x32768xf32, #tpu.memory_space<hbm>> -> memref<32768xf32, #tpu.memory_space<hbm>>
        %dma_wait3A_555 = arith.constant 0 : i32
        %dma_wait3A_556 = tpu.memref_slice %dma_wait3A_554[%dma_wait3A_555] : memref<32768xf32, #tpu.memory_space<hbm>> -> memref<8192xf32, #tpu.memory_space<hbm>>
        %dma_wait3A_557 = arith.constant 0 : i32
        %dma_wait3A_558 = tpu.memref_slice %arg3[%add3A_92, %dma_wait3A_557] : memref<128x32768xf32, #tpu.memory_space<hbm>> -> memref<1x32768xf32, #tpu.memory_space<hbm>>
        %dma_wait3A_559 = tpu.memref_squeeze %dma_wait3A_558 : memref<1x32768xf32, #tpu.memory_space<hbm>> -> memref<32768xf32, #tpu.memory_space<hbm>>
        %dma_wait3A_560 = arith.constant 0 : i32
        %dma_wait3A_561 = tpu.memref_slice %dma_wait3A_559[%dma_wait3A_560] : memref<32768xf32, #tpu.memory_space<hbm>> -> memref<8192xf32, #tpu.memory_space<hbm>>
        %dma_wait3A_562 = arith.constant 0 : i32
        %dma_wait3A_563 = tpu.memref_slice %arg4[%dma_wait3A_562] : memref<32768xf32, #tpu.memory_space<vmem>> -> memref<8192xf32, #tpu.memory_space<vmem>>
        tpu.wait_dma2 semaphore(%arg13 : memref<!tpu.dma_semaphore, #tpu.memory_space<semaphore_mem>>) src(%dma_wait3A_563 : memref<8192xf32, #tpu.memory_space<vmem>>) dst(%dma_wait3A_561 : memref<8192xf32, #tpu.memory_space<hbm>>)
      } else {
      }
      %dma_start3A = arith.constant 0 : i32
      %dma_start3A_95 = tpu.memref_slice %arg4[%dma_start3A] : memref<32768xf32, #tpu.memory_space<vmem>> -> memref<8192xf32, #tpu.memory_space<vmem>>
      %dma_start3A_96 = arith.constant 0 : i32
      %dma_start3A_97 = tpu.memref_slice %arg2[%add3A_92, %dma_start3A_96] : memref<128x32768xf32, #tpu.memory_space<hbm>> -> memref<1x32768xf32, #tpu.memory_space<hbm>>
      %dma_start3A_98 = tpu.memref_squeeze %dma_start3A_97 : memref<1x32768xf32, #tpu.memory_space<hbm>> -> memref<32768xf32, #tpu.memory_space<hbm>>
      %dma_start3A_99 = arith.constant 0 : i32
      %dma_start3A_100 = tpu.memref_slice %dma_start3A_98[%dma_start3A_99] : memref<32768xf32, #tpu.memory_space<hbm>> -> memref<8192xf32, #tpu.memory_space<hbm>>
      %dma_start3A_101 = arith.constant 0 : i32
      %dma_start3A_102 = tpu.memref_slice %arg4[%dma_start3A_101] : memref<32768xf32, #tpu.memory_space<vmem>> -> memref<8192xf32, #tpu.memory_space<vmem>>
      %dma_start3A_103 = arith.constant 0 : i32
      %dma_start3A_104 = tpu.memref_slice %arg2[%add3A_92, %dma_start3A_103] : memref<128x32768xf32, #tpu.memory_space<hbm>> -> memref<1x32768xf32, #tpu.memory_space<hbm>>
      %dma_start3A_105 = tpu.memref_squeeze %dma_start3A_104 : memref<1x32768xf32, #tpu.memory_space<hbm>> -> memref<32768xf32, #tpu.memory_space<hbm>>
      %dma_start3A_106 = arith.constant 0 : i32
      %dma_start3A_107 = tpu.memref_slice %dma_start3A_105[%dma_start3A_106] : memref<32768xf32, #tpu.memory_space<hbm>> -> memref<8192xf32, #tpu.memory_space<hbm>>
      tpu.enqueue_dma source(%dma_start3A_107 : memref<8192xf32, #tpu.memory_space<hbm>>) target(%dma_start3A_102 : memref<8192xf32, #tpu.memory_space<vmem>>) target_semaphore(%arg9 : memref<!tpu.dma_semaphore, #tpu.memory_space<semaphore_mem>>)
      %gt3A_108 = arith.constant 0 : i32
      %gt3A_109 = arith.cmpi sgt, %scan3A_89, %gt3A_108 : i32
      %convert_element_type3A_110 = arith.extui %gt3A_109 : i1 to i32
      %cond3A_111 = arith.constant 0 : i32
      %cond3A_112 = arith.cmpi ne, %convert_element_type3A_110, %cond3A_111 : i32
      scf.if %cond3A_112 {
        %dma_wait3A_550 = arith.constant 8192 : i32
        %dma_wait3A_551 = tpu.memref_slice %arg4[%dma_wait3A_550] : memref<32768xf32, #tpu.memory_space<vmem>> -> memref<8192xf32, #tpu.memory_space<vmem>>
        %dma_wait3A_552 = arith.constant 0 : i32
        %dma_wait3A_553 = tpu.memref_slice %arg3[%add3A_92, %dma_wait3A_552] : memref<128x32768xf32, #tpu.memory_space<hbm>> -> memref<1x32768xf32, #tpu.memory_space<hbm>>
        %dma_wait3A_554 = tpu.memref_squeeze %dma_wait3A_553 : memref<1x32768xf32, #tpu.memory_space<hbm>> -> memref<32768xf32, #tpu.memory_space<hbm>>
        %dma_wait3A_555 = arith.constant 8192 : i32
        %dma_wait3A_556 = tpu.memref_slice %dma_wait3A_554[%dma_wait3A_555] : memref<32768xf32, #tpu.memory_space<hbm>> -> memref<8192xf32, #tpu.memory_space<hbm>>
        %dma_wait3A_557 = arith.constant 0 : i32
        %dma_wait3A_558 = tpu.memref_slice %arg3[%add3A_92, %dma_wait3A_557] : memref<128x32768xf32, #tpu.memory_space<hbm>> -> memref<1x32768xf32, #tpu.memory_space<hbm>>
        %dma_wait3A_559 = tpu.memref_squeeze %dma_wait3A_558 : memref<1x32768xf32, #tpu.memory_space<hbm>> -> memref<32768xf32, #tpu.memory_space<hbm>>
        %dma_wait3A_560 = arith.constant 8192 : i32
        %dma_wait3A_561 = tpu.memref_slice %dma_wait3A_559[%dma_wait3A_560] : memref<32768xf32, #tpu.memory_space<hbm>> -> memref<8192xf32, #tpu.memory_space<hbm>>
        %dma_wait3A_562 = arith.constant 8192 : i32
        %dma_wait3A_563 = tpu.memref_slice %arg4[%dma_wait3A_562] : memref<32768xf32, #tpu.memory_space<vmem>> -> memref<8192xf32, #tpu.memory_space<vmem>>
        tpu.wait_dma2 semaphore(%arg14 : memref<!tpu.dma_semaphore, #tpu.memory_space<semaphore_mem>>) src(%dma_wait3A_563 : memref<8192xf32, #tpu.memory_space<vmem>>) dst(%dma_wait3A_561 : memref<8192xf32, #tpu.memory_space<hbm>>)
      } else {
      }
      %dma_start3A_113 = arith.constant 8192 : i32
      %dma_start3A_114 = tpu.memref_slice %arg4[%dma_start3A_113] : memref<32768xf32, #tpu.memory_space<vmem>> -> memref<8192xf32, #tpu.memory_space<vmem>>
      %dma_start3A_115 = arith.constant 0 : i32
      %dma_start3A_116 = tpu.memref_slice %arg2[%add3A_92, %dma_start3A_115] : memref<128x32768xf32, #tpu.memory_space<hbm>> -> memref<1x32768xf32, #tpu.memory_space<hbm>>
      %dma_start3A_117 = tpu.memref_squeeze %dma_start3A_116 : memref<1x32768xf32, #tpu.memory_space<hbm>> -> memref<32768xf32, #tpu.memory_space<hbm>>
      %dma_start3A_118 = arith.constant 8192 : i32
      %dma_start3A_119 = tpu.memref_slice %dma_start3A_117[%dma_start3A_118] : memref<32768xf32, #tpu.memory_space<hbm>> -> memref<8192xf32, #tpu.memory_space<hbm>>
      %dma_start3A_120 = arith.constant 8192 : i32
      %dma_start3A_121 = tpu.memref_slice %arg4[%dma_start3A_120] : memref<32768xf32, #tpu.memory_space<vmem>> -> memref<8192xf32, #tpu.memory_space<vmem>>
      %dma_start3A_122 = arith.constant 0 : i32
      %dma_start3A_123 = tpu.memref_slice %arg2[%add3A_92, %dma_start3A_122] : memref<128x32768xf32, #tpu.memory_space<hbm>> -> memref<1x32768xf32, #tpu.memory_space<hbm>>
      %dma_start3A_124 = tpu.memref_squeeze %dma_start3A_123 : memref<1x32768xf32, #tpu.memory_space<hbm>> -> memref<32768xf32, #tpu.memory_space<hbm>>
      %dma_start3A_125 = arith.constant 8192 : i32
      %dma_start3A_126 = tpu.memref_slice %dma_start3A_124[%dma_start3A_125] : memref<32768xf32, #tpu.memory_space<hbm>> -> memref<8192xf32, #tpu.memory_space<hbm>>
      tpu.enqueue_dma source(%dma_start3A_126 : memref<8192xf32, #tpu.memory_space<hbm>>) target(%dma_start3A_121 : memref<8192xf32, #tpu.memory_space<vmem>>) target_semaphore(%arg10 : memref<!tpu.dma_semaphore, #tpu.memory_space<semaphore_mem>>)
      %gt3A_127 = arith.constant 0 : i32
      %gt3A_128 = arith.cmpi sgt, %scan3A_89, %gt3A_127 : i32
      %convert_element_type3A_129 = arith.extui %gt3A_128 : i1 to i32
      %cond3A_130 = arith.constant 0 : i32
      %cond3A_131 = arith.cmpi ne, %convert_element_type3A_129, %cond3A_130 : i32
      scf.if %cond3A_131 {
        %dma_wait3A_550 = arith.constant 16384 : i32
        %dma_wait3A_551 = tpu.memref_slice %arg4[%dma_wait3A_550] : memref<32768xf32, #tpu.memory_space<vmem>> -> memref<8192xf32, #tpu.memory_space<vmem>>
        %dma_wait3A_552 = arith.constant 0 : i32
        %dma_wait3A_553 = tpu.memref_slice %arg3[%add3A_92, %dma_wait3A_552] : memref<128x32768xf32, #tpu.memory_space<hbm>> -> memref<1x32768xf32, #tpu.memory_space<hbm>>
        %dma_wait3A_554 = tpu.memref_squeeze %dma_wait3A_553 : memref<1x32768xf32, #tpu.memory_space<hbm>> -> memref<32768xf32, #tpu.memory_space<hbm>>
        %dma_wait3A_555 = arith.constant 16384 : i32
        %dma_wait3A_556 = tpu.memref_slice %dma_wait3A_554[%dma_wait3A_555] : memref<32768xf32, #tpu.memory_space<hbm>> -> memref<8192xf32, #tpu.memory_space<hbm>>
        %dma_wait3A_557 = arith.constant 0 : i32
        %dma_wait3A_558 = tpu.memref_slice %arg3[%add3A_92, %dma_wait3A_557] : memref<128x32768xf32, #tpu.memory_space<hbm>> -> memref<1x32768xf32, #tpu.memory_space<hbm>>
        %dma_wait3A_559 = tpu.memref_squeeze %dma_wait3A_558 : memref<1x32768xf32, #tpu.memory_space<hbm>> -> memref<32768xf32, #tpu.memory_space<hbm>>
        %dma_wait3A_560 = arith.constant 16384 : i32
        %dma_wait3A_561 = tpu.memref_slice %dma_wait3A_559[%dma_wait3A_560] : memref<32768xf32, #tpu.memory_space<hbm>> -> memref<8192xf32, #tpu.memory_space<hbm>>
        %dma_wait3A_562 = arith.constant 16384 : i32
        %dma_wait3A_563 = tpu.memref_slice %arg4[%dma_wait3A_562] : memref<32768xf32, #tpu.memory_space<vmem>> -> memref<8192xf32, #tpu.memory_space<vmem>>
        tpu.wait_dma2 semaphore(%arg15 : memref<!tpu.dma_semaphore, #tpu.memory_space<semaphore_mem>>) src(%dma_wait3A_563 : memref<8192xf32, #tpu.memory_space<vmem>>) dst(%dma_wait3A_561 : memref<8192xf32, #tpu.memory_space<hbm>>)
      } else {
      }
      %dma_start3A_132 = arith.constant 16384 : i32
      %dma_start3A_133 = tpu.memref_slice %arg4[%dma_start3A_132] : memref<32768xf32, #tpu.memory_space<vmem>> -> memref<8192xf32, #tpu.memory_space<vmem>>
      %dma_start3A_134 = arith.constant 0 : i32
      %dma_start3A_135 = tpu.memref_slice %arg2[%add3A_92, %dma_start3A_134] : memref<128x32768xf32, #tpu.memory_space<hbm>> -> memref<1x32768xf32, #tpu.memory_space<hbm>>
      %dma_start3A_136 = tpu.memref_squeeze %dma_start3A_135 : memref<1x32768xf32, #tpu.memory_space<hbm>> -> memref<32768xf32, #tpu.memory_space<hbm>>
      %dma_start3A_137 = arith.constant 16384 : i32
      %dma_start3A_138 = tpu.memref_slice %dma_start3A_136[%dma_start3A_137] : memref<32768xf32, #tpu.memory_space<hbm>> -> memref<8192xf32, #tpu.memory_space<hbm>>
      %dma_start3A_139 = arith.constant 16384 : i32
      %dma_start3A_140 = tpu.memref_slice %arg4[%dma_start3A_139] : memref<32768xf32, #tpu.memory_space<vmem>> -> memref<8192xf32, #tpu.memory_space<vmem>>
      %dma_start3A_141 = arith.constant 0 : i32
      %dma_start3A_142 = tpu.memref_slice %arg2[%add3A_92, %dma_start3A_141] : memref<128x32768xf32, #tpu.memory_space<hbm>> -> memref<1x32768xf32, #tpu.memory_space<hbm>>
      %dma_start3A_143 = tpu.memref_squeeze %dma_start3A_142 : memref<1x32768xf32, #tpu.memory_space<hbm>> -> memref<32768xf32, #tpu.memory_space<hbm>>
      %dma_start3A_144 = arith.constant 16384 : i32
      %dma_start3A_145 = tpu.memref_slice %dma_start3A_143[%dma_start3A_144] : memref<32768xf32, #tpu.memory_space<hbm>> -> memref<8192xf32, #tpu.memory_space<hbm>>
      tpu.enqueue_dma source(%dma_start3A_145 : memref<8192xf32, #tpu.memory_space<hbm>>) target(%dma_start3A_140 : memref<8192xf32, #tpu.memory_space<vmem>>) target_semaphore(%arg11 : memref<!tpu.dma_semaphore, #tpu.memory_space<semaphore_mem>>)
      %gt3A_146 = arith.constant 0 : i32
      %gt3A_147 = arith.cmpi sgt, %scan3A_89, %gt3A_146 : i32
      %convert_element_type3A_148 = arith.extui %gt3A_147 : i1 to i32
      %cond3A_149 = arith.constant 0 : i32
      %cond3A_150 = arith.cmpi ne, %convert_element_type3A_148, %cond3A_149 : i32
      scf.if %cond3A_150 {
        %dma_wait3A_550 = arith.constant 24576 : i32
        %dma_wait3A_551 = tpu.memref_slice %arg4[%dma_wait3A_550] : memref<32768xf32, #tpu.memory_space<vmem>> -> memref<8192xf32, #tpu.memory_space<vmem>>
        %dma_wait3A_552 = arith.constant 0 : i32
        %dma_wait3A_553 = tpu.memref_slice %arg3[%add3A_92, %dma_wait3A_552] : memref<128x32768xf32, #tpu.memory_space<hbm>> -> memref<1x32768xf32, #tpu.memory_space<hbm>>
        %dma_wait3A_554 = tpu.memref_squeeze %dma_wait3A_553 : memref<1x32768xf32, #tpu.memory_space<hbm>> -> memref<32768xf32, #tpu.memory_space<hbm>>
        %dma_wait3A_555 = arith.constant 24576 : i32
        %dma_wait3A_556 = tpu.memref_slice %dma_wait3A_554[%dma_wait3A_555] : memref<32768xf32, #tpu.memory_space<hbm>> -> memref<8192xf32, #tpu.memory_space<hbm>>
        %dma_wait3A_557 = arith.constant 0 : i32
        %dma_wait3A_558 = tpu.memref_slice %arg3[%add3A_92, %dma_wait3A_557] : memref<128x32768xf32, #tpu.memory_space<hbm>> -> memref<1x32768xf32, #tpu.memory_space<hbm>>
        %dma_wait3A_559 = tpu.memref_squeeze %dma_wait3A_558 : memref<1x32768xf32, #tpu.memory_space<hbm>> -> memref<32768xf32, #tpu.memory_space<hbm>>
        %dma_wait3A_560 = arith.constant 24576 : i32
        %dma_wait3A_561 = tpu.memref_slice %dma_wait3A_559[%dma_wait3A_560] : memref<32768xf32, #tpu.memory_space<hbm>> -> memref<8192xf32, #tpu.memory_space<hbm>>
        %dma_wait3A_562 = arith.constant 24576 : i32
        %dma_wait3A_563 = tpu.memref_slice %arg4[%dma_wait3A_562] : memref<32768xf32, #tpu.memory_space<vmem>> -> memref<8192xf32, #tpu.memory_space<vmem>>
        tpu.wait_dma2 semaphore(%arg16 : memref<!tpu.dma_semaphore, #tpu.memory_space<semaphore_mem>>) src(%dma_wait3A_563 : memref<8192xf32, #tpu.memory_space<vmem>>) dst(%dma_wait3A_561 : memref<8192xf32, #tpu.memory_space<hbm>>)
      } else {
      }
      %dma_start3A_151 = arith.constant 24576 : i32
      %dma_start3A_152 = tpu.memref_slice %arg4[%dma_start3A_151] : memref<32768xf32, #tpu.memory_space<vmem>> -> memref<8192xf32, #tpu.memory_space<vmem>>
      %dma_start3A_153 = arith.constant 0 : i32
      %dma_start3A_154 = tpu.memref_slice %arg2[%add3A_92, %dma_start3A_153] : memref<128x32768xf32, #tpu.memory_space<hbm>> -> memref<1x32768xf32, #tpu.memory_space<hbm>>
      %dma_start3A_155 = tpu.memref_squeeze %dma_start3A_154 : memref<1x32768xf32, #tpu.memory_space<hbm>> -> memref<32768xf32, #tpu.memory_space<hbm>>
      %dma_start3A_156 = arith.constant 24576 : i32
      %dma_start3A_157 = tpu.memref_slice %dma_start3A_155[%dma_start3A_156] : memref<32768xf32, #tpu.memory_space<hbm>> -> memref<8192xf32, #tpu.memory_space<hbm>>
      %dma_start3A_158 = arith.constant 24576 : i32
      %dma_start3A_159 = tpu.memref_slice %arg4[%dma_start3A_158] : memref<32768xf32, #tpu.memory_space<vmem>> -> memref<8192xf32, #tpu.memory_space<vmem>>
      %dma_start3A_160 = arith.constant 0 : i32
      %dma_start3A_161 = tpu.memref_slice %arg2[%add3A_92, %dma_start3A_160] : memref<128x32768xf32, #tpu.memory_space<hbm>> -> memref<1x32768xf32, #tpu.memory_space<hbm>>
      %dma_start3A_162 = tpu.memref_squeeze %dma_start3A_161 : memref<1x32768xf32, #tpu.memory_space<hbm>> -> memref<32768xf32, #tpu.memory_space<hbm>>
      %dma_start3A_163 = arith.constant 24576 : i32
      %dma_start3A_164 = tpu.memref_slice %dma_start3A_162[%dma_start3A_163] : memref<32768xf32, #tpu.memory_space<hbm>> -> memref<8192xf32, #tpu.memory_space<hbm>>
      tpu.enqueue_dma source(%dma_start3A_164 : memref<8192xf32, #tpu.memory_space<hbm>>) target(%dma_start3A_159 : memref<8192xf32, #tpu.memory_space<vmem>>) target_semaphore(%arg12 : memref<!tpu.dma_semaphore, #tpu.memory_space<semaphore_mem>>)
      %dma_wait3A_165 = arith.constant 0 : i32
      %dma_wait3A_166 = tpu.memref_slice %arg4[%dma_wait3A_165] : memref<32768xf32, #tpu.memory_space<vmem>> -> memref<8192xf32, #tpu.memory_space<vmem>>
      %dma_wait3A_167 = arith.constant 0 : i32
      %dma_wait3A_168 = tpu.memref_slice %arg2[%add3A_92, %dma_wait3A_167] : memref<128x32768xf32, #tpu.memory_space<hbm>> -> memref<1x32768xf32, #tpu.memory_space<hbm>>
      %dma_wait3A_169 = tpu.memref_squeeze %dma_wait3A_168 : memref<1x32768xf32, #tpu.memory_space<hbm>> -> memref<32768xf32, #tpu.memory_space<hbm>>
      %dma_wait3A_170 = arith.constant 0 : i32
      %dma_wait3A_171 = tpu.memref_slice %dma_wait3A_169[%dma_wait3A_170] : memref<32768xf32, #tpu.memory_space<hbm>> -> memref<8192xf32, #tpu.memory_space<hbm>>
      %dma_wait3A_172 = arith.constant 0 : i32
      %dma_wait3A_173 = tpu.memref_slice %arg4[%dma_wait3A_172] : memref<32768xf32, #tpu.memory_space<vmem>> -> memref<8192xf32, #tpu.memory_space<vmem>>
      %dma_wait3A_174 = arith.constant 0 : i32
      %dma_wait3A_175 = tpu.memref_slice %arg2[%add3A_92, %dma_wait3A_174] : memref<128x32768xf32, #tpu.memory_space<hbm>> -> memref<1x32768xf32, #tpu.memory_space<hbm>>
      %dma_wait3A_176 = tpu.memref_squeeze %dma_wait3A_175 : memref<1x32768xf32, #tpu.memory_space<hbm>> -> memref<32768xf32, #tpu.memory_space<hbm>>
      %dma_wait3A_177 = arith.constant 0 : i32
      %dma_wait3A_178 = tpu.memref_slice %dma_wait3A_176[%dma_wait3A_177] : memref<32768xf32, #tpu.memory_space<hbm>> -> memref<8192xf32, #tpu.memory_space<hbm>>
      tpu.wait_dma2 semaphore(%arg9 : memref<!tpu.dma_semaphore, #tpu.memory_space<semaphore_mem>>) src(%dma_wait3A_178 : memref<8192xf32, #tpu.memory_space<hbm>>) dst(%dma_wait3A_173 : memref<8192xf32, #tpu.memory_space<vmem>>)
      %parallel_loop3A = arith.constant 0 : i32
      %parallel_loop3A_179 = arith.constant 512 : i32
      %parallel_loop3A_180 = arith.constant 1 : i32
      scf.for %parallel_loop3A_550 = %parallel_loop3A to %parallel_loop3A_179 step %parallel_loop3A_180  : i32 {
        %parallel_loop3A_551 = arith.constant 16 : i32
        %parallel_loop3A_552 = arith.muli %parallel_loop3A_550, %parallel_loop3A_551 : i32
        %parallel_loop3A_553 = arith.index_cast %parallel_loop3A_552 : i32 to index
        %parallel_loop3A_554 = tpu.vector_load %arg4[%parallel_loop3A_553] {strides = array<i32>} : memref<32768xf32, #tpu.memory_space<vmem>>, vector<16xf32>,
        %parallel_loop3A_555 = arith.addf %parallel_loop3A_554, %broadcast_in_dim3A_18 : vector<16xf32>
        %parallel_loop3A_556 = tpu.bitcast %parallel_loop3A_555 : vector<16xf32> -> vector<16xi32>
        %parallel_loop3A_557 = arith.constant 31 : i32
        %parallel_loop3A_558 = vector.broadcast %parallel_loop3A_557 : i32 to vector<16xi32>
        %parallel_loop3A_559 = arith.shrsi %parallel_loop3A_556, %parallel_loop3A_558 : vector<16xi32>
        %parallel_loop3A_560 = arith.constant -2147483648 : i32
        %parallel_loop3A_561 = vector.broadcast %parallel_loop3A_560 : i32 to vector<16xi32>
        %parallel_loop3A_562 = arith.ori %parallel_loop3A_559, %parallel_loop3A_561 : vector<16xi32>
        %parallel_loop3A_563 = arith.xori %parallel_loop3A_556, %parallel_loop3A_562 : vector<16xi32>
        %parallel_loop3A_564 = arith.shrui %parallel_loop3A_563, %broadcast_in_dim3A_8 : vector<16xi32>
        %parallel_loop3A_565 = arith.addi %mul3A_3, %parallel_loop3A_564 : vector<16xi32>
        tpu.vector_store_idx %arg6[%parallel_loop3A_565], %broadcast_in_dim3A_4 {add = true} : memref<4128xi32, #tpu.memory_space<vmem>>[vector<16xi32>], vector<16xi32>,
      } {sc.loop_unroll_factor = 8 : i64, sc.parallel_access}
      %dma_wait3A_181 = arith.constant 8192 : i32
      %dma_wait3A_182 = tpu.memref_slice %arg4[%dma_wait3A_181] : memref<32768xf32, #tpu.memory_space<vmem>> -> memref<8192xf32, #tpu.memory_space<vmem>>
      %dma_wait3A_183 = arith.constant 0 : i32
      %dma_wait3A_184 = tpu.memref_slice %arg2[%add3A_92, %dma_wait3A_183] : memref<128x32768xf32, #tpu.memory_space<hbm>> -> memref<1x32768xf32, #tpu.memory_space<hbm>>
      %dma_wait3A_185 = tpu.memref_squeeze %dma_wait3A_184 : memref<1x32768xf32, #tpu.memory_space<hbm>> -> memref<32768xf32, #tpu.memory_space<hbm>>
      %dma_wait3A_186 = arith.constant 8192 : i32
      %dma_wait3A_187 = tpu.memref_slice %dma_wait3A_185[%dma_wait3A_186] : memref<32768xf32, #tpu.memory_space<hbm>> -> memref<8192xf32, #tpu.memory_space<hbm>>
      %dma_wait3A_188 = arith.constant 8192 : i32
      %dma_wait3A_189 = tpu.memref_slice %arg4[%dma_wait3A_188] : memref<32768xf32, #tpu.memory_space<vmem>> -> memref<8192xf32, #tpu.memory_space<vmem>>
      %dma_wait3A_190 = arith.constant 0 : i32
      %dma_wait3A_191 = tpu.memref_slice %arg2[%add3A_92, %dma_wait3A_190] : memref<128x32768xf32, #tpu.memory_space<hbm>> -> memref<1x32768xf32, #tpu.memory_space<hbm>>
      %dma_wait3A_192 = tpu.memref_squeeze %dma_wait3A_191 : memref<1x32768xf32, #tpu.memory_space<hbm>> -> memref<32768xf32, #tpu.memory_space<hbm>>
      %dma_wait3A_193 = arith.constant 8192 : i32
      %dma_wait3A_194 = tpu.memref_slice %dma_wait3A_192[%dma_wait3A_193] : memref<32768xf32, #tpu.memory_space<hbm>> -> memref<8192xf32, #tpu.memory_space<hbm>>
      tpu.wait_dma2 semaphore(%arg10 : memref<!tpu.dma_semaphore, #tpu.memory_space<semaphore_mem>>) src(%dma_wait3A_194 : memref<8192xf32, #tpu.memory_space<hbm>>) dst(%dma_wait3A_189 : memref<8192xf32, #tpu.memory_space<vmem>>)
      %parallel_loop3A_195 = arith.constant 512 : i32
      %parallel_loop3A_196 = arith.constant 1024 : i32
      %parallel_loop3A_197 = arith.constant 1 : i32
      scf.for %parallel_loop3A_550 = %parallel_loop3A_195 to %parallel_loop3A_196 step %parallel_loop3A_197  : i32 {
        %parallel_loop3A_551 = arith.constant 16 : i32
        %parallel_loop3A_552 = arith.muli %parallel_loop3A_550, %parallel_loop3A_551 : i32
        %parallel_loop3A_553 = arith.index_cast %parallel_loop3A_552 : i32 to index
        %parallel_loop3A_554 = tpu.vector_load %arg4[%parallel_loop3A_553] {strides = array<i32>} : memref<32768xf32, #tpu.memory_space<vmem>>, vector<16xf32>,
        %parallel_loop3A_555 = arith.addf %parallel_loop3A_554, %broadcast_in_dim3A_18 : vector<16xf32>
        %parallel_loop3A_556 = tpu.bitcast %parallel_loop3A_555 : vector<16xf32> -> vector<16xi32>
        %parallel_loop3A_557 = arith.constant 31 : i32
        %parallel_loop3A_558 = vector.broadcast %parallel_loop3A_557 : i32 to vector<16xi32>
        %parallel_loop3A_559 = arith.shrsi %parallel_loop3A_556, %parallel_loop3A_558 : vector<16xi32>
        %parallel_loop3A_560 = arith.constant -2147483648 : i32
        %parallel_loop3A_561 = vector.broadcast %parallel_loop3A_560 : i32 to vector<16xi32>
        %parallel_loop3A_562 = arith.ori %parallel_loop3A_559, %parallel_loop3A_561 : vector<16xi32>
        %parallel_loop3A_563 = arith.xori %parallel_loop3A_556, %parallel_loop3A_562 : vector<16xi32>
        %parallel_loop3A_564 = arith.shrui %parallel_loop3A_563, %broadcast_in_dim3A_8 : vector<16xi32>
        %parallel_loop3A_565 = arith.addi %mul3A_3, %parallel_loop3A_564 : vector<16xi32>
        tpu.vector_store_idx %arg6[%parallel_loop3A_565], %broadcast_in_dim3A_4 {add = true} : memref<4128xi32, #tpu.memory_space<vmem>>[vector<16xi32>], vector<16xi32>,
      } {sc.loop_unroll_factor = 8 : i64, sc.parallel_access}
      %dma_wait3A_198 = arith.constant 16384 : i32
      %dma_wait3A_199 = tpu.memref_slice %arg4[%dma_wait3A_198] : memref<32768xf32, #tpu.memory_space<vmem>> -> memref<8192xf32, #tpu.memory_space<vmem>>
      %dma_wait3A_200 = arith.constant 0 : i32
      %dma_wait3A_201 = tpu.memref_slice %arg2[%add3A_92, %dma_wait3A_200] : memref<128x32768xf32, #tpu.memory_space<hbm>> -> memref<1x32768xf32, #tpu.memory_space<hbm>>
      %dma_wait3A_202 = tpu.memref_squeeze %dma_wait3A_201 : memref<1x32768xf32, #tpu.memory_space<hbm>> -> memref<32768xf32, #tpu.memory_space<hbm>>
      %dma_wait3A_203 = arith.constant 16384 : i32
      %dma_wait3A_204 = tpu.memref_slice %dma_wait3A_202[%dma_wait3A_203] : memref<32768xf32, #tpu.memory_space<hbm>> -> memref<8192xf32, #tpu.memory_space<hbm>>
      %dma_wait3A_205 = arith.constant 16384 : i32
      %dma_wait3A_206 = tpu.memref_slice %arg4[%dma_wait3A_205] : memref<32768xf32, #tpu.memory_space<vmem>> -> memref<8192xf32, #tpu.memory_space<vmem>>
      %dma_wait3A_207 = arith.constant 0 : i32
      %dma_wait3A_208 = tpu.memref_slice %arg2[%add3A_92, %dma_wait3A_207] : memref<128x32768xf32, #tpu.memory_space<hbm>> -> memref<1x32768xf32, #tpu.memory_space<hbm>>
      %dma_wait3A_209 = tpu.memref_squeeze %dma_wait3A_208 : memref<1x32768xf32, #tpu.memory_space<hbm>> -> memref<32768xf32, #tpu.memory_space<hbm>>
      %dma_wait3A_210 = arith.constant 16384 : i32
      %dma_wait3A_211 = tpu.memref_slice %dma_wait3A_209[%dma_wait3A_210] : memref<32768xf32, #tpu.memory_space<hbm>> -> memref<8192xf32, #tpu.memory_space<hbm>>
      tpu.wait_dma2 semaphore(%arg11 : memref<!tpu.dma_semaphore, #tpu.memory_space<semaphore_mem>>) src(%dma_wait3A_211 : memref<8192xf32, #tpu.memory_space<hbm>>) dst(%dma_wait3A_206 : memref<8192xf32, #tpu.memory_space<vmem>>)
      %parallel_loop3A_212 = arith.constant 1024 : i32
      %parallel_loop3A_213 = arith.constant 1536 : i32
      %parallel_loop3A_214 = arith.constant 1 : i32
      scf.for %parallel_loop3A_550 = %parallel_loop3A_212 to %parallel_loop3A_213 step %parallel_loop3A_214  : i32 {
        %parallel_loop3A_551 = arith.constant 16 : i32
        %parallel_loop3A_552 = arith.muli %parallel_loop3A_550, %parallel_loop3A_551 : i32
        %parallel_loop3A_553 = arith.index_cast %parallel_loop3A_552 : i32 to index
        %parallel_loop3A_554 = tpu.vector_load %arg4[%parallel_loop3A_553] {strides = array<i32>} : memref<32768xf32, #tpu.memory_space<vmem>>, vector<16xf32>,
        %parallel_loop3A_555 = arith.addf %parallel_loop3A_554, %broadcast_in_dim3A_18 : vector<16xf32>
        %parallel_loop3A_556 = tpu.bitcast %parallel_loop3A_555 : vector<16xf32> -> vector<16xi32>
        %parallel_loop3A_557 = arith.constant 31 : i32
        %parallel_loop3A_558 = vector.broadcast %parallel_loop3A_557 : i32 to vector<16xi32>
        %parallel_loop3A_559 = arith.shrsi %parallel_loop3A_556, %parallel_loop3A_558 : vector<16xi32>
        %parallel_loop3A_560 = arith.constant -2147483648 : i32
        %parallel_loop3A_561 = vector.broadcast %parallel_loop3A_560 : i32 to vector<16xi32>
        %parallel_loop3A_562 = arith.ori %parallel_loop3A_559, %parallel_loop3A_561 : vector<16xi32>
        %parallel_loop3A_563 = arith.xori %parallel_loop3A_556, %parallel_loop3A_562 : vector<16xi32>
        %parallel_loop3A_564 = arith.shrui %parallel_loop3A_563, %broadcast_in_dim3A_8 : vector<16xi32>
        %parallel_loop3A_565 = arith.addi %mul3A_3, %parallel_loop3A_564 : vector<16xi32>
        tpu.vector_store_idx %arg6[%parallel_loop3A_565], %broadcast_in_dim3A_4 {add = true} : memref<4128xi32, #tpu.memory_space<vmem>>[vector<16xi32>], vector<16xi32>,
      } {sc.loop_unroll_factor = 8 : i64, sc.parallel_access}
      %dma_wait3A_215 = arith.constant 24576 : i32
      %dma_wait3A_216 = tpu.memref_slice %arg4[%dma_wait3A_215] : memref<32768xf32, #tpu.memory_space<vmem>> -> memref<8192xf32, #tpu.memory_space<vmem>>
      %dma_wait3A_217 = arith.constant 0 : i32
      %dma_wait3A_218 = tpu.memref_slice %arg2[%add3A_92, %dma_wait3A_217] : memref<128x32768xf32, #tpu.memory_space<hbm>> -> memref<1x32768xf32, #tpu.memory_space<hbm>>
      %dma_wait3A_219 = tpu.memref_squeeze %dma_wait3A_218 : memref<1x32768xf32, #tpu.memory_space<hbm>> -> memref<32768xf32, #tpu.memory_space<hbm>>
      %dma_wait3A_220 = arith.constant 24576 : i32
      %dma_wait3A_221 = tpu.memref_slice %dma_wait3A_219[%dma_wait3A_220] : memref<32768xf32, #tpu.memory_space<hbm>> -> memref<8192xf32, #tpu.memory_space<hbm>>
      %dma_wait3A_222 = arith.constant 24576 : i32
      %dma_wait3A_223 = tpu.memref_slice %arg4[%dma_wait3A_222] : memref<32768xf32, #tpu.memory_space<vmem>> -> memref<8192xf32, #tpu.memory_space<vmem>>
      %dma_wait3A_224 = arith.constant 0 : i32
      %dma_wait3A_225 = tpu.memref_slice %arg2[%add3A_92, %dma_wait3A_224] : memref<128x32768xf32, #tpu.memory_space<hbm>> -> memref<1x32768xf32, #tpu.memory_space<hbm>>
      %dma_wait3A_226 = tpu.memref_squeeze %dma_wait3A_225 : memref<1x32768xf32, #tpu.memory_space<hbm>> -> memref<32768xf32, #tpu.memory_space<hbm>>
      %dma_wait3A_227 = arith.constant 24576 : i32
      %dma_wait3A_228 = tpu.memref_slice %dma_wait3A_226[%dma_wait3A_227] : memref<32768xf32, #tpu.memory_space<hbm>> -> memref<8192xf32, #tpu.memory_space<hbm>>
      tpu.wait_dma2 semaphore(%arg12 : memref<!tpu.dma_semaphore, #tpu.memory_space<semaphore_mem>>) src(%dma_wait3A_228 : memref<8192xf32, #tpu.memory_space<hbm>>) dst(%dma_wait3A_223 : memref<8192xf32, #tpu.memory_space<vmem>>)
      %parallel_loop3A_229 = arith.constant 1536 : i32
      %parallel_loop3A_230 = arith.constant 2048 : i32
      %parallel_loop3A_231 = arith.constant 1 : i32
      scf.for %parallel_loop3A_550 = %parallel_loop3A_229 to %parallel_loop3A_230 step %parallel_loop3A_231  : i32 {
        %parallel_loop3A_551 = arith.constant 16 : i32
        %parallel_loop3A_552 = arith.muli %parallel_loop3A_550, %parallel_loop3A_551 : i32
        %parallel_loop3A_553 = arith.index_cast %parallel_loop3A_552 : i32 to index
        %parallel_loop3A_554 = tpu.vector_load %arg4[%parallel_loop3A_553] {strides = array<i32>} : memref<32768xf32, #tpu.memory_space<vmem>>, vector<16xf32>,
        %parallel_loop3A_555 = arith.addf %parallel_loop3A_554, %broadcast_in_dim3A_18 : vector<16xf32>
        %parallel_loop3A_556 = tpu.bitcast %parallel_loop3A_555 : vector<16xf32> -> vector<16xi32>
        %parallel_loop3A_557 = arith.constant 31 : i32
        %parallel_loop3A_558 = vector.broadcast %parallel_loop3A_557 : i32 to vector<16xi32>
        %parallel_loop3A_559 = arith.shrsi %parallel_loop3A_556, %parallel_loop3A_558 : vector<16xi32>
        %parallel_loop3A_560 = arith.constant -2147483648 : i32
        %parallel_loop3A_561 = vector.broadcast %parallel_loop3A_560 : i32 to vector<16xi32>
        %parallel_loop3A_562 = arith.ori %parallel_loop3A_559, %parallel_loop3A_561 : vector<16xi32>
        %parallel_loop3A_563 = arith.xori %parallel_loop3A_556, %parallel_loop3A_562 : vector<16xi32>
        %parallel_loop3A_564 = arith.shrui %parallel_loop3A_563, %broadcast_in_dim3A_8 : vector<16xi32>
        %parallel_loop3A_565 = arith.addi %mul3A_3, %parallel_loop3A_564 : vector<16xi32>
        tpu.vector_store_idx %arg6[%parallel_loop3A_565], %broadcast_in_dim3A_4 {add = true} : memref<4128xi32, #tpu.memory_space<vmem>>[vector<16xi32>], vector<16xi32>,
      } {sc.loop_unroll_factor = 8 : i64, sc.parallel_access}
      %parallel_loop3A_232 = arith.constant 0 : i32
      %parallel_loop3A_233 = arith.constant 16 : i32
      %parallel_loop3A_234 = arith.constant 1 : i32
      scf.for %parallel_loop3A_550 = %parallel_loop3A_232 to %parallel_loop3A_233 step %parallel_loop3A_234  : i32 {
        %parallel_loop3A_551 = arith.constant 16 : i32
        %parallel_loop3A_552 = arith.muli %parallel_loop3A_550, %parallel_loop3A_551 : i32
        %parallel_loop3A_553 = arith.index_cast %parallel_loop3A_552 : i32 to index
        %parallel_loop3A_554 = tpu.vector_load %arg6[%parallel_loop3A_553] {strides = array<i32>} : memref<4128xi32, #tpu.memory_space<vmem>>, vector<16xi32>,
        %parallel_loop3A_555 = arith.index_cast %parallel_loop3A_552 : i32 to index
        %parallel_loop3A_556 = tpu.vector_load %arg6[%parallel_loop3A_555] {strides = array<i32>} : memref<4128xi32, #tpu.memory_space<vmem>>, vector<16xi32>,
        tpu.vector_store %arg6[%parallel_loop3A_555], %broadcast_in_dim3A_6 {strides = array<i32>} : memref<4128xi32, #tpu.memory_space<vmem>>, vector<16xi32>,
        %parallel_loop3A_557 = arith.constant 257 : i32
        %parallel_loop3A_558 = arith.addi %parallel_loop3A_557, %parallel_loop3A_552 : i32
        %parallel_loop3A_559 = arith.index_cast %parallel_loop3A_558 : i32 to index
        %parallel_loop3A_560 = tpu.vector_load %arg6[%parallel_loop3A_559] {strides = array<i32>} : memref<4128xi32, #tpu.memory_space<vmem>>, vector<16xi32>,
        %parallel_loop3A_561 = arith.addi %parallel_loop3A_554, %parallel_loop3A_560 : vector<16xi32>
        %parallel_loop3A_562 = arith.index_cast %parallel_loop3A_558 : i32 to index
        %parallel_loop3A_563 = tpu.vector_load %arg6[%parallel_loop3A_562] {strides = array<i32>} : memref<4128xi32, #tpu.memory_space<vmem>>, vector<16xi32>,
        tpu.vector_store %arg6[%parallel_loop3A_562], %broadcast_in_dim3A_6 {strides = array<i32>} : memref<4128xi32, #tpu.memory_space<vmem>>, vector<16xi32>,
        %parallel_loop3A_564 = arith.constant 514 : i32
        %parallel_loop3A_565 = arith.addi %parallel_loop3A_564, %parallel_loop3A_552 : i32
        %parallel_loop3A_566 = arith.index_cast %parallel_loop3A_565 : i32 to index
        %parallel_loop3A_567 = tpu.vector_load %arg6[%parallel_loop3A_566] {strides = array<i32>} : memref<4128xi32, #tpu.memory_space<vmem>>, vector<16xi32>,
        %parallel_loop3A_568 = arith.addi %parallel_loop3A_561, %parallel_loop3A_567 : vector<16xi32>
        %parallel_loop3A_569 = arith.index_cast %parallel_loop3A_565 : i32 to index
        %parallel_loop3A_570 = tpu.vector_load %arg6[%parallel_loop3A_569] {strides = array<i32>} : memref<4128xi32, #tpu.memory_space<vmem>>, vector<16xi32>,
        tpu.vector_store %arg6[%parallel_loop3A_569], %broadcast_in_dim3A_6 {strides = array<i32>} : memref<4128xi32, #tpu.memory_space<vmem>>, vector<16xi32>,
        %parallel_loop3A_571 = arith.constant 771 : i32
        %parallel_loop3A_572 = arith.addi %parallel_loop3A_571, %parallel_loop3A_552 : i32
        %parallel_loop3A_573 = arith.index_cast %parallel_loop3A_572 : i32 to index
        %parallel_loop3A_574 = tpu.vector_load %arg6[%parallel_loop3A_573] {strides = array<i32>} : memref<4128xi32, #tpu.memory_space<vmem>>, vector<16xi32>,
        %parallel_loop3A_575 = arith.addi %parallel_loop3A_568, %parallel_loop3A_574 : vector<16xi32>
        %parallel_loop3A_576 = arith.index_cast %parallel_loop3A_572 : i32 to index
        %parallel_loop3A_577 = tpu.vector_load %arg6[%parallel_loop3A_576] {strides = array<i32>} : memref<4128xi32, #tpu.memory_space<vmem>>, vector<16xi32>,
        tpu.vector_store %arg6[%parallel_loop3A_576], %broadcast_in_dim3A_6 {strides = array<i32>} : memref<4128xi32, #tpu.memory_space<vmem>>, vector<16xi32>,
        %parallel_loop3A_578 = arith.constant 1028 : i32
        %parallel_loop3A_579 = arith.addi %parallel_loop3A_578, %parallel_loop3A_552 : i32
        %parallel_loop3A_580 = arith.index_cast %parallel_loop3A_579 : i32 to index
        %parallel_loop3A_581 = tpu.vector_load %arg6[%parallel_loop3A_580] {strides = array<i32>} : memref<4128xi32, #tpu.memory_space<vmem>>, vector<16xi32>,
        %parallel_loop3A_582 = arith.addi %parallel_loop3A_575, %parallel_loop3A_581 : vector<16xi32>
        %parallel_loop3A_583 = arith.index_cast %parallel_loop3A_579 : i32 to index
        %parallel_loop3A_584 = tpu.vector_load %arg6[%parallel_loop3A_583] {strides = array<i32>} : memref<4128xi32, #tpu.memory_space<vmem>>, vector<16xi32>,
        tpu.vector_store %arg6[%parallel_loop3A_583], %broadcast_in_dim3A_6 {strides = array<i32>} : memref<4128xi32, #tpu.memory_space<vmem>>, vector<16xi32>,
        %parallel_loop3A_585 = arith.constant 1285 : i32
        %parallel_loop3A_586 = arith.addi %parallel_loop3A_585, %parallel_loop3A_552 : i32
        %parallel_loop3A_587 = arith.index_cast %parallel_loop3A_586 : i32 to index
        %parallel_loop3A_588 = tpu.vector_load %arg6[%parallel_loop3A_587] {strides = array<i32>} : memref<4128xi32, #tpu.memory_space<vmem>>, vector<16xi32>,
        %parallel_loop3A_589 = arith.addi %parallel_loop3A_582, %parallel_loop3A_588 : vector<16xi32>
        %parallel_loop3A_590 = arith.index_cast %parallel_loop3A_586 : i32 to index
        %parallel_loop3A_591 = tpu.vector_load %arg6[%parallel_loop3A_590] {strides = array<i32>} : memref<4128xi32, #tpu.memory_space<vmem>>, vector<16xi32>,
        tpu.vector_store %arg6[%parallel_loop3A_590], %broadcast_in_dim3A_6 {strides = array<i32>} : memref<4128xi32, #tpu.memory_space<vmem>>, vector<16xi32>,
        %parallel_loop3A_592 = arith.constant 1542 : i32
        %parallel_loop3A_593 = arith.addi %parallel_loop3A_592, %parallel_loop3A_552 : i32
        %parallel_loop3A_594 = arith.index_cast %parallel_loop3A_593 : i32 to index
        %parallel_loop3A_595 = tpu.vector_load %arg6[%parallel_loop3A_594] {strides = array<i32>} : memref<4128xi32, #tpu.memory_space<vmem>>, vector<16xi32>,
        %parallel_loop3A_596 = arith.addi %parallel_loop3A_589, %parallel_loop3A_595 : vector<16xi32>
        %parallel_loop3A_597 = arith.index_cast %parallel_loop3A_593 : i32 to index
        %parallel_loop3A_598 = tpu.vector_load %arg6[%parallel_loop3A_597] {strides = array<i32>} : memref<4128xi32, #tpu.memory_space<vmem>>, vector<16xi32>,
        tpu.vector_store %arg6[%parallel_loop3A_597], %broadcast_in_dim3A_6 {strides = array<i32>} : memref<4128xi32, #tpu.memory_space<vmem>>, vector<16xi32>,
        %parallel_loop3A_599 = arith.constant 1799 : i32
        %parallel_loop3A_600 = arith.addi %parallel_loop3A_599, %parallel_loop3A_552 : i32
        %parallel_loop3A_601 = arith.index_cast %parallel_loop3A_600 : i32 to index
        %parallel_loop3A_602 = tpu.vector_load %arg6[%parallel_loop3A_601] {strides = array<i32>} : memref<4128xi32, #tpu.memory_space<vmem>>, vector<16xi32>,
        %parallel_loop3A_603 = arith.addi %parallel_loop3A_596, %parallel_loop3A_602 : vector<16xi32>
        %parallel_loop3A_604 = arith.index_cast %parallel_loop3A_600 : i32 to index
        %parallel_loop3A_605 = tpu.vector_load %arg6[%parallel_loop3A_604] {strides = array<i32>} : memref<4128xi32, #tpu.memory_space<vmem>>, vector<16xi32>,
        tpu.vector_store %arg6[%parallel_loop3A_604], %broadcast_in_dim3A_6 {strides = array<i32>} : memref<4128xi32, #tpu.memory_space<vmem>>, vector<16xi32>,
        %parallel_loop3A_606 = arith.constant 2056 : i32
        %parallel_loop3A_607 = arith.addi %parallel_loop3A_606, %parallel_loop3A_552 : i32
        %parallel_loop3A_608 = arith.index_cast %parallel_loop3A_607 : i32 to index
        %parallel_loop3A_609 = tpu.vector_load %arg6[%parallel_loop3A_608] {strides = array<i32>} : memref<4128xi32, #tpu.memory_space<vmem>>, vector<16xi32>,
        %parallel_loop3A_610 = arith.addi %parallel_loop3A_603, %parallel_loop3A_609 : vector<16xi32>
        %parallel_loop3A_611 = arith.index_cast %parallel_loop3A_607 : i32 to index
        %parallel_loop3A_612 = tpu.vector_load %arg6[%parallel_loop3A_611] {strides = array<i32>} : memref<4128xi32, #tpu.memory_space<vmem>>, vector<16xi32>,
        tpu.vector_store %arg6[%parallel_loop3A_611], %broadcast_in_dim3A_6 {strides = array<i32>} : memref<4128xi32, #tpu.memory_space<vmem>>, vector<16xi32>,
        %parallel_loop3A_613 = arith.constant 2313 : i32
        %parallel_loop3A_614 = arith.addi %parallel_loop3A_613, %parallel_loop3A_552 : i32
        %parallel_loop3A_615 = arith.index_cast %parallel_loop3A_614 : i32 to index
        %parallel_loop3A_616 = tpu.vector_load %arg6[%parallel_loop3A_615] {strides = array<i32>} : memref<4128xi32, #tpu.memory_space<vmem>>, vector<16xi32>,
        %parallel_loop3A_617 = arith.addi %parallel_loop3A_610, %parallel_loop3A_616 : vector<16xi32>
        %parallel_loop3A_618 = arith.index_cast %parallel_loop3A_614 : i32 to index
        %parallel_loop3A_619 = tpu.vector_load %arg6[%parallel_loop3A_618] {strides = array<i32>} : memref<4128xi32, #tpu.memory_space<vmem>>, vector<16xi32>,
        tpu.vector_store %arg6[%parallel_loop3A_618], %broadcast_in_dim3A_6 {strides = array<i32>} : memref<4128xi32, #tpu.memory_space<vmem>>, vector<16xi32>,
        %parallel_loop3A_620 = arith.constant 2570 : i32
        %parallel_loop3A_621 = arith.addi %parallel_loop3A_620, %parallel_loop3A_552 : i32
        %parallel_loop3A_622 = arith.index_cast %parallel_loop3A_621 : i32 to index
        %parallel_loop3A_623 = tpu.vector_load %arg6[%parallel_loop3A_622] {strides = array<i32>} : memref<4128xi32, #tpu.memory_space<vmem>>, vector<16xi32>,
        %parallel_loop3A_624 = arith.addi %parallel_loop3A_617, %parallel_loop3A_623 : vector<16xi32>
        %parallel_loop3A_625 = arith.index_cast %parallel_loop3A_621 : i32 to index
        %parallel_loop3A_626 = tpu.vector_load %arg6[%parallel_loop3A_625] {strides = array<i32>} : memref<4128xi32, #tpu.memory_space<vmem>>, vector<16xi32>,
        tpu.vector_store %arg6[%parallel_loop3A_625], %broadcast_in_dim3A_6 {strides = array<i32>} : memref<4128xi32, #tpu.memory_space<vmem>>, vector<16xi32>,
        %parallel_loop3A_627 = arith.constant 2827 : i32
        %parallel_loop3A_628 = arith.addi %parallel_loop3A_627, %parallel_loop3A_552 : i32
        %parallel_loop3A_629 = arith.index_cast %parallel_loop3A_628 : i32 to index
        %parallel_loop3A_630 = tpu.vector_load %arg6[%parallel_loop3A_629] {strides = array<i32>} : memref<4128xi32, #tpu.memory_space<vmem>>, vector<16xi32>,
        %parallel_loop3A_631 = arith.addi %parallel_loop3A_624, %parallel_loop3A_630 : vector<16xi32>
        %parallel_loop3A_632 = arith.index_cast %parallel_loop3A_628 : i32 to index
        %parallel_loop3A_633 = tpu.vector_load %arg6[%parallel_loop3A_632] {strides = array<i32>} : memref<4128xi32, #tpu.memory_space<vmem>>, vector<16xi32>,
        tpu.vector_store %arg6[%parallel_loop3A_632], %broadcast_in_dim3A_6 {strides = array<i32>} : memref<4128xi32, #tpu.memory_space<vmem>>, vector<16xi32>,
        %parallel_loop3A_634 = arith.constant 3084 : i32
        %parallel_loop3A_635 = arith.addi %parallel_loop3A_634, %parallel_loop3A_552 : i32
        %parallel_loop3A_636 = arith.index_cast %parallel_loop3A_635 : i32 to index
        %parallel_loop3A_637 = tpu.vector_load %arg6[%parallel_loop3A_636] {strides = array<i32>} : memref<4128xi32, #tpu.memory_space<vmem>>, vector<16xi32>,
        %parallel_loop3A_638 = arith.addi %parallel_loop3A_631, %parallel_loop3A_637 : vector<16xi32>
        %parallel_loop3A_639 = arith.index_cast %parallel_loop3A_635 : i32 to index
        %parallel_loop3A_640 = tpu.vector_load %arg6[%parallel_loop3A_639] {strides = array<i32>} : memref<4128xi32, #tpu.memory_space<vmem>>, vector<16xi32>,
        tpu.vector_store %arg6[%parallel_loop3A_639], %broadcast_in_dim3A_6 {strides = array<i32>} : memref<4128xi32, #tpu.memory_space<vmem>>, vector<16xi32>,
        %parallel_loop3A_641 = arith.constant 3341 : i32
        %parallel_loop3A_642 = arith.addi %parallel_loop3A_641, %parallel_loop3A_552 : i32
        %parallel_loop3A_643 = arith.index_cast %parallel_loop3A_642 : i32 to index
        %parallel_loop3A_644 = tpu.vector_load %arg6[%parallel_loop3A_643] {strides = array<i32>} : memref<4128xi32, #tpu.memory_space<vmem>>, vector<16xi32>,
        %parallel_loop3A_645 = arith.addi %parallel_loop3A_638, %parallel_loop3A_644 : vector<16xi32>
        %parallel_loop3A_646 = arith.index_cast %parallel_loop3A_642 : i32 to index
        %parallel_loop3A_647 = tpu.vector_load %arg6[%parallel_loop3A_646] {strides = array<i32>} : memref<4128xi32, #tpu.memory_space<vmem>>, vector<16xi32>,
        tpu.vector_store %arg6[%parallel_loop3A_646], %broadcast_in_dim3A_6 {strides = array<i32>} : memref<4128xi32, #tpu.memory_space<vmem>>, vector<16xi32>,
        %parallel_loop3A_648 = arith.constant 3598 : i32
        %parallel_loop3A_649 = arith.addi %parallel_loop3A_648, %parallel_loop3A_552 : i32
        %parallel_loop3A_650 = arith.index_cast %parallel_loop3A_649 : i32 to index
        %parallel_loop3A_651 = tpu.vector_load %arg6[%parallel_loop3A_650] {strides = array<i32>} : memref<4128xi32, #tpu.memory_space<vmem>>, vector<16xi32>,
        %parallel_loop3A_652 = arith.addi %parallel_loop3A_645, %parallel_loop3A_651 : vector<16xi32>
        %parallel_loop3A_653 = arith.index_cast %parallel_loop3A_649 : i32 to index
        %parallel_loop3A_654 = tpu.vector_load %arg6[%parallel_loop3A_653] {strides = array<i32>} : memref<4128xi32, #tpu.memory_space<vmem>>, vector<16xi32>,
        tpu.vector_store %arg6[%parallel_loop3A_653], %broadcast_in_dim3A_6 {strides = array<i32>} : memref<4128xi32, #tpu.memory_space<vmem>>, vector<16xi32>,
        %parallel_loop3A_655 = arith.constant 3855 : i32
        %parallel_loop3A_656 = arith.addi %parallel_loop3A_655, %parallel_loop3A_552 : i32
        %parallel_loop3A_657 = arith.index_cast %parallel_loop3A_656 : i32 to index
        %parallel_loop3A_658 = tpu.vector_load %arg6[%parallel_loop3A_657] {strides = array<i32>} : memref<4128xi32, #tpu.memory_space<vmem>>, vector<16xi32>,
        %parallel_loop3A_659 = arith.addi %parallel_loop3A_652, %parallel_loop3A_658 : vector<16xi32>
        %parallel_loop3A_660 = arith.index_cast %parallel_loop3A_656 : i32 to index
        %parallel_loop3A_661 = tpu.vector_load %arg6[%parallel_loop3A_660] {strides = array<i32>} : memref<4128xi32, #tpu.memory_space<vmem>>, vector<16xi32>,
        tpu.vector_store %arg6[%parallel_loop3A_660], %broadcast_in_dim3A_6 {strides = array<i32>} : memref<4128xi32, #tpu.memory_space<vmem>>, vector<16xi32>,
        %parallel_loop3A_662 = arith.index_cast %parallel_loop3A_552 : i32 to index
        %parallel_loop3A_663 = tpu.vector_load %arg7[%parallel_loop3A_662] {strides = array<i32>} : memref<272xi32, #tpu.memory_space<vmem>>, vector<16xi32>,
        tpu.vector_store %arg7[%parallel_loop3A_662], %parallel_loop3A_659 {strides = array<i32>} : memref<272xi32, #tpu.memory_space<vmem>>, vector<16xi32>,
      } {sc.loop_unroll_factor = 1 : i64, sc.parallel_access}
      %scan3A_235 = arith.constant 50 : i32
      %scan3A_236 = arith.constant 0 : i32
      %scan3A_237 = arith.constant 0 : i32
      %scan3A_238 = arith.constant 16 : i32
      %scan3A_239 = arith.addi %scan3A_237, %scan3A_238 : i32
      %scan3A_240 = arith.constant 1 : i32
      %scan3A_241:2 = scf.for %scan3A_550 = %scan3A_237 to %scan3A_239 step %scan3A_240 iter_args(%scan3A_551 = %scan3A_236, %scan3A_552 = %broadcast_in_dim3A_6) -> (i32, vector<16xi32>)  : i32 {
        %sub3A_553 = arith.constant 15 : i32
        %sub3A_554 = arith.subi %sub3A_553, %scan3A_550 : i32
        %mul3A_555 = arith.constant 16 : i32
        %mul3A_556 = arith.muli %sub3A_554, %mul3A_555 : i32
        %get3A_557 = arith.index_cast %mul3A_556 : i32 to index
        %get3A_558 = tpu.vector_load %arg7[%get3A_557] {strides = array<i32>} : memref<272xi32, #tpu.memory_space<vmem>>, vector<16xi32>,
        %broadcast_in_dim3A_559 = arith.constant true
        %broadcast_in_dim3A_560 = vector.broadcast %broadcast_in_dim3A_559 : i1 to vector<16xi1>
        %masked_cumsum3A = tpu.scan <sum>, %get3A_558 masked %broadcast_in_dim3A_560 : vector<16xi32>, vector<16xi1> -> vector<16xi32>
        %slice3A_561 = vector.extract_strided_slice %masked_cumsum3A {offsets = [15], sizes = [1], strides = [1]} : vector<16xi32> to vector<1xi32>
        %squeeze3A_562 = vector.extract %slice3A_561[0] : i32 from vector<1xi32>
        %add3A_563 = arith.addi %squeeze3A_562, %scan3A_551 : i32
        %sub3A_564 = vector.broadcast %add3A_563 : i32 to vector<16xi32>
        %sub3A_565 = arith.subi %sub3A_564, %masked_cumsum3A : vector<16xi32>
        %add3A_566 = arith.addi %sub3A_565, %get3A_558 : vector<16xi32>
        %mul3A_567 = arith.constant 16 : i32
        %mul3A_568 = arith.muli %sub3A_554, %mul3A_567 : i32
        %swap3A = arith.index_cast %mul3A_568 : i32 to index
        %swap3A_569 = tpu.vector_load %arg8[%swap3A] {strides = array<i32>} : memref<272xi32, #tpu.memory_space<vmem>>, vector<16xi32>,
        tpu.vector_store %arg8[%swap3A], %add3A_566 {strides = array<i32>} : memref<272xi32, #tpu.memory_space<vmem>>, vector<16xi32>,
        %ge3A = vector.broadcast %scan3A_235 : i32 to vector<16xi32>
        %ge3A_570 = arith.cmpi sge, %add3A_566, %ge3A : vector<16xi32>
        %all_reduce_population_count3A = tpu.all_reduce %ge3A_570 {dim = 0 : i64, kind = #tpu.reduction_kind<sum>} : vector<16xi1> -> vector<16xi32>
        %add3A_571 = arith.addi %scan3A_552, %all_reduce_population_count3A : vector<16xi32>
        %add3A_572 = arith.addi %scan3A_551, %squeeze3A_562 : i32
        scf.yield %add3A_572, %add3A_571 : i32, vector<16xi32>
      }
      %scan3A_242 = arith.constant 16 : i32
      %slice3A = vector.extract_strided_slice %scan3A_241#1 {offsets = [0], sizes = [1], strides = [1]} : vector<16xi32> to vector<1xi32>
      %squeeze3A = vector.extract %slice3A[0] : i32 from vector<1xi32>
      %sub3A = arith.constant 1 : i32
      %sub3A_243 = arith.subi %squeeze3A, %sub3A : i32
      %get3A = arith.index_cast %sub3A_243 : i32 to index
      %get3A_244 = tpu.vector_load %arg7[%get3A] {strides = array<i32>} : memref<272xi32, #tpu.memory_space<vmem>>, vector<16xi32>,
      %slice3A_245 = vector.extract_strided_slice %get3A_244 {offsets = [0], sizes = [1], strides = [1]} : vector<16xi32> to vector<1xi32>
      %squeeze3A_246 = vector.extract %slice3A_245[0] : i32 from vector<1xi32>
      %get3A_247 = arith.index_cast %sub3A_243 : i32 to index
      %get3A_248 = tpu.vector_load %arg8[%get3A_247] {strides = array<i32>} : memref<272xi32, #tpu.memory_space<vmem>>, vector<16xi32>,
      %slice3A_249 = vector.extract_strided_slice %get3A_248 {offsets = [0], sizes = [1], strides = [1]} : vector<16xi32> to vector<1xi32>
      %squeeze3A_250 = vector.extract %slice3A_249[0] : i32 from vector<1xi32>
      %sub3A_251 = arith.subi %squeeze3A_250, %squeeze3A_246 : i32
      %sub3A_252 = arith.constant 50 : i32
      %sub3A_253 = arith.subi %sub3A_252, %sub3A_251 : i32
      %mul3A_254 = arith.constant 16777216 : i32
      %mul3A_255 = arith.muli %sub3A_243, %mul3A_254 : i32
      %lt3A = arith.constant 0 : i32
      %lt3A_256 = arith.cmpi slt, %mul3A_255, %lt3A : i32
      %xor3A = arith.constant -2147483648 : i32
      %xor3A_257 = arith.xori %mul3A_255, %xor3A : i32
      %not3A = arith.constant -1 : i32
      %not3A_258 = arith.xori %mul3A_255, %not3A : i32
      %select_n3A = arith.select %lt3A_256, %xor3A_257, %not3A_258 : i32
      %broadcast_in_dim3A_259 = vector.broadcast %select_n3A : i32 to vector<16xi32>
      %bitcast_convert_type3A = tpu.bitcast %broadcast_in_dim3A_259 : vector<16xi32> -> vector<16xf32>
      %broadcast_in_dim3A_260 = vector.broadcast %sub3A_243 : i32 to vector<16xi32>
      %eq3A = arith.constant 255 : i32
      %eq3A_261 = vector.broadcast %eq3A : i32 to vector<16xi32>
      %eq3A_262 = arith.cmpi eq, %broadcast_in_dim3A_260, %eq3A_261 : vector<16xi32>
      %broadcast_in_dim3A_263 = arith.constant 2139095040 : i32
      %broadcast_in_dim3A_264 = vector.broadcast %broadcast_in_dim3A_263 : i32 to vector<16xi32>
      %bitcast_convert_type3A_265 = tpu.bitcast %broadcast_in_dim3A_264 : vector<16xi32> -> vector<16xf32>
      %add3A_266 = arith.constant 1 : i32
      %add3A_267 = arith.addi %sub3A_243, %add3A_266 : i32
      %mul3A_268 = arith.constant 16777216 : i32
      %mul3A_269 = arith.muli %add3A_267, %mul3A_268 : i32
      %lt3A_270 = arith.constant 0 : i32
      %lt3A_271 = arith.cmpi slt, %mul3A_269, %lt3A_270 : i32
      %xor3A_272 = arith.constant -2147483648 : i32
      %xor3A_273 = arith.xori %mul3A_269, %xor3A_272 : i32
      %not3A_274 = arith.constant -1 : i32
      %not3A_275 = arith.xori %mul3A_269, %not3A_274 : i32
      %select_n3A_276 = arith.select %lt3A_271, %xor3A_273, %not3A_275 : i32
      %broadcast_in_dim3A_277 = vector.broadcast %select_n3A_276 : i32 to vector<16xi32>
      %bitcast_convert_type3A_278 = tpu.bitcast %broadcast_in_dim3A_277 : vector<16xi32> -> vector<16xf32>
      %select_n3A_279 = arith.select %eq3A_262, %bitcast_convert_type3A_265, %bitcast_convert_type3A_278 : vector<16xi1>, vector<16xf32>
      %parallel_loop3A_280 = arith.constant 0 : i32
      %parallel_loop3A_281 = arith.constant 2048 : i32
      %parallel_loop3A_282 = arith.constant 1 : i32
      %parallel_loop3A_283 = scf.for %parallel_loop3A_550 = %parallel_loop3A_280 to %parallel_loop3A_281 step %parallel_loop3A_282 iter_args(%parallel_loop3A_551 = %broadcast_in_dim3A_6) -> (vector<16xi32>)  : i32 {
        %parallel_loop3A_552 = arith.constant 16 : i32
        %parallel_loop3A_553 = arith.muli %parallel_loop3A_550, %parallel_loop3A_552 : i32
        %parallel_loop3A_554 = arith.index_cast %parallel_loop3A_553 : i32 to index
        %parallel_loop3A_555 = tpu.vector_load %arg4[%parallel_loop3A_554] {strides = array<i32>} : memref<32768xf32, #tpu.memory_space<vmem>>, vector<16xf32>,
        %parallel_loop3A_556 = arith.cmpf oge, %parallel_loop3A_555, %bitcast_convert_type3A : vector<16xf32>
        %parallel_loop3A_557 = arith.cmpf olt, %parallel_loop3A_555, %select_n3A_279 : vector<16xf32>
        %parallel_loop3A_558 = arith.andi %parallel_loop3A_556, %parallel_loop3A_557 : vector<16xi1>
        %parallel_loop3A_559 = vector.extract_strided_slice %parallel_loop3A_551 {offsets = [0], sizes = [1], strides = [1]} : vector<16xi32> to vector<1xi32>
        %parallel_loop3A_560 = vector.extract %parallel_loop3A_559[0] : i32 from vector<1xi32>
        %parallel_loop3A_561 = arith.index_cast %parallel_loop3A_560 : i32 to index
        %parallel_loop3A_562 = tpu.vector_load %arg5[%parallel_loop3A_561] masked %parallel_loop3A_558 {strides = array<i32>} : memref<32784xf32, #tpu.memory_space<vmem>>, vector<16xf32>, vector<16xi1>
        tpu.vector_store %arg5[%parallel_loop3A_561], %parallel_loop3A_555 masked %parallel_loop3A_558 {strides = array<i32>} : memref<32784xf32, #tpu.memory_space<vmem>>, vector<16xf32>, vector<16xi1>
        %parallel_loop3A_563 = tpu.all_reduce %parallel_loop3A_558 {dim = 0 : i64, kind = #tpu.reduction_kind<sum>} : vector<16xi1> -> vector<16xi32>
        %parallel_loop3A_564 = arith.addi %parallel_loop3A_551, %parallel_loop3A_563 : vector<16xi32>
        scf.yield %parallel_loop3A_564 : vector<16xi32>
      } {sc.loop_unroll_factor = 8 : i64, sc.parallel_access}
      %add3A_284 = arith.constant 64 : i32
      %add3A_285 = arith.addi %squeeze3A_246, %add3A_284 : i32
      %sub3A_286 = arith.constant 1 : i32
      %sub3A_287 = arith.subi %add3A_285, %sub3A_286 : i32
      %jit3A = arith.constant 64 : i32
      %div3A = arith.divsi %sub3A_287, %jit3A : i32
      %sign3A = arith.constant 0 : i32
      %sign3A_288 = arith.cmpi sgt, %sub3A_287, %sign3A : i32
      %sign3A_289 = arith.extui %sign3A_288 : i1 to i32
      %sign3A_290 = arith.constant 0 : i32
      %sign3A_291 = arith.cmpi slt, %sub3A_287, %sign3A_290 : i32
      %sign3A_292 = arith.extui %sign3A_291 : i1 to i32
      %sign3A_293 = arith.subi %sign3A_289, %sign3A_292 : i32
      %sign3A_294 = arith.constant 0 : i32
      %sign3A_295 = arith.cmpi sgt, %jit3A, %sign3A_294 : i32
      %sign3A_296 = arith.extui %sign3A_295 : i1 to i32
      %sign3A_297 = arith.constant 0 : i32
      %sign3A_298 = arith.cmpi slt, %jit3A, %sign3A_297 : i32
      %sign3A_299 = arith.extui %sign3A_298 : i1 to i32
      %sign3A_300 = arith.subi %sign3A_296, %sign3A_299 : i32
      %ne3A = arith.cmpi ne, %sign3A_293, %sign3A_300 : i32
      %rem3A = arith.remsi %sub3A_287, %jit3A : i32
      %ne3A_301 = arith.constant 0 : i32
      %ne3A_302 = arith.cmpi ne, %rem3A, %ne3A_301 : i32
      %and3A = arith.andi %ne3A, %ne3A_302 : i1
      %sub3A_303 = arith.constant 1 : i32
      %sub3A_304 = arith.subi %div3A, %sub3A_303 : i32
      %select_n3A_305 = arith.select %and3A, %sub3A_304, %div3A : i32
      %while3A = arith.constant 0 : i32
      %while3A_306 = arith.constant 0 : i32
      %while3A_307 = arith.subi %select_n3A_305, %while3A_306 : i32
      %while3A_308 = arith.addi %while3A_306, %while3A_307 : i32
      %while3A_309 = arith.constant 1 : i32
      %while3A_310 = arith.divsi %while3A_307, %while3A_309 : i32
      %while3A_311 = arith.muli %while3A_310, %while3A_309 : i32
      %while3A_312 = arith.addi %while3A_306, %while3A_311 : i32
      %while3A_313 = arith.constant 1 : i32
      scf.for %while3A_550 = %while3A_306 to %while3A_312 step %while3A_313  : i32 {
        %mul3A_551 = arith.constant 4 : i32
        %mul3A_552 = arith.muli %while3A_550, %mul3A_551 : i32
        %add3A_553 = arith.constant 0 : i32
        %add3A_554 = arith.addi %mul3A_552, %add3A_553 : i32
        %mul3A_555 = arith.constant 16 : i32
        %mul3A_556 = arith.muli %add3A_554, %mul3A_555 : i32
        %get3A_557 = arith.index_cast %mul3A_556 : i32 to index
        %get3A_558 = tpu.vector_load %arg5[%get3A_557] {strides = array<i32>} : memref<32784xf32, #tpu.memory_space<vmem>>, vector<16xf32>,
        %add3A_559 = arith.addf %get3A_558, %broadcast_in_dim3A_18 : vector<16xf32>
        %bitcast_convert_type3A_560 = tpu.bitcast %add3A_559 : vector<16xf32> -> vector<16xi32>
        %shift_right_arithmetic3A = arith.constant 31 : i32
        %shift_right_arithmetic3A_561 = vector.broadcast %shift_right_arithmetic3A : i32 to vector<16xi32>
        %shift_right_arithmetic3A_562 = arith.shrsi %bitcast_convert_type3A_560, %shift_right_arithmetic3A_561 : vector<16xi32>
        %or3A = arith.constant -2147483648 : i32
        %or3A_563 = vector.broadcast %or3A : i32 to vector<16xi32>
        %or3A_564 = arith.ori %shift_right_arithmetic3A_562, %or3A_563 : vector<16xi32>
        %xor3A_565 = arith.xori %bitcast_convert_type3A_560, %or3A_564 : vector<16xi32>
        %mul3A_566 = arith.constant 16 : i32
        %mul3A_567 = arith.muli %add3A_554, %mul3A_566 : i32
        %add3A_568 = vector.broadcast %mul3A_567 : i32 to vector<16xi32>
        %add3A_569 = arith.addi %add3A_568, %iota3A : vector<16xi32>
        %lt3A_570 = vector.broadcast %squeeze3A_246 : i32 to vector<16xi32>
        %lt3A_571 = arith.cmpi slt, %add3A_569, %lt3A_570 : vector<16xi32>
        %shift_right_logical3A = arith.shrui %xor3A_565, %broadcast_in_dim3A_10 : vector<16xi32>
        %and3A_572 = arith.andi %shift_right_logical3A, %broadcast_in_dim3A_14 : vector<16xi32>
        %add3A_573 = arith.addi %mul3A_3, %and3A_572 : vector<16xi32>
        tpu.vector_store_idx %arg6[%add3A_573], %broadcast_in_dim3A_4 masked %lt3A_571 {add = true} : memref<4128xi32, #tpu.memory_space<vmem>>[vector<16xi32>], vector<16xi32>, vector<16xi1>
        %mul3A_574 = arith.constant 4 : i32
        %mul3A_575 = arith.muli %while3A_550, %mul3A_574 : i32
        %add3A_576 = arith.constant 1 : i32
        %add3A_577 = arith.addi %mul3A_575, %add3A_576 : i32
        %mul3A_578 = arith.constant 16 : i32
        %mul3A_579 = arith.muli %add3A_577, %mul3A_578 : i32
        %get3A_580 = arith.index_cast %mul3A_579 : i32 to index
        %get3A_581 = tpu.vector_load %arg5[%get3A_580] {strides = array<i32>} : memref<32784xf32, #tpu.memory_space<vmem>>, vector<16xf32>,
        %add3A_582 = arith.addf %get3A_581, %broadcast_in_dim3A_18 : vector<16xf32>
        %bitcast_convert_type3A_583 = tpu.bitcast %add3A_582 : vector<16xf32> -> vector<16xi32>
        %shift_right_arithmetic3A_584 = arith.constant 31 : i32
        %shift_right_arithmetic3A_585 = vector.broadcast %shift_right_arithmetic3A_584 : i32 to vector<16xi32>
        %shift_right_arithmetic3A_586 = arith.shrsi %bitcast_convert_type3A_583, %shift_right_arithmetic3A_585 : vector<16xi32>
        %or3A_587 = arith.constant -2147483648 : i32
        %or3A_588 = vector.broadcast %or3A_587 : i32 to vector<16xi32>
        %or3A_589 = arith.ori %shift_right_arithmetic3A_586, %or3A_588 : vector<16xi32>
        %xor3A_590 = arith.xori %bitcast_convert_type3A_583, %or3A_589 : vector<16xi32>
        %mul3A_591 = arith.constant 16 : i32
        %mul3A_592 = arith.muli %add3A_577, %mul3A_591 : i32
        %add3A_593 = vector.broadcast %mul3A_592 : i32 to vector<16xi32>
        %add3A_594 = arith.addi %add3A_593, %iota3A : vector<16xi32>
        %lt3A_595 = vector.broadcast %squeeze3A_246 : i32 to vector<16xi32>
        %lt3A_596 = arith.cmpi slt, %add3A_594, %lt3A_595 : vector<16xi32>
        %shift_right_logical3A_597 = arith.shrui %xor3A_590, %broadcast_in_dim3A_10 : vector<16xi32>
        %and3A_598 = arith.andi %shift_right_logical3A_597, %broadcast_in_dim3A_14 : vector<16xi32>
        %add3A_599 = arith.addi %mul3A_3, %and3A_598 : vector<16xi32>
        tpu.vector_store_idx %arg6[%add3A_599], %broadcast_in_dim3A_4 masked %lt3A_596 {add = true} : memref<4128xi32, #tpu.memory_space<vmem>>[vector<16xi32>], vector<16xi32>, vector<16xi1>
        %mul3A_600 = arith.constant 4 : i32
        %mul3A_601 = arith.muli %while3A_550, %mul3A_600 : i32
        %add3A_602 = arith.constant 2 : i32
        %add3A_603 = arith.addi %mul3A_601, %add3A_602 : i32
        %mul3A_604 = arith.constant 16 : i32
        %mul3A_605 = arith.muli %add3A_603, %mul3A_604 : i32
        %get3A_606 = arith.index_cast %mul3A_605 : i32 to index
        %get3A_607 = tpu.vector_load %arg5[%get3A_606] {strides = array<i32>} : memref<32784xf32, #tpu.memory_space<vmem>>, vector<16xf32>,
        %add3A_608 = arith.addf %get3A_607, %broadcast_in_dim3A_18 : vector<16xf32>
        %bitcast_convert_type3A_609 = tpu.bitcast %add3A_608 : vector<16xf32> -> vector<16xi32>
        %shift_right_arithmetic3A_610 = arith.constant 31 : i32
        %shift_right_arithmetic3A_611 = vector.broadcast %shift_right_arithmetic3A_610 : i32 to vector<16xi32>
        %shift_right_arithmetic3A_612 = arith.shrsi %bitcast_convert_type3A_609, %shift_right_arithmetic3A_611 : vector<16xi32>
        %or3A_613 = arith.constant -2147483648 : i32
        %or3A_614 = vector.broadcast %or3A_613 : i32 to vector<16xi32>
        %or3A_615 = arith.ori %shift_right_arithmetic3A_612, %or3A_614 : vector<16xi32>
        %xor3A_616 = arith.xori %bitcast_convert_type3A_609, %or3A_615 : vector<16xi32>
        %mul3A_617 = arith.constant 16 : i32
        %mul3A_618 = arith.muli %add3A_603, %mul3A_617 : i32
        %add3A_619 = vector.broadcast %mul3A_618 : i32 to vector<16xi32>
        %add3A_620 = arith.addi %add3A_619, %iota3A : vector<16xi32>
        %lt3A_621 = vector.broadcast %squeeze3A_246 : i32 to vector<16xi32>
        %lt3A_622 = arith.cmpi slt, %add3A_620, %lt3A_621 : vector<16xi32>
        %shift_right_logical3A_623 = arith.shrui %xor3A_616, %broadcast_in_dim3A_10 : vector<16xi32>
        %and3A_624 = arith.andi %shift_right_logical3A_623, %broadcast_in_dim3A_14 : vector<16xi32>
        %add3A_625 = arith.addi %mul3A_3, %and3A_624 : vector<16xi32>
        tpu.vector_store_idx %arg6[%add3A_625], %broadcast_in_dim3A_4 masked %lt3A_622 {add = true} : memref<4128xi32, #tpu.memory_space<vmem>>[vector<16xi32>], vector<16xi32>, vector<16xi1>
        %mul3A_626 = arith.constant 4 : i32
        %mul3A_627 = arith.muli %while3A_550, %mul3A_626 : i32
        %add3A_628 = arith.constant 3 : i32
        %add3A_629 = arith.addi %mul3A_627, %add3A_628 : i32
        %mul3A_630 = arith.constant 16 : i32
        %mul3A_631 = arith.muli %add3A_629, %mul3A_630 : i32
        %get3A_632 = arith.index_cast %mul3A_631 : i32 to index
        %get3A_633 = tpu.vector_load %arg5[%get3A_632] {strides = array<i32>} : memref<32784xf32, #tpu.memory_space<vmem>>, vector<16xf32>,
        %add3A_634 = arith.addf %get3A_633, %broadcast_in_dim3A_18 : vector<16xf32>
        %bitcast_convert_type3A_635 = tpu.bitcast %add3A_634 : vector<16xf32> -> vector<16xi32>
        %shift_right_arithmetic3A_636 = arith.constant 31 : i32
        %shift_right_arithmetic3A_637 = vector.broadcast %shift_right_arithmetic3A_636 : i32 to vector<16xi32>
        %shift_right_arithmetic3A_638 = arith.shrsi %bitcast_convert_type3A_635, %shift_right_arithmetic3A_637 : vector<16xi32>
        %or3A_639 = arith.constant -2147483648 : i32
        %or3A_640 = vector.broadcast %or3A_639 : i32 to vector<16xi32>
        %or3A_641 = arith.ori %shift_right_arithmetic3A_638, %or3A_640 : vector<16xi32>
        %xor3A_642 = arith.xori %bitcast_convert_type3A_635, %or3A_641 : vector<16xi32>
        %mul3A_643 = arith.constant 16 : i32
        %mul3A_644 = arith.muli %add3A_629, %mul3A_643 : i32
        %add3A_645 = vector.broadcast %mul3A_644 : i32 to vector<16xi32>
        %add3A_646 = arith.addi %add3A_645, %iota3A : vector<16xi32>
        %lt3A_647 = vector.broadcast %squeeze3A_246 : i32 to vector<16xi32>
        %lt3A_648 = arith.cmpi slt, %add3A_646, %lt3A_647 : vector<16xi32>
        %shift_right_logical3A_649 = arith.shrui %xor3A_642, %broadcast_in_dim3A_10 : vector<16xi32>
        %and3A_650 = arith.andi %shift_right_logical3A_649, %broadcast_in_dim3A_14 : vector<16xi32>
        %add3A_651 = arith.addi %mul3A_3, %and3A_650 : vector<16xi32>
        tpu.vector_store_idx %arg6[%add3A_651], %broadcast_in_dim3A_4 masked %lt3A_648 {add = true} : memref<4128xi32, #tpu.memory_space<vmem>>[vector<16xi32>], vector<16xi32>, vector<16xi1>
      }
      %while3A_314 = arith.constant 1 : i32
      scf.for %while3A_550 = %while3A_312 to %while3A_308 step %while3A_314  : i32 {
        %mul3A_551 = arith.constant 4 : i32
        %mul3A_552 = arith.muli %while3A_550, %mul3A_551 : i32
        %add3A_553 = arith.constant 0 : i32
        %add3A_554 = arith.addi %mul3A_552, %add3A_553 : i32
        %mul3A_555 = arith.constant 16 : i32
        %mul3A_556 = arith.muli %add3A_554, %mul3A_555 : i32
        %get3A_557 = arith.index_cast %mul3A_556 : i32 to index
        %get3A_558 = tpu.vector_load %arg5[%get3A_557] {strides = array<i32>} : memref<32784xf32, #tpu.memory_space<vmem>>, vector<16xf32>,
        %add3A_559 = arith.addf %get3A_558, %broadcast_in_dim3A_18 : vector<16xf32>
        %bitcast_convert_type3A_560 = tpu.bitcast %add3A_559 : vector<16xf32> -> vector<16xi32>
        %shift_right_arithmetic3A = arith.constant 31 : i32
        %shift_right_arithmetic3A_561 = vector.broadcast %shift_right_arithmetic3A : i32 to vector<16xi32>
        %shift_right_arithmetic3A_562 = arith.shrsi %bitcast_convert_type3A_560, %shift_right_arithmetic3A_561 : vector<16xi32>
        %or3A = arith.constant -2147483648 : i32
        %or3A_563 = vector.broadcast %or3A : i32 to vector<16xi32>
        %or3A_564 = arith.ori %shift_right_arithmetic3A_562, %or3A_563 : vector<16xi32>
        %xor3A_565 = arith.xori %bitcast_convert_type3A_560, %or3A_564 : vector<16xi32>
        %mul3A_566 = arith.constant 16 : i32
        %mul3A_567 = arith.muli %add3A_554, %mul3A_566 : i32
        %add3A_568 = vector.broadcast %mul3A_567 : i32 to vector<16xi32>
        %add3A_569 = arith.addi %add3A_568, %iota3A : vector<16xi32>
        %lt3A_570 = vector.broadcast %squeeze3A_246 : i32 to vector<16xi32>
        %lt3A_571 = arith.cmpi slt, %add3A_569, %lt3A_570 : vector<16xi32>
        %shift_right_logical3A = arith.shrui %xor3A_565, %broadcast_in_dim3A_10 : vector<16xi32>
        %and3A_572 = arith.andi %shift_right_logical3A, %broadcast_in_dim3A_14 : vector<16xi32>
        %add3A_573 = arith.addi %mul3A_3, %and3A_572 : vector<16xi32>
        tpu.vector_store_idx %arg6[%add3A_573], %broadcast_in_dim3A_4 masked %lt3A_571 {add = true} : memref<4128xi32, #tpu.memory_space<vmem>>[vector<16xi32>], vector<16xi32>, vector<16xi1>
        %mul3A_574 = arith.constant 4 : i32
        %mul3A_575 = arith.muli %while3A_550, %mul3A_574 : i32
        %add3A_576 = arith.constant 1 : i32
        %add3A_577 = arith.addi %mul3A_575, %add3A_576 : i32
        %mul3A_578 = arith.constant 16 : i32
        %mul3A_579 = arith.muli %add3A_577, %mul3A_578 : i32
        %get3A_580 = arith.index_cast %mul3A_579 : i32 to index
        %get3A_581 = tpu.vector_load %arg5[%get3A_580] {strides = array<i32>} : memref<32784xf32, #tpu.memory_space<vmem>>, vector<16xf32>,
        %add3A_582 = arith.addf %get3A_581, %broadcast_in_dim3A_18 : vector<16xf32>
        %bitcast_convert_type3A_583 = tpu.bitcast %add3A_582 : vector<16xf32> -> vector<16xi32>
        %shift_right_arithmetic3A_584 = arith.constant 31 : i32
        %shift_right_arithmetic3A_585 = vector.broadcast %shift_right_arithmetic3A_584 : i32 to vector<16xi32>
        %shift_right_arithmetic3A_586 = arith.shrsi %bitcast_convert_type3A_583, %shift_right_arithmetic3A_585 : vector<16xi32>
        %or3A_587 = arith.constant -2147483648 : i32
        %or3A_588 = vector.broadcast %or3A_587 : i32 to vector<16xi32>
        %or3A_589 = arith.ori %shift_right_arithmetic3A_586, %or3A_588 : vector<16xi32>
        %xor3A_590 = arith.xori %bitcast_convert_type3A_583, %or3A_589 : vector<16xi32>
        %mul3A_591 = arith.constant 16 : i32
        %mul3A_592 = arith.muli %add3A_577, %mul3A_591 : i32
        %add3A_593 = vector.broadcast %mul3A_592 : i32 to vector<16xi32>
        %add3A_594 = arith.addi %add3A_593, %iota3A : vector<16xi32>
        %lt3A_595 = vector.broadcast %squeeze3A_246 : i32 to vector<16xi32>
        %lt3A_596 = arith.cmpi slt, %add3A_594, %lt3A_595 : vector<16xi32>
        %shift_right_logical3A_597 = arith.shrui %xor3A_590, %broadcast_in_dim3A_10 : vector<16xi32>
        %and3A_598 = arith.andi %shift_right_logical3A_597, %broadcast_in_dim3A_14 : vector<16xi32>
        %add3A_599 = arith.addi %mul3A_3, %and3A_598 : vector<16xi32>
        tpu.vector_store_idx %arg6[%add3A_599], %broadcast_in_dim3A_4 masked %lt3A_596 {add = true} : memref<4128xi32, #tpu.memory_space<vmem>>[vector<16xi32>], vector<16xi32>, vector<16xi1>
        %mul3A_600 = arith.constant 4 : i32
        %mul3A_601 = arith.muli %while3A_550, %mul3A_600 : i32
        %add3A_602 = arith.constant 2 : i32
        %add3A_603 = arith.addi %mul3A_601, %add3A_602 : i32
        %mul3A_604 = arith.constant 16 : i32
        %mul3A_605 = arith.muli %add3A_603, %mul3A_604 : i32
        %get3A_606 = arith.index_cast %mul3A_605 : i32 to index
        %get3A_607 = tpu.vector_load %arg5[%get3A_606] {strides = array<i32>} : memref<32784xf32, #tpu.memory_space<vmem>>, vector<16xf32>,
        %add3A_608 = arith.addf %get3A_607, %broadcast_in_dim3A_18 : vector<16xf32>
        %bitcast_convert_type3A_609 = tpu.bitcast %add3A_608 : vector<16xf32> -> vector<16xi32>
        %shift_right_arithmetic3A_610 = arith.constant 31 : i32
        %shift_right_arithmetic3A_611 = vector.broadcast %shift_right_arithmetic3A_610 : i32 to vector<16xi32>
        %shift_right_arithmetic3A_612 = arith.shrsi %bitcast_convert_type3A_609, %shift_right_arithmetic3A_611 : vector<16xi32>
        %or3A_613 = arith.constant -2147483648 : i32
        %or3A_614 = vector.broadcast %or3A_613 : i32 to vector<16xi32>
        %or3A_615 = arith.ori %shift_right_arithmetic3A_612, %or3A_614 : vector<16xi32>
        %xor3A_616 = arith.xori %bitcast_convert_type3A_609, %or3A_615 : vector<16xi32>
        %mul3A_617 = arith.constant 16 : i32
        %mul3A_618 = arith.muli %add3A_603, %mul3A_617 : i32
        %add3A_619 = vector.broadcast %mul3A_618 : i32 to vector<16xi32>
        %add3A_620 = arith.addi %add3A_619, %iota3A : vector<16xi32>
        %lt3A_621 = vector.broadcast %squeeze3A_246 : i32 to vector<16xi32>
        %lt3A_622 = arith.cmpi slt, %add3A_620, %lt3A_621 : vector<16xi32>
        %shift_right_logical3A_623 = arith.shrui %xor3A_616, %broadcast_in_dim3A_10 : vector<16xi32>
        %and3A_624 = arith.andi %shift_right_logical3A_623, %broadcast_in_dim3A_14 : vector<16xi32>
        %add3A_625 = arith.addi %mul3A_3, %and3A_624 : vector<16xi32>
        tpu.vector_store_idx %arg6[%add3A_625], %broadcast_in_dim3A_4 masked %lt3A_622 {add = true} : memref<4128xi32, #tpu.memory_space<vmem>>[vector<16xi32>], vector<16xi32>, vector<16xi1>
        %mul3A_626 = arith.constant 4 : i32
        %mul3A_627 = arith.muli %while3A_550, %mul3A_626 : i32
        %add3A_628 = arith.constant 3 : i32
        %add3A_629 = arith.addi %mul3A_627, %add3A_628 : i32
        %mul3A_630 = arith.constant 16 : i32
        %mul3A_631 = arith.muli %add3A_629, %mul3A_630 : i32
        %get3A_632 = arith.index_cast %mul3A_631 : i32 to index
        %get3A_633 = tpu.vector_load %arg5[%get3A_632] {strides = array<i32>} : memref<32784xf32, #tpu.memory_space<vmem>>, vector<16xf32>,
        %add3A_634 = arith.addf %get3A_633, %broadcast_in_dim3A_18 : vector<16xf32>
        %bitcast_convert_type3A_635 = tpu.bitcast %add3A_634 : vector<16xf32> -> vector<16xi32>
        %shift_right_arithmetic3A_636 = arith.constant 31 : i32
        %shift_right_arithmetic3A_637 = vector.broadcast %shift_right_arithmetic3A_636 : i32 to vector<16xi32>
        %shift_right_arithmetic3A_638 = arith.shrsi %bitcast_convert_type3A_635, %shift_right_arithmetic3A_637 : vector<16xi32>
        %or3A_639 = arith.constant -2147483648 : i32
        %or3A_640 = vector.broadcast %or3A_639 : i32 to vector<16xi32>
        %or3A_641 = arith.ori %shift_right_arithmetic3A_638, %or3A_640 : vector<16xi32>
        %xor3A_642 = arith.xori %bitcast_convert_type3A_635, %or3A_641 : vector<16xi32>
        %mul3A_643 = arith.constant 16 : i32
        %mul3A_644 = arith.muli %add3A_629, %mul3A_643 : i32
        %add3A_645 = vector.broadcast %mul3A_644 : i32 to vector<16xi32>
        %add3A_646 = arith.addi %add3A_645, %iota3A : vector<16xi32>
        %lt3A_647 = vector.broadcast %squeeze3A_246 : i32 to vector<16xi32>
        %lt3A_648 = arith.cmpi slt, %add3A_646, %lt3A_647 : vector<16xi32>
        %shift_right_logical3A_649 = arith.shrui %xor3A_642, %broadcast_in_dim3A_10 : vector<16xi32>
        %and3A_650 = arith.andi %shift_right_logical3A_649, %broadcast_in_dim3A_14 : vector<16xi32>
        %add3A_651 = arith.addi %mul3A_3, %and3A_650 : vector<16xi32>
        tpu.vector_store_idx %arg6[%add3A_651], %broadcast_in_dim3A_4 masked %lt3A_648 {add = true} : memref<4128xi32, #tpu.memory_space<vmem>>[vector<16xi32>], vector<16xi32>, vector<16xi1>
      }
      %parallel_loop3A_315 = arith.constant 0 : i32
      %parallel_loop3A_316 = arith.constant 16 : i32
      %parallel_loop3A_317 = arith.constant 1 : i32
      scf.for %parallel_loop3A_550 = %parallel_loop3A_315 to %parallel_loop3A_316 step %parallel_loop3A_317  : i32 {
        %parallel_loop3A_551 = arith.constant 16 : i32
        %parallel_loop3A_552 = arith.muli %parallel_loop3A_550, %parallel_loop3A_551 : i32
        %parallel_loop3A_553 = arith.index_cast %parallel_loop3A_552 : i32 to index
        %parallel_loop3A_554 = tpu.vector_load %arg6[%parallel_loop3A_553] {strides = array<i32>} : memref<4128xi32, #tpu.memory_space<vmem>>, vector<16xi32>,
        %parallel_loop3A_555 = arith.index_cast %parallel_loop3A_552 : i32 to index
        %parallel_loop3A_556 = tpu.vector_load %arg6[%parallel_loop3A_555] {strides = array<i32>} : memref<4128xi32, #tpu.memory_space<vmem>>, vector<16xi32>,
        tpu.vector_store %arg6[%parallel_loop3A_555], %broadcast_in_dim3A_6 {strides = array<i32>} : memref<4128xi32, #tpu.memory_space<vmem>>, vector<16xi32>,
        %parallel_loop3A_557 = arith.constant 257 : i32
        %parallel_loop3A_558 = arith.addi %parallel_loop3A_557, %parallel_loop3A_552 : i32
        %parallel_loop3A_559 = arith.index_cast %parallel_loop3A_558 : i32 to index
        %parallel_loop3A_560 = tpu.vector_load %arg6[%parallel_loop3A_559] {strides = array<i32>} : memref<4128xi32, #tpu.memory_space<vmem>>, vector<16xi32>,
        %parallel_loop3A_561 = arith.addi %parallel_loop3A_554, %parallel_loop3A_560 : vector<16xi32>
        %parallel_loop3A_562 = arith.index_cast %parallel_loop3A_558 : i32 to index
        %parallel_loop3A_563 = tpu.vector_load %arg6[%parallel_loop3A_562] {strides = array<i32>} : memref<4128xi32, #tpu.memory_space<vmem>>, vector<16xi32>,
        tpu.vector_store %arg6[%parallel_loop3A_562], %broadcast_in_dim3A_6 {strides = array<i32>} : memref<4128xi32, #tpu.memory_space<vmem>>, vector<16xi32>,
        %parallel_loop3A_564 = arith.constant 514 : i32
        %parallel_loop3A_565 = arith.addi %parallel_loop3A_564, %parallel_loop3A_552 : i32
        %parallel_loop3A_566 = arith.index_cast %parallel_loop3A_565 : i32 to index
        %parallel_loop3A_567 = tpu.vector_load %arg6[%parallel_loop3A_566] {strides = array<i32>} : memref<4128xi32, #tpu.memory_space<vmem>>, vector<16xi32>,
        %parallel_loop3A_568 = arith.addi %parallel_loop3A_561, %parallel_loop3A_567 : vector<16xi32>
        %parallel_loop3A_569 = arith.index_cast %parallel_loop3A_565 : i32 to index
        %parallel_loop3A_570 = tpu.vector_load %arg6[%parallel_loop3A_569] {strides = array<i32>} : memref<4128xi32, #tpu.memory_space<vmem>>, vector<16xi32>,
        tpu.vector_store %arg6[%parallel_loop3A_569], %broadcast_in_dim3A_6 {strides = array<i32>} : memref<4128xi32, #tpu.memory_space<vmem>>, vector<16xi32>,
        %parallel_loop3A_571 = arith.constant 771 : i32
        %parallel_loop3A_572 = arith.addi %parallel_loop3A_571, %parallel_loop3A_552 : i32
        %parallel_loop3A_573 = arith.index_cast %parallel_loop3A_572 : i32 to index
        %parallel_loop3A_574 = tpu.vector_load %arg6[%parallel_loop3A_573] {strides = array<i32>} : memref<4128xi32, #tpu.memory_space<vmem>>, vector<16xi32>,
        %parallel_loop3A_575 = arith.addi %parallel_loop3A_568, %parallel_loop3A_574 : vector<16xi32>
        %parallel_loop3A_576 = arith.index_cast %parallel_loop3A_572 : i32 to index
        %parallel_loop3A_577 = tpu.vector_load %arg6[%parallel_loop3A_576] {strides = array<i32>} : memref<4128xi32, #tpu.memory_space<vmem>>, vector<16xi32>,
        tpu.vector_store %arg6[%parallel_loop3A_576], %broadcast_in_dim3A_6 {strides = array<i32>} : memref<4128xi32, #tpu.memory_space<vmem>>, vector<16xi32>,
        %parallel_loop3A_578 = arith.constant 1028 : i32
        %parallel_loop3A_579 = arith.addi %parallel_loop3A_578, %parallel_loop3A_552 : i32
        %parallel_loop3A_580 = arith.index_cast %parallel_loop3A_579 : i32 to index
        %parallel_loop3A_581 = tpu.vector_load %arg6[%parallel_loop3A_580] {strides = array<i32>} : memref<4128xi32, #tpu.memory_space<vmem>>, vector<16xi32>,
        %parallel_loop3A_582 = arith.addi %parallel_loop3A_575, %parallel_loop3A_581 : vector<16xi32>
        %parallel_loop3A_583 = arith.index_cast %parallel_loop3A_579 : i32 to index
        %parallel_loop3A_584 = tpu.vector_load %arg6[%parallel_loop3A_583] {strides = array<i32>} : memref<4128xi32, #tpu.memory_space<vmem>>, vector<16xi32>,
        tpu.vector_store %arg6[%parallel_loop3A_583], %broadcast_in_dim3A_6 {strides = array<i32>} : memref<4128xi32, #tpu.memory_space<vmem>>, vector<16xi32>,
        %parallel_loop3A_585 = arith.constant 1285 : i32
        %parallel_loop3A_586 = arith.addi %parallel_loop3A_585, %parallel_loop3A_552 : i32
        %parallel_loop3A_587 = arith.index_cast %parallel_loop3A_586 : i32 to index
        %parallel_loop3A_588 = tpu.vector_load %arg6[%parallel_loop3A_587] {strides = array<i32>} : memref<4128xi32, #tpu.memory_space<vmem>>, vector<16xi32>,
        %parallel_loop3A_589 = arith.addi %parallel_loop3A_582, %parallel_loop3A_588 : vector<16xi32>
        %parallel_loop3A_590 = arith.index_cast %parallel_loop3A_586 : i32 to index
        %parallel_loop3A_591 = tpu.vector_load %arg6[%parallel_loop3A_590] {strides = array<i32>} : memref<4128xi32, #tpu.memory_space<vmem>>, vector<16xi32>,
        tpu.vector_store %arg6[%parallel_loop3A_590], %broadcast_in_dim3A_6 {strides = array<i32>} : memref<4128xi32, #tpu.memory_space<vmem>>, vector<16xi32>,
        %parallel_loop3A_592 = arith.constant 1542 : i32
        %parallel_loop3A_593 = arith.addi %parallel_loop3A_592, %parallel_loop3A_552 : i32
        %parallel_loop3A_594 = arith.index_cast %parallel_loop3A_593 : i32 to index
        %parallel_loop3A_595 = tpu.vector_load %arg6[%parallel_loop3A_594] {strides = array<i32>} : memref<4128xi32, #tpu.memory_space<vmem>>, vector<16xi32>,
        %parallel_loop3A_596 = arith.addi %parallel_loop3A_589, %parallel_loop3A_595 : vector<16xi32>
        %parallel_loop3A_597 = arith.index_cast %parallel_loop3A_593 : i32 to index
        %parallel_loop3A_598 = tpu.vector_load %arg6[%parallel_loop3A_597] {strides = array<i32>} : memref<4128xi32, #tpu.memory_space<vmem>>, vector<16xi32>,
        tpu.vector_store %arg6[%parallel_loop3A_597], %broadcast_in_dim3A_6 {strides = array<i32>} : memref<4128xi32, #tpu.memory_space<vmem>>, vector<16xi32>,
        %parallel_loop3A_599 = arith.constant 1799 : i32
        %parallel_loop3A_600 = arith.addi %parallel_loop3A_599, %parallel_loop3A_552 : i32
        %parallel_loop3A_601 = arith.index_cast %parallel_loop3A_600 : i32 to index
        %parallel_loop3A_602 = tpu.vector_load %arg6[%parallel_loop3A_601] {strides = array<i32>} : memref<4128xi32, #tpu.memory_space<vmem>>, vector<16xi32>,
        %parallel_loop3A_603 = arith.addi %parallel_loop3A_596, %parallel_loop3A_602 : vector<16xi32>
        %parallel_loop3A_604 = arith.index_cast %parallel_loop3A_600 : i32 to index
        %parallel_loop3A_605 = tpu.vector_load %arg6[%parallel_loop3A_604] {strides = array<i32>} : memref<4128xi32, #tpu.memory_space<vmem>>, vector<16xi32>,
        tpu.vector_store %arg6[%parallel_loop3A_604], %broadcast_in_dim3A_6 {strides = array<i32>} : memref<4128xi32, #tpu.memory_space<vmem>>, vector<16xi32>,
        %parallel_loop3A_606 = arith.constant 2056 : i32
        %parallel_loop3A_607 = arith.addi %parallel_loop3A_606, %parallel_loop3A_552 : i32
        %parallel_loop3A_608 = arith.index_cast %parallel_loop3A_607 : i32 to index
        %parallel_loop3A_609 = tpu.vector_load %arg6[%parallel_loop3A_608] {strides = array<i32>} : memref<4128xi32, #tpu.memory_space<vmem>>, vector<16xi32>,
        %parallel_loop3A_610 = arith.addi %parallel_loop3A_603, %parallel_loop3A_609 : vector<16xi32>
        %parallel_loop3A_611 = arith.index_cast %parallel_loop3A_607 : i32 to index
        %parallel_loop3A_612 = tpu.vector_load %arg6[%parallel_loop3A_611] {strides = array<i32>} : memref<4128xi32, #tpu.memory_space<vmem>>, vector<16xi32>,
        tpu.vector_store %arg6[%parallel_loop3A_611], %broadcast_in_dim3A_6 {strides = array<i32>} : memref<4128xi32, #tpu.memory_space<vmem>>, vector<16xi32>,
        %parallel_loop3A_613 = arith.constant 2313 : i32
        %parallel_loop3A_614 = arith.addi %parallel_loop3A_613, %parallel_loop3A_552 : i32
        %parallel_loop3A_615 = arith.index_cast %parallel_loop3A_614 : i32 to index
        %parallel_loop3A_616 = tpu.vector_load %arg6[%parallel_loop3A_615] {strides = array<i32>} : memref<4128xi32, #tpu.memory_space<vmem>>, vector<16xi32>,
        %parallel_loop3A_617 = arith.addi %parallel_loop3A_610, %parallel_loop3A_616 : vector<16xi32>
        %parallel_loop3A_618 = arith.index_cast %parallel_loop3A_614 : i32 to index
        %parallel_loop3A_619 = tpu.vector_load %arg6[%parallel_loop3A_618] {strides = array<i32>} : memref<4128xi32, #tpu.memory_space<vmem>>, vector<16xi32>,
        tpu.vector_store %arg6[%parallel_loop3A_618], %broadcast_in_dim3A_6 {strides = array<i32>} : memref<4128xi32, #tpu.memory_space<vmem>>, vector<16xi32>,
        %parallel_loop3A_620 = arith.constant 2570 : i32
        %parallel_loop3A_621 = arith.addi %parallel_loop3A_620, %parallel_loop3A_552 : i32
        %parallel_loop3A_622 = arith.index_cast %parallel_loop3A_621 : i32 to index
        %parallel_loop3A_623 = tpu.vector_load %arg6[%parallel_loop3A_622] {strides = array<i32>} : memref<4128xi32, #tpu.memory_space<vmem>>, vector<16xi32>,
        %parallel_loop3A_624 = arith.addi %parallel_loop3A_617, %parallel_loop3A_623 : vector<16xi32>
        %parallel_loop3A_625 = arith.index_cast %parallel_loop3A_621 : i32 to index
        %parallel_loop3A_626 = tpu.vector_load %arg6[%parallel_loop3A_625] {strides = array<i32>} : memref<4128xi32, #tpu.memory_space<vmem>>, vector<16xi32>,
        tpu.vector_store %arg6[%parallel_loop3A_625], %broadcast_in_dim3A_6 {strides = array<i32>} : memref<4128xi32, #tpu.memory_space<vmem>>, vector<16xi32>,
        %parallel_loop3A_627 = arith.constant 2827 : i32
        %parallel_loop3A_628 = arith.addi %parallel_loop3A_627, %parallel_loop3A_552 : i32
        %parallel_loop3A_629 = arith.index_cast %parallel_loop3A_628 : i32 to index
        %parallel_loop3A_630 = tpu.vector_load %arg6[%parallel_loop3A_629] {strides = array<i32>} : memref<4128xi32, #tpu.memory_space<vmem>>, vector<16xi32>,
        %parallel_loop3A_631 = arith.addi %parallel_loop3A_624, %parallel_loop3A_630 : vector<16xi32>
        %parallel_loop3A_632 = arith.index_cast %parallel_loop3A_628 : i32 to index
        %parallel_loop3A_633 = tpu.vector_load %arg6[%parallel_loop3A_632] {strides = array<i32>} : memref<4128xi32, #tpu.memory_space<vmem>>, vector<16xi32>,
        tpu.vector_store %arg6[%parallel_loop3A_632], %broadcast_in_dim3A_6 {strides = array<i32>} : memref<4128xi32, #tpu.memory_space<vmem>>, vector<16xi32>,
        %parallel_loop3A_634 = arith.constant 3084 : i32
        %parallel_loop3A_635 = arith.addi %parallel_loop3A_634, %parallel_loop3A_552 : i32
        %parallel_loop3A_636 = arith.index_cast %parallel_loop3A_635 : i32 to index
        %parallel_loop3A_637 = tpu.vector_load %arg6[%parallel_loop3A_636] {strides = array<i32>} : memref<4128xi32, #tpu.memory_space<vmem>>, vector<16xi32>,
        %parallel_loop3A_638 = arith.addi %parallel_loop3A_631, %parallel_loop3A_637 : vector<16xi32>
        %parallel_loop3A_639 = arith.index_cast %parallel_loop3A_635 : i32 to index
        %parallel_loop3A_640 = tpu.vector_load %arg6[%parallel_loop3A_639] {strides = array<i32>} : memref<4128xi32, #tpu.memory_space<vmem>>, vector<16xi32>,
        tpu.vector_store %arg6[%parallel_loop3A_639], %broadcast_in_dim3A_6 {strides = array<i32>} : memref<4128xi32, #tpu.memory_space<vmem>>, vector<16xi32>,
        %parallel_loop3A_641 = arith.constant 3341 : i32
        %parallel_loop3A_642 = arith.addi %parallel_loop3A_641, %parallel_loop3A_552 : i32
        %parallel_loop3A_643 = arith.index_cast %parallel_loop3A_642 : i32 to index
        %parallel_loop3A_644 = tpu.vector_load %arg6[%parallel_loop3A_643] {strides = array<i32>} : memref<4128xi32, #tpu.memory_space<vmem>>, vector<16xi32>,
        %parallel_loop3A_645 = arith.addi %parallel_loop3A_638, %parallel_loop3A_644 : vector<16xi32>
        %parallel_loop3A_646 = arith.index_cast %parallel_loop3A_642 : i32 to index
        %parallel_loop3A_647 = tpu.vector_load %arg6[%parallel_loop3A_646] {strides = array<i32>} : memref<4128xi32, #tpu.memory_space<vmem>>, vector<16xi32>,
        tpu.vector_store %arg6[%parallel_loop3A_646], %broadcast_in_dim3A_6 {strides = array<i32>} : memref<4128xi32, #tpu.memory_space<vmem>>, vector<16xi32>,
        %parallel_loop3A_648 = arith.constant 3598 : i32
        %parallel_loop3A_649 = arith.addi %parallel_loop3A_648, %parallel_loop3A_552 : i32
        %parallel_loop3A_650 = arith.index_cast %parallel_loop3A_649 : i32 to index
        %parallel_loop3A_651 = tpu.vector_load %arg6[%parallel_loop3A_650] {strides = array<i32>} : memref<4128xi32, #tpu.memory_space<vmem>>, vector<16xi32>,
        %parallel_loop3A_652 = arith.addi %parallel_loop3A_645, %parallel_loop3A_651 : vector<16xi32>
        %parallel_loop3A_653 = arith.index_cast %parallel_loop3A_649 : i32 to index
        %parallel_loop3A_654 = tpu.vector_load %arg6[%parallel_loop3A_653] {strides = array<i32>} : memref<4128xi32, #tpu.memory_space<vmem>>, vector<16xi32>,
        tpu.vector_store %arg6[%parallel_loop3A_653], %broadcast_in_dim3A_6 {strides = array<i32>} : memref<4128xi32, #tpu.memory_space<vmem>>, vector<16xi32>,
        %parallel_loop3A_655 = arith.constant 3855 : i32
        %parallel_loop3A_656 = arith.addi %parallel_loop3A_655, %parallel_loop3A_552 : i32
        %parallel_loop3A_657 = arith.index_cast %parallel_loop3A_656 : i32 to index
        %parallel_loop3A_658 = tpu.vector_load %arg6[%parallel_loop3A_657] {strides = array<i32>} : memref<4128xi32, #tpu.memory_space<vmem>>, vector<16xi32>,
        %parallel_loop3A_659 = arith.addi %parallel_loop3A_652, %parallel_loop3A_658 : vector<16xi32>
        %parallel_loop3A_660 = arith.index_cast %parallel_loop3A_656 : i32 to index
        %parallel_loop3A_661 = tpu.vector_load %arg6[%parallel_loop3A_660] {strides = array<i32>} : memref<4128xi32, #tpu.memory_space<vmem>>, vector<16xi32>,
        tpu.vector_store %arg6[%parallel_loop3A_660], %broadcast_in_dim3A_6 {strides = array<i32>} : memref<4128xi32, #tpu.memory_space<vmem>>, vector<16xi32>,
        %parallel_loop3A_662 = arith.index_cast %parallel_loop3A_552 : i32 to index
        %parallel_loop3A_663 = tpu.vector_load %arg7[%parallel_loop3A_662] {strides = array<i32>} : memref<272xi32, #tpu.memory_space<vmem>>, vector<16xi32>,
        tpu.vector_store %arg7[%parallel_loop3A_662], %parallel_loop3A_659 {strides = array<i32>} : memref<272xi32, #tpu.memory_space<vmem>>, vector<16xi32>,
      } {sc.loop_unroll_factor = 1 : i64, sc.parallel_access}
      %scan3A_318 = arith.constant 0 : i32
      %scan3A_319 = arith.constant 0 : i32
      %scan3A_320 = arith.constant 16 : i32
      %scan3A_321 = arith.addi %scan3A_319, %scan3A_320 : i32
      %scan3A_322 = arith.constant 1 : i32
      %scan3A_323:2 = scf.for %scan3A_550 = %scan3A_319 to %scan3A_321 step %scan3A_322 iter_args(%scan3A_551 = %scan3A_318, %scan3A_552 = %broadcast_in_dim3A_6) -> (i32, vector<16xi32>)  : i32 {
        %sub3A_553 = arith.constant 15 : i32
        %sub3A_554 = arith.subi %sub3A_553, %scan3A_550 : i32
        %mul3A_555 = arith.constant 16 : i32
        %mul3A_556 = arith.muli %sub3A_554, %mul3A_555 : i32
        %get3A_557 = arith.index_cast %mul3A_556 : i32 to index
        %get3A_558 = tpu.vector_load %arg7[%get3A_557] {strides = array<i32>} : memref<272xi32, #tpu.memory_space<vmem>>, vector<16xi32>,
        %broadcast_in_dim3A_559 = arith.constant true
        %broadcast_in_dim3A_560 = vector.broadcast %broadcast_in_dim3A_559 : i1 to vector<16xi1>
        %masked_cumsum3A = tpu.scan <sum>, %get3A_558 masked %broadcast_in_dim3A_560 : vector<16xi32>, vector<16xi1> -> vector<16xi32>
        %slice3A_561 = vector.extract_strided_slice %masked_cumsum3A {offsets = [15], sizes = [1], strides = [1]} : vector<16xi32> to vector<1xi32>
        %squeeze3A_562 = vector.extract %slice3A_561[0] : i32 from vector<1xi32>
        %add3A_563 = arith.addi %squeeze3A_562, %scan3A_551 : i32
        %sub3A_564 = vector.broadcast %add3A_563 : i32 to vector<16xi32>
        %sub3A_565 = arith.subi %sub3A_564, %masked_cumsum3A : vector<16xi32>
        %add3A_566 = arith.addi %sub3A_565, %get3A_558 : vector<16xi32>
        %mul3A_567 = arith.constant 16 : i32
        %mul3A_568 = arith.muli %sub3A_554, %mul3A_567 : i32
        %swap3A = arith.index_cast %mul3A_568 : i32 to index
        %swap3A_569 = tpu.vector_load %arg8[%swap3A] {strides = array<i32>} : memref<272xi32, #tpu.memory_space<vmem>>, vector<16xi32>,
        tpu.vector_store %arg8[%swap3A], %add3A_566 {strides = array<i32>} : memref<272xi32, #tpu.memory_space<vmem>>, vector<16xi32>,
        %ge3A = vector.broadcast %sub3A_253 : i32 to vector<16xi32>
        %ge3A_570 = arith.cmpi sge, %add3A_566, %ge3A : vector<16xi32>
        %all_reduce_population_count3A = tpu.all_reduce %ge3A_570 {dim = 0 : i64, kind = #tpu.reduction_kind<sum>} : vector<16xi1> -> vector<16xi32>
        %add3A_571 = arith.addi %scan3A_552, %all_reduce_population_count3A : vector<16xi32>
        %add3A_572 = arith.addi %scan3A_551, %squeeze3A_562 : i32
        scf.yield %add3A_572, %add3A_571 : i32, vector<16xi32>
      }
      %scan3A_324 = arith.constant 16 : i32
      %slice3A_325 = vector.extract_strided_slice %scan3A_323#1 {offsets = [0], sizes = [1], strides = [1]} : vector<16xi32> to vector<1xi32>
      %squeeze3A_326 = vector.extract %slice3A_325[0] : i32 from vector<1xi32>
      %sub3A_327 = arith.constant 1 : i32
      %sub3A_328 = arith.subi %squeeze3A_326, %sub3A_327 : i32
      %get3A_329 = arith.index_cast %sub3A_328 : i32 to index
      %get3A_330 = tpu.vector_load %arg7[%get3A_329] {strides = array<i32>} : memref<272xi32, #tpu.memory_space<vmem>>, vector<16xi32>,
      %slice3A_331 = vector.extract_strided_slice %get3A_330 {offsets = [0], sizes = [1], strides = [1]} : vector<16xi32> to vector<1xi32>
      %squeeze3A_332 = vector.extract %slice3A_331[0] : i32 from vector<1xi32>
      %get3A_333 = arith.index_cast %sub3A_328 : i32 to index
      %get3A_334 = tpu.vector_load %arg8[%get3A_333] {strides = array<i32>} : memref<272xi32, #tpu.memory_space<vmem>>, vector<16xi32>,
      %slice3A_335 = vector.extract_strided_slice %get3A_334 {offsets = [0], sizes = [1], strides = [1]} : vector<16xi32> to vector<1xi32>
      %squeeze3A_336 = vector.extract %slice3A_335[0] : i32 from vector<1xi32>
      %sub3A_337 = arith.subi %squeeze3A_336, %squeeze3A_332 : i32
      %sub3A_338 = arith.subi %sub3A_253, %sub3A_337 : i32
      %add3A_339 = arith.constant 64 : i32
      %add3A_340 = arith.addi %squeeze3A_246, %add3A_339 : i32
      %sub3A_341 = arith.constant 1 : i32
      %sub3A_342 = arith.subi %add3A_340, %sub3A_341 : i32
      %jit3A_343 = arith.constant 64 : i32
      %div3A_344 = arith.divsi %sub3A_342, %jit3A_343 : i32
      %sign3A_345 = arith.constant 0 : i32
      %sign3A_346 = arith.cmpi sgt, %sub3A_342, %sign3A_345 : i32
      %sign3A_347 = arith.extui %sign3A_346 : i1 to i32
      %sign3A_348 = arith.constant 0 : i32
      %sign3A_349 = arith.cmpi slt, %sub3A_342, %sign3A_348 : i32
      %sign3A_350 = arith.extui %sign3A_349 : i1 to i32
      %sign3A_351 = arith.subi %sign3A_347, %sign3A_350 : i32
      %sign3A_352 = arith.constant 0 : i32
      %sign3A_353 = arith.cmpi sgt, %jit3A_343, %sign3A_352 : i32
      %sign3A_354 = arith.extui %sign3A_353 : i1 to i32
      %sign3A_355 = arith.constant 0 : i32
      %sign3A_356 = arith.cmpi slt, %jit3A_343, %sign3A_355 : i32
      %sign3A_357 = arith.extui %sign3A_356 : i1 to i32
      %sign3A_358 = arith.subi %sign3A_354, %sign3A_357 : i32
      %ne3A_359 = arith.cmpi ne, %sign3A_351, %sign3A_358 : i32
      %rem3A_360 = arith.remsi %sub3A_342, %jit3A_343 : i32
      %ne3A_361 = arith.constant 0 : i32
      %ne3A_362 = arith.cmpi ne, %rem3A_360, %ne3A_361 : i32
      %and3A_363 = arith.andi %ne3A_359, %ne3A_362 : i1
      %sub3A_364 = arith.constant 1 : i32
      %sub3A_365 = arith.subi %div3A_344, %sub3A_364 : i32
      %select_n3A_366 = arith.select %and3A_363, %sub3A_365, %div3A_344 : i32
      %while3A_367 = arith.constant 0 : i32
      %while3A_368 = arith.subi %select_n3A_366, %while3A_367 : i32
      %while3A_369 = arith.addi %while3A_367, %while3A_368 : i32
      %while3A_370 = arith.constant 1 : i32
      %while3A_371 = arith.divsi %while3A_368, %while3A_370 : i32
      %while3A_372 = arith.muli %while3A_371, %while3A_370 : i32
      %while3A_373 = arith.addi %while3A_367, %while3A_372 : i32
      %while3A_374 = arith.constant 1 : i32
      %while3A_375 = scf.for %while3A_550 = %while3A_367 to %while3A_373 step %while3A_374 iter_args(%while3A_551 = %broadcast_in_dim3A_6) -> (vector<16xi32>)  : i32 {
        %mul3A_552 = arith.constant 4 : i32
        %mul3A_553 = arith.muli %while3A_550, %mul3A_552 : i32
        %add3A_554 = arith.constant 0 : i32
        %add3A_555 = arith.addi %mul3A_553, %add3A_554 : i32
        %mul3A_556 = arith.constant 16 : i32
        %mul3A_557 = arith.muli %add3A_555, %mul3A_556 : i32
        %get3A_558 = arith.index_cast %mul3A_557 : i32 to index
        %get3A_559 = tpu.vector_load %arg5[%get3A_558] {strides = array<i32>} : memref<32784xf32, #tpu.memory_space<vmem>>, vector<16xf32>,
        %add3A_560 = arith.addf %get3A_559, %broadcast_in_dim3A_18 : vector<16xf32>
        %bitcast_convert_type3A_561 = tpu.bitcast %add3A_560 : vector<16xf32> -> vector<16xi32>
        %shift_right_arithmetic3A = arith.constant 31 : i32
        %shift_right_arithmetic3A_562 = vector.broadcast %shift_right_arithmetic3A : i32 to vector<16xi32>
        %shift_right_arithmetic3A_563 = arith.shrsi %bitcast_convert_type3A_561, %shift_right_arithmetic3A_562 : vector<16xi32>
        %or3A = arith.constant -2147483648 : i32
        %or3A_564 = vector.broadcast %or3A : i32 to vector<16xi32>
        %or3A_565 = arith.ori %shift_right_arithmetic3A_563, %or3A_564 : vector<16xi32>
        %xor3A_566 = arith.xori %bitcast_convert_type3A_561, %or3A_565 : vector<16xi32>
        %mul3A_567 = arith.constant 16 : i32
        %mul3A_568 = arith.muli %add3A_555, %mul3A_567 : i32
        %add3A_569 = vector.broadcast %mul3A_568 : i32 to vector<16xi32>
        %add3A_570 = arith.addi %add3A_569, %iota3A : vector<16xi32>
        %lt3A_571 = vector.broadcast %squeeze3A_246 : i32 to vector<16xi32>
        %lt3A_572 = arith.cmpi slt, %add3A_570, %lt3A_571 : vector<16xi32>
        %shift_right_logical3A = arith.shrui %xor3A_566, %broadcast_in_dim3A_10 : vector<16xi32>
        %and3A_573 = arith.andi %shift_right_logical3A, %broadcast_in_dim3A_14 : vector<16xi32>
        %eq3A_574 = vector.broadcast %sub3A_328 : i32 to vector<16xi32>
        %eq3A_575 = arith.cmpi eq, %and3A_573, %eq3A_574 : vector<16xi32>
        %and3A_576 = arith.andi %eq3A_575, %lt3A_572 : vector<16xi1>
        %slice3A_577 = vector.extract_strided_slice %while3A_551 {offsets = [0], sizes = [1], strides = [1]} : vector<16xi32> to vector<1xi32>
        %squeeze3A_578 = vector.extract %slice3A_577[0] : i32 from vector<1xi32>
        %swap3A = arith.index_cast %squeeze3A_578 : i32 to index
        %swap3A_579 = tpu.vector_load %arg5[%swap3A] masked %and3A_576 {strides = array<i32>} : memref<32784xf32, #tpu.memory_space<vmem>>, vector<16xf32>, vector<16xi1>
        tpu.vector_store %arg5[%swap3A], %get3A_559 masked %and3A_576 {strides = array<i32>} : memref<32784xf32, #tpu.memory_space<vmem>>, vector<16xf32>, vector<16xi1>
        %shift_right_logical3A_580 = arith.shrui %xor3A_566, %broadcast_in_dim3A_12 : vector<16xi32>
        %and3A_581 = arith.andi %shift_right_logical3A_580, %broadcast_in_dim3A_14 : vector<16xi32>
        %add3A_582 = arith.addi %mul3A_3, %and3A_581 : vector<16xi32>
        tpu.vector_store_idx %arg6[%add3A_582], %broadcast_in_dim3A_4 masked %and3A_576 {add = true} : memref<4128xi32, #tpu.memory_space<vmem>>[vector<16xi32>], vector<16xi32>, vector<16xi1>
        %all_reduce_population_count3A = tpu.all_reduce %and3A_576 {dim = 0 : i64, kind = #tpu.reduction_kind<sum>} : vector<16xi1> -> vector<16xi32>
        %add3A_583 = arith.addi %while3A_551, %all_reduce_population_count3A : vector<16xi32>
        %mul3A_584 = arith.constant 4 : i32
        %mul3A_585 = arith.muli %while3A_550, %mul3A_584 : i32
        %add3A_586 = arith.constant 1 : i32
        %add3A_587 = arith.addi %mul3A_585, %add3A_586 : i32
        %mul3A_588 = arith.constant 16 : i32
        %mul3A_589 = arith.muli %add3A_587, %mul3A_588 : i32
        %get3A_590 = arith.index_cast %mul3A_589 : i32 to index
        %get3A_591 = tpu.vector_load %arg5[%get3A_590] {strides = array<i32>} : memref<32784xf32, #tpu.memory_space<vmem>>, vector<16xf32>,
        %add3A_592 = arith.addf %get3A_591, %broadcast_in_dim3A_18 : vector<16xf32>
        %bitcast_convert_type3A_593 = tpu.bitcast %add3A_592 : vector<16xf32> -> vector<16xi32>
        %shift_right_arithmetic3A_594 = arith.constant 31 : i32
        %shift_right_arithmetic3A_595 = vector.broadcast %shift_right_arithmetic3A_594 : i32 to vector<16xi32>
        %shift_right_arithmetic3A_596 = arith.shrsi %bitcast_convert_type3A_593, %shift_right_arithmetic3A_595 : vector<16xi32>
        %or3A_597 = arith.constant -2147483648 : i32
        %or3A_598 = vector.broadcast %or3A_597 : i32 to vector<16xi32>
        %or3A_599 = arith.ori %shift_right_arithmetic3A_596, %or3A_598 : vector<16xi32>
        %xor3A_600 = arith.xori %bitcast_convert_type3A_593, %or3A_599 : vector<16xi32>
        %mul3A_601 = arith.constant 16 : i32
        %mul3A_602 = arith.muli %add3A_587, %mul3A_601 : i32
        %add3A_603 = vector.broadcast %mul3A_602 : i32 to vector<16xi32>
        %add3A_604 = arith.addi %add3A_603, %iota3A : vector<16xi32>
        %lt3A_605 = vector.broadcast %squeeze3A_246 : i32 to vector<16xi32>
        %lt3A_606 = arith.cmpi slt, %add3A_604, %lt3A_605 : vector<16xi32>
        %shift_right_logical3A_607 = arith.shrui %xor3A_600, %broadcast_in_dim3A_10 : vector<16xi32>
        %and3A_608 = arith.andi %shift_right_logical3A_607, %broadcast_in_dim3A_14 : vector<16xi32>
        %eq3A_609 = vector.broadcast %sub3A_328 : i32 to vector<16xi32>
        %eq3A_610 = arith.cmpi eq, %and3A_608, %eq3A_609 : vector<16xi32>
        %and3A_611 = arith.andi %eq3A_610, %lt3A_606 : vector<16xi1>
        %slice3A_612 = vector.extract_strided_slice %add3A_583 {offsets = [0], sizes = [1], strides = [1]} : vector<16xi32> to vector<1xi32>
        %squeeze3A_613 = vector.extract %slice3A_612[0] : i32 from vector<1xi32>
        %swap3A_614 = arith.index_cast %squeeze3A_613 : i32 to index
        %swap3A_615 = tpu.vector_load %arg5[%swap3A_614] masked %and3A_611 {strides = array<i32>} : memref<32784xf32, #tpu.memory_space<vmem>>, vector<16xf32>, vector<16xi1>
        tpu.vector_store %arg5[%swap3A_614], %get3A_591 masked %and3A_611 {strides = array<i32>} : memref<32784xf32, #tpu.memory_space<vmem>>, vector<16xf32>, vector<16xi1>
        %shift_right_logical3A_616 = arith.shrui %xor3A_600, %broadcast_in_dim3A_12 : vector<16xi32>
        %and3A_617 = arith.andi %shift_right_logical3A_616, %broadcast_in_dim3A_14 : vector<16xi32>
        %add3A_618 = arith.addi %mul3A_3, %and3A_617 : vector<16xi32>
        tpu.vector_store_idx %arg6[%add3A_618], %broadcast_in_dim3A_4 masked %and3A_611 {add = true} : memref<4128xi32, #tpu.memory_space<vmem>>[vector<16xi32>], vector<16xi32>, vector<16xi1>
        %all_reduce_population_count3A_619 = tpu.all_reduce %and3A_611 {dim = 0 : i64, kind = #tpu.reduction_kind<sum>} : vector<16xi1> -> vector<16xi32>
        %add3A_620 = arith.addi %add3A_583, %all_reduce_population_count3A_619 : vector<16xi32>
        %mul3A_621 = arith.constant 4 : i32
        %mul3A_622 = arith.muli %while3A_550, %mul3A_621 : i32
        %add3A_623 = arith.constant 2 : i32
        %add3A_624 = arith.addi %mul3A_622, %add3A_623 : i32
        %mul3A_625 = arith.constant 16 : i32
        %mul3A_626 = arith.muli %add3A_624, %mul3A_625 : i32
        %get3A_627 = arith.index_cast %mul3A_626 : i32 to index
        %get3A_628 = tpu.vector_load %arg5[%get3A_627] {strides = array<i32>} : memref<32784xf32, #tpu.memory_space<vmem>>, vector<16xf32>,
        %add3A_629 = arith.addf %get3A_628, %broadcast_in_dim3A_18 : vector<16xf32>
        %bitcast_convert_type3A_630 = tpu.bitcast %add3A_629 : vector<16xf32> -> vector<16xi32>
        %shift_right_arithmetic3A_631 = arith.constant 31 : i32
        %shift_right_arithmetic3A_632 = vector.broadcast %shift_right_arithmetic3A_631 : i32 to vector<16xi32>
        %shift_right_arithmetic3A_633 = arith.shrsi %bitcast_convert_type3A_630, %shift_right_arithmetic3A_632 : vector<16xi32>
        %or3A_634 = arith.constant -2147483648 : i32
        %or3A_635 = vector.broadcast %or3A_634 : i32 to vector<16xi32>
        %or3A_636 = arith.ori %shift_right_arithmetic3A_633, %or3A_635 : vector<16xi32>
        %xor3A_637 = arith.xori %bitcast_convert_type3A_630, %or3A_636 : vector<16xi32>
        %mul3A_638 = arith.constant 16 : i32
        %mul3A_639 = arith.muli %add3A_624, %mul3A_638 : i32
        %add3A_640 = vector.broadcast %mul3A_639 : i32 to vector<16xi32>
        %add3A_641 = arith.addi %add3A_640, %iota3A : vector<16xi32>
        %lt3A_642 = vector.broadcast %squeeze3A_246 : i32 to vector<16xi32>
        %lt3A_643 = arith.cmpi slt, %add3A_641, %lt3A_642 : vector<16xi32>
        %shift_right_logical3A_644 = arith.shrui %xor3A_637, %broadcast_in_dim3A_10 : vector<16xi32>
        %and3A_645 = arith.andi %shift_right_logical3A_644, %broadcast_in_dim3A_14 : vector<16xi32>
        %eq3A_646 = vector.broadcast %sub3A_328 : i32 to vector<16xi32>
        %eq3A_647 = arith.cmpi eq, %and3A_645, %eq3A_646 : vector<16xi32>
        %and3A_648 = arith.andi %eq3A_647, %lt3A_643 : vector<16xi1>
        %slice3A_649 = vector.extract_strided_slice %add3A_620 {offsets = [0], sizes = [1], strides = [1]} : vector<16xi32> to vector<1xi32>
        %squeeze3A_650 = vector.extract %slice3A_649[0] : i32 from vector<1xi32>
        %swap3A_651 = arith.index_cast %squeeze3A_650 : i32 to index
        %swap3A_652 = tpu.vector_load %arg5[%swap3A_651] masked %and3A_648 {strides = array<i32>} : memref<32784xf32, #tpu.memory_space<vmem>>, vector<16xf32>, vector<16xi1>
        tpu.vector_store %arg5[%swap3A_651], %get3A_628 masked %and3A_648 {strides = array<i32>} : memref<32784xf32, #tpu.memory_space<vmem>>, vector<16xf32>, vector<16xi1>
        %shift_right_logical3A_653 = arith.shrui %xor3A_637, %broadcast_in_dim3A_12 : vector<16xi32>
        %and3A_654 = arith.andi %shift_right_logical3A_653, %broadcast_in_dim3A_14 : vector<16xi32>
        %add3A_655 = arith.addi %mul3A_3, %and3A_654 : vector<16xi32>
        tpu.vector_store_idx %arg6[%add3A_655], %broadcast_in_dim3A_4 masked %and3A_648 {add = true} : memref<4128xi32, #tpu.memory_space<vmem>>[vector<16xi32>], vector<16xi32>, vector<16xi1>
        %all_reduce_population_count3A_656 = tpu.all_reduce %and3A_648 {dim = 0 : i64, kind = #tpu.reduction_kind<sum>} : vector<16xi1> -> vector<16xi32>
        %add3A_657 = arith.addi %add3A_620, %all_reduce_population_count3A_656 : vector<16xi32>
        %mul3A_658 = arith.constant 4 : i32
        %mul3A_659 = arith.muli %while3A_550, %mul3A_658 : i32
        %add3A_660 = arith.constant 3 : i32
        %add3A_661 = arith.addi %mul3A_659, %add3A_660 : i32
        %mul3A_662 = arith.constant 16 : i32
        %mul3A_663 = arith.muli %add3A_661, %mul3A_662 : i32
        %get3A_664 = arith.index_cast %mul3A_663 : i32 to index
        %get3A_665 = tpu.vector_load %arg5[%get3A_664] {strides = array<i32>} : memref<32784xf32, #tpu.memory_space<vmem>>, vector<16xf32>,
        %add3A_666 = arith.addf %get3A_665, %broadcast_in_dim3A_18 : vector<16xf32>
        %bitcast_convert_type3A_667 = tpu.bitcast %add3A_666 : vector<16xf32> -> vector<16xi32>
        %shift_right_arithmetic3A_668 = arith.constant 31 : i32
        %shift_right_arithmetic3A_669 = vector.broadcast %shift_right_arithmetic3A_668 : i32 to vector<16xi32>
        %shift_right_arithmetic3A_670 = arith.shrsi %bitcast_convert_type3A_667, %shift_right_arithmetic3A_669 : vector<16xi32>
        %or3A_671 = arith.constant -2147483648 : i32
        %or3A_672 = vector.broadcast %or3A_671 : i32 to vector<16xi32>
        %or3A_673 = arith.ori %shift_right_arithmetic3A_670, %or3A_672 : vector<16xi32>
        %xor3A_674 = arith.xori %bitcast_convert_type3A_667, %or3A_673 : vector<16xi32>
        %mul3A_675 = arith.constant 16 : i32
        %mul3A_676 = arith.muli %add3A_661, %mul3A_675 : i32
        %add3A_677 = vector.broadcast %mul3A_676 : i32 to vector<16xi32>
        %add3A_678 = arith.addi %add3A_677, %iota3A : vector<16xi32>
        %lt3A_679 = vector.broadcast %squeeze3A_246 : i32 to vector<16xi32>
        %lt3A_680 = arith.cmpi slt, %add3A_678, %lt3A_679 : vector<16xi32>
        %shift_right_logical3A_681 = arith.shrui %xor3A_674, %broadcast_in_dim3A_10 : vector<16xi32>
        %and3A_682 = arith.andi %shift_right_logical3A_681, %broadcast_in_dim3A_14 : vector<16xi32>
        %eq3A_683 = vector.broadcast %sub3A_328 : i32 to vector<16xi32>
        %eq3A_684 = arith.cmpi eq, %and3A_682, %eq3A_683 : vector<16xi32>
        %and3A_685 = arith.andi %eq3A_684, %lt3A_680 : vector<16xi1>
        %slice3A_686 = vector.extract_strided_slice %add3A_657 {offsets = [0], sizes = [1], strides = [1]} : vector<16xi32> to vector<1xi32>
        %squeeze3A_687 = vector.extract %slice3A_686[0] : i32 from vector<1xi32>
        %swap3A_688 = arith.index_cast %squeeze3A_687 : i32 to index
        %swap3A_689 = tpu.vector_load %arg5[%swap3A_688] masked %and3A_685 {strides = array<i32>} : memref<32784xf32, #tpu.memory_space<vmem>>, vector<16xf32>, vector<16xi1>
        tpu.vector_store %arg5[%swap3A_688], %get3A_665 masked %and3A_685 {strides = array<i32>} : memref<32784xf32, #tpu.memory_space<vmem>>, vector<16xf32>, vector<16xi1>
        %shift_right_logical3A_690 = arith.shrui %xor3A_674, %broadcast_in_dim3A_12 : vector<16xi32>
        %and3A_691 = arith.andi %shift_right_logical3A_690, %broadcast_in_dim3A_14 : vector<16xi32>
        %add3A_692 = arith.addi %mul3A_3, %and3A_691 : vector<16xi32>
        tpu.vector_store_idx %arg6[%add3A_692], %broadcast_in_dim3A_4 masked %and3A_685 {add = true} : memref<4128xi32, #tpu.memory_space<vmem>>[vector<16xi32>], vector<16xi32>, vector<16xi1>
        %all_reduce_population_count3A_693 = tpu.all_reduce %and3A_685 {dim = 0 : i64, kind = #tpu.reduction_kind<sum>} : vector<16xi1> -> vector<16xi32>
        %add3A_694 = arith.addi %add3A_657, %all_reduce_population_count3A_693 : vector<16xi32>
        scf.yield %add3A_694 : vector<16xi32>
      }
      %while3A_376 = arith.constant 1 : i32
      %while3A_377 = scf.for %while3A_550 = %while3A_373 to %while3A_369 step %while3A_376 iter_args(%while3A_551 = %while3A_375) -> (vector<16xi32>)  : i32 {
        %mul3A_552 = arith.constant 4 : i32
        %mul3A_553 = arith.muli %while3A_550, %mul3A_552 : i32
        %add3A_554 = arith.constant 0 : i32
        %add3A_555 = arith.addi %mul3A_553, %add3A_554 : i32
        %mul3A_556 = arith.constant 16 : i32
        %mul3A_557 = arith.muli %add3A_555, %mul3A_556 : i32
        %get3A_558 = arith.index_cast %mul3A_557 : i32 to index
        %get3A_559 = tpu.vector_load %arg5[%get3A_558] {strides = array<i32>} : memref<32784xf32, #tpu.memory_space<vmem>>, vector<16xf32>,
        %add3A_560 = arith.addf %get3A_559, %broadcast_in_dim3A_18 : vector<16xf32>
        %bitcast_convert_type3A_561 = tpu.bitcast %add3A_560 : vector<16xf32> -> vector<16xi32>
        %shift_right_arithmetic3A = arith.constant 31 : i32
        %shift_right_arithmetic3A_562 = vector.broadcast %shift_right_arithmetic3A : i32 to vector<16xi32>
        %shift_right_arithmetic3A_563 = arith.shrsi %bitcast_convert_type3A_561, %shift_right_arithmetic3A_562 : vector<16xi32>
        %or3A = arith.constant -2147483648 : i32
        %or3A_564 = vector.broadcast %or3A : i32 to vector<16xi32>
        %or3A_565 = arith.ori %shift_right_arithmetic3A_563, %or3A_564 : vector<16xi32>
        %xor3A_566 = arith.xori %bitcast_convert_type3A_561, %or3A_565 : vector<16xi32>
        %mul3A_567 = arith.constant 16 : i32
        %mul3A_568 = arith.muli %add3A_555, %mul3A_567 : i32
        %add3A_569 = vector.broadcast %mul3A_568 : i32 to vector<16xi32>
        %add3A_570 = arith.addi %add3A_569, %iota3A : vector<16xi32>
        %lt3A_571 = vector.broadcast %squeeze3A_246 : i32 to vector<16xi32>
        %lt3A_572 = arith.cmpi slt, %add3A_570, %lt3A_571 : vector<16xi32>
        %shift_right_logical3A = arith.shrui %xor3A_566, %broadcast_in_dim3A_10 : vector<16xi32>
        %and3A_573 = arith.andi %shift_right_logical3A, %broadcast_in_dim3A_14 : vector<16xi32>
        %eq3A_574 = vector.broadcast %sub3A_328 : i32 to vector<16xi32>
        %eq3A_575 = arith.cmpi eq, %and3A_573, %eq3A_574 : vector<16xi32>
        %and3A_576 = arith.andi %eq3A_575, %lt3A_572 : vector<16xi1>
        %slice3A_577 = vector.extract_strided_slice %while3A_551 {offsets = [0], sizes = [1], strides = [1]} : vector<16xi32> to vector<1xi32>
        %squeeze3A_578 = vector.extract %slice3A_577[0] : i32 from vector<1xi32>
        %swap3A = arith.index_cast %squeeze3A_578 : i32 to index
        %swap3A_579 = tpu.vector_load %arg5[%swap3A] masked %and3A_576 {strides = array<i32>} : memref<32784xf32, #tpu.memory_space<vmem>>, vector<16xf32>, vector<16xi1>
        tpu.vector_store %arg5[%swap3A], %get3A_559 masked %and3A_576 {strides = array<i32>} : memref<32784xf32, #tpu.memory_space<vmem>>, vector<16xf32>, vector<16xi1>
        %shift_right_logical3A_580 = arith.shrui %xor3A_566, %broadcast_in_dim3A_12 : vector<16xi32>
        %and3A_581 = arith.andi %shift_right_logical3A_580, %broadcast_in_dim3A_14 : vector<16xi32>
        %add3A_582 = arith.addi %mul3A_3, %and3A_581 : vector<16xi32>
        tpu.vector_store_idx %arg6[%add3A_582], %broadcast_in_dim3A_4 masked %and3A_576 {add = true} : memref<4128xi32, #tpu.memory_space<vmem>>[vector<16xi32>], vector<16xi32>, vector<16xi1>
        %all_reduce_population_count3A = tpu.all_reduce %and3A_576 {dim = 0 : i64, kind = #tpu.reduction_kind<sum>} : vector<16xi1> -> vector<16xi32>
        %add3A_583 = arith.addi %while3A_551, %all_reduce_population_count3A : vector<16xi32>
        %mul3A_584 = arith.constant 4 : i32
        %mul3A_585 = arith.muli %while3A_550, %mul3A_584 : i32
        %add3A_586 = arith.constant 1 : i32
        %add3A_587 = arith.addi %mul3A_585, %add3A_586 : i32
        %mul3A_588 = arith.constant 16 : i32
        %mul3A_589 = arith.muli %add3A_587, %mul3A_588 : i32
        %get3A_590 = arith.index_cast %mul3A_589 : i32 to index
        %get3A_591 = tpu.vector_load %arg5[%get3A_590] {strides = array<i32>} : memref<32784xf32, #tpu.memory_space<vmem>>, vector<16xf32>,
        %add3A_592 = arith.addf %get3A_591, %broadcast_in_dim3A_18 : vector<16xf32>
        %bitcast_convert_type3A_593 = tpu.bitcast %add3A_592 : vector<16xf32> -> vector<16xi32>
        %shift_right_arithmetic3A_594 = arith.constant 31 : i32
        %shift_right_arithmetic3A_595 = vector.broadcast %shift_right_arithmetic3A_594 : i32 to vector<16xi32>
        %shift_right_arithmetic3A_596 = arith.shrsi %bitcast_convert_type3A_593, %shift_right_arithmetic3A_595 : vector<16xi32>
        %or3A_597 = arith.constant -2147483648 : i32
        %or3A_598 = vector.broadcast %or3A_597 : i32 to vector<16xi32>
        %or3A_599 = arith.ori %shift_right_arithmetic3A_596, %or3A_598 : vector<16xi32>
        %xor3A_600 = arith.xori %bitcast_convert_type3A_593, %or3A_599 : vector<16xi32>
        %mul3A_601 = arith.constant 16 : i32
        %mul3A_602 = arith.muli %add3A_587, %mul3A_601 : i32
        %add3A_603 = vector.broadcast %mul3A_602 : i32 to vector<16xi32>
        %add3A_604 = arith.addi %add3A_603, %iota3A : vector<16xi32>
        %lt3A_605 = vector.broadcast %squeeze3A_246 : i32 to vector<16xi32>
        %lt3A_606 = arith.cmpi slt, %add3A_604, %lt3A_605 : vector<16xi32>
        %shift_right_logical3A_607 = arith.shrui %xor3A_600, %broadcast_in_dim3A_10 : vector<16xi32>
        %and3A_608 = arith.andi %shift_right_logical3A_607, %broadcast_in_dim3A_14 : vector<16xi32>
        %eq3A_609 = vector.broadcast %sub3A_328 : i32 to vector<16xi32>
        %eq3A_610 = arith.cmpi eq, %and3A_608, %eq3A_609 : vector<16xi32>
        %and3A_611 = arith.andi %eq3A_610, %lt3A_606 : vector<16xi1>
        %slice3A_612 = vector.extract_strided_slice %add3A_583 {offsets = [0], sizes = [1], strides = [1]} : vector<16xi32> to vector<1xi32>
        %squeeze3A_613 = vector.extract %slice3A_612[0] : i32 from vector<1xi32>
        %swap3A_614 = arith.index_cast %squeeze3A_613 : i32 to index
        %swap3A_615 = tpu.vector_load %arg5[%swap3A_614] masked %and3A_611 {strides = array<i32>} : memref<32784xf32, #tpu.memory_space<vmem>>, vector<16xf32>, vector<16xi1>
        tpu.vector_store %arg5[%swap3A_614], %get3A_591 masked %and3A_611 {strides = array<i32>} : memref<32784xf32, #tpu.memory_space<vmem>>, vector<16xf32>, vector<16xi1>
        %shift_right_logical3A_616 = arith.shrui %xor3A_600, %broadcast_in_dim3A_12 : vector<16xi32>
        %and3A_617 = arith.andi %shift_right_logical3A_616, %broadcast_in_dim3A_14 : vector<16xi32>
        %add3A_618 = arith.addi %mul3A_3, %and3A_617 : vector<16xi32>
        tpu.vector_store_idx %arg6[%add3A_618], %broadcast_in_dim3A_4 masked %and3A_611 {add = true} : memref<4128xi32, #tpu.memory_space<vmem>>[vector<16xi32>], vector<16xi32>, vector<16xi1>
        %all_reduce_population_count3A_619 = tpu.all_reduce %and3A_611 {dim = 0 : i64, kind = #tpu.reduction_kind<sum>} : vector<16xi1> -> vector<16xi32>
        %add3A_620 = arith.addi %add3A_583, %all_reduce_population_count3A_619 : vector<16xi32>
        %mul3A_621 = arith.constant 4 : i32
        %mul3A_622 = arith.muli %while3A_550, %mul3A_621 : i32
        %add3A_623 = arith.constant 2 : i32
        %add3A_624 = arith.addi %mul3A_622, %add3A_623 : i32
        %mul3A_625 = arith.constant 16 : i32
        %mul3A_626 = arith.muli %add3A_624, %mul3A_625 : i32
        %get3A_627 = arith.index_cast %mul3A_626 : i32 to index
        %get3A_628 = tpu.vector_load %arg5[%get3A_627] {strides = array<i32>} : memref<32784xf32, #tpu.memory_space<vmem>>, vector<16xf32>,
        %add3A_629 = arith.addf %get3A_628, %broadcast_in_dim3A_18 : vector<16xf32>
        %bitcast_convert_type3A_630 = tpu.bitcast %add3A_629 : vector<16xf32> -> vector<16xi32>
        %shift_right_arithmetic3A_631 = arith.constant 31 : i32
        %shift_right_arithmetic3A_632 = vector.broadcast %shift_right_arithmetic3A_631 : i32 to vector<16xi32>
        %shift_right_arithmetic3A_633 = arith.shrsi %bitcast_convert_type3A_630, %shift_right_arithmetic3A_632 : vector<16xi32>
        %or3A_634 = arith.constant -2147483648 : i32
        %or3A_635 = vector.broadcast %or3A_634 : i32 to vector<16xi32>
        %or3A_636 = arith.ori %shift_right_arithmetic3A_633, %or3A_635 : vector<16xi32>
        %xor3A_637 = arith.xori %bitcast_convert_type3A_630, %or3A_636 : vector<16xi32>
        %mul3A_638 = arith.constant 16 : i32
        %mul3A_639 = arith.muli %add3A_624, %mul3A_638 : i32
        %add3A_640 = vector.broadcast %mul3A_639 : i32 to vector<16xi32>
        %add3A_641 = arith.addi %add3A_640, %iota3A : vector<16xi32>
        %lt3A_642 = vector.broadcast %squeeze3A_246 : i32 to vector<16xi32>
        %lt3A_643 = arith.cmpi slt, %add3A_641, %lt3A_642 : vector<16xi32>
        %shift_right_logical3A_644 = arith.shrui %xor3A_637, %broadcast_in_dim3A_10 : vector<16xi32>
        %and3A_645 = arith.andi %shift_right_logical3A_644, %broadcast_in_dim3A_14 : vector<16xi32>
        %eq3A_646 = vector.broadcast %sub3A_328 : i32 to vector<16xi32>
        %eq3A_647 = arith.cmpi eq, %and3A_645, %eq3A_646 : vector<16xi32>
        %and3A_648 = arith.andi %eq3A_647, %lt3A_643 : vector<16xi1>
        %slice3A_649 = vector.extract_strided_slice %add3A_620 {offsets = [0], sizes = [1], strides = [1]} : vector<16xi32> to vector<1xi32>
        %squeeze3A_650 = vector.extract %slice3A_649[0] : i32 from vector<1xi32>
        %swap3A_651 = arith.index_cast %squeeze3A_650 : i32 to index
        %swap3A_652 = tpu.vector_load %arg5[%swap3A_651] masked %and3A_648 {strides = array<i32>} : memref<32784xf32, #tpu.memory_space<vmem>>, vector<16xf32>, vector<16xi1>
        tpu.vector_store %arg5[%swap3A_651], %get3A_628 masked %and3A_648 {strides = array<i32>} : memref<32784xf32, #tpu.memory_space<vmem>>, vector<16xf32>, vector<16xi1>
        %shift_right_logical3A_653 = arith.shrui %xor3A_637, %broadcast_in_dim3A_12 : vector<16xi32>
        %and3A_654 = arith.andi %shift_right_logical3A_653, %broadcast_in_dim3A_14 : vector<16xi32>
        %add3A_655 = arith.addi %mul3A_3, %and3A_654 : vector<16xi32>
        tpu.vector_store_idx %arg6[%add3A_655], %broadcast_in_dim3A_4 masked %and3A_648 {add = true} : memref<4128xi32, #tpu.memory_space<vmem>>[vector<16xi32>], vector<16xi32>, vector<16xi1>
        %all_reduce_population_count3A_656 = tpu.all_reduce %and3A_648 {dim = 0 : i64, kind = #tpu.reduction_kind<sum>} : vector<16xi1> -> vector<16xi32>
        %add3A_657 = arith.addi %add3A_620, %all_reduce_population_count3A_656 : vector<16xi32>
        %mul3A_658 = arith.constant 4 : i32
        %mul3A_659 = arith.muli %while3A_550, %mul3A_658 : i32
        %add3A_660 = arith.constant 3 : i32
        %add3A_661 = arith.addi %mul3A_659, %add3A_660 : i32
        %mul3A_662 = arith.constant 16 : i32
        %mul3A_663 = arith.muli %add3A_661, %mul3A_662 : i32
        %get3A_664 = arith.index_cast %mul3A_663 : i32 to index
        %get3A_665 = tpu.vector_load %arg5[%get3A_664] {strides = array<i32>} : memref<32784xf32, #tpu.memory_space<vmem>>, vector<16xf32>,
        %add3A_666 = arith.addf %get3A_665, %broadcast_in_dim3A_18 : vector<16xf32>
        %bitcast_convert_type3A_667 = tpu.bitcast %add3A_666 : vector<16xf32> -> vector<16xi32>
        %shift_right_arithmetic3A_668 = arith.constant 31 : i32
        %shift_right_arithmetic3A_669 = vector.broadcast %shift_right_arithmetic3A_668 : i32 to vector<16xi32>
        %shift_right_arithmetic3A_670 = arith.shrsi %bitcast_convert_type3A_667, %shift_right_arithmetic3A_669 : vector<16xi32>
        %or3A_671 = arith.constant -2147483648 : i32
        %or3A_672 = vector.broadcast %or3A_671 : i32 to vector<16xi32>
        %or3A_673 = arith.ori %shift_right_arithmetic3A_670, %or3A_672 : vector<16xi32>
        %xor3A_674 = arith.xori %bitcast_convert_type3A_667, %or3A_673 : vector<16xi32>
        %mul3A_675 = arith.constant 16 : i32
        %mul3A_676 = arith.muli %add3A_661, %mul3A_675 : i32
        %add3A_677 = vector.broadcast %mul3A_676 : i32 to vector<16xi32>
        %add3A_678 = arith.addi %add3A_677, %iota3A : vector<16xi32>
        %lt3A_679 = vector.broadcast %squeeze3A_246 : i32 to vector<16xi32>
        %lt3A_680 = arith.cmpi slt, %add3A_678, %lt3A_679 : vector<16xi32>
        %shift_right_logical3A_681 = arith.shrui %xor3A_674, %broadcast_in_dim3A_10 : vector<16xi32>
        %and3A_682 = arith.andi %shift_right_logical3A_681, %broadcast_in_dim3A_14 : vector<16xi32>
        %eq3A_683 = vector.broadcast %sub3A_328 : i32 to vector<16xi32>
        %eq3A_684 = arith.cmpi eq, %and3A_682, %eq3A_683 : vector<16xi32>
        %and3A_685 = arith.andi %eq3A_684, %lt3A_680 : vector<16xi1>
        %slice3A_686 = vector.extract_strided_slice %add3A_657 {offsets = [0], sizes = [1], strides = [1]} : vector<16xi32> to vector<1xi32>
        %squeeze3A_687 = vector.extract %slice3A_686[0] : i32 from vector<1xi32>
        %swap3A_688 = arith.index_cast %squeeze3A_687 : i32 to index
        %swap3A_689 = tpu.vector_load %arg5[%swap3A_688] masked %and3A_685 {strides = array<i32>} : memref<32784xf32, #tpu.memory_space<vmem>>, vector<16xf32>, vector<16xi1>
        tpu.vector_store %arg5[%swap3A_688], %get3A_665 masked %and3A_685 {strides = array<i32>} : memref<32784xf32, #tpu.memory_space<vmem>>, vector<16xf32>, vector<16xi1>
        %shift_right_logical3A_690 = arith.shrui %xor3A_674, %broadcast_in_dim3A_12 : vector<16xi32>
        %and3A_691 = arith.andi %shift_right_logical3A_690, %broadcast_in_dim3A_14 : vector<16xi32>
        %add3A_692 = arith.addi %mul3A_3, %and3A_691 : vector<16xi32>
        tpu.vector_store_idx %arg6[%add3A_692], %broadcast_in_dim3A_4 masked %and3A_685 {add = true} : memref<4128xi32, #tpu.memory_space<vmem>>[vector<16xi32>], vector<16xi32>, vector<16xi1>
        %all_reduce_population_count3A_693 = tpu.all_reduce %and3A_685 {dim = 0 : i64, kind = #tpu.reduction_kind<sum>} : vector<16xi1> -> vector<16xi32>
        %add3A_694 = arith.addi %add3A_657, %all_reduce_population_count3A_693 : vector<16xi32>
        scf.yield %add3A_694 : vector<16xi32>
      }
      %parallel_loop3A_378 = arith.constant 0 : i32
      %parallel_loop3A_379 = arith.constant 16 : i32
      %parallel_loop3A_380 = arith.constant 1 : i32
      scf.for %parallel_loop3A_550 = %parallel_loop3A_378 to %parallel_loop3A_379 step %parallel_loop3A_380  : i32 {
        %parallel_loop3A_551 = arith.constant 16 : i32
        %parallel_loop3A_552 = arith.muli %parallel_loop3A_550, %parallel_loop3A_551 : i32
        %parallel_loop3A_553 = arith.index_cast %parallel_loop3A_552 : i32 to index
        %parallel_loop3A_554 = tpu.vector_load %arg6[%parallel_loop3A_553] {strides = array<i32>} : memref<4128xi32, #tpu.memory_space<vmem>>, vector<16xi32>,
        %parallel_loop3A_555 = arith.index_cast %parallel_loop3A_552 : i32 to index
        %parallel_loop3A_556 = tpu.vector_load %arg6[%parallel_loop3A_555] {strides = array<i32>} : memref<4128xi32, #tpu.memory_space<vmem>>, vector<16xi32>,
        tpu.vector_store %arg6[%parallel_loop3A_555], %broadcast_in_dim3A_6 {strides = array<i32>} : memref<4128xi32, #tpu.memory_space<vmem>>, vector<16xi32>,
        %parallel_loop3A_557 = arith.constant 257 : i32
        %parallel_loop3A_558 = arith.addi %parallel_loop3A_557, %parallel_loop3A_552 : i32
        %parallel_loop3A_559 = arith.index_cast %parallel_loop3A_558 : i32 to index
        %parallel_loop3A_560 = tpu.vector_load %arg6[%parallel_loop3A_559] {strides = array<i32>} : memref<4128xi32, #tpu.memory_space<vmem>>, vector<16xi32>,
        %parallel_loop3A_561 = arith.addi %parallel_loop3A_554, %parallel_loop3A_560 : vector<16xi32>
        %parallel_loop3A_562 = arith.index_cast %parallel_loop3A_558 : i32 to index
        %parallel_loop3A_563 = tpu.vector_load %arg6[%parallel_loop3A_562] {strides = array<i32>} : memref<4128xi32, #tpu.memory_space<vmem>>, vector<16xi32>,
        tpu.vector_store %arg6[%parallel_loop3A_562], %broadcast_in_dim3A_6 {strides = array<i32>} : memref<4128xi32, #tpu.memory_space<vmem>>, vector<16xi32>,
        %parallel_loop3A_564 = arith.constant 514 : i32
        %parallel_loop3A_565 = arith.addi %parallel_loop3A_564, %parallel_loop3A_552 : i32
        %parallel_loop3A_566 = arith.index_cast %parallel_loop3A_565 : i32 to index
        %parallel_loop3A_567 = tpu.vector_load %arg6[%parallel_loop3A_566] {strides = array<i32>} : memref<4128xi32, #tpu.memory_space<vmem>>, vector<16xi32>,
        %parallel_loop3A_568 = arith.addi %parallel_loop3A_561, %parallel_loop3A_567 : vector<16xi32>
        %parallel_loop3A_569 = arith.index_cast %parallel_loop3A_565 : i32 to index
        %parallel_loop3A_570 = tpu.vector_load %arg6[%parallel_loop3A_569] {strides = array<i32>} : memref<4128xi32, #tpu.memory_space<vmem>>, vector<16xi32>,
        tpu.vector_store %arg6[%parallel_loop3A_569], %broadcast_in_dim3A_6 {strides = array<i32>} : memref<4128xi32, #tpu.memory_space<vmem>>, vector<16xi32>,
        %parallel_loop3A_571 = arith.constant 771 : i32
        %parallel_loop3A_572 = arith.addi %parallel_loop3A_571, %parallel_loop3A_552 : i32
        %parallel_loop3A_573 = arith.index_cast %parallel_loop3A_572 : i32 to index
        %parallel_loop3A_574 = tpu.vector_load %arg6[%parallel_loop3A_573] {strides = array<i32>} : memref<4128xi32, #tpu.memory_space<vmem>>, vector<16xi32>,
        %parallel_loop3A_575 = arith.addi %parallel_loop3A_568, %parallel_loop3A_574 : vector<16xi32>
        %parallel_loop3A_576 = arith.index_cast %parallel_loop3A_572 : i32 to index
        %parallel_loop3A_577 = tpu.vector_load %arg6[%parallel_loop3A_576] {strides = array<i32>} : memref<4128xi32, #tpu.memory_space<vmem>>, vector<16xi32>,
        tpu.vector_store %arg6[%parallel_loop3A_576], %broadcast_in_dim3A_6 {strides = array<i32>} : memref<4128xi32, #tpu.memory_space<vmem>>, vector<16xi32>,
        %parallel_loop3A_578 = arith.constant 1028 : i32
        %parallel_loop3A_579 = arith.addi %parallel_loop3A_578, %parallel_loop3A_552 : i32
        %parallel_loop3A_580 = arith.index_cast %parallel_loop3A_579 : i32 to index
        %parallel_loop3A_581 = tpu.vector_load %arg6[%parallel_loop3A_580] {strides = array<i32>} : memref<4128xi32, #tpu.memory_space<vmem>>, vector<16xi32>,
        %parallel_loop3A_582 = arith.addi %parallel_loop3A_575, %parallel_loop3A_581 : vector<16xi32>
        %parallel_loop3A_583 = arith.index_cast %parallel_loop3A_579 : i32 to index
        %parallel_loop3A_584 = tpu.vector_load %arg6[%parallel_loop3A_583] {strides = array<i32>} : memref<4128xi32, #tpu.memory_space<vmem>>, vector<16xi32>,
        tpu.vector_store %arg6[%parallel_loop3A_583], %broadcast_in_dim3A_6 {strides = array<i32>} : memref<4128xi32, #tpu.memory_space<vmem>>, vector<16xi32>,
        %parallel_loop3A_585 = arith.constant 1285 : i32
        %parallel_loop3A_586 = arith.addi %parallel_loop3A_585, %parallel_loop3A_552 : i32
        %parallel_loop3A_587 = arith.index_cast %parallel_loop3A_586 : i32 to index
        %parallel_loop3A_588 = tpu.vector_load %arg6[%parallel_loop3A_587] {strides = array<i32>} : memref<4128xi32, #tpu.memory_space<vmem>>, vector<16xi32>,
        %parallel_loop3A_589 = arith.addi %parallel_loop3A_582, %parallel_loop3A_588 : vector<16xi32>
        %parallel_loop3A_590 = arith.index_cast %parallel_loop3A_586 : i32 to index
        %parallel_loop3A_591 = tpu.vector_load %arg6[%parallel_loop3A_590] {strides = array<i32>} : memref<4128xi32, #tpu.memory_space<vmem>>, vector<16xi32>,
        tpu.vector_store %arg6[%parallel_loop3A_590], %broadcast_in_dim3A_6 {strides = array<i32>} : memref<4128xi32, #tpu.memory_space<vmem>>, vector<16xi32>,
        %parallel_loop3A_592 = arith.constant 1542 : i32
        %parallel_loop3A_593 = arith.addi %parallel_loop3A_592, %parallel_loop3A_552 : i32
        %parallel_loop3A_594 = arith.index_cast %parallel_loop3A_593 : i32 to index
        %parallel_loop3A_595 = tpu.vector_load %arg6[%parallel_loop3A_594] {strides = array<i32>} : memref<4128xi32, #tpu.memory_space<vmem>>, vector<16xi32>,
        %parallel_loop3A_596 = arith.addi %parallel_loop3A_589, %parallel_loop3A_595 : vector<16xi32>
        %parallel_loop3A_597 = arith.index_cast %parallel_loop3A_593 : i32 to index
        %parallel_loop3A_598 = tpu.vector_load %arg6[%parallel_loop3A_597] {strides = array<i32>} : memref<4128xi32, #tpu.memory_space<vmem>>, vector<16xi32>,
        tpu.vector_store %arg6[%parallel_loop3A_597], %broadcast_in_dim3A_6 {strides = array<i32>} : memref<4128xi32, #tpu.memory_space<vmem>>, vector<16xi32>,
        %parallel_loop3A_599 = arith.constant 1799 : i32
        %parallel_loop3A_600 = arith.addi %parallel_loop3A_599, %parallel_loop3A_552 : i32
        %parallel_loop3A_601 = arith.index_cast %parallel_loop3A_600 : i32 to index
        %parallel_loop3A_602 = tpu.vector_load %arg6[%parallel_loop3A_601] {strides = array<i32>} : memref<4128xi32, #tpu.memory_space<vmem>>, vector<16xi32>,
        %parallel_loop3A_603 = arith.addi %parallel_loop3A_596, %parallel_loop3A_602 : vector<16xi32>
        %parallel_loop3A_604 = arith.index_cast %parallel_loop3A_600 : i32 to index
        %parallel_loop3A_605 = tpu.vector_load %arg6[%parallel_loop3A_604] {strides = array<i32>} : memref<4128xi32, #tpu.memory_space<vmem>>, vector<16xi32>,
        tpu.vector_store %arg6[%parallel_loop3A_604], %broadcast_in_dim3A_6 {strides = array<i32>} : memref<4128xi32, #tpu.memory_space<vmem>>, vector<16xi32>,
        %parallel_loop3A_606 = arith.constant 2056 : i32
        %parallel_loop3A_607 = arith.addi %parallel_loop3A_606, %parallel_loop3A_552 : i32
        %parallel_loop3A_608 = arith.index_cast %parallel_loop3A_607 : i32 to index
        %parallel_loop3A_609 = tpu.vector_load %arg6[%parallel_loop3A_608] {strides = array<i32>} : memref<4128xi32, #tpu.memory_space<vmem>>, vector<16xi32>,
        %parallel_loop3A_610 = arith.addi %parallel_loop3A_603, %parallel_loop3A_609 : vector<16xi32>
        %parallel_loop3A_611 = arith.index_cast %parallel_loop3A_607 : i32 to index
        %parallel_loop3A_612 = tpu.vector_load %arg6[%parallel_loop3A_611] {strides = array<i32>} : memref<4128xi32, #tpu.memory_space<vmem>>, vector<16xi32>,
        tpu.vector_store %arg6[%parallel_loop3A_611], %broadcast_in_dim3A_6 {strides = array<i32>} : memref<4128xi32, #tpu.memory_space<vmem>>, vector<16xi32>,
        %parallel_loop3A_613 = arith.constant 2313 : i32
        %parallel_loop3A_614 = arith.addi %parallel_loop3A_613, %parallel_loop3A_552 : i32
        %parallel_loop3A_615 = arith.index_cast %parallel_loop3A_614 : i32 to index
        %parallel_loop3A_616 = tpu.vector_load %arg6[%parallel_loop3A_615] {strides = array<i32>} : memref<4128xi32, #tpu.memory_space<vmem>>, vector<16xi32>,
        %parallel_loop3A_617 = arith.addi %parallel_loop3A_610, %parallel_loop3A_616 : vector<16xi32>
        %parallel_loop3A_618 = arith.index_cast %parallel_loop3A_614 : i32 to index
        %parallel_loop3A_619 = tpu.vector_load %arg6[%parallel_loop3A_618] {strides = array<i32>} : memref<4128xi32, #tpu.memory_space<vmem>>, vector<16xi32>,
        tpu.vector_store %arg6[%parallel_loop3A_618], %broadcast_in_dim3A_6 {strides = array<i32>} : memref<4128xi32, #tpu.memory_space<vmem>>, vector<16xi32>,
        %parallel_loop3A_620 = arith.constant 2570 : i32
        %parallel_loop3A_621 = arith.addi %parallel_loop3A_620, %parallel_loop3A_552 : i32
        %parallel_loop3A_622 = arith.index_cast %parallel_loop3A_621 : i32 to index
        %parallel_loop3A_623 = tpu.vector_load %arg6[%parallel_loop3A_622] {strides = array<i32>} : memref<4128xi32, #tpu.memory_space<vmem>>, vector<16xi32>,
        %parallel_loop3A_624 = arith.addi %parallel_loop3A_617, %parallel_loop3A_623 : vector<16xi32>
        %parallel_loop3A_625 = arith.index_cast %parallel_loop3A_621 : i32 to index
        %parallel_loop3A_626 = tpu.vector_load %arg6[%parallel_loop3A_625] {strides = array<i32>} : memref<4128xi32, #tpu.memory_space<vmem>>, vector<16xi32>,
        tpu.vector_store %arg6[%parallel_loop3A_625], %broadcast_in_dim3A_6 {strides = array<i32>} : memref<4128xi32, #tpu.memory_space<vmem>>, vector<16xi32>,
        %parallel_loop3A_627 = arith.constant 2827 : i32
        %parallel_loop3A_628 = arith.addi %parallel_loop3A_627, %parallel_loop3A_552 : i32
        %parallel_loop3A_629 = arith.index_cast %parallel_loop3A_628 : i32 to index
        %parallel_loop3A_630 = tpu.vector_load %arg6[%parallel_loop3A_629] {strides = array<i32>} : memref<4128xi32, #tpu.memory_space<vmem>>, vector<16xi32>,
        %parallel_loop3A_631 = arith.addi %parallel_loop3A_624, %parallel_loop3A_630 : vector<16xi32>
        %parallel_loop3A_632 = arith.index_cast %parallel_loop3A_628 : i32 to index
        %parallel_loop3A_633 = tpu.vector_load %arg6[%parallel_loop3A_632] {strides = array<i32>} : memref<4128xi32, #tpu.memory_space<vmem>>, vector<16xi32>,
        tpu.vector_store %arg6[%parallel_loop3A_632], %broadcast_in_dim3A_6 {strides = array<i32>} : memref<4128xi32, #tpu.memory_space<vmem>>, vector<16xi32>,
        %parallel_loop3A_634 = arith.constant 3084 : i32
        %parallel_loop3A_635 = arith.addi %parallel_loop3A_634, %parallel_loop3A_552 : i32
        %parallel_loop3A_636 = arith.index_cast %parallel_loop3A_635 : i32 to index
        %parallel_loop3A_637 = tpu.vector_load %arg6[%parallel_loop3A_636] {strides = array<i32>} : memref<4128xi32, #tpu.memory_space<vmem>>, vector<16xi32>,
        %parallel_loop3A_638 = arith.addi %parallel_loop3A_631, %parallel_loop3A_637 : vector<16xi32>
        %parallel_loop3A_639 = arith.index_cast %parallel_loop3A_635 : i32 to index
        %parallel_loop3A_640 = tpu.vector_load %arg6[%parallel_loop3A_639] {strides = array<i32>} : memref<4128xi32, #tpu.memory_space<vmem>>, vector<16xi32>,
        tpu.vector_store %arg6[%parallel_loop3A_639], %broadcast_in_dim3A_6 {strides = array<i32>} : memref<4128xi32, #tpu.memory_space<vmem>>, vector<16xi32>,
        %parallel_loop3A_641 = arith.constant 3341 : i32
        %parallel_loop3A_642 = arith.addi %parallel_loop3A_641, %parallel_loop3A_552 : i32
        %parallel_loop3A_643 = arith.index_cast %parallel_loop3A_642 : i32 to index
        %parallel_loop3A_644 = tpu.vector_load %arg6[%parallel_loop3A_643] {strides = array<i32>} : memref<4128xi32, #tpu.memory_space<vmem>>, vector<16xi32>,
        %parallel_loop3A_645 = arith.addi %parallel_loop3A_638, %parallel_loop3A_644 : vector<16xi32>
        %parallel_loop3A_646 = arith.index_cast %parallel_loop3A_642 : i32 to index
        %parallel_loop3A_647 = tpu.vector_load %arg6[%parallel_loop3A_646] {strides = array<i32>} : memref<4128xi32, #tpu.memory_space<vmem>>, vector<16xi32>,
        tpu.vector_store %arg6[%parallel_loop3A_646], %broadcast_in_dim3A_6 {strides = array<i32>} : memref<4128xi32, #tpu.memory_space<vmem>>, vector<16xi32>,
        %parallel_loop3A_648 = arith.constant 3598 : i32
        %parallel_loop3A_649 = arith.addi %parallel_loop3A_648, %parallel_loop3A_552 : i32
        %parallel_loop3A_650 = arith.index_cast %parallel_loop3A_649 : i32 to index
        %parallel_loop3A_651 = tpu.vector_load %arg6[%parallel_loop3A_650] {strides = array<i32>} : memref<4128xi32, #tpu.memory_space<vmem>>, vector<16xi32>,
        %parallel_loop3A_652 = arith.addi %parallel_loop3A_645, %parallel_loop3A_651 : vector<16xi32>
        %parallel_loop3A_653 = arith.index_cast %parallel_loop3A_649 : i32 to index
        %parallel_loop3A_654 = tpu.vector_load %arg6[%parallel_loop3A_653] {strides = array<i32>} : memref<4128xi32, #tpu.memory_space<vmem>>, vector<16xi32>,
        tpu.vector_store %arg6[%parallel_loop3A_653], %broadcast_in_dim3A_6 {strides = array<i32>} : memref<4128xi32, #tpu.memory_space<vmem>>, vector<16xi32>,
        %parallel_loop3A_655 = arith.constant 3855 : i32
        %parallel_loop3A_656 = arith.addi %parallel_loop3A_655, %parallel_loop3A_552 : i32
        %parallel_loop3A_657 = arith.index_cast %parallel_loop3A_656 : i32 to index
        %parallel_loop3A_658 = tpu.vector_load %arg6[%parallel_loop3A_657] {strides = array<i32>} : memref<4128xi32, #tpu.memory_space<vmem>>, vector<16xi32>,
        %parallel_loop3A_659 = arith.addi %parallel_loop3A_652, %parallel_loop3A_658 : vector<16xi32>
        %parallel_loop3A_660 = arith.index_cast %parallel_loop3A_656 : i32 to index
        %parallel_loop3A_661 = tpu.vector_load %arg6[%parallel_loop3A_660] {strides = array<i32>} : memref<4128xi32, #tpu.memory_space<vmem>>, vector<16xi32>,
        tpu.vector_store %arg6[%parallel_loop3A_660], %broadcast_in_dim3A_6 {strides = array<i32>} : memref<4128xi32, #tpu.memory_space<vmem>>, vector<16xi32>,
        %parallel_loop3A_662 = arith.index_cast %parallel_loop3A_552 : i32 to index
        %parallel_loop3A_663 = tpu.vector_load %arg7[%parallel_loop3A_662] {strides = array<i32>} : memref<272xi32, #tpu.memory_space<vmem>>, vector<16xi32>,
        tpu.vector_store %arg7[%parallel_loop3A_662], %parallel_loop3A_659 {strides = array<i32>} : memref<272xi32, #tpu.memory_space<vmem>>, vector<16xi32>,
      } {sc.loop_unroll_factor = 1 : i64, sc.parallel_access}
      %scan3A_381 = arith.constant 0 : i32
      %scan3A_382 = arith.constant 0 : i32
      %scan3A_383 = arith.constant 16 : i32
      %scan3A_384 = arith.addi %scan3A_382, %scan3A_383 : i32
      %scan3A_385 = arith.constant 1 : i32
      %scan3A_386:2 = scf.for %scan3A_550 = %scan3A_382 to %scan3A_384 step %scan3A_385 iter_args(%scan3A_551 = %scan3A_381, %scan3A_552 = %broadcast_in_dim3A_6) -> (i32, vector<16xi32>)  : i32 {
        %sub3A_553 = arith.constant 15 : i32
        %sub3A_554 = arith.subi %sub3A_553, %scan3A_550 : i32
        %mul3A_555 = arith.constant 16 : i32
        %mul3A_556 = arith.muli %sub3A_554, %mul3A_555 : i32
        %get3A_557 = arith.index_cast %mul3A_556 : i32 to index
        %get3A_558 = tpu.vector_load %arg7[%get3A_557] {strides = array<i32>} : memref<272xi32, #tpu.memory_space<vmem>>, vector<16xi32>,
        %broadcast_in_dim3A_559 = arith.constant true
        %broadcast_in_dim3A_560 = vector.broadcast %broadcast_in_dim3A_559 : i1 to vector<16xi1>
        %masked_cumsum3A = tpu.scan <sum>, %get3A_558 masked %broadcast_in_dim3A_560 : vector<16xi32>, vector<16xi1> -> vector<16xi32>
        %slice3A_561 = vector.extract_strided_slice %masked_cumsum3A {offsets = [15], sizes = [1], strides = [1]} : vector<16xi32> to vector<1xi32>
        %squeeze3A_562 = vector.extract %slice3A_561[0] : i32 from vector<1xi32>
        %add3A_563 = arith.addi %squeeze3A_562, %scan3A_551 : i32
        %sub3A_564 = vector.broadcast %add3A_563 : i32 to vector<16xi32>
        %sub3A_565 = arith.subi %sub3A_564, %masked_cumsum3A : vector<16xi32>
        %add3A_566 = arith.addi %sub3A_565, %get3A_558 : vector<16xi32>
        %mul3A_567 = arith.constant 16 : i32
        %mul3A_568 = arith.muli %sub3A_554, %mul3A_567 : i32
        %swap3A = arith.index_cast %mul3A_568 : i32 to index
        %swap3A_569 = tpu.vector_load %arg8[%swap3A] {strides = array<i32>} : memref<272xi32, #tpu.memory_space<vmem>>, vector<16xi32>,
        tpu.vector_store %arg8[%swap3A], %add3A_566 {strides = array<i32>} : memref<272xi32, #tpu.memory_space<vmem>>, vector<16xi32>,
        %ge3A = vector.broadcast %sub3A_338 : i32 to vector<16xi32>
        %ge3A_570 = arith.cmpi sge, %add3A_566, %ge3A : vector<16xi32>
        %all_reduce_population_count3A = tpu.all_reduce %ge3A_570 {dim = 0 : i64, kind = #tpu.reduction_kind<sum>} : vector<16xi1> -> vector<16xi32>
        %add3A_571 = arith.addi %scan3A_552, %all_reduce_population_count3A : vector<16xi32>
        %add3A_572 = arith.addi %scan3A_551, %squeeze3A_562 : i32
        scf.yield %add3A_572, %add3A_571 : i32, vector<16xi32>
      }
      %scan3A_387 = arith.constant 16 : i32
      %slice3A_388 = vector.extract_strided_slice %scan3A_386#1 {offsets = [0], sizes = [1], strides = [1]} : vector<16xi32> to vector<1xi32>
      %squeeze3A_389 = vector.extract %slice3A_388[0] : i32 from vector<1xi32>
      %sub3A_390 = arith.constant 1 : i32
      %sub3A_391 = arith.subi %squeeze3A_389, %sub3A_390 : i32
      %get3A_392 = arith.index_cast %sub3A_391 : i32 to index
      %get3A_393 = tpu.vector_load %arg7[%get3A_392] {strides = array<i32>} : memref<272xi32, #tpu.memory_space<vmem>>, vector<16xi32>,
      %slice3A_394 = vector.extract_strided_slice %get3A_393 {offsets = [0], sizes = [1], strides = [1]} : vector<16xi32> to vector<1xi32>
      %squeeze3A_395 = vector.extract %slice3A_394[0] : i32 from vector<1xi32>
      %get3A_396 = arith.index_cast %sub3A_391 : i32 to index
      %get3A_397 = tpu.vector_load %arg8[%get3A_396] {strides = array<i32>} : memref<272xi32, #tpu.memory_space<vmem>>, vector<16xi32>,
      %slice3A_398 = vector.extract_strided_slice %get3A_397 {offsets = [0], sizes = [1], strides = [1]} : vector<16xi32> to vector<1xi32>
      %squeeze3A_399 = vector.extract %slice3A_398[0] : i32 from vector<1xi32>
      %sub3A_400 = arith.subi %squeeze3A_399, %squeeze3A_395 : i32
      %sub3A_401 = arith.subi %sub3A_338, %sub3A_400 : i32
      %add3A_402 = arith.constant 64 : i32
      %add3A_403 = arith.addi %squeeze3A_332, %add3A_402 : i32
      %sub3A_404 = arith.constant 1 : i32
      %sub3A_405 = arith.subi %add3A_403, %sub3A_404 : i32
      %jit3A_406 = arith.constant 64 : i32
      %div3A_407 = arith.divsi %sub3A_405, %jit3A_406 : i32
      %sign3A_408 = arith.constant 0 : i32
      %sign3A_409 = arith.cmpi sgt, %sub3A_405, %sign3A_408 : i32
      %sign3A_410 = arith.extui %sign3A_409 : i1 to i32
      %sign3A_411 = arith.constant 0 : i32
      %sign3A_412 = arith.cmpi slt, %sub3A_405, %sign3A_411 : i32
      %sign3A_413 = arith.extui %sign3A_412 : i1 to i32
      %sign3A_414 = arith.subi %sign3A_410, %sign3A_413 : i32
      %sign3A_415 = arith.constant 0 : i32
      %sign3A_416 = arith.cmpi sgt, %jit3A_406, %sign3A_415 : i32
      %sign3A_417 = arith.extui %sign3A_416 : i1 to i32
      %sign3A_418 = arith.constant 0 : i32
      %sign3A_419 = arith.cmpi slt, %jit3A_406, %sign3A_418 : i32
      %sign3A_420 = arith.extui %sign3A_419 : i1 to i32
      %sign3A_421 = arith.subi %sign3A_417, %sign3A_420 : i32
      %ne3A_422 = arith.cmpi ne, %sign3A_414, %sign3A_421 : i32
      %rem3A_423 = arith.remsi %sub3A_405, %jit3A_406 : i32
      %ne3A_424 = arith.constant 0 : i32
      %ne3A_425 = arith.cmpi ne, %rem3A_423, %ne3A_424 : i32
      %and3A_426 = arith.andi %ne3A_422, %ne3A_425 : i1
      %sub3A_427 = arith.constant 1 : i32
      %sub3A_428 = arith.subi %div3A_407, %sub3A_427 : i32
      %select_n3A_429 = arith.select %and3A_426, %sub3A_428, %div3A_407 : i32
      %while3A_430 = arith.constant 0 : i32
      %while3A_431 = arith.constant 0 : i32
      %while3A_432 = arith.subi %select_n3A_429, %while3A_431 : i32
      %while3A_433 = arith.addi %while3A_431, %while3A_432 : i32
      %while3A_434 = arith.constant 1 : i32
      %while3A_435 = arith.divsi %while3A_432, %while3A_434 : i32
      %while3A_436 = arith.muli %while3A_435, %while3A_434 : i32
      %while3A_437 = arith.addi %while3A_431, %while3A_436 : i32
      %while3A_438 = arith.constant 1 : i32
      scf.for %while3A_550 = %while3A_431 to %while3A_437 step %while3A_438  : i32 {
        %mul3A_551 = arith.constant 4 : i32
        %mul3A_552 = arith.muli %while3A_550, %mul3A_551 : i32
        %add3A_553 = arith.constant 0 : i32
        %add3A_554 = arith.addi %mul3A_552, %add3A_553 : i32
        %mul3A_555 = arith.constant 16 : i32
        %mul3A_556 = arith.muli %add3A_554, %mul3A_555 : i32
        %get3A_557 = arith.index_cast %mul3A_556 : i32 to index
        %get3A_558 = tpu.vector_load %arg5[%get3A_557] {strides = array<i32>} : memref<32784xf32, #tpu.memory_space<vmem>>, vector<16xf32>,
        %add3A_559 = arith.addf %get3A_558, %broadcast_in_dim3A_18 : vector<16xf32>
        %bitcast_convert_type3A_560 = tpu.bitcast %add3A_559 : vector<16xf32> -> vector<16xi32>
        %shift_right_arithmetic3A = arith.constant 31 : i32
        %shift_right_arithmetic3A_561 = vector.broadcast %shift_right_arithmetic3A : i32 to vector<16xi32>
        %shift_right_arithmetic3A_562 = arith.shrsi %bitcast_convert_type3A_560, %shift_right_arithmetic3A_561 : vector<16xi32>
        %or3A = arith.constant -2147483648 : i32
        %or3A_563 = vector.broadcast %or3A : i32 to vector<16xi32>
        %or3A_564 = arith.ori %shift_right_arithmetic3A_562, %or3A_563 : vector<16xi32>
        %xor3A_565 = arith.xori %bitcast_convert_type3A_560, %or3A_564 : vector<16xi32>
        %mul3A_566 = arith.constant 16 : i32
        %mul3A_567 = arith.muli %add3A_554, %mul3A_566 : i32
        %add3A_568 = vector.broadcast %mul3A_567 : i32 to vector<16xi32>
        %add3A_569 = arith.addi %add3A_568, %iota3A : vector<16xi32>
        %lt3A_570 = vector.broadcast %squeeze3A_332 : i32 to vector<16xi32>
        %lt3A_571 = arith.cmpi slt, %add3A_569, %lt3A_570 : vector<16xi32>
        %shift_right_logical3A = arith.shrui %xor3A_565, %broadcast_in_dim3A_12 : vector<16xi32>
        %and3A_572 = arith.andi %shift_right_logical3A, %broadcast_in_dim3A_14 : vector<16xi32>
        %eq3A_573 = vector.broadcast %sub3A_391 : i32 to vector<16xi32>
        %eq3A_574 = arith.cmpi eq, %and3A_572, %eq3A_573 : vector<16xi32>
        %and3A_575 = arith.andi %eq3A_574, %lt3A_571 : vector<16xi1>
        %and3A_576 = arith.andi %xor3A_565, %broadcast_in_dim3A_14 : vector<16xi32>
        %add3A_577 = arith.addi %mul3A_3, %and3A_576 : vector<16xi32>
        tpu.vector_store_idx %arg6[%add3A_577], %broadcast_in_dim3A_4 masked %and3A_575 {add = true} : memref<4128xi32, #tpu.memory_space<vmem>>[vector<16xi32>], vector<16xi32>, vector<16xi1>
        %mul3A_578 = arith.constant 4 : i32
        %mul3A_579 = arith.muli %while3A_550, %mul3A_578 : i32
        %add3A_580 = arith.constant 1 : i32
        %add3A_581 = arith.addi %mul3A_579, %add3A_580 : i32
        %mul3A_582 = arith.constant 16 : i32
        %mul3A_583 = arith.muli %add3A_581, %mul3A_582 : i32
        %get3A_584 = arith.index_cast %mul3A_583 : i32 to index
        %get3A_585 = tpu.vector_load %arg5[%get3A_584] {strides = array<i32>} : memref<32784xf32, #tpu.memory_space<vmem>>, vector<16xf32>,
        %add3A_586 = arith.addf %get3A_585, %broadcast_in_dim3A_18 : vector<16xf32>
        %bitcast_convert_type3A_587 = tpu.bitcast %add3A_586 : vector<16xf32> -> vector<16xi32>
        %shift_right_arithmetic3A_588 = arith.constant 31 : i32
        %shift_right_arithmetic3A_589 = vector.broadcast %shift_right_arithmetic3A_588 : i32 to vector<16xi32>
        %shift_right_arithmetic3A_590 = arith.shrsi %bitcast_convert_type3A_587, %shift_right_arithmetic3A_589 : vector<16xi32>
        %or3A_591 = arith.constant -2147483648 : i32
        %or3A_592 = vector.broadcast %or3A_591 : i32 to vector<16xi32>
        %or3A_593 = arith.ori %shift_right_arithmetic3A_590, %or3A_592 : vector<16xi32>
        %xor3A_594 = arith.xori %bitcast_convert_type3A_587, %or3A_593 : vector<16xi32>
        %mul3A_595 = arith.constant 16 : i32
        %mul3A_596 = arith.muli %add3A_581, %mul3A_595 : i32
        %add3A_597 = vector.broadcast %mul3A_596 : i32 to vector<16xi32>
        %add3A_598 = arith.addi %add3A_597, %iota3A : vector<16xi32>
        %lt3A_599 = vector.broadcast %squeeze3A_332 : i32 to vector<16xi32>
        %lt3A_600 = arith.cmpi slt, %add3A_598, %lt3A_599 : vector<16xi32>
        %shift_right_logical3A_601 = arith.shrui %xor3A_594, %broadcast_in_dim3A_12 : vector<16xi32>
        %and3A_602 = arith.andi %shift_right_logical3A_601, %broadcast_in_dim3A_14 : vector<16xi32>
        %eq3A_603 = vector.broadcast %sub3A_391 : i32 to vector<16xi32>
        %eq3A_604 = arith.cmpi eq, %and3A_602, %eq3A_603 : vector<16xi32>
        %and3A_605 = arith.andi %eq3A_604, %lt3A_600 : vector<16xi1>
        %and3A_606 = arith.andi %xor3A_594, %broadcast_in_dim3A_14 : vector<16xi32>
        %add3A_607 = arith.addi %mul3A_3, %and3A_606 : vector<16xi32>
        tpu.vector_store_idx %arg6[%add3A_607], %broadcast_in_dim3A_4 masked %and3A_605 {add = true} : memref<4128xi32, #tpu.memory_space<vmem>>[vector<16xi32>], vector<16xi32>, vector<16xi1>
        %mul3A_608 = arith.constant 4 : i32
        %mul3A_609 = arith.muli %while3A_550, %mul3A_608 : i32
        %add3A_610 = arith.constant 2 : i32
        %add3A_611 = arith.addi %mul3A_609, %add3A_610 : i32
        %mul3A_612 = arith.constant 16 : i32
        %mul3A_613 = arith.muli %add3A_611, %mul3A_612 : i32
        %get3A_614 = arith.index_cast %mul3A_613 : i32 to index
        %get3A_615 = tpu.vector_load %arg5[%get3A_614] {strides = array<i32>} : memref<32784xf32, #tpu.memory_space<vmem>>, vector<16xf32>,
        %add3A_616 = arith.addf %get3A_615, %broadcast_in_dim3A_18 : vector<16xf32>
        %bitcast_convert_type3A_617 = tpu.bitcast %add3A_616 : vector<16xf32> -> vector<16xi32>
        %shift_right_arithmetic3A_618 = arith.constant 31 : i32
        %shift_right_arithmetic3A_619 = vector.broadcast %shift_right_arithmetic3A_618 : i32 to vector<16xi32>
        %shift_right_arithmetic3A_620 = arith.shrsi %bitcast_convert_type3A_617, %shift_right_arithmetic3A_619 : vector<16xi32>
        %or3A_621 = arith.constant -2147483648 : i32
        %or3A_622 = vector.broadcast %or3A_621 : i32 to vector<16xi32>
        %or3A_623 = arith.ori %shift_right_arithmetic3A_620, %or3A_622 : vector<16xi32>
        %xor3A_624 = arith.xori %bitcast_convert_type3A_617, %or3A_623 : vector<16xi32>
        %mul3A_625 = arith.constant 16 : i32
        %mul3A_626 = arith.muli %add3A_611, %mul3A_625 : i32
        %add3A_627 = vector.broadcast %mul3A_626 : i32 to vector<16xi32>
        %add3A_628 = arith.addi %add3A_627, %iota3A : vector<16xi32>
        %lt3A_629 = vector.broadcast %squeeze3A_332 : i32 to vector<16xi32>
        %lt3A_630 = arith.cmpi slt, %add3A_628, %lt3A_629 : vector<16xi32>
        %shift_right_logical3A_631 = arith.shrui %xor3A_624, %broadcast_in_dim3A_12 : vector<16xi32>
        %and3A_632 = arith.andi %shift_right_logical3A_631, %broadcast_in_dim3A_14 : vector<16xi32>
        %eq3A_633 = vector.broadcast %sub3A_391 : i32 to vector<16xi32>
        %eq3A_634 = arith.cmpi eq, %and3A_632, %eq3A_633 : vector<16xi32>
        %and3A_635 = arith.andi %eq3A_634, %lt3A_630 : vector<16xi1>
        %and3A_636 = arith.andi %xor3A_624, %broadcast_in_dim3A_14 : vector<16xi32>
        %add3A_637 = arith.addi %mul3A_3, %and3A_636 : vector<16xi32>
        tpu.vector_store_idx %arg6[%add3A_637], %broadcast_in_dim3A_4 masked %and3A_635 {add = true} : memref<4128xi32, #tpu.memory_space<vmem>>[vector<16xi32>], vector<16xi32>, vector<16xi1>
        %mul3A_638 = arith.constant 4 : i32
        %mul3A_639 = arith.muli %while3A_550, %mul3A_638 : i32
        %add3A_640 = arith.constant 3 : i32
        %add3A_641 = arith.addi %mul3A_639, %add3A_640 : i32
        %mul3A_642 = arith.constant 16 : i32
        %mul3A_643 = arith.muli %add3A_641, %mul3A_642 : i32
        %get3A_644 = arith.index_cast %mul3A_643 : i32 to index
        %get3A_645 = tpu.vector_load %arg5[%get3A_644] {strides = array<i32>} : memref<32784xf32, #tpu.memory_space<vmem>>, vector<16xf32>,
        %add3A_646 = arith.addf %get3A_645, %broadcast_in_dim3A_18 : vector<16xf32>
        %bitcast_convert_type3A_647 = tpu.bitcast %add3A_646 : vector<16xf32> -> vector<16xi32>
        %shift_right_arithmetic3A_648 = arith.constant 31 : i32
        %shift_right_arithmetic3A_649 = vector.broadcast %shift_right_arithmetic3A_648 : i32 to vector<16xi32>
        %shift_right_arithmetic3A_650 = arith.shrsi %bitcast_convert_type3A_647, %shift_right_arithmetic3A_649 : vector<16xi32>
        %or3A_651 = arith.constant -2147483648 : i32
        %or3A_652 = vector.broadcast %or3A_651 : i32 to vector<16xi32>
        %or3A_653 = arith.ori %shift_right_arithmetic3A_650, %or3A_652 : vector<16xi32>
        %xor3A_654 = arith.xori %bitcast_convert_type3A_647, %or3A_653 : vector<16xi32>
        %mul3A_655 = arith.constant 16 : i32
        %mul3A_656 = arith.muli %add3A_641, %mul3A_655 : i32
        %add3A_657 = vector.broadcast %mul3A_656 : i32 to vector<16xi32>
        %add3A_658 = arith.addi %add3A_657, %iota3A : vector<16xi32>
        %lt3A_659 = vector.broadcast %squeeze3A_332 : i32 to vector<16xi32>
        %lt3A_660 = arith.cmpi slt, %add3A_658, %lt3A_659 : vector<16xi32>
        %shift_right_logical3A_661 = arith.shrui %xor3A_654, %broadcast_in_dim3A_12 : vector<16xi32>
        %and3A_662 = arith.andi %shift_right_logical3A_661, %broadcast_in_dim3A_14 : vector<16xi32>
        %eq3A_663 = vector.broadcast %sub3A_391 : i32 to vector<16xi32>
        %eq3A_664 = arith.cmpi eq, %and3A_662, %eq3A_663 : vector<16xi32>
        %and3A_665 = arith.andi %eq3A_664, %lt3A_660 : vector<16xi1>
        %and3A_666 = arith.andi %xor3A_654, %broadcast_in_dim3A_14 : vector<16xi32>
        %add3A_667 = arith.addi %mul3A_3, %and3A_666 : vector<16xi32>
        tpu.vector_store_idx %arg6[%add3A_667], %broadcast_in_dim3A_4 masked %and3A_665 {add = true} : memref<4128xi32, #tpu.memory_space<vmem>>[vector<16xi32>], vector<16xi32>, vector<16xi1>
      }
      %while3A_439 = arith.constant 1 : i32
      scf.for %while3A_550 = %while3A_437 to %while3A_433 step %while3A_439  : i32 {
        %mul3A_551 = arith.constant 4 : i32
        %mul3A_552 = arith.muli %while3A_550, %mul3A_551 : i32
        %add3A_553 = arith.constant 0 : i32
        %add3A_554 = arith.addi %mul3A_552, %add3A_553 : i32
        %mul3A_555 = arith.constant 16 : i32
        %mul3A_556 = arith.muli %add3A_554, %mul3A_555 : i32
        %get3A_557 = arith.index_cast %mul3A_556 : i32 to index
        %get3A_558 = tpu.vector_load %arg5[%get3A_557] {strides = array<i32>} : memref<32784xf32, #tpu.memory_space<vmem>>, vector<16xf32>,
        %add3A_559 = arith.addf %get3A_558, %broadcast_in_dim3A_18 : vector<16xf32>
        %bitcast_convert_type3A_560 = tpu.bitcast %add3A_559 : vector<16xf32> -> vector<16xi32>
        %shift_right_arithmetic3A = arith.constant 31 : i32
        %shift_right_arithmetic3A_561 = vector.broadcast %shift_right_arithmetic3A : i32 to vector<16xi32>
        %shift_right_arithmetic3A_562 = arith.shrsi %bitcast_convert_type3A_560, %shift_right_arithmetic3A_561 : vector<16xi32>
        %or3A = arith.constant -2147483648 : i32
        %or3A_563 = vector.broadcast %or3A : i32 to vector<16xi32>
        %or3A_564 = arith.ori %shift_right_arithmetic3A_562, %or3A_563 : vector<16xi32>
        %xor3A_565 = arith.xori %bitcast_convert_type3A_560, %or3A_564 : vector<16xi32>
        %mul3A_566 = arith.constant 16 : i32
        %mul3A_567 = arith.muli %add3A_554, %mul3A_566 : i32
        %add3A_568 = vector.broadcast %mul3A_567 : i32 to vector<16xi32>
        %add3A_569 = arith.addi %add3A_568, %iota3A : vector<16xi32>
        %lt3A_570 = vector.broadcast %squeeze3A_332 : i32 to vector<16xi32>
        %lt3A_571 = arith.cmpi slt, %add3A_569, %lt3A_570 : vector<16xi32>
        %shift_right_logical3A = arith.shrui %xor3A_565, %broadcast_in_dim3A_12 : vector<16xi32>
        %and3A_572 = arith.andi %shift_right_logical3A, %broadcast_in_dim3A_14 : vector<16xi32>
        %eq3A_573 = vector.broadcast %sub3A_391 : i32 to vector<16xi32>
        %eq3A_574 = arith.cmpi eq, %and3A_572, %eq3A_573 : vector<16xi32>
        %and3A_575 = arith.andi %eq3A_574, %lt3A_571 : vector<16xi1>
        %and3A_576 = arith.andi %xor3A_565, %broadcast_in_dim3A_14 : vector<16xi32>
        %add3A_577 = arith.addi %mul3A_3, %and3A_576 : vector<16xi32>
        tpu.vector_store_idx %arg6[%add3A_577], %broadcast_in_dim3A_4 masked %and3A_575 {add = true} : memref<4128xi32, #tpu.memory_space<vmem>>[vector<16xi32>], vector<16xi32>, vector<16xi1>
        %mul3A_578 = arith.constant 4 : i32
        %mul3A_579 = arith.muli %while3A_550, %mul3A_578 : i32
        %add3A_580 = arith.constant 1 : i32
        %add3A_581 = arith.addi %mul3A_579, %add3A_580 : i32
        %mul3A_582 = arith.constant 16 : i32
        %mul3A_583 = arith.muli %add3A_581, %mul3A_582 : i32
        %get3A_584 = arith.index_cast %mul3A_583 : i32 to index
        %get3A_585 = tpu.vector_load %arg5[%get3A_584] {strides = array<i32>} : memref<32784xf32, #tpu.memory_space<vmem>>, vector<16xf32>,
        %add3A_586 = arith.addf %get3A_585, %broadcast_in_dim3A_18 : vector<16xf32>
        %bitcast_convert_type3A_587 = tpu.bitcast %add3A_586 : vector<16xf32> -> vector<16xi32>
        %shift_right_arithmetic3A_588 = arith.constant 31 : i32
        %shift_right_arithmetic3A_589 = vector.broadcast %shift_right_arithmetic3A_588 : i32 to vector<16xi32>
        %shift_right_arithmetic3A_590 = arith.shrsi %bitcast_convert_type3A_587, %shift_right_arithmetic3A_589 : vector<16xi32>
        %or3A_591 = arith.constant -2147483648 : i32
        %or3A_592 = vector.broadcast %or3A_591 : i32 to vector<16xi32>
        %or3A_593 = arith.ori %shift_right_arithmetic3A_590, %or3A_592 : vector<16xi32>
        %xor3A_594 = arith.xori %bitcast_convert_type3A_587, %or3A_593 : vector<16xi32>
        %mul3A_595 = arith.constant 16 : i32
        %mul3A_596 = arith.muli %add3A_581, %mul3A_595 : i32
        %add3A_597 = vector.broadcast %mul3A_596 : i32 to vector<16xi32>
        %add3A_598 = arith.addi %add3A_597, %iota3A : vector<16xi32>
        %lt3A_599 = vector.broadcast %squeeze3A_332 : i32 to vector<16xi32>
        %lt3A_600 = arith.cmpi slt, %add3A_598, %lt3A_599 : vector<16xi32>
        %shift_right_logical3A_601 = arith.shrui %xor3A_594, %broadcast_in_dim3A_12 : vector<16xi32>
        %and3A_602 = arith.andi %shift_right_logical3A_601, %broadcast_in_dim3A_14 : vector<16xi32>
        %eq3A_603 = vector.broadcast %sub3A_391 : i32 to vector<16xi32>
        %eq3A_604 = arith.cmpi eq, %and3A_602, %eq3A_603 : vector<16xi32>
        %and3A_605 = arith.andi %eq3A_604, %lt3A_600 : vector<16xi1>
        %and3A_606 = arith.andi %xor3A_594, %broadcast_in_dim3A_14 : vector<16xi32>
        %add3A_607 = arith.addi %mul3A_3, %and3A_606 : vector<16xi32>
        tpu.vector_store_idx %arg6[%add3A_607], %broadcast_in_dim3A_4 masked %and3A_605 {add = true} : memref<4128xi32, #tpu.memory_space<vmem>>[vector<16xi32>], vector<16xi32>, vector<16xi1>
        %mul3A_608 = arith.constant 4 : i32
        %mul3A_609 = arith.muli %while3A_550, %mul3A_608 : i32
        %add3A_610 = arith.constant 2 : i32
        %add3A_611 = arith.addi %mul3A_609, %add3A_610 : i32
        %mul3A_612 = arith.constant 16 : i32
        %mul3A_613 = arith.muli %add3A_611, %mul3A_612 : i32
        %get3A_614 = arith.index_cast %mul3A_613 : i32 to index
        %get3A_615 = tpu.vector_load %arg5[%get3A_614] {strides = array<i32>} : memref<32784xf32, #tpu.memory_space<vmem>>, vector<16xf32>,
        %add3A_616 = arith.addf %get3A_615, %broadcast_in_dim3A_18 : vector<16xf32>
        %bitcast_convert_type3A_617 = tpu.bitcast %add3A_616 : vector<16xf32> -> vector<16xi32>
        %shift_right_arithmetic3A_618 = arith.constant 31 : i32
        %shift_right_arithmetic3A_619 = vector.broadcast %shift_right_arithmetic3A_618 : i32 to vector<16xi32>
        %shift_right_arithmetic3A_620 = arith.shrsi %bitcast_convert_type3A_617, %shift_right_arithmetic3A_619 : vector<16xi32>
        %or3A_621 = arith.constant -2147483648 : i32
        %or3A_622 = vector.broadcast %or3A_621 : i32 to vector<16xi32>
        %or3A_623 = arith.ori %shift_right_arithmetic3A_620, %or3A_622 : vector<16xi32>
        %xor3A_624 = arith.xori %bitcast_convert_type3A_617, %or3A_623 : vector<16xi32>
        %mul3A_625 = arith.constant 16 : i32
        %mul3A_626 = arith.muli %add3A_611, %mul3A_625 : i32
        %add3A_627 = vector.broadcast %mul3A_626 : i32 to vector<16xi32>
        %add3A_628 = arith.addi %add3A_627, %iota3A : vector<16xi32>
        %lt3A_629 = vector.broadcast %squeeze3A_332 : i32 to vector<16xi32>
        %lt3A_630 = arith.cmpi slt, %add3A_628, %lt3A_629 : vector<16xi32>
        %shift_right_logical3A_631 = arith.shrui %xor3A_624, %broadcast_in_dim3A_12 : vector<16xi32>
        %and3A_632 = arith.andi %shift_right_logical3A_631, %broadcast_in_dim3A_14 : vector<16xi32>
        %eq3A_633 = vector.broadcast %sub3A_391 : i32 to vector<16xi32>
        %eq3A_634 = arith.cmpi eq, %and3A_632, %eq3A_633 : vector<16xi32>
        %and3A_635 = arith.andi %eq3A_634, %lt3A_630 : vector<16xi1>
        %and3A_636 = arith.andi %xor3A_624, %broadcast_in_dim3A_14 : vector<16xi32>
        %add3A_637 = arith.addi %mul3A_3, %and3A_636 : vector<16xi32>
        tpu.vector_store_idx %arg6[%add3A_637], %broadcast_in_dim3A_4 masked %and3A_635 {add = true} : memref<4128xi32, #tpu.memory_space<vmem>>[vector<16xi32>], vector<16xi32>, vector<16xi1>
        %mul3A_638 = arith.constant 4 : i32
        %mul3A_639 = arith.muli %while3A_550, %mul3A_638 : i32
        %add3A_640 = arith.constant 3 : i32
        %add3A_641 = arith.addi %mul3A_639, %add3A_640 : i32
        %mul3A_642 = arith.constant 16 : i32
        %mul3A_643 = arith.muli %add3A_641, %mul3A_642 : i32
        %get3A_644 = arith.index_cast %mul3A_643 : i32 to index
        %get3A_645 = tpu.vector_load %arg5[%get3A_644] {strides = array<i32>} : memref<32784xf32, #tpu.memory_space<vmem>>, vector<16xf32>,
        %add3A_646 = arith.addf %get3A_645, %broadcast_in_dim3A_18 : vector<16xf32>
        %bitcast_convert_type3A_647 = tpu.bitcast %add3A_646 : vector<16xf32> -> vector<16xi32>
        %shift_right_arithmetic3A_648 = arith.constant 31 : i32
        %shift_right_arithmetic3A_649 = vector.broadcast %shift_right_arithmetic3A_648 : i32 to vector<16xi32>
        %shift_right_arithmetic3A_650 = arith.shrsi %bitcast_convert_type3A_647, %shift_right_arithmetic3A_649 : vector<16xi32>
        %or3A_651 = arith.constant -2147483648 : i32
        %or3A_652 = vector.broadcast %or3A_651 : i32 to vector<16xi32>
        %or3A_653 = arith.ori %shift_right_arithmetic3A_650, %or3A_652 : vector<16xi32>
        %xor3A_654 = arith.xori %bitcast_convert_type3A_647, %or3A_653 : vector<16xi32>
        %mul3A_655 = arith.constant 16 : i32
        %mul3A_656 = arith.muli %add3A_641, %mul3A_655 : i32
        %add3A_657 = vector.broadcast %mul3A_656 : i32 to vector<16xi32>
        %add3A_658 = arith.addi %add3A_657, %iota3A : vector<16xi32>
        %lt3A_659 = vector.broadcast %squeeze3A_332 : i32 to vector<16xi32>
        %lt3A_660 = arith.cmpi slt, %add3A_658, %lt3A_659 : vector<16xi32>
        %shift_right_logical3A_661 = arith.shrui %xor3A_654, %broadcast_in_dim3A_12 : vector<16xi32>
        %and3A_662 = arith.andi %shift_right_logical3A_661, %broadcast_in_dim3A_14 : vector<16xi32>
        %eq3A_663 = vector.broadcast %sub3A_391 : i32 to vector<16xi32>
        %eq3A_664 = arith.cmpi eq, %and3A_662, %eq3A_663 : vector<16xi32>
        %and3A_665 = arith.andi %eq3A_664, %lt3A_660 : vector<16xi1>
        %and3A_666 = arith.andi %xor3A_654, %broadcast_in_dim3A_14 : vector<16xi32>
        %add3A_667 = arith.addi %mul3A_3, %and3A_666 : vector<16xi32>
        tpu.vector_store_idx %arg6[%add3A_667], %broadcast_in_dim3A_4 masked %and3A_665 {add = true} : memref<4128xi32, #tpu.memory_space<vmem>>[vector<16xi32>], vector<16xi32>, vector<16xi1>
      }
      %parallel_loop3A_440 = arith.constant 0 : i32
      %parallel_loop3A_441 = arith.constant 16 : i32
      %parallel_loop3A_442 = arith.constant 1 : i32
      scf.for %parallel_loop3A_550 = %parallel_loop3A_440 to %parallel_loop3A_441 step %parallel_loop3A_442  : i32 {
        %parallel_loop3A_551 = arith.constant 16 : i32
        %parallel_loop3A_552 = arith.muli %parallel_loop3A_550, %parallel_loop3A_551 : i32
        %parallel_loop3A_553 = arith.index_cast %parallel_loop3A_552 : i32 to index
        %parallel_loop3A_554 = tpu.vector_load %arg6[%parallel_loop3A_553] {strides = array<i32>} : memref<4128xi32, #tpu.memory_space<vmem>>, vector<16xi32>,
        %parallel_loop3A_555 = arith.index_cast %parallel_loop3A_552 : i32 to index
        %parallel_loop3A_556 = tpu.vector_load %arg6[%parallel_loop3A_555] {strides = array<i32>} : memref<4128xi32, #tpu.memory_space<vmem>>, vector<16xi32>,
        tpu.vector_store %arg6[%parallel_loop3A_555], %broadcast_in_dim3A_6 {strides = array<i32>} : memref<4128xi32, #tpu.memory_space<vmem>>, vector<16xi32>,
        %parallel_loop3A_557 = arith.constant 257 : i32
        %parallel_loop3A_558 = arith.addi %parallel_loop3A_557, %parallel_loop3A_552 : i32
        %parallel_loop3A_559 = arith.index_cast %parallel_loop3A_558 : i32 to index
        %parallel_loop3A_560 = tpu.vector_load %arg6[%parallel_loop3A_559] {strides = array<i32>} : memref<4128xi32, #tpu.memory_space<vmem>>, vector<16xi32>,
        %parallel_loop3A_561 = arith.addi %parallel_loop3A_554, %parallel_loop3A_560 : vector<16xi32>
        %parallel_loop3A_562 = arith.index_cast %parallel_loop3A_558 : i32 to index
        %parallel_loop3A_563 = tpu.vector_load %arg6[%parallel_loop3A_562] {strides = array<i32>} : memref<4128xi32, #tpu.memory_space<vmem>>, vector<16xi32>,
        tpu.vector_store %arg6[%parallel_loop3A_562], %broadcast_in_dim3A_6 {strides = array<i32>} : memref<4128xi32, #tpu.memory_space<vmem>>, vector<16xi32>,
        %parallel_loop3A_564 = arith.constant 514 : i32
        %parallel_loop3A_565 = arith.addi %parallel_loop3A_564, %parallel_loop3A_552 : i32
        %parallel_loop3A_566 = arith.index_cast %parallel_loop3A_565 : i32 to index
        %parallel_loop3A_567 = tpu.vector_load %arg6[%parallel_loop3A_566] {strides = array<i32>} : memref<4128xi32, #tpu.memory_space<vmem>>, vector<16xi32>,
        %parallel_loop3A_568 = arith.addi %parallel_loop3A_561, %parallel_loop3A_567 : vector<16xi32>
        %parallel_loop3A_569 = arith.index_cast %parallel_loop3A_565 : i32 to index
        %parallel_loop3A_570 = tpu.vector_load %arg6[%parallel_loop3A_569] {strides = array<i32>} : memref<4128xi32, #tpu.memory_space<vmem>>, vector<16xi32>,
        tpu.vector_store %arg6[%parallel_loop3A_569], %broadcast_in_dim3A_6 {strides = array<i32>} : memref<4128xi32, #tpu.memory_space<vmem>>, vector<16xi32>,
        %parallel_loop3A_571 = arith.constant 771 : i32
        %parallel_loop3A_572 = arith.addi %parallel_loop3A_571, %parallel_loop3A_552 : i32
        %parallel_loop3A_573 = arith.index_cast %parallel_loop3A_572 : i32 to index
        %parallel_loop3A_574 = tpu.vector_load %arg6[%parallel_loop3A_573] {strides = array<i32>} : memref<4128xi32, #tpu.memory_space<vmem>>, vector<16xi32>,
        %parallel_loop3A_575 = arith.addi %parallel_loop3A_568, %parallel_loop3A_574 : vector<16xi32>
        %parallel_loop3A_576 = arith.index_cast %parallel_loop3A_572 : i32 to index
        %parallel_loop3A_577 = tpu.vector_load %arg6[%parallel_loop3A_576] {strides = array<i32>} : memref<4128xi32, #tpu.memory_space<vmem>>, vector<16xi32>,
        tpu.vector_store %arg6[%parallel_loop3A_576], %broadcast_in_dim3A_6 {strides = array<i32>} : memref<4128xi32, #tpu.memory_space<vmem>>, vector<16xi32>,
        %parallel_loop3A_578 = arith.constant 1028 : i32
        %parallel_loop3A_579 = arith.addi %parallel_loop3A_578, %parallel_loop3A_552 : i32
        %parallel_loop3A_580 = arith.index_cast %parallel_loop3A_579 : i32 to index
        %parallel_loop3A_581 = tpu.vector_load %arg6[%parallel_loop3A_580] {strides = array<i32>} : memref<4128xi32, #tpu.memory_space<vmem>>, vector<16xi32>,
        %parallel_loop3A_582 = arith.addi %parallel_loop3A_575, %parallel_loop3A_581 : vector<16xi32>
        %parallel_loop3A_583 = arith.index_cast %parallel_loop3A_579 : i32 to index
        %parallel_loop3A_584 = tpu.vector_load %arg6[%parallel_loop3A_583] {strides = array<i32>} : memref<4128xi32, #tpu.memory_space<vmem>>, vector<16xi32>,
        tpu.vector_store %arg6[%parallel_loop3A_583], %broadcast_in_dim3A_6 {strides = array<i32>} : memref<4128xi32, #tpu.memory_space<vmem>>, vector<16xi32>,
        %parallel_loop3A_585 = arith.constant 1285 : i32
        %parallel_loop3A_586 = arith.addi %parallel_loop3A_585, %parallel_loop3A_552 : i32
        %parallel_loop3A_587 = arith.index_cast %parallel_loop3A_586 : i32 to index
        %parallel_loop3A_588 = tpu.vector_load %arg6[%parallel_loop3A_587] {strides = array<i32>} : memref<4128xi32, #tpu.memory_space<vmem>>, vector<16xi32>,
        %parallel_loop3A_589 = arith.addi %parallel_loop3A_582, %parallel_loop3A_588 : vector<16xi32>
        %parallel_loop3A_590 = arith.index_cast %parallel_loop3A_586 : i32 to index
        %parallel_loop3A_591 = tpu.vector_load %arg6[%parallel_loop3A_590] {strides = array<i32>} : memref<4128xi32, #tpu.memory_space<vmem>>, vector<16xi32>,
        tpu.vector_store %arg6[%parallel_loop3A_590], %broadcast_in_dim3A_6 {strides = array<i32>} : memref<4128xi32, #tpu.memory_space<vmem>>, vector<16xi32>,
        %parallel_loop3A_592 = arith.constant 1542 : i32
        %parallel_loop3A_593 = arith.addi %parallel_loop3A_592, %parallel_loop3A_552 : i32
        %parallel_loop3A_594 = arith.index_cast %parallel_loop3A_593 : i32 to index
        %parallel_loop3A_595 = tpu.vector_load %arg6[%parallel_loop3A_594] {strides = array<i32>} : memref<4128xi32, #tpu.memory_space<vmem>>, vector<16xi32>,
        %parallel_loop3A_596 = arith.addi %parallel_loop3A_589, %parallel_loop3A_595 : vector<16xi32>
        %parallel_loop3A_597 = arith.index_cast %parallel_loop3A_593 : i32 to index
        %parallel_loop3A_598 = tpu.vector_load %arg6[%parallel_loop3A_597] {strides = array<i32>} : memref<4128xi32, #tpu.memory_space<vmem>>, vector<16xi32>,
        tpu.vector_store %arg6[%parallel_loop3A_597], %broadcast_in_dim3A_6 {strides = array<i32>} : memref<4128xi32, #tpu.memory_space<vmem>>, vector<16xi32>,
        %parallel_loop3A_599 = arith.constant 1799 : i32
        %parallel_loop3A_600 = arith.addi %parallel_loop3A_599, %parallel_loop3A_552 : i32
        %parallel_loop3A_601 = arith.index_cast %parallel_loop3A_600 : i32 to index
        %parallel_loop3A_602 = tpu.vector_load %arg6[%parallel_loop3A_601] {strides = array<i32>} : memref<4128xi32, #tpu.memory_space<vmem>>, vector<16xi32>,
        %parallel_loop3A_603 = arith.addi %parallel_loop3A_596, %parallel_loop3A_602 : vector<16xi32>
        %parallel_loop3A_604 = arith.index_cast %parallel_loop3A_600 : i32 to index
        %parallel_loop3A_605 = tpu.vector_load %arg6[%parallel_loop3A_604] {strides = array<i32>} : memref<4128xi32, #tpu.memory_space<vmem>>, vector<16xi32>,
        tpu.vector_store %arg6[%parallel_loop3A_604], %broadcast_in_dim3A_6 {strides = array<i32>} : memref<4128xi32, #tpu.memory_space<vmem>>, vector<16xi32>,
        %parallel_loop3A_606 = arith.constant 2056 : i32
        %parallel_loop3A_607 = arith.addi %parallel_loop3A_606, %parallel_loop3A_552 : i32
        %parallel_loop3A_608 = arith.index_cast %parallel_loop3A_607 : i32 to index
        %parallel_loop3A_609 = tpu.vector_load %arg6[%parallel_loop3A_608] {strides = array<i32>} : memref<4128xi32, #tpu.memory_space<vmem>>, vector<16xi32>,
        %parallel_loop3A_610 = arith.addi %parallel_loop3A_603, %parallel_loop3A_609 : vector<16xi32>
        %parallel_loop3A_611 = arith.index_cast %parallel_loop3A_607 : i32 to index
        %parallel_loop3A_612 = tpu.vector_load %arg6[%parallel_loop3A_611] {strides = array<i32>} : memref<4128xi32, #tpu.memory_space<vmem>>, vector<16xi32>,
        tpu.vector_store %arg6[%parallel_loop3A_611], %broadcast_in_dim3A_6 {strides = array<i32>} : memref<4128xi32, #tpu.memory_space<vmem>>, vector<16xi32>,
        %parallel_loop3A_613 = arith.constant 2313 : i32
        %parallel_loop3A_614 = arith.addi %parallel_loop3A_613, %parallel_loop3A_552 : i32
        %parallel_loop3A_615 = arith.index_cast %parallel_loop3A_614 : i32 to index
        %parallel_loop3A_616 = tpu.vector_load %arg6[%parallel_loop3A_615] {strides = array<i32>} : memref<4128xi32, #tpu.memory_space<vmem>>, vector<16xi32>,
        %parallel_loop3A_617 = arith.addi %parallel_loop3A_610, %parallel_loop3A_616 : vector<16xi32>
        %parallel_loop3A_618 = arith.index_cast %parallel_loop3A_614 : i32 to index
        %parallel_loop3A_619 = tpu.vector_load %arg6[%parallel_loop3A_618] {strides = array<i32>} : memref<4128xi32, #tpu.memory_space<vmem>>, vector<16xi32>,
        tpu.vector_store %arg6[%parallel_loop3A_618], %broadcast_in_dim3A_6 {strides = array<i32>} : memref<4128xi32, #tpu.memory_space<vmem>>, vector<16xi32>,
        %parallel_loop3A_620 = arith.constant 2570 : i32
        %parallel_loop3A_621 = arith.addi %parallel_loop3A_620, %parallel_loop3A_552 : i32
        %parallel_loop3A_622 = arith.index_cast %parallel_loop3A_621 : i32 to index
        %parallel_loop3A_623 = tpu.vector_load %arg6[%parallel_loop3A_622] {strides = array<i32>} : memref<4128xi32, #tpu.memory_space<vmem>>, vector<16xi32>,
        %parallel_loop3A_624 = arith.addi %parallel_loop3A_617, %parallel_loop3A_623 : vector<16xi32>
        %parallel_loop3A_625 = arith.index_cast %parallel_loop3A_621 : i32 to index
        %parallel_loop3A_626 = tpu.vector_load %arg6[%parallel_loop3A_625] {strides = array<i32>} : memref<4128xi32, #tpu.memory_space<vmem>>, vector<16xi32>,
        tpu.vector_store %arg6[%parallel_loop3A_625], %broadcast_in_dim3A_6 {strides = array<i32>} : memref<4128xi32, #tpu.memory_space<vmem>>, vector<16xi32>,
        %parallel_loop3A_627 = arith.constant 2827 : i32
        %parallel_loop3A_628 = arith.addi %parallel_loop3A_627, %parallel_loop3A_552 : i32
        %parallel_loop3A_629 = arith.index_cast %parallel_loop3A_628 : i32 to index
        %parallel_loop3A_630 = tpu.vector_load %arg6[%parallel_loop3A_629] {strides = array<i32>} : memref<4128xi32, #tpu.memory_space<vmem>>, vector<16xi32>,
        %parallel_loop3A_631 = arith.addi %parallel_loop3A_624, %parallel_loop3A_630 : vector<16xi32>
        %parallel_loop3A_632 = arith.index_cast %parallel_loop3A_628 : i32 to index
        %parallel_loop3A_633 = tpu.vector_load %arg6[%parallel_loop3A_632] {strides = array<i32>} : memref<4128xi32, #tpu.memory_space<vmem>>, vector<16xi32>,
        tpu.vector_store %arg6[%parallel_loop3A_632], %broadcast_in_dim3A_6 {strides = array<i32>} : memref<4128xi32, #tpu.memory_space<vmem>>, vector<16xi32>,
        %parallel_loop3A_634 = arith.constant 3084 : i32
        %parallel_loop3A_635 = arith.addi %parallel_loop3A_634, %parallel_loop3A_552 : i32
        %parallel_loop3A_636 = arith.index_cast %parallel_loop3A_635 : i32 to index
        %parallel_loop3A_637 = tpu.vector_load %arg6[%parallel_loop3A_636] {strides = array<i32>} : memref<4128xi32, #tpu.memory_space<vmem>>, vector<16xi32>,
        %parallel_loop3A_638 = arith.addi %parallel_loop3A_631, %parallel_loop3A_637 : vector<16xi32>
        %parallel_loop3A_639 = arith.index_cast %parallel_loop3A_635 : i32 to index
        %parallel_loop3A_640 = tpu.vector_load %arg6[%parallel_loop3A_639] {strides = array<i32>} : memref<4128xi32, #tpu.memory_space<vmem>>, vector<16xi32>,
        tpu.vector_store %arg6[%parallel_loop3A_639], %broadcast_in_dim3A_6 {strides = array<i32>} : memref<4128xi32, #tpu.memory_space<vmem>>, vector<16xi32>,
        %parallel_loop3A_641 = arith.constant 3341 : i32
        %parallel_loop3A_642 = arith.addi %parallel_loop3A_641, %parallel_loop3A_552 : i32
        %parallel_loop3A_643 = arith.index_cast %parallel_loop3A_642 : i32 to index
        %parallel_loop3A_644 = tpu.vector_load %arg6[%parallel_loop3A_643] {strides = array<i32>} : memref<4128xi32, #tpu.memory_space<vmem>>, vector<16xi32>,
        %parallel_loop3A_645 = arith.addi %parallel_loop3A_638, %parallel_loop3A_644 : vector<16xi32>
        %parallel_loop3A_646 = arith.index_cast %parallel_loop3A_642 : i32 to index
        %parallel_loop3A_647 = tpu.vector_load %arg6[%parallel_loop3A_646] {strides = array<i32>} : memref<4128xi32, #tpu.memory_space<vmem>>, vector<16xi32>,
        tpu.vector_store %arg6[%parallel_loop3A_646], %broadcast_in_dim3A_6 {strides = array<i32>} : memref<4128xi32, #tpu.memory_space<vmem>>, vector<16xi32>,
        %parallel_loop3A_648 = arith.constant 3598 : i32
        %parallel_loop3A_649 = arith.addi %parallel_loop3A_648, %parallel_loop3A_552 : i32
        %parallel_loop3A_650 = arith.index_cast %parallel_loop3A_649 : i32 to index
        %parallel_loop3A_651 = tpu.vector_load %arg6[%parallel_loop3A_650] {strides = array<i32>} : memref<4128xi32, #tpu.memory_space<vmem>>, vector<16xi32>,
        %parallel_loop3A_652 = arith.addi %parallel_loop3A_645, %parallel_loop3A_651 : vector<16xi32>
        %parallel_loop3A_653 = arith.index_cast %parallel_loop3A_649 : i32 to index
        %parallel_loop3A_654 = tpu.vector_load %arg6[%parallel_loop3A_653] {strides = array<i32>} : memref<4128xi32, #tpu.memory_space<vmem>>, vector<16xi32>,
        tpu.vector_store %arg6[%parallel_loop3A_653], %broadcast_in_dim3A_6 {strides = array<i32>} : memref<4128xi32, #tpu.memory_space<vmem>>, vector<16xi32>,
        %parallel_loop3A_655 = arith.constant 3855 : i32
        %parallel_loop3A_656 = arith.addi %parallel_loop3A_655, %parallel_loop3A_552 : i32
        %parallel_loop3A_657 = arith.index_cast %parallel_loop3A_656 : i32 to index
        %parallel_loop3A_658 = tpu.vector_load %arg6[%parallel_loop3A_657] {strides = array<i32>} : memref<4128xi32, #tpu.memory_space<vmem>>, vector<16xi32>,
        %parallel_loop3A_659 = arith.addi %parallel_loop3A_652, %parallel_loop3A_658 : vector<16xi32>
        %parallel_loop3A_660 = arith.index_cast %parallel_loop3A_656 : i32 to index
        %parallel_loop3A_661 = tpu.vector_load %arg6[%parallel_loop3A_660] {strides = array<i32>} : memref<4128xi32, #tpu.memory_space<vmem>>, vector<16xi32>,
        tpu.vector_store %arg6[%parallel_loop3A_660], %broadcast_in_dim3A_6 {strides = array<i32>} : memref<4128xi32, #tpu.memory_space<vmem>>, vector<16xi32>,
        %parallel_loop3A_662 = arith.index_cast %parallel_loop3A_552 : i32 to index
        %parallel_loop3A_663 = tpu.vector_load %arg7[%parallel_loop3A_662] {strides = array<i32>} : memref<272xi32, #tpu.memory_space<vmem>>, vector<16xi32>,
        tpu.vector_store %arg7[%parallel_loop3A_662], %parallel_loop3A_659 {strides = array<i32>} : memref<272xi32, #tpu.memory_space<vmem>>, vector<16xi32>,
      } {sc.loop_unroll_factor = 1 : i64, sc.parallel_access}
      %scan3A_443 = arith.constant 0 : i32
      %scan3A_444 = arith.constant 0 : i32
      %scan3A_445 = arith.constant 16 : i32
      %scan3A_446 = arith.addi %scan3A_444, %scan3A_445 : i32
      %scan3A_447 = arith.constant 1 : i32
      %scan3A_448:2 = scf.for %scan3A_550 = %scan3A_444 to %scan3A_446 step %scan3A_447 iter_args(%scan3A_551 = %scan3A_443, %scan3A_552 = %broadcast_in_dim3A_6) -> (i32, vector<16xi32>)  : i32 {
        %sub3A_553 = arith.constant 15 : i32
        %sub3A_554 = arith.subi %sub3A_553, %scan3A_550 : i32
        %mul3A_555 = arith.constant 16 : i32
        %mul3A_556 = arith.muli %sub3A_554, %mul3A_555 : i32
        %get3A_557 = arith.index_cast %mul3A_556 : i32 to index
        %get3A_558 = tpu.vector_load %arg7[%get3A_557] {strides = array<i32>} : memref<272xi32, #tpu.memory_space<vmem>>, vector<16xi32>,
        %broadcast_in_dim3A_559 = arith.constant true
        %broadcast_in_dim3A_560 = vector.broadcast %broadcast_in_dim3A_559 : i1 to vector<16xi1>
        %masked_cumsum3A = tpu.scan <sum>, %get3A_558 masked %broadcast_in_dim3A_560 : vector<16xi32>, vector<16xi1> -> vector<16xi32>
        %slice3A_561 = vector.extract_strided_slice %masked_cumsum3A {offsets = [15], sizes = [1], strides = [1]} : vector<16xi32> to vector<1xi32>
        %squeeze3A_562 = vector.extract %slice3A_561[0] : i32 from vector<1xi32>
        %add3A_563 = arith.addi %squeeze3A_562, %scan3A_551 : i32
        %sub3A_564 = vector.broadcast %add3A_563 : i32 to vector<16xi32>
        %sub3A_565 = arith.subi %sub3A_564, %masked_cumsum3A : vector<16xi32>
        %add3A_566 = arith.addi %sub3A_565, %get3A_558 : vector<16xi32>
        %mul3A_567 = arith.constant 16 : i32
        %mul3A_568 = arith.muli %sub3A_554, %mul3A_567 : i32
        %swap3A = arith.index_cast %mul3A_568 : i32 to index
        %swap3A_569 = tpu.vector_load %arg8[%swap3A] {strides = array<i32>} : memref<272xi32, #tpu.memory_space<vmem>>, vector<16xi32>,
        tpu.vector_store %arg8[%swap3A], %add3A_566 {strides = array<i32>} : memref<272xi32, #tpu.memory_space<vmem>>, vector<16xi32>,
        %ge3A = vector.broadcast %sub3A_401 : i32 to vector<16xi32>
        %ge3A_570 = arith.cmpi sge, %add3A_566, %ge3A : vector<16xi32>
        %all_reduce_population_count3A = tpu.all_reduce %ge3A_570 {dim = 0 : i64, kind = #tpu.reduction_kind<sum>} : vector<16xi1> -> vector<16xi32>
        %add3A_571 = arith.addi %scan3A_552, %all_reduce_population_count3A : vector<16xi32>
        %add3A_572 = arith.addi %scan3A_551, %squeeze3A_562 : i32
        scf.yield %add3A_572, %add3A_571 : i32, vector<16xi32>
      }
      %scan3A_449 = arith.constant 16 : i32
      %slice3A_450 = vector.extract_strided_slice %scan3A_448#1 {offsets = [0], sizes = [1], strides = [1]} : vector<16xi32> to vector<1xi32>
      %squeeze3A_451 = vector.extract %slice3A_450[0] : i32 from vector<1xi32>
      %sub3A_452 = arith.constant 1 : i32
      %sub3A_453 = arith.subi %squeeze3A_451, %sub3A_452 : i32
      %get3A_454 = arith.index_cast %sub3A_453 : i32 to index
      %get3A_455 = tpu.vector_load %arg7[%get3A_454] {strides = array<i32>} : memref<272xi32, #tpu.memory_space<vmem>>, vector<16xi32>,
      %slice3A_456 = vector.extract_strided_slice %get3A_455 {offsets = [0], sizes = [1], strides = [1]} : vector<16xi32> to vector<1xi32>
      %squeeze3A_457 = vector.extract %slice3A_456[0] : i32 from vector<1xi32>
      %get3A_458 = arith.index_cast %sub3A_453 : i32 to index
      %get3A_459 = tpu.vector_load %arg8[%get3A_458] {strides = array<i32>} : memref<272xi32, #tpu.memory_space<vmem>>, vector<16xi32>,
      %slice3A_460 = vector.extract_strided_slice %get3A_459 {offsets = [0], sizes = [1], strides = [1]} : vector<16xi32> to vector<1xi32>
      %squeeze3A_461 = vector.extract %slice3A_460[0] : i32 from vector<1xi32>
      %sub3A_462 = arith.subi %squeeze3A_461, %squeeze3A_457 : i32
      %sub3A_463 = arith.subi %sub3A_401, %sub3A_462 : i32
      %mul3A_464 = arith.constant 16777216 : i32
      %mul3A_465 = arith.muli %sub3A_243, %mul3A_464 : i32
      %mul3A_466 = arith.constant 65536 : i32
      %mul3A_467 = arith.muli %sub3A_328, %mul3A_466 : i32
      %add3A_468 = arith.addi %mul3A_465, %mul3A_467 : i32
      %mul3A_469 = arith.constant 256 : i32
      %mul3A_470 = arith.muli %sub3A_391, %mul3A_469 : i32
      %add3A_471 = arith.addi %add3A_468, %mul3A_470 : i32
      %add3A_472 = arith.addi %add3A_471, %sub3A_453 : i32
      %lt3A_473 = arith.constant 0 : i32
      %lt3A_474 = arith.cmpi slt, %add3A_472, %lt3A_473 : i32
      %xor3A_475 = arith.constant -2147483648 : i32
      %xor3A_476 = arith.xori %add3A_472, %xor3A_475 : i32
      %not3A_477 = arith.constant -1 : i32
      %not3A_478 = arith.xori %add3A_472, %not3A_477 : i32
      %select_n3A_479 = arith.select %lt3A_474, %xor3A_476, %not3A_478 : i32
      %broadcast_in_dim3A_480 = vector.broadcast %select_n3A_479 : i32 to vector<16xi32>
      %bitcast_convert_type3A_481 = tpu.bitcast %broadcast_in_dim3A_480 : vector<16xi32> -> vector<16xf32>
      %parallel_loop3A_482 = arith.constant 0 : i32
      %parallel_loop3A_483 = arith.constant 512 : i32
      %parallel_loop3A_484 = arith.constant 1 : i32
      scf.for %parallel_loop3A_550 = %parallel_loop3A_482 to %parallel_loop3A_483 step %parallel_loop3A_484  : i32 {
        %parallel_loop3A_551 = arith.constant 16 : i32
        %parallel_loop3A_552 = arith.muli %parallel_loop3A_550, %parallel_loop3A_551 : i32
        %parallel_loop3A_553 = arith.index_cast %parallel_loop3A_552 : i32 to index
        %parallel_loop3A_554 = tpu.vector_load %arg4[%parallel_loop3A_553] {strides = array<i32>} : memref<32768xf32, #tpu.memory_space<vmem>>, vector<16xf32>,
        %parallel_loop3A_555 = arith.cmpf olt, %parallel_loop3A_554, %bitcast_convert_type3A_481 : vector<16xf32>
        %parallel_loop3A_556 = arith.select %parallel_loop3A_555, %broadcast_in_dim3A_16, %parallel_loop3A_554 : vector<16xi1>, vector<16xf32>
        %parallel_loop3A_557 = arith.constant 16 : i32
        %parallel_loop3A_558 = arith.muli %parallel_loop3A_550, %parallel_loop3A_557 : i32
        %parallel_loop3A_559 = arith.index_cast %parallel_loop3A_558 : i32 to index
        %parallel_loop3A_560 = tpu.vector_load %arg4[%parallel_loop3A_559] {strides = array<i32>} : memref<32768xf32, #tpu.memory_space<vmem>>, vector<16xf32>,
        tpu.vector_store %arg4[%parallel_loop3A_559], %parallel_loop3A_556 {strides = array<i32>} : memref<32768xf32, #tpu.memory_space<vmem>>, vector<16xf32>,
      } {sc.loop_unroll_factor = 8 : i64, sc.parallel_access}
      %dma_start3A_485 = arith.constant 0 : i32
      %dma_start3A_486 = tpu.memref_slice %arg4[%dma_start3A_485] : memref<32768xf32, #tpu.memory_space<vmem>> -> memref<8192xf32, #tpu.memory_space<vmem>>
      %dma_start3A_487 = arith.constant 0 : i32
      %dma_start3A_488 = tpu.memref_slice %arg3[%add3A_92, %dma_start3A_487] : memref<128x32768xf32, #tpu.memory_space<hbm>> -> memref<1x32768xf32, #tpu.memory_space<hbm>>
      %dma_start3A_489 = tpu.memref_squeeze %dma_start3A_488 : memref<1x32768xf32, #tpu.memory_space<hbm>> -> memref<32768xf32, #tpu.memory_space<hbm>>
      %dma_start3A_490 = arith.constant 0 : i32
      %dma_start3A_491 = tpu.memref_slice %dma_start3A_489[%dma_start3A_490] : memref<32768xf32, #tpu.memory_space<hbm>> -> memref<8192xf32, #tpu.memory_space<hbm>>
      %dma_start3A_492 = arith.constant 0 : i32
      %dma_start3A_493 = tpu.memref_slice %arg3[%add3A_92, %dma_start3A_492] : memref<128x32768xf32, #tpu.memory_space<hbm>> -> memref<1x32768xf32, #tpu.memory_space<hbm>>
      %dma_start3A_494 = tpu.memref_squeeze %dma_start3A_493 : memref<1x32768xf32, #tpu.memory_space<hbm>> -> memref<32768xf32, #tpu.memory_space<hbm>>
      %dma_start3A_495 = arith.constant 0 : i32
      %dma_start3A_496 = tpu.memref_slice %dma_start3A_494[%dma_start3A_495] : memref<32768xf32, #tpu.memory_space<hbm>> -> memref<8192xf32, #tpu.memory_space<hbm>>
      %dma_start3A_497 = arith.constant 0 : i32
      %dma_start3A_498 = tpu.memref_slice %arg4[%dma_start3A_497] : memref<32768xf32, #tpu.memory_space<vmem>> -> memref<8192xf32, #tpu.memory_space<vmem>>
      tpu.enqueue_dma source(%dma_start3A_498 : memref<8192xf32, #tpu.memory_space<vmem>>) target(%dma_start3A_496 : memref<8192xf32, #tpu.memory_space<hbm>>) target_semaphore(%arg13 : memref<!tpu.dma_semaphore, #tpu.memory_space<semaphore_mem>>)
      %parallel_loop3A_499 = arith.constant 512 : i32
      %parallel_loop3A_500 = arith.constant 1024 : i32
      %parallel_loop3A_501 = arith.constant 1 : i32
      scf.for %parallel_loop3A_550 = %parallel_loop3A_499 to %parallel_loop3A_500 step %parallel_loop3A_501  : i32 {
        %parallel_loop3A_551 = arith.constant 16 : i32
        %parallel_loop3A_552 = arith.muli %parallel_loop3A_550, %parallel_loop3A_551 : i32
        %parallel_loop3A_553 = arith.index_cast %parallel_loop3A_552 : i32 to index
        %parallel_loop3A_554 = tpu.vector_load %arg4[%parallel_loop3A_553] {strides = array<i32>} : memref<32768xf32, #tpu.memory_space<vmem>>, vector<16xf32>,
        %parallel_loop3A_555 = arith.cmpf olt, %parallel_loop3A_554, %bitcast_convert_type3A_481 : vector<16xf32>
        %parallel_loop3A_556 = arith.select %parallel_loop3A_555, %broadcast_in_dim3A_16, %parallel_loop3A_554 : vector<16xi1>, vector<16xf32>
        %parallel_loop3A_557 = arith.constant 16 : i32
        %parallel_loop3A_558 = arith.muli %parallel_loop3A_550, %parallel_loop3A_557 : i32
        %parallel_loop3A_559 = arith.index_cast %parallel_loop3A_558 : i32 to index
        %parallel_loop3A_560 = tpu.vector_load %arg4[%parallel_loop3A_559] {strides = array<i32>} : memref<32768xf32, #tpu.memory_space<vmem>>, vector<16xf32>,
        tpu.vector_store %arg4[%parallel_loop3A_559], %parallel_loop3A_556 {strides = array<i32>} : memref<32768xf32, #tpu.memory_space<vmem>>, vector<16xf32>,
      } {sc.loop_unroll_factor = 8 : i64, sc.parallel_access}
      %dma_start3A_502 = arith.constant 8192 : i32
      %dma_start3A_503 = tpu.memref_slice %arg4[%dma_start3A_502] : memref<32768xf32, #tpu.memory_space<vmem>> -> memref<8192xf32, #tpu.memory_space<vmem>>
      %dma_start3A_504 = arith.constant 0 : i32
      %dma_start3A_505 = tpu.memref_slice %arg3[%add3A_92, %dma_start3A_504] : memref<128x32768xf32, #tpu.memory_space<hbm>> -> memref<1x32768xf32, #tpu.memory_space<hbm>>
      %dma_start3A_506 = tpu.memref_squeeze %dma_start3A_505 : memref<1x32768xf32, #tpu.memory_space<hbm>> -> memref<32768xf32, #tpu.memory_space<hbm>>
      %dma_start3A_507 = arith.constant 8192 : i32
      %dma_start3A_508 = tpu.memref_slice %dma_start3A_506[%dma_start3A_507] : memref<32768xf32, #tpu.memory_space<hbm>> -> memref<8192xf32, #tpu.memory_space<hbm>>
      %dma_start3A_509 = arith.constant 0 : i32
      %dma_start3A_510 = tpu.memref_slice %arg3[%add3A_92, %dma_start3A_509] : memref<128x32768xf32, #tpu.memory_space<hbm>> -> memref<1x32768xf32, #tpu.memory_space<hbm>>
      %dma_start3A_511 = tpu.memref_squeeze %dma_start3A_510 : memref<1x32768xf32, #tpu.memory_space<hbm>> -> memref<32768xf32, #tpu.memory_space<hbm>>
      %dma_start3A_512 = arith.constant 8192 : i32
      %dma_start3A_513 = tpu.memref_slice %dma_start3A_511[%dma_start3A_512] : memref<32768xf32, #tpu.memory_space<hbm>> -> memref<8192xf32, #tpu.memory_space<hbm>>
      %dma_start3A_514 = arith.constant 8192 : i32
      %dma_start3A_515 = tpu.memref_slice %arg4[%dma_start3A_514] : memref<32768xf32, #tpu.memory_space<vmem>> -> memref<8192xf32, #tpu.memory_space<vmem>>
      tpu.enqueue_dma source(%dma_start3A_515 : memref<8192xf32, #tpu.memory_space<vmem>>) target(%dma_start3A_513 : memref<8192xf32, #tpu.memory_space<hbm>>) target_semaphore(%arg14 : memref<!tpu.dma_semaphore, #tpu.memory_space<semaphore_mem>>)
      %parallel_loop3A_516 = arith.constant 1024 : i32
      %parallel_loop3A_517 = arith.constant 1536 : i32
      %parallel_loop3A_518 = arith.constant 1 : i32
      scf.for %parallel_loop3A_550 = %parallel_loop3A_516 to %parallel_loop3A_517 step %parallel_loop3A_518  : i32 {
        %parallel_loop3A_551 = arith.constant 16 : i32
        %parallel_loop3A_552 = arith.muli %parallel_loop3A_550, %parallel_loop3A_551 : i32
        %parallel_loop3A_553 = arith.index_cast %parallel_loop3A_552 : i32 to index
        %parallel_loop3A_554 = tpu.vector_load %arg4[%parallel_loop3A_553] {strides = array<i32>} : memref<32768xf32, #tpu.memory_space<vmem>>, vector<16xf32>,
        %parallel_loop3A_555 = arith.cmpf olt, %parallel_loop3A_554, %bitcast_convert_type3A_481 : vector<16xf32>
        %parallel_loop3A_556 = arith.select %parallel_loop3A_555, %broadcast_in_dim3A_16, %parallel_loop3A_554 : vector<16xi1>, vector<16xf32>
        %parallel_loop3A_557 = arith.constant 16 : i32
        %parallel_loop3A_558 = arith.muli %parallel_loop3A_550, %parallel_loop3A_557 : i32
        %parallel_loop3A_559 = arith.index_cast %parallel_loop3A_558 : i32 to index
        %parallel_loop3A_560 = tpu.vector_load %arg4[%parallel_loop3A_559] {strides = array<i32>} : memref<32768xf32, #tpu.memory_space<vmem>>, vector<16xf32>,
        tpu.vector_store %arg4[%parallel_loop3A_559], %parallel_loop3A_556 {strides = array<i32>} : memref<32768xf32, #tpu.memory_space<vmem>>, vector<16xf32>,
      } {sc.loop_unroll_factor = 8 : i64, sc.parallel_access}
      %dma_start3A_519 = arith.constant 16384 : i32
      %dma_start3A_520 = tpu.memref_slice %arg4[%dma_start3A_519] : memref<32768xf32, #tpu.memory_space<vmem>> -> memref<8192xf32, #tpu.memory_space<vmem>>
      %dma_start3A_521 = arith.constant 0 : i32
      %dma_start3A_522 = tpu.memref_slice %arg3[%add3A_92, %dma_start3A_521] : memref<128x32768xf32, #tpu.memory_space<hbm>> -> memref<1x32768xf32, #tpu.memory_space<hbm>>
      %dma_start3A_523 = tpu.memref_squeeze %dma_start3A_522 : memref<1x32768xf32, #tpu.memory_space<hbm>> -> memref<32768xf32, #tpu.memory_space<hbm>>
      %dma_start3A_524 = arith.constant 16384 : i32
      %dma_start3A_525 = tpu.memref_slice %dma_start3A_523[%dma_start3A_524] : memref<32768xf32, #tpu.memory_space<hbm>> -> memref<8192xf32, #tpu.memory_space<hbm>>
      %dma_start3A_526 = arith.constant 0 : i32
      %dma_start3A_527 = tpu.memref_slice %arg3[%add3A_92, %dma_start3A_526] : memref<128x32768xf32, #tpu.memory_space<hbm>> -> memref<1x32768xf32, #tpu.memory_space<hbm>>
      %dma_start3A_528 = tpu.memref_squeeze %dma_start3A_527 : memref<1x32768xf32, #tpu.memory_space<hbm>> -> memref<32768xf32, #tpu.memory_space<hbm>>
      %dma_start3A_529 = arith.constant 16384 : i32
      %dma_start3A_530 = tpu.memref_slice %dma_start3A_528[%dma_start3A_529] : memref<32768xf32, #tpu.memory_space<hbm>> -> memref<8192xf32, #tpu.memory_space<hbm>>
      %dma_start3A_531 = arith.constant 16384 : i32
      %dma_start3A_532 = tpu.memref_slice %arg4[%dma_start3A_531] : memref<32768xf32, #tpu.memory_space<vmem>> -> memref<8192xf32, #tpu.memory_space<vmem>>
      tpu.enqueue_dma source(%dma_start3A_532 : memref<8192xf32, #tpu.memory_space<vmem>>) target(%dma_start3A_530 : memref<8192xf32, #tpu.memory_space<hbm>>) target_semaphore(%arg15 : memref<!tpu.dma_semaphore, #tpu.memory_space<semaphore_mem>>)
      %parallel_loop3A_533 = arith.constant 1536 : i32
      %parallel_loop3A_534 = arith.constant 2048 : i32
      %parallel_loop3A_535 = arith.constant 1 : i32
      scf.for %parallel_loop3A_550 = %parallel_loop3A_533 to %parallel_loop3A_534 step %parallel_loop3A_535  : i32 {
        %parallel_loop3A_551 = arith.constant 16 : i32
        %parallel_loop3A_552 = arith.muli %parallel_loop3A_550, %parallel_loop3A_551 : i32
        %parallel_loop3A_553 = arith.index_cast %parallel_loop3A_552 : i32 to index
        %parallel_loop3A_554 = tpu.vector_load %arg4[%parallel_loop3A_553] {strides = array<i32>} : memref<32768xf32, #tpu.memory_space<vmem>>, vector<16xf32>,
        %parallel_loop3A_555 = arith.cmpf olt, %parallel_loop3A_554, %bitcast_convert_type3A_481 : vector<16xf32>
        %parallel_loop3A_556 = arith.select %parallel_loop3A_555, %broadcast_in_dim3A_16, %parallel_loop3A_554 : vector<16xi1>, vector<16xf32>
        %parallel_loop3A_557 = arith.constant 16 : i32
        %parallel_loop3A_558 = arith.muli %parallel_loop3A_550, %parallel_loop3A_557 : i32
        %parallel_loop3A_559 = arith.index_cast %parallel_loop3A_558 : i32 to index
        %parallel_loop3A_560 = tpu.vector_load %arg4[%parallel_loop3A_559] {strides = array<i32>} : memref<32768xf32, #tpu.memory_space<vmem>>, vector<16xf32>,
        tpu.vector_store %arg4[%parallel_loop3A_559], %parallel_loop3A_556 {strides = array<i32>} : memref<32768xf32, #tpu.memory_space<vmem>>, vector<16xf32>,
      } {sc.loop_unroll_factor = 8 : i64, sc.parallel_access}
      %dma_start3A_536 = arith.constant 24576 : i32
      %dma_start3A_537 = tpu.memref_slice %arg4[%dma_start3A_536] : memref<32768xf32, #tpu.memory_space<vmem>> -> memref<8192xf32, #tpu.memory_space<vmem>>
      %dma_start3A_538 = arith.constant 0 : i32
      %dma_start3A_539 = tpu.memref_slice %arg3[%add3A_92, %dma_start3A_538] : memref<128x32768xf32, #tpu.memory_space<hbm>> -> memref<1x32768xf32, #tpu.memory_space<hbm>>
      %dma_start3A_540 = tpu.memref_squeeze %dma_start3A_539 : memref<1x32768xf32, #tpu.memory_space<hbm>> -> memref<32768xf32, #tpu.memory_space<hbm>>
      %dma_start3A_541 = arith.constant 24576 : i32
      %dma_start3A_542 = tpu.memref_slice %dma_start3A_540[%dma_start3A_541] : memref<32768xf32, #tpu.memory_space<hbm>> -> memref<8192xf32, #tpu.memory_space<hbm>>
      %dma_start3A_543 = arith.constant 0 : i32
      %dma_start3A_544 = tpu.memref_slice %arg3[%add3A_92, %dma_start3A_543] : memref<128x32768xf32, #tpu.memory_space<hbm>> -> memref<1x32768xf32, #tpu.memory_space<hbm>>
      %dma_start3A_545 = tpu.memref_squeeze %dma_start3A_544 : memref<1x32768xf32, #tpu.memory_space<hbm>> -> memref<32768xf32, #tpu.memory_space<hbm>>
      %dma_start3A_546 = arith.constant 24576 : i32
      %dma_start3A_547 = tpu.memref_slice %dma_start3A_545[%dma_start3A_546] : memref<32768xf32, #tpu.memory_space<hbm>> -> memref<8192xf32, #tpu.memory_space<hbm>>
      %dma_start3A_548 = arith.constant 24576 : i32
      %dma_start3A_549 = tpu.memref_slice %arg4[%dma_start3A_548] : memref<32768xf32, #tpu.memory_space<vmem>> -> memref<8192xf32, #tpu.memory_space<vmem>>
      tpu.enqueue_dma source(%dma_start3A_549 : memref<8192xf32, #tpu.memory_space<vmem>>) target(%dma_start3A_547 : memref<8192xf32, #tpu.memory_space<hbm>>) target_semaphore(%arg16 : memref<!tpu.dma_semaphore, #tpu.memory_space<semaphore_mem>>)
    }
    %scan3A_29 = arith.constant 4 : i32
    %mul3A_30 = arith.constant 4 : i32
    %mul3A_31 = arith.muli %add3A, %mul3A_30 : i32
    %add3A_32 = arith.constant 3 : i32
    %add3A_33 = arith.addi %mul3A_31, %add3A_32 : i32
    %dma_wait3A = arith.constant 0 : i32
    %dma_wait3A_34 = tpu.memref_slice %arg4[%dma_wait3A] : memref<32768xf32, #tpu.memory_space<vmem>> -> memref<8192xf32, #tpu.memory_space<vmem>>
    %dma_wait3A_35 = arith.constant 0 : i32
    %dma_wait3A_36 = tpu.memref_slice %arg3[%add3A_33, %dma_wait3A_35] : memref<128x32768xf32, #tpu.memory_space<hbm>> -> memref<1x32768xf32, #tpu.memory_space<hbm>>
    %dma_wait3A_37 = tpu.memref_squeeze %dma_wait3A_36 : memref<1x32768xf32, #tpu.memory_space<hbm>> -> memref<32768xf32, #tpu.memory_space<hbm>>
    %dma_wait3A_38 = arith.constant 0 : i32
    %dma_wait3A_39 = tpu.memref_slice %dma_wait3A_37[%dma_wait3A_38] : memref<32768xf32, #tpu.memory_space<hbm>> -> memref<8192xf32, #tpu.memory_space<hbm>>
    %dma_wait3A_40 = arith.constant 0 : i32
    %dma_wait3A_41 = tpu.memref_slice %arg3[%add3A_33, %dma_wait3A_40] : memref<128x32768xf32, #tpu.memory_space<hbm>> -> memref<1x32768xf32, #tpu.memory_space<hbm>>
    %dma_wait3A_42 = tpu.memref_squeeze %dma_wait3A_41 : memref<1x32768xf32, #tpu.memory_space<hbm>> -> memref<32768xf32, #tpu.memory_space<hbm>>
    %dma_wait3A_43 = arith.constant 0 : i32
    %dma_wait3A_44 = tpu.memref_slice %dma_wait3A_42[%dma_wait3A_43] : memref<32768xf32, #tpu.memory_space<hbm>> -> memref<8192xf32, #tpu.memory_space<hbm>>
    %dma_wait3A_45 = arith.constant 0 : i32
    %dma_wait3A_46 = tpu.memref_slice %arg4[%dma_wait3A_45] : memref<32768xf32, #tpu.memory_space<vmem>> -> memref<8192xf32, #tpu.memory_space<vmem>>
    tpu.wait_dma2 semaphore(%arg13 : memref<!tpu.dma_semaphore, #tpu.memory_space<semaphore_mem>>) src(%dma_wait3A_46 : memref<8192xf32, #tpu.memory_space<vmem>>) dst(%dma_wait3A_44 : memref<8192xf32, #tpu.memory_space<hbm>>)
    %dma_wait3A_47 = arith.constant 8192 : i32
    %dma_wait3A_48 = tpu.memref_slice %arg4[%dma_wait3A_47] : memref<32768xf32, #tpu.memory_space<vmem>> -> memref<8192xf32, #tpu.memory_space<vmem>>
    %dma_wait3A_49 = arith.constant 0 : i32
    %dma_wait3A_50 = tpu.memref_slice %arg3[%add3A_33, %dma_wait3A_49] : memref<128x32768xf32, #tpu.memory_space<hbm>> -> memref<1x32768xf32, #tpu.memory_space<hbm>>
    %dma_wait3A_51 = tpu.memref_squeeze %dma_wait3A_50 : memref<1x32768xf32, #tpu.memory_space<hbm>> -> memref<32768xf32, #tpu.memory_space<hbm>>
    %dma_wait3A_52 = arith.constant 8192 : i32
    %dma_wait3A_53 = tpu.memref_slice %dma_wait3A_51[%dma_wait3A_52] : memref<32768xf32, #tpu.memory_space<hbm>> -> memref<8192xf32, #tpu.memory_space<hbm>>
    %dma_wait3A_54 = arith.constant 0 : i32
    %dma_wait3A_55 = tpu.memref_slice %arg3[%add3A_33, %dma_wait3A_54] : memref<128x32768xf32, #tpu.memory_space<hbm>> -> memref<1x32768xf32, #tpu.memory_space<hbm>>
    %dma_wait3A_56 = tpu.memref_squeeze %dma_wait3A_55 : memref<1x32768xf32, #tpu.memory_space<hbm>> -> memref<32768xf32, #tpu.memory_space<hbm>>
    %dma_wait3A_57 = arith.constant 8192 : i32
    %dma_wait3A_58 = tpu.memref_slice %dma_wait3A_56[%dma_wait3A_57] : memref<32768xf32, #tpu.memory_space<hbm>> -> memref<8192xf32, #tpu.memory_space<hbm>>
    %dma_wait3A_59 = arith.constant 8192 : i32
    %dma_wait3A_60 = tpu.memref_slice %arg4[%dma_wait3A_59] : memref<32768xf32, #tpu.memory_space<vmem>> -> memref<8192xf32, #tpu.memory_space<vmem>>
    tpu.wait_dma2 semaphore(%arg14 : memref<!tpu.dma_semaphore, #tpu.memory_space<semaphore_mem>>) src(%dma_wait3A_60 : memref<8192xf32, #tpu.memory_space<vmem>>) dst(%dma_wait3A_58 : memref<8192xf32, #tpu.memory_space<hbm>>)
    %dma_wait3A_61 = arith.constant 16384 : i32
    %dma_wait3A_62 = tpu.memref_slice %arg4[%dma_wait3A_61] : memref<32768xf32, #tpu.memory_space<vmem>> -> memref<8192xf32, #tpu.memory_space<vmem>>
    %dma_wait3A_63 = arith.constant 0 : i32
    %dma_wait3A_64 = tpu.memref_slice %arg3[%add3A_33, %dma_wait3A_63] : memref<128x32768xf32, #tpu.memory_space<hbm>> -> memref<1x32768xf32, #tpu.memory_space<hbm>>
    %dma_wait3A_65 = tpu.memref_squeeze %dma_wait3A_64 : memref<1x32768xf32, #tpu.memory_space<hbm>> -> memref<32768xf32, #tpu.memory_space<hbm>>
    %dma_wait3A_66 = arith.constant 16384 : i32
    %dma_wait3A_67 = tpu.memref_slice %dma_wait3A_65[%dma_wait3A_66] : memref<32768xf32, #tpu.memory_space<hbm>> -> memref<8192xf32, #tpu.memory_space<hbm>>
    %dma_wait3A_68 = arith.constant 0 : i32
    %dma_wait3A_69 = tpu.memref_slice %arg3[%add3A_33, %dma_wait3A_68] : memref<128x32768xf32, #tpu.memory_space<hbm>> -> memref<1x32768xf32, #tpu.memory_space<hbm>>
    %dma_wait3A_70 = tpu.memref_squeeze %dma_wait3A_69 : memref<1x32768xf32, #tpu.memory_space<hbm>> -> memref<32768xf32, #tpu.memory_space<hbm>>
    %dma_wait3A_71 = arith.constant 16384 : i32
    %dma_wait3A_72 = tpu.memref_slice %dma_wait3A_70[%dma_wait3A_71] : memref<32768xf32, #tpu.memory_space<hbm>> -> memref<8192xf32, #tpu.memory_space<hbm>>
    %dma_wait3A_73 = arith.constant 16384 : i32
    %dma_wait3A_74 = tpu.memref_slice %arg4[%dma_wait3A_73] : memref<32768xf32, #tpu.memory_space<vmem>> -> memref<8192xf32, #tpu.memory_space<vmem>>
    tpu.wait_dma2 semaphore(%arg15 : memref<!tpu.dma_semaphore, #tpu.memory_space<semaphore_mem>>) src(%dma_wait3A_74 : memref<8192xf32, #tpu.memory_space<vmem>>) dst(%dma_wait3A_72 : memref<8192xf32, #tpu.memory_space<hbm>>)
    %dma_wait3A_75 = arith.constant 24576 : i32
    %dma_wait3A_76 = tpu.memref_slice %arg4[%dma_wait3A_75] : memref<32768xf32, #tpu.memory_space<vmem>> -> memref<8192xf32, #tpu.memory_space<vmem>>
    %dma_wait3A_77 = arith.constant 0 : i32
    %dma_wait3A_78 = tpu.memref_slice %arg3[%add3A_33, %dma_wait3A_77] : memref<128x32768xf32, #tpu.memory_space<hbm>> -> memref<1x32768xf32, #tpu.memory_space<hbm>>
    %dma_wait3A_79 = tpu.memref_squeeze %dma_wait3A_78 : memref<1x32768xf32, #tpu.memory_space<hbm>> -> memref<32768xf32, #tpu.memory_space<hbm>>
    %dma_wait3A_80 = arith.constant 24576 : i32
    %dma_wait3A_81 = tpu.memref_slice %dma_wait3A_79[%dma_wait3A_80] : memref<32768xf32, #tpu.memory_space<hbm>> -> memref<8192xf32, #tpu.memory_space<hbm>>
    %dma_wait3A_82 = arith.constant 0 : i32
    %dma_wait3A_83 = tpu.memref_slice %arg3[%add3A_33, %dma_wait3A_82] : memref<128x32768xf32, #tpu.memory_space<hbm>> -> memref<1x32768xf32, #tpu.memory_space<hbm>>
    %dma_wait3A_84 = tpu.memref_squeeze %dma_wait3A_83 : memref<1x32768xf32, #tpu.memory_space<hbm>> -> memref<32768xf32, #tpu.memory_space<hbm>>
    %dma_wait3A_85 = arith.constant 24576 : i32
    %dma_wait3A_86 = tpu.memref_slice %dma_wait3A_84[%dma_wait3A_85] : memref<32768xf32, #tpu.memory_space<hbm>> -> memref<8192xf32, #tpu.memory_space<hbm>>
    %dma_wait3A_87 = arith.constant 24576 : i32
    %dma_wait3A_88 = tpu.memref_slice %arg4[%dma_wait3A_87] : memref<32768xf32, #tpu.memory_space<vmem>> -> memref<8192xf32, #tpu.memory_space<vmem>>
    tpu.wait_dma2 semaphore(%arg16 : memref<!tpu.dma_semaphore, #tpu.memory_space<semaphore_mem>>) src(%dma_wait3A_88 : memref<8192xf32, #tpu.memory_space<vmem>>) dst(%dma_wait3A_86 : memref<8192xf32, #tpu.memory_space<hbm>>)
    return
  }
}

</mosaic_0001>

<sc_bundles>
// kernel: kernel.3.cloned.1.call-start
scs
__scs_entry_jumppad:
0x0: {  	(pc) =	sbr.rel $0x88, $3  }
0x1: {  	(tag) =	ssettag $0x0;
	lr =	simm.s32 $0x1  }
0x2: {  	[smem:$0x3FA0] =	sst lr;
	_ =	strace $0xD0000000  }
0x3: {  	_ = 	snop  }
0x4: {  	_ = 	snop  }
0x5: {  	_ = 	snop  }
0x6: {  	_ = 	snop  }
0x7: {  	_ = 	snop  }
__scs_overlays_trampoline_lowered:
0x8: {  	[smem:$0x3FAF] =	sst s0  }
0x9: {  	[smem:$0x3FB0] =	sst s1  }
0xa: {  	[smem:$0x3FB1] =	sst s2  }
0xb: {  	[smem:$0x3FB2] =	sst s3  }
0xc: {  	[smem:$0x3FB3] =	sst s4  }
0xd: {  	[smem:$0x3FB4] =	sst s5  }
0xe: {  	[smem:$0x3FB5] =	sst s6  }
0xf: {  	[smem:$0x3FB6] =	sst s7  }
0x10: {  	[smem:$0x3FB7] =	sst s8  }
0x11: {  	[smem:$0x3FB8] =	sst s9;
	s0 =	simm.s32 @!p0 $0x0  }
0x12: {  	s1 =	sld [smem:$0x3F9E];
	s0 =	simm.s32 @p0 $0x1  }
0x13: {  	[smem:$0x3FB9] =	sst s0;
	s0 =	simm.s32 @!p1 $0x0  }
0x14: {  	s2 =	sld [smem:$0x3F9D];
	s0 =	simm.s32 @p1 $0x1  }
0x15: {  	[smem:$0x3FBA] =	sst s0;
	s0 =	simm.s32 @!p2 $0x0  }
0x16: {  	s3 =	sld [smem:$0x3FDB];
	s0 =	simm.s32 @p2 $0x1  }
0x17: {  	s4 =	simm.s32 $0x1BF5;
	[smem:$0x3FBC] =	sst s0  }
0x18: {  	s0 =	sld [smem:$0x3F9F];
	_ =	swait.ge [sflag:s4], $0x0  }
0x19: {  	s7 =	sld [smem:$0x3FA0]  }
0x1a: {  	s8 =	sadd.s32 $0xFFFFE003, lr  }
0x1b: {  	s9 =	sadd.s32 $0xFFFFFEF7, lr;
	s5 =	simm.s32 $0xFFFFFFFF;
	p2 =	slt.u32 s8, $0xFFFFF086  }
0x1c: {  	p1 =	slt.u32 s9, $0xF7A;
	s5 =	simm.s32 @!p2 $0x0  }
0x1d: {  	s5 =	simm.s32 @p1 $0x1;
	p0 =	seq.s32 s7, s2  }
0x1e: {  	s7 =	smul.u32 @!p0 $0xF7A, s2;
	p2 =	seq.s32 @!p0 s5, $0x0  }
0x1f: {  	s9 =	smul.u32 $0xF7A, s1;
	s8 =	simm.s32 @!p0 $0x1BF5;
	p2 =	por !p2, p0  }
0x20: {  	[sflag:s8] =	ssyncset.s32 @!p0 $0xFFFFF086;
	s6 =	sadd.s32 @!p0 s3, s7;
	s7 =	simm.s32 @!p0 $0x108  }
0x21: {  	s3 =	sadd.s32 s3, s9;
	s6 =	sadd.s32 @!p0 $0x88, s6;
	s7 =	simm.s32 @p2 $0x1082  }
0x22: {  	[simem:s7], [sflag:s8] =	dma.local @!p0 [hbm:s6], $0xF7A  }
0x23: {  	s9 =	sor.u32 $0xD0000000, s2;
	s6 =	simm.s32 $0x108;
	_ =	swait.ge @!p0 [sflag:s8], $0x0  }
0x24: {  	s3 =	sadd.s32 $0x88, s3;
	s6 =	simm.s32 @!p1 $0x1082;
	[sflag:s4] =	ssyncset.s32 $0xFFFFF086  }
0x25: {  	[simem:s6], [sflag:s4] =	dma.local [hbm:s3], $0xF7A  }
0x26: {  	[smem:$0x3FA0] =	sst s1;
	(tag) =	ssettag s2;
	_ =	strace s9  }
0x27: {  	s1 =	sld [smem:$0x3FB0]  }
0x28: {  	s2 =	sld [smem:$0x3FB1]  }
0x29: {  	s4 =	sld [smem:$0x3FB3]  }
0x2a: {  	p0 =	seq.s32 s5, $0x0;
	s5 =	sld [smem:$0x3FB4]  }
0x2b: {  	s6 =	sld [smem:$0x3FB5]  }
0x2c: {  	s7 =	sld [smem:$0x3FB6]  }
0x2d: {  	s3 =	simm.s32 $0x108;
	s8 =	sld [smem:$0x3FB7]  }
0x2e: {  	s3 =	simm.s32 @!p0 $0x1082;
	s9 =	sld [smem:$0x3FB8]  }
0x2f: {  	lr =	sadd.s32 s0, s3;
	s0 =	sld [smem:$0x3FAF]  }
0x30: {  	s3 =	sld [smem:$0x3FB2]  }
0x31: {  	[smem:$0x3FBB] =	sst s10  }
0x32: {  	s10 =	sld [smem:$0x3FB9];
	_ =	sdelay $0x3  }
0x33: {  	p0 =	seq.s32 s10, $0x1;
	s10 =	sld [smem:$0x3FBB];
	_ =	sdelay $0x3  }
0x34: {  	[smem:$0x3FBB] =	sst s10  }
0x35: {  	s10 =	sld [smem:$0x3FBA];
	_ =	sdelay $0x3  }
0x36: {  	p1 =	seq.s32 s10, $0x1;
	s10 =	sld [smem:$0x3FBB];
	_ =	sdelay $0x3  }
0x37: {  	[smem:$0x3FBB] =	sst s10  }
0x38: {  	s10 =	sld [smem:$0x3FBC]  }
0x39: {  	_ = 	snop;
	(pc) =	sbr.ind lr, $3  }
0x3a: {  	_ = 	snop  }
0x3b: {  	_ = 	snop  }
0x3c: {  	p2 =	seq.s32 s10, $0x1;
	s10 =	sld [smem:$0x3FBB]  }
0x3d: {  	_ =	shalt  }
0x3e: {  	_ =	shalt  }
0x3f: {  	_ =	shalt  }
0x40: {  	_ =	shalt  }
0x41: {  	_ =	shalt  }
0x42: {  	_ =	shalt  }
0x43: {  	_ =	shalt  }
0x44: {  	_ =	shalt  }
0x45: {  	_ =	shalt  }
0x46: {  	_ =	shalt  }
0x47: {  	_ =	shalt  }
0x48: {  	_ =	shalt  }
0x49: {  	_ =	shalt  }
0x4a: {  	_ =	shalt  }
0x4b: {  	_ =	shalt  }
0x4c: {  	_ =	shalt  }
0x4d: {  	_ =	shalt  }
0x4e: {  	_ =	shalt  }
0x4f: {  	_ =	shalt  }
0x50: {  	_ =	shalt  }
0x51: {  	_ =	shalt  }
0x52: {  	_ =	shalt  }
0x53: {  	_ =	shalt  }
0x54: {  	_ =	shalt  }
0x55: {  	_ =	shalt  }
0x56: {  	_ =	shalt  }
0x57: {  	_ =	shalt  }
0x58: {  	_ =	shalt  }
0x59: {  	_ =	shalt  }
0x5a: {  	_ =	shalt  }
0x5b: {  	_ =	shalt  }
0x5c: {  	_ =	shalt  }
0x5d: {  	_ =	shalt  }
0x5e: {  	_ =	shalt  }
0x5f: {  	_ =	shalt  }
0x60: {  	_ =	shalt  }
0x61: {  	_ =	shalt  }
0x62: {  	_ =	shalt  }
0x63: {  	_ =	shalt  }
0x64: {  	_ =	shalt  }
0x65: {  	_ =	shalt  }
0x66: {  	_ =	shalt  }
0x67: {  	_ =	shalt  }
0x68: {  	_ =	shalt  }
0x69: {  	_ =	shalt  }
0x6a: {  	_ =	shalt  }
0x6b: {  	_ =	shalt  }
0x6c: {  	_ =	shalt  }
0x6d: {  	_ =	shalt  }
0x6e: {  	_ =	shalt  }
0x6f: {  	_ =	shalt  }
0x70: {  	_ =	shalt  }
0x71: {  	_ =	shalt  }
0x72: {  	_ =	shalt  }
0x73: {  	_ =	shalt  }
0x74: {  	_ =	shalt  }
0x75: {  	_ =	shalt  }
0x76: {  	_ =	shalt  }
0x77: {  	_ =	shalt  }
0x78: {  	_ =	shalt  }
0x79: {  	_ =	shalt  }
0x7a: {  	_ =	shalt  }
0x7b: {  	_ =	shalt  }
0x7c: {  	_ =	shalt  }
0x7d: {  	_ =	shalt  }
0x7e: {  	_ =	shalt  }
0x7f: {  	_ =	shalt  }
0x80: {  	_ =	shalt  }
0x81: {  	_ =	shalt  }
0x82: {  	_ =	shalt  }
0x83: {  	_ =	shalt  }
0x84: {  	_ =	shalt  }
0x85: {  	_ =	shalt  }
0x86: {  	_ =	shalt  }
0x87: {  	_ =	shalt  }
.Lfunc_end0:
.L_simem_size_0:
called_computation_lowered:
.L_overlay_start_0:
0x88: {  	s2 =	sld [smem:$0x3FD9]  }
0x89: {  	s3 =	sld [smem:$0x3FFE];
	_ =	sdelay $0x1  }
0x8a: {  	s1 =	srdreg.scid  }
0x8b: {  	s0 =	sand.u32 $0x1, s1  }
0x8c: {  	s18 =	sshll.u32 s0, $0xA;
	s2 =	sadd.s32 s3, s2  }
0x8d: {  	s2 =	sadd.s32 s2, s18  }
0x8e: {  	[smem:$0x3FC7] =	sst s2  }
0x8f: {  	_ = 	snop  }
0x90: {  	s2 =	sld [smem:$0x3FC9]  }
0x91: {  	s19 =	sld [smem:$0x3FD0];
	(tm) =	ssettm $0x1  }
0x92: {  	s4 =	sld [smem:$0x3FFB];
	_ =	sdelay $0x3  }
0x93: {  	_ =	strace s4  }
0x94: {  	s4 =	sld [smem:$0x3FFC];
	_ =	sdelay $0x3  }
0x95: {  	_ =	strace s4  }
0x96: {  	s4 =	sld [smem:$0x3FFD];
	_ =	sdelay $0x3  }
0x97: {  	_ =	strace s4  }
0x98: {  	_ =	strace $0x8FFFFFFF  }
0x99: {  	s20 =	sld [smem:$0x3FDB];
	_ =	sdelay $0x1  }
0x9a: {  	s5 =	simm.s32 $_scs_section_size  }
0x9b: {  	s6 =	simm.s32 $_size__tile_overlayer_lowered;
	s7 =	simm.s32 $_tile_overlayer_lowered  }
0x9c: {  	s23 =	simm.s32 $0x1BFF;
	s22 =	sshll.u32 s7, $0x1;
	s4 =	sadd.s32 s5, s20  }
0x9d: {  	s8 =	simm.s32 $0x0;
	s21 =	sshll.u32 s6, $0x1;
	s6 =	sadd.s32 s22, s4  }
0x9e: {  	[timem:s8], [sflag:s23] =	dma.local [hbm:s6], s21  }
0x9f: {  	_ =	swait.ge [sflag:s23], s21  }
0xa0: {  	s5 =	ssub.s32 $0x0, s21;
	[sflag:s23] =	ssyncset.done $0x0  }
0xa1: {  	[sflag:s23] =	ssyncadd.s32 s5;
	_ =	sdelay $0x1  }
0xa2: {  	s24 =	simm.s32 $0x1B8B  }
0xa3: {  	_ =	swait.ge [sflag:s24], $0x1  }
0xa4: {  	[sflag:s24] =	ssyncset.done $0x0  }
0xa5: {  	s25 =	simm.s32 $0x1B8E;
	[sflag:s24] =	ssyncadd.s32 $0xFFFFFFFF  }
0xa6: {  	s26 =	simm.s32 $execute0_lowered;
	[smem:$0x3FD2] =	sst s25  }
0xa7: {  	s5 =	sshll.u32 s26, $0x1;
	_ =	strace $0x80000046;
	[dreg:$0x1] =	wrdreg $0xFFFFFFFF  }
0xa8: {  	s28 =	simm.s32 $_size_execute0_lowered;
	s4 =	sadd.s32 s4, s5;
	[dreg:$0x0] =	wrdreg $0x0  }
0xa9: {  	s5 =	sshll.u32 s28, $0x1;
	[dreg:$0x2] =	wrdreg s4  }
0xaa: {  	[dreg:$0x3] =	wrdreg s5  }
0xab: {  	[dreg:$0x4] =	wrdreg $0xC0  }
0xac: {  	_ =	task [dreg:s8], $0x5FFFF  }
0xad: {  	[dreg:$0x1] =	wrdreg $0xFFFFFFFF  }
0xae: {  	[dreg:$0x0] =	wrdreg $0x60  }
0xaf: {  	[dreg:$0x2] =	wrdreg s2  }
0xb0: {  	[dreg:$0x3] =	wrdreg s19  }
0xb1: {  	[dreg:$0x4] =	wrdreg $0x9  }
0xb2: {  	_ =	task.clear_ibuf [dreg:s8], $0x5FFFF;
	_ =	strace $0x90000046  }
0xb3: {  	s29 =	simm.s32 $0x9;
	_ =	strace $0x80000048  }
0xb4: {  	_ =	swait.ge [sflag:s29], $0x1  }
0xb5: {  	[sflag:s29] =	ssyncadd.s32 $0xFFFFFFFF  }
0xb6: {  	_ =	strace $0x90000048  }
0xb7: {  	_ =	sfence  }
0xb8: {  	s30 =	sld [smem:$0x0];
	_ =	sdelay $0x2  }
0xb9: {  	s31 =	sshll.u32 s1, $0xD;
	s1 =	sshrl.u32 s1, $0x2  }
0xba: {  	s3 =	sand.u32 $0x4000, s31;
	s1 =	sadd.s32 s1, s30  }
0xbb: {  	s0 =	sor.u32 s3, s0;
	s1 =	sshll.u32 s1, $0x11  }
0xbc: {  	s0 =	sor.u32 s1, s0  }
0xbd: {  	s0 =	sadd.s32 $0x8F2B, s0  }
0xbe: {  	[sflag:s0] =	ssyncadd.remote.s32 $0x1  }
0xbf: {  	_ =	sfence.sel $0xFFFF  }
0xc0: {  	[dreg:$0x0] =	wrdreg $0xFFFFFFFF;
	(pc) =	sbr.abs _section_cstart, $3  }
0xc1: {  	[dreg:$0x1] =	wrdreg $0xFFFFFFFF  }
0xc2: {  	_ =	task.clear_ibuf [dreg:s8], $0x2FFFF;
	_ =	strace $0x9FFFFFFF  }
0xc3: {  	(tm) =	ssettm $0x7FFFFFFF  }
tec
execute0_lowered:
.L_overlay_start_1:
0x0: {  	(tag) =	ssettag $0x1  }
0x1: {  	s1 =	rddreg [dreg:$0x0]  }
0x2: {  	s0 =	srdreg.scid;
	s2 =	rddreg [dreg:$0x1]  }
0x3: {  	s4 =	simm.s32 $0x0;
	s6 =	stileid.u32;
	s7 =	simm.s32 $0x80  }
0x4: {  	s8 =	simm.s32 $0x400;
	s9 =	simm.s32 $0x4000;
	s10 =	simm.s32 $0x6000  }
0x5: {  	s11 =	simm.s32 $0x1;
	s12 =	simm.s32 $0x10080;
	s13 =	simm.s32 $0x2  }
0x6: {  	s14 =	simm.s32 $0x3;
	s15 =	simm.s32 $0x4;
	s0 =	sand.u32 $0x1, s0  }
.Ltmp0:
0x7: {  	s16 =	simm.s32 $0x2000;
	s3 =	ssub.s32 $0x2, s0;
	(pc) =	sbr.rel .LBB2_1-.Ltmp0, $4  }
0x8: {  	s19 =	simm.s32 $0x7;
	s20 =	simm.s32 $0x8;
	s5 =	sshrl.u32 s3, $0x1  }
0x9: {  	s21 =	simm.s32 $0x0;
	[smem:$0x7FF] =	sst s4;
	s3 =	ssub.s32 s3, s5  }
0xa: {  	v0 =	vlaneseq.u32;
	s30 =	sshll.u32 s6, $0xF;
	s0 =	sshll.u32 s0, $0x6;
	s31 =	smax.u32 s3, $0x1  }
0xb: {  	v1 =	vimm.s32 $0x0;
	v3 =	vimm.s32 $0x1;
	v2 =	vmul.u32 $0x101, v0;
	_ =	strace $0x80000047;
	s5 =	sor.u32 s30, s0;
	[dreg:$0x3] =	wrdreg s31  }
.LBB2_48:
0xc: {  	s0 =	simm.s32 $0x5  }
0xd: {  	_ =	swait.ge [sflag:s0], $0x2000  }
0xe: {  	[sflag:s0] =	ssyncset.done $0x0  }
0xf: {  	s30 =	simm.s32 $0x6;
	[sflag:s0] =	ssyncadd.s32 $0xFFFFE000  }
0x10: {  	_ =	swait.ge [sflag:s30], $0x2000  }
0x11: {  	[sflag:s30] =	ssyncset.done $0x0  }
0x12: {  	[sflag:s30] =	ssyncadd.s32 $0xFFFFE000  }
0x13: {  	_ =	swait.ge [sflag:s19], $0x2000  }
0x14: {  	[sflag:s19] =	ssyncset.done $0x0  }
0x15: {  	[sflag:s19] =	ssyncadd.s32 $0xFFFFE000  }
0x16: {  	_ =	swait.ge [sflag:s20], $0x2000  }
0x17: {  	s21 =	sadd.s32 $0x1, s21;
	s31 =	rddreg [dreg:$0x3]  }
0x18: {  	p0 =	sne.s32 s21, s31  }
.Ltmp1:
0x19: {  	_ = 	snop;
	(pc) =	sbr.rel @!p0 .LBB2_49-.Ltmp1, $3  }
0x1a: {  	_ =	sdelay $0x1  }
0x1b: {  	[sflag:s20] =	ssyncset.done $0x0  }
0x1c: {  	[sflag:s20] =	ssyncadd.s32 $0xFFFFE000  }
.LBB2_1:
0x1d: {  	s0 =	simm.s32 $0x0  }
.LBB2_2:
0x1e: {  	p0 =	sne.s32 s0, $0x4040  }
.Ltmp2:
0x1f: {  	_ = 	snop;
	(pc) =	sbr.rel @p0 .LBB2_2-.Ltmp2, $3  }
0x20: {  	_ =	sdelay $0x1  }
0x21: {  	s3 =	sshra.s32 s0, $0x2  }
0x22: {  	s0 =	sadd.s32 $0x40, s0;
	[tilespmem:s3+$0x10080] =	vst v1  }
0x23: {  	s22 =	simm.s32 $0x0  }
.LBB2_4:
0x24: {  	p0 =	seq.s32 s22, $0x0  }
0x25: {  	s0 =	simm.s32 @!p0 $0x5  }
0x26: {  	s3 =	sshll.u32 s22, $0x4;
	_ =	swait.ge @!p0 [sflag:s0], $0x2000  }
0x27: {  	s23 =	sadd.s32 s5, s3;
	[sflag:s0] =	ssyncset.done @!p0 $0x0  }
0x28: {  	s6 =	simm.s32 @p0 $0x80;
	[sflag:s0] =	ssyncadd.s32 @!p0 $0xFFFFE000;
	s0 =	sadd.s32 s1, s23  }
0x29: {  	[tilespmem:s4], [sflag:$0x1] =	stream.strided.gather [hbm4b:s0+s7], $0x2000, s8, s7, $0x38;
	[tilespmem:$0x11400] =	vst v63  }
0x2a: {  	s17 =	simm.s32 @p0 $0x400;
	s24 =	simm.s32 @p0 $0x2000;
	s3 =	sadd.s32 @p0 $0x2000, s0  }
0x2b: {  	[tilespmem:s24], [sflag:$0x2] =	stream.strided.gather @p0 [hbm4b:s3+s6], $0x2000, s17, s6, $0x38;
	[tilespmem:$0x11400] =	vst v63  }
0x2c: {  	s3 =	simm.s32 @!p0 $0x6  }
0x2d: {  	_ =	swait.ge @!p0 [sflag:s3], $0x2000  }
0x2e: {  	s6 =	simm.s32 @!p0 $0x80;
	s17 =	simm.s32 @!p0 $0x400;
	[sflag:s3] =	ssyncset.done @!p0 $0x0  }
0x2f: {  	s24 =	simm.s32 @!p0 $0x2000;
	[sflag:s3] =	ssyncadd.s32 @!p0 $0xFFFFE000;
	s3 =	sadd.s32 @!p0 $0x2000, s0  }
0x30: {  	[tilespmem:s24], [sflag:$0x2] =	stream.strided.gather @!p0 [hbm4b:s3+s6], $0x2000, s17, s6, $0x38;
	[tilespmem:$0x11400] =	vst v63  }
0x31: {  	s3 =	simm.s32 @!p0 $0x7  }
0x32: {  	_ =	swait.ge @!p0 [sflag:s3], $0x2000  }
0x33: {  	[sflag:s3] =	ssyncset.done @!p0 $0x0  }
0x34: {  	s29 =	sadd.s32 $0x4000, s0;
	[sflag:s3] =	ssyncadd.s32 @!p0 $0xFFFFE000;
	s3 =	simm.s32 @!p0 $0x8  }
0x35: {  	[tilespmem:s9], [sflag:$0x3] =	stream.strided.gather [hbm4b:s29+s7], $0x2000, s8, s7, $0x38;
	[tilespmem:$0x11400] =	vst v63  }
0x36: {  	_ =	swait.ge @!p0 [sflag:s3], $0x2000  }
0x37: {  	[sflag:s3] =	ssyncset.done @!p0 $0x0  }
0x38: {  	s0 =	sadd.s32 $0x6000, s0;
	[sflag:s3] =	ssyncadd.s32 @!p0 $0xFFFFE000  }
0x39: {  	[tilespmem:s10], [sflag:$0x4] =	stream.strided.gather [hbm4b:s0+s7], $0x2000, s8, s7, $0x38;
	[tilespmem:$0x11400] =	vst v63  }
0x3a: {  	_ =	swait.ge [sflag:s11], $0x2000  }
0x3b: {  	[sflag:s11] =	ssyncset.done $0x0  }
0x3c: {  	s30 =	simm.s32 $0x40;
	[sflag:s11] =	ssyncadd.s32 $0xFFFFE000  }
0x3d: {  	v4 =	vld [tilespmem:s30+$0x30]  }
0x3e: {  	v5 =	vld [tilespmem:s30+$0xFFFFFFD0]  }
0x3f: {  	v6 =	vld [tilespmem:s30+$0xFFFFFFE0]  }
0x40: {  	v7 =	vld [tilespmem:s30+$0xFFFFFFF0]  }
0x41: {  	v8 =	vld [tilespmem:s30+$0x0]  }
0x42: {  	v9 =	vld [tilespmem:s30+$0x10]  }
0x43: {  	v10 =	vld [tilespmem:s30+$0x20];
	_ =	sdelay $0x1  }
0x44: {  	v4 =	vadd.f32 $0.0e+00, v4  }
0x45: {  	v5 =	vadd.f32 $0.0e+00, v5;
	v6 =	vadd.f32 $0.0e+00, v6  }
0x46: {  	v7 =	vadd.f32 $0.0e+00, v7;
	v8 =	vadd.f32 $0.0e+00, v8  }
0x47: {  	v9 =	vadd.f32 $0.0e+00, v9;
	v10 =	vadd.f32 $0.0e+00, v10  }
0x48: {  	v11 =	vld [tilespmem:s30+$0xFFFFFFC0];
	v12 =	vshra.s32 v4, $0x1F;
	v13 =	vshra.s32 v5, $0x1F;
	v14 =	vshra.s32 v6, $0x1F  }
0x49: {  	v15 =	vshra.s32 v8, $0x1F;
	v17 =	vshra.s32 v10, $0x1F;
	v12 =	vor.u32 $0x80000000, v12  }
0x4a: {  	v14 =	vor.u32 $0x80000000, v14;
	v15 =	vor.u32 $0x80000000, v15;
	v4 =	vxor.u32 v4, v12  }
0x4b: {  	v12 =	vshra.s32 v7, $0x1F;
	v6 =	vxor.u32 v6, v14;
	v8 =	vxor.u32 v8, v15  }
0x4c: {  	v4 =	vshrl.u32 v4, $0x18;
	v12 =	vor.u32 $0x80000000, v12;
	v6 =	vshrl.u32 v6, $0x18  }
0x4d: {  	s31 =	simm.s32 $0xC0;
	v8 =	vshrl.u32 v8, $0x18;
	v16 =	vadd.s32 v2, v4;
	v4 =	vadd.f32 $0.0e+00, v11  }
0x4e: {  	v14 =	vld [tilespmem:s31+$0xFFFFFFD0];
	v11 =	vor.u32 $0x80000000, v13;
	v13 =	vshra.s32 v9, $0x1F;
	v7 =	vxor.u32 v7, v12  }
0x4f: {  	v19 =	vadd.s32 v2, v6;
	v5 =	vxor.u32 v5, v11;
	v11 =	vor.u32 $0x80000000, v17;
	v17 =	vld [tilespmem:s31+$0x30]  }
0x50: {  	v21 =	vadd.s32 v2, v8;
	v13 =	vor.u32 $0x80000000, v13;
	v7 =	vshrl.u32 v7, $0x18  }
0x51: {  	v12 =	vld [tilespmem:s31+$0xFFFFFFE0];
	v18 =	vshra.s32 v4, $0x1F;
	v5 =	vshrl.u32 v5, $0x18;
	v9 =	vxor.u32 v9, v13  }
0x52: {  	v10 =	vxor.u32 v10, v11;
	v11 =	vld [tilespmem:s31+$0xFFFFFFF0];
	v20 =	vadd.s32 v2, v7;
	v18 =	vor.u32 $0x80000000, v18  }
0x53: {  	v13 =	vld [tilespmem:s31+$0x0];
	v9 =	vshrl.u32 v9, $0x18;
	v4 =	vxor.u32 v4, v18;
	v18 =	vadd.s32 v2, v5  }
0x54: {  	v23 =	vld [tilespmem:s31+$0xFFFFFFC0];
	v5 =	vadd.f32 $0.0e+00, v14;
	v4 =	vshrl.u32 v4, $0x18;
	v17 =	vadd.f32 $0.0e+00, v17  }
0x55: {  	v22 =	vadd.s32 v2, v9;
	v15 =	vadd.s32 v2, v4;
	v4 =	vshrl.u32 v10, $0x18;
	v10 =	vld [tilespmem:s31+$0x10]  }
0x56: {  	v14 =	vld [tilespmem:s31+$0x20];
	v6 =	vadd.f32 $0.0e+00, v12;
	v12 =	vshra.s32 v5, $0x1F;
	v8 =	vshra.s32 v17, $0x1F  }
0x57: {  	[tilespmem:v16+s12+$0x0] =	vst.idx.add.s32.msk $0xffff, v3;
	v4 =	vadd.s32 v2, v4;
	v7 =	vadd.f32 $0.0e+00, v11;
	v9 =	vor.u32 $0x80000000, v8  }
0x58: {  	[tilespmem:v19+s12+$0x0] =	vst.idx.add.s32.msk $0xffff, v3;
	v16 =	vshra.s32 v6, $0x1F;
	v8 =	vadd.f32 $0.0e+00, v13;
	v11 =	vxor.u32 v17, v9  }
0x59: {  	[tilespmem:v21+s12+$0x0] =	vst.idx.add.s32.msk $0xffff, v3;
	v24 =	vshra.s32 v7, $0x1F;
	v13 =	vadd.f32 $0.0e+00, v23;
	v11 =	vshrl.u32 v11, $0x18  }
0x5a: {  	[tilespmem:v20+s12+$0x0] =	vst.idx.add.s32.msk $0xffff, v3;
	v17 =	vor.u32 $0x80000000, v12;
	v9 =	vadd.f32 $0.0e+00, v10;
	v11 =	vadd.s32 v2, v11  }
0x5b: {  	[tilespmem:v18+s12+$0x0] =	vst.idx.add.s32.msk $0xffff, v3;
	v12 =	vor.u32 $0x80000000, v24;
	v25 =	vshra.s32 v8, $0x1F;
	v10 =	vadd.f32 $0.0e+00, v14  }
0x5c: {  	[tilespmem:v15+s12+$0x0] =	vst.idx.add.s32.msk $0xffff, v3;
	v15 =	vor.u32 $0x80000000, v16;
	v19 =	vshra.s32 v13, $0x1F;
	v14 =	vshra.s32 v9, $0x1F  }
0x5d: {  	s3 =	simm.s32 $0x140;
	s0 =	simm.s32 $0x8;
	[tilespmem:v22+s12+$0x0] =	vst.idx.add.s32.msk $0xffff, v3;
	v16 =	vor.u32 $0x80000000, v25;
	v18 =	vshra.s32 v10, $0x1F;
	v14 =	vor.u32 $0x80000000, v14  }
.LBB2_5:
0x5e: {  	v20 =	vld [tilespmem:s3+$0x30];
	v19 =	vor.u32 $0x80000000, v19;
	v5 =	vxor.u32 v5, v17;
	v17 =	vor.u32 $0x80000000, v18  }
0x5f: {  	s0 =	sadd.s32 $0x8, s0;
	v6 =	vxor.u32 v6, v15;
	v13 =	vxor.u32 v13, v19;
	v5 =	vshrl.u32 v5, $0x18;
	[tilespmem:v11+s12+$0x0] =	vst.idx.add.s32.msk $0xffff, v3  }
0x60: {  	v7 =	vxor.u32 v7, v12;
	v8 =	vxor.u32 v8, v16;
	v9 =	vxor.u32 v9, v14;
	p0 =	slt.u32 s0, $0x1F8;
	v11 =	vld [tilespmem:s3+$0xFFFFFFD0]  }
0x61: {  	v6 =	vshrl.u32 v6, $0x18;
	v10 =	vxor.u32 v10, v17;
	v13 =	vshrl.u32 v13, $0x18;
	v12 =	vld [tilespmem:s3+$0xFFFFFFE0]  }
0x62: {  	v7 =	vshrl.u32 v7, $0x18;
	v8 =	vshrl.u32 v8, $0x18;
	v9 =	vshrl.u32 v9, $0x18;
	v14 =	vld [tilespmem:s3+$0xFFFFFFF0]  }
0x63: {  	v16 =	vadd.s32 v2, v5;
	v10 =	vshrl.u32 v10, $0x18;
	v13 =	vadd.s32 v2, v13;
	v15 =	vld [tilespmem:s3+$0x0]  }
0x64: {  	v19 =	vadd.s32 v2, v6;
	v18 =	vadd.f32 $0.0e+00, v20;
	v20 =	vadd.s32 v2, v7;
	v17 =	vld [tilespmem:s3+$0x10]  }
0x65: {  	v21 =	vadd.s32 v2, v8;
	v22 =	vadd.s32 v2, v9;
	v5 =	vadd.f32 $0.0e+00, v11;
	v11 =	vld [tilespmem:s3+$0x20]  }
0x66: {  	v9 =	vadd.s32 v2, v10;
	v8 =	vshra.s32 v18, $0x1F;
	v23 =	vld [tilespmem:s3+$0xFFFFFFC0];
	v6 =	vadd.f32 $0.0e+00, v12  }
0x67: {  	v10 =	vor.u32 $0x80000000, v8;
	v12 =	vshra.s32 v5, $0x1F;
	v7 =	vadd.f32 $0.0e+00, v14;
	[tilespmem:v4+s12+$0x0] =	vst.idx.add.s32.msk $0xffff, v3;
	v4 =	vmovc v9  }
0x68: {  	v10 =	vxor.u32 v18, v10;
	v14 =	vshra.s32 v6, $0x1F;
	v8 =	vadd.f32 $0.0e+00, v15;
	[tilespmem:v13+s12+$0x0] =	vst.idx.add.s32.msk $0xffff, v3  }
.Ltmp3:
0x69: {  	v13 =	vshrl.u32 v10, $0x18;
	v18 =	vshra.s32 v7, $0x1F;
	v9 =	vadd.f32 $0.0e+00, v17;
	[tilespmem:v16+s12+$0x0] =	vst.idx.add.s32.msk $0xffff, v3;
	(pc) =	sbr.rel @p0 .LBB2_5-.Ltmp3, $4  }
0x6a: {  	v16 =	vshra.s32 v8, $0x1F;
	v10 =	vadd.f32 $0.0e+00, v11;
	v11 =	vadd.s32 v2, v13;
	[tilespmem:v19+s12+$0x0] =	vst.idx.add.s32.msk $0xffff, v3  }
0x6b: {  	v17 =	vor.u32 $0x80000000, v12;
	v13 =	vadd.f32 $0.0e+00, v23;
	v23 =	vshra.s32 v9, $0x1F;
	[tilespmem:v20+s12+$0x0] =	vst.idx.add.s32.msk $0xffff, v3  }
0x6c: {  	v15 =	vor.u32 $0x80000000, v14;
	v12 =	vor.u32 $0x80000000, v18;
	v18 =	vshra.s32 v10, $0x1F;
	[tilespmem:v21+s12+$0x0] =	vst.idx.add.s32.msk $0xffff, v3  }
0x6d: {  	s3 =	sadd.s32 $0x80, s3;
	v16 =	vor.u32 $0x80000000, v16;
	v14 =	vor.u32 $0x80000000, v23;
	v19 =	vshra.s32 v13, $0x1F;
	[tilespmem:v22+s12+$0x0] =	vst.idx.add.s32.msk $0xffff, v3  }
0x6e: {  	v19 =	vor.u32 $0x80000000, v19;
	v5 =	vxor.u32 v5, v17  }
0x6f: {  	v17 =	vor.u32 $0x80000000, v18;
	v6 =	vxor.u32 v6, v15;
	v5 =	vshrl.u32 v5, $0x18  }
0x70: {  	v7 =	vxor.u32 v7, v12;
	v6 =	vshrl.u32 v6, $0x18;
	v5 =	vadd.s32 v2, v5  }
0x71: {  	v8 =	vxor.u32 v8, v16;
	v7 =	vshrl.u32 v7, $0x18;
	v6 =	vadd.s32 v2, v6  }
0x72: {  	v9 =	vxor.u32 v9, v14;
	v8 =	vshrl.u32 v8, $0x18;
	v7 =	vadd.s32 v2, v7  }
0x73: {  	[tilespmem:v11+s12+$0x0] =	vst.idx.add.s32.msk $0xffff, v3;
	v13 =	vxor.u32 v13, v19;
	v9 =	vshrl.u32 v9, $0x18;
	v8 =	vadd.s32 v2, v8  }
0x74: {  	[tilespmem:v4+s12+$0x0] =	vst.idx.add.s32.msk $0xffff, v3;
	v10 =	vxor.u32 v10, v17;
	v13 =	vshrl.u32 v13, $0x18;
	v9 =	vadd.s32 v2, v9  }
0x75: {  	v4 =	vshrl.u32 v10, $0x18;
	v13 =	vadd.s32 v2, v13;
	[tilespmem:v5+s12+$0x0] =	vst.idx.add.s32.msk $0xffff, v3  }
0x76: {  	v4 =	vadd.s32 v2, v4;
	[tilespmem:v6+s12+$0x0] =	vst.idx.add.s32.msk $0xffff, v3  }
0x77: {  	[tilespmem:v7+s12+$0x0] =	vst.idx.add.s32.msk $0xffff, v3  }
0x78: {  	[tilespmem:v8+s12+$0x0] =	vst.idx.add.s32.msk $0xffff, v3  }
0x79: {  	[tilespmem:v9+s12+$0x0] =	vst.idx.add.s32.msk $0xffff, v3  }
0x7a: {  	[tilespmem:v13+s12+$0x0] =	vst.idx.add.s32.msk $0xffff, v3  }
0x7b: {  	[tilespmem:v4+s12+$0x0] =	vst.idx.add.s32.msk $0xffff, v3  }
0x7c: {  	_ =	swait.ge [sflag:s13], $0x2000  }
0x7d: {  	[sflag:s13] =	ssyncset.done $0x0  }
0x7e: {  	s0 =	simm.s32 $0x2070;
	[sflag:s13] =	ssyncadd.s32 $0xFFFFE000  }
0x7f: {  	v4 =	vld [tilespmem:s0+$0x0]  }
0x80: {  	v5 =	vld [tilespmem:s0+$0xFFFFFFA0]  }
0x81: {  	v6 =	vld [tilespmem:s0+$0xFFFFFFB0]  }
0x82: {  	v7 =	vld [tilespmem:s0+$0xFFFFFFC0]  }
0x83: {  	v8 =	vld [tilespmem:s0+$0xFFFFFFD0]  }
0x84: {  	v9 =	vld [tilespmem:s0+$0xFFFFFFE0]  }
0x85: {  	v10 =	vld [tilespmem:s0+$0xFFFFFFF0];
	_ =	sdelay $0x1  }
0x86: {  	v4 =	vadd.f32 $0.0e+00, v4  }
0x87: {  	v5 =	vadd.f32 $0.0e+00, v5;
	v6 =	vadd.f32 $0.0e+00, v6  }
0x88: {  	v7 =	vadd.f32 $0.0e+00, v7;
	v8 =	vadd.f32 $0.0e+00, v8  }
0x89: {  	v9 =	vadd.f32 $0.0e+00, v9;
	v10 =	vadd.f32 $0.0e+00, v10  }
0x8a: {  	v11 =	vld [tilespmem:s0+$0xFFFFFF90];
	v12 =	vshra.s32 v4, $0x1F;
	v13 =	vshra.s32 v5, $0x1F;
	v14 =	vshra.s32 v6, $0x1F  }
0x8b: {  	v15 =	vshra.s32 v8, $0x1F;
	v17 =	vshra.s32 v10, $0x1F;
	v12 =	vor.u32 $0x80000000, v12  }
0x8c: {  	v14 =	vor.u32 $0x80000000, v14;
	v15 =	vor.u32 $0x80000000, v15;
	v4 =	vxor.u32 v4, v12  }
0x8d: {  	v12 =	vshra.s32 v7, $0x1F;
	v6 =	vxor.u32 v6, v14;
	v8 =	vxor.u32 v8, v15  }
0x8e: {  	v4 =	vshrl.u32 v4, $0x18;
	v12 =	vor.u32 $0x80000000, v12;
	v6 =	vshrl.u32 v6, $0x18  }
0x8f: {  	s31 =	simm.s32 $0x20F0;
	v8 =	vshrl.u32 v8, $0x18;
	v16 =	vadd.s32 v2, v4;
	v4 =	vadd.f32 $0.0e+00, v11  }
0x90: {  	v14 =	vld [tilespmem:s31+$0xFFFFFFA0];
	v11 =	vor.u32 $0x80000000, v13;
	v13 =	vshra.s32 v9, $0x1F;
	v7 =	vxor.u32 v7, v12  }
0x91: {  	v19 =	vadd.s32 v2, v6;
	v5 =	vxor.u32 v5, v11;
	v11 =	vor.u32 $0x80000000, v17;
	v17 =	vld [tilespmem:s31+$0x0]  }
0x92: {  	v21 =	vadd.s32 v2, v8;
	v13 =	vor.u32 $0x80000000, v13;
	v7 =	vshrl.u32 v7, $0x18  }
0x93: {  	v12 =	vld [tilespmem:s31+$0xFFFFFFB0];
	v18 =	vshra.s32 v4, $0x1F;
	v5 =	vshrl.u32 v5, $0x18;
	v9 =	vxor.u32 v9, v13  }
0x94: {  	v10 =	vxor.u32 v10, v11;
	v11 =	vld [tilespmem:s31+$0xFFFFFFC0];
	v20 =	vadd.s32 v2, v7;
	v18 =	vor.u32 $0x80000000, v18  }
0x95: {  	v13 =	vld [tilespmem:s31+$0xFFFFFFD0];
	v9 =	vshrl.u32 v9, $0x18;
	v4 =	vxor.u32 v4, v18;
	v18 =	vadd.s32 v2, v5  }
0x96: {  	v23 =	vld [tilespmem:s31+$0xFFFFFF90];
	v5 =	vadd.f32 $0.0e+00, v14;
	v4 =	vshrl.u32 v4, $0x18;
	v17 =	vadd.f32 $0.0e+00, v17  }
0x97: {  	v22 =	vadd.s32 v2, v9;
	v15 =	vadd.s32 v2, v4;
	v4 =	vshrl.u32 v10, $0x18;
	v10 =	vld [tilespmem:s31+$0xFFFFFFE0]  }
0x98: {  	v14 =	vld [tilespmem:s31+$0xFFFFFFF0];
	v6 =	vadd.f32 $0.0e+00, v12;
	v12 =	vshra.s32 v5, $0x1F;
	v8 =	vshra.s32 v17, $0x1F  }
0x99: {  	[tilespmem:v16+s12+$0x0] =	vst.idx.add.s32.msk $0xffff, v3;
	v4 =	vadd.s32 v2, v4;
	v7 =	vadd.f32 $0.0e+00, v11;
	v9 =	vor.u32 $0x80000000, v8  }
0x9a: {  	[tilespmem:v19+s12+$0x0] =	vst.idx.add.s32.msk $0xffff, v3;
	v16 =	vshra.s32 v6, $0x1F;
	v8 =	vadd.f32 $0.0e+00, v13;
	v11 =	vxor.u32 v17, v9  }
0x9b: {  	[tilespmem:v21+s12+$0x0] =	vst.idx.add.s32.msk $0xffff, v3;
	v24 =	vshra.s32 v7, $0x1F;
	v13 =	vadd.f32 $0.0e+00, v23;
	v11 =	vshrl.u32 v11, $0x18  }
0x9c: {  	[tilespmem:v20+s12+$0x0] =	vst.idx.add.s32.msk $0xffff, v3;
	v17 =	vor.u32 $0x80000000, v12;
	v9 =	vadd.f32 $0.0e+00, v10;
	v11 =	vadd.s32 v2, v11  }
0x9d: {  	[tilespmem:v18+s12+$0x0] =	vst.idx.add.s32.msk $0xffff, v3;
	v12 =	vor.u32 $0x80000000, v24;
	v25 =	vshra.s32 v8, $0x1F;
	v10 =	vadd.f32 $0.0e+00, v14  }
0x9e: {  	[tilespmem:v15+s12+$0x0] =	vst.idx.add.s32.msk $0xffff, v3;
	v15 =	vor.u32 $0x80000000, v16;
	v19 =	vshra.s32 v13, $0x1F;
	v14 =	vshra.s32 v9, $0x1F  }
0x9f: {  	s3 =	simm.s32 $0x2170;
	s0 =	simm.s32 $0x208;
	[tilespmem:v22+s12+$0x0] =	vst.idx.add.s32.msk $0xffff, v3;
	v16 =	vor.u32 $0x80000000, v25;
	v18 =	vshra.s32 v10, $0x1F;
	v14 =	vor.u32 $0x80000000, v14  }
.LBB2_7:
0xa0: {  	v20 =	vld [tilespmem:s3+$0x0];
	v19 =	vor.u32 $0x80000000, v19;
	v5 =	vxor.u32 v5, v17;
	v17 =	vor.u32 $0x80000000, v18  }
0xa1: {  	s0 =	sadd.s32 $0x8, s0;
	v6 =	vxor.u32 v6, v15;
	v13 =	vxor.u32 v13, v19;
	v5 =	vshrl.u32 v5, $0x18;
	[tilespmem:v11+s12+$0x0] =	vst.idx.add.s32.msk $0xffff, v3  }
0xa2: {  	v7 =	vxor.u32 v7, v12;
	v8 =	vxor.u32 v8, v16;
	v9 =	vxor.u32 v9, v14;
	p0 =	slt.u32 s0, $0x3F8;
	v11 =	vld [tilespmem:s3+$0xFFFFFFA0]  }
0xa3: {  	v6 =	vshrl.u32 v6, $0x18;
	v10 =	vxor.u32 v10, v17;
	v13 =	vshrl.u32 v13, $0x18;
	v12 =	vld [tilespmem:s3+$0xFFFFFFB0]  }
0xa4: {  	v7 =	vshrl.u32 v7, $0x18;
	v8 =	vshrl.u32 v8, $0x18;
	v9 =	vshrl.u32 v9, $0x18;
	v14 =	vld [tilespmem:s3+$0xFFFFFFC0]  }
0xa5: {  	v16 =	vadd.s32 v2, v5;
	v10 =	vshrl.u32 v10, $0x18;
	v13 =	vadd.s32 v2, v13;
	v15 =	vld [tilespmem:s3+$0xFFFFFFD0]  }
0xa6: {  	v19 =	vadd.s32 v2, v6;
	v18 =	vadd.f32 $0.0e+00, v20;
	v20 =	vadd.s32 v2, v7;
	v17 =	vld [tilespmem:s3+$0xFFFFFFE0]  }
0xa7: {  	v21 =	vadd.s32 v2, v8;
	v22 =	vadd.s32 v2, v9;
	v5 =	vadd.f32 $0.0e+00, v11;
	v11 =	vld [tilespmem:s3+$0xFFFFFFF0]  }
0xa8: {  	v9 =	vadd.s32 v2, v10;
	v8 =	vshra.s32 v18, $0x1F;
	v23 =	vld [tilespmem:s3+$0xFFFFFF90];
	v6 =	vadd.f32 $0.0e+00, v12  }
0xa9: {  	v10 =	vor.u32 $0x80000000, v8;
	v12 =	vshra.s32 v5, $0x1F;
	v7 =	vadd.f32 $0.0e+00, v14;
	[tilespmem:v4+s12+$0x0] =	vst.idx.add.s32.msk $0xffff, v3;
	v4 =	vmovc v9  }
0xaa: {  	v10 =	vxor.u32 v18, v10;
	v14 =	vshra.s32 v6, $0x1F;
	v8 =	vadd.f32 $0.0e+00, v15;
	[tilespmem:v13+s12+$0x0] =	vst.idx.add.s32.msk $0xffff, v3  }
.Ltmp4:
0xab: {  	v13 =	vshrl.u32 v10, $0x18;
	v18 =	vshra.s32 v7, $0x1F;
	v9 =	vadd.f32 $0.0e+00, v17;
	[tilespmem:v16+s12+$0x0] =	vst.idx.add.s32.msk $0xffff, v3;
	(pc) =	sbr.rel @p0 .LBB2_7-.Ltmp4, $4  }
0xac: {  	v16 =	vshra.s32 v8, $0x1F;
	v10 =	vadd.f32 $0.0e+00, v11;
	v11 =	vadd.s32 v2, v13;
	[tilespmem:v19+s12+$0x0] =	vst.idx.add.s32.msk $0xffff, v3  }
0xad: {  	v17 =	vor.u32 $0x80000000, v12;
	v13 =	vadd.f32 $0.0e+00, v23;
	v23 =	vshra.s32 v9, $0x1F;
	[tilespmem:v20+s12+$0x0] =	vst.idx.add.s32.msk $0xffff, v3  }
0xae: {  	v15 =	vor.u32 $0x80000000, v14;
	v12 =	vor.u32 $0x80000000, v18;
	v18 =	vshra.s32 v10, $0x1F;
	[tilespmem:v21+s12+$0x0] =	vst.idx.add.s32.msk $0xffff, v3  }
0xaf: {  	s3 =	sadd.s32 $0x80, s3;
	v16 =	vor.u32 $0x80000000, v16;
	v14 =	vor.u32 $0x80000000, v23;
	v19 =	vshra.s32 v13, $0x1F;
	[tilespmem:v22+s12+$0x0] =	vst.idx.add.s32.msk $0xffff, v3  }
0xb0: {  	v19 =	vor.u32 $0x80000000, v19;
	v5 =	vxor.u32 v5, v17  }
0xb1: {  	v17 =	vor.u32 $0x80000000, v18;
	v6 =	vxor.u32 v6, v15;
	v5 =	vshrl.u32 v5, $0x18  }
0xb2: {  	v7 =	vxor.u32 v7, v12;
	v6 =	vshrl.u32 v6, $0x18;
	v5 =	vadd.s32 v2, v5  }
0xb3: {  	v8 =	vxor.u32 v8, v16;
	v7 =	vshrl.u32 v7, $0x18;
	v6 =	vadd.s32 v2, v6  }
0xb4: {  	v9 =	vxor.u32 v9, v14;
	v8 =	vshrl.u32 v8, $0x18;
	v7 =	vadd.s32 v2, v7  }
0xb5: {  	[tilespmem:v11+s12+$0x0] =	vst.idx.add.s32.msk $0xffff, v3;
	v13 =	vxor.u32 v13, v19;
	v9 =	vshrl.u32 v9, $0x18;
	v8 =	vadd.s32 v2, v8  }
0xb6: {  	[tilespmem:v4+s12+$0x0] =	vst.idx.add.s32.msk $0xffff, v3;
	v10 =	vxor.u32 v10, v17;
	v13 =	vshrl.u32 v13, $0x18;
	v9 =	vadd.s32 v2, v9  }
0xb7: {  	v4 =	vshrl.u32 v10, $0x18;
	v13 =	vadd.s32 v2, v13;
	[tilespmem:v5+s12+$0x0] =	vst.idx.add.s32.msk $0xffff, v3  }
0xb8: {  	v4 =	vadd.s32 v2, v4;
	[tilespmem:v6+s12+$0x0] =	vst.idx.add.s32.msk $0xffff, v3  }
0xb9: {  	[tilespmem:v7+s12+$0x0] =	vst.idx.add.s32.msk $0xffff, v3  }
0xba: {  	[tilespmem:v8+s12+$0x0] =	vst.idx.add.s32.msk $0xffff, v3  }
0xbb: {  	[tilespmem:v9+s12+$0x0] =	vst.idx.add.s32.msk $0xffff, v3  }
0xbc: {  	[tilespmem:v13+s12+$0x0] =	vst.idx.add.s32.msk $0xffff, v3  }
0xbd: {  	[tilespmem:v4+s12+$0x0] =	vst.idx.add.s32.msk $0xffff, v3  }
0xbe: {  	_ =	swait.ge [sflag:s14], $0x2000  }
0xbf: {  	[sflag:s14] =	ssyncset.done $0x0  }
0xc0: {  	s0 =	simm.s32 $0x4070;
	[sflag:s14] =	ssyncadd.s32 $0xFFFFE000  }
0xc1: {  	v4 =	vld [tilespmem:s0+$0x0]  }
0xc2: {  	v5 =	vld [tilespmem:s0+$0xFFFFFFA0]  }
0xc3: {  	v6 =	vld [tilespmem:s0+$0xFFFFFFB0]  }
0xc4: {  	v7 =	vld [tilespmem:s0+$0xFFFFFFC0]  }
0xc5: {  	v8 =	vld [tilespmem:s0+$0xFFFFFFD0]  }
0xc6: {  	v9 =	vld [tilespmem:s0+$0xFFFFFFE0]  }
0xc7: {  	v10 =	vld [tilespmem:s0+$0xFFFFFFF0];
	_ =	sdelay $0x1  }
0xc8: {  	v4 =	vadd.f32 $0.0e+00, v4  }
0xc9: {  	v5 =	vadd.f32 $0.0e+00, v5;
	v6 =	vadd.f32 $0.0e+00, v6  }
0xca: {  	v7 =	vadd.f32 $0.0e+00, v7;
	v8 =	vadd.f32 $0.0e+00, v8  }
0xcb: {  	v9 =	vadd.f32 $0.0e+00, v9;
	v10 =	vadd.f32 $0.0e+00, v10  }
0xcc: {  	v11 =	vld [tilespmem:s0+$0xFFFFFF90];
	v12 =	vshra.s32 v4, $0x1F;
	v13 =	vshra.s32 v5, $0x1F;
	v14 =	vshra.s32 v6, $0x1F  }
0xcd: {  	v15 =	vshra.s32 v8, $0x1F;
	v17 =	vshra.s32 v10, $0x1F;
	v12 =	vor.u32 $0x80000000, v12  }
0xce: {  	v14 =	vor.u32 $0x80000000, v14;
	v15 =	vor.u32 $0x80000000, v15;
	v4 =	vxor.u32 v4, v12  }
0xcf: {  	v12 =	vshra.s32 v7, $0x1F;
	v6 =	vxor.u32 v6, v14;
	v8 =	vxor.u32 v8, v15  }
0xd0: {  	v4 =	vshrl.u32 v4, $0x18;
	v12 =	vor.u32 $0x80000000, v12;
	v6 =	vshrl.u32 v6, $0x18  }
0xd1: {  	s31 =	simm.s32 $0x40F0;
	v8 =	vshrl.u32 v8, $0x18;
	v16 =	vadd.s32 v2, v4;
	v4 =	vadd.f32 $0.0e+00, v11  }
0xd2: {  	v14 =	vld [tilespmem:s31+$0xFFFFFFA0];
	v11 =	vor.u32 $0x80000000, v13;
	v13 =	vshra.s32 v9, $0x1F;
	v7 =	vxor.u32 v7, v12  }
0xd3: {  	v19 =	vadd.s32 v2, v6;
	v5 =	vxor.u32 v5, v11;
	v11 =	vor.u32 $0x80000000, v17;
	v17 =	vld [tilespmem:s31+$0x0]  }
0xd4: {  	v21 =	vadd.s32 v2, v8;
	v13 =	vor.u32 $0x80000000, v13;
	v7 =	vshrl.u32 v7, $0x18  }
0xd5: {  	v12 =	vld [tilespmem:s31+$0xFFFFFFB0];
	v18 =	vshra.s32 v4, $0x1F;
	v5 =	vshrl.u32 v5, $0x18;
	v9 =	vxor.u32 v9, v13  }
0xd6: {  	v10 =	vxor.u32 v10, v11;
	v11 =	vld [tilespmem:s31+$0xFFFFFFC0];
	v20 =	vadd.s32 v2, v7;
	v18 =	vor.u32 $0x80000000, v18  }
0xd7: {  	v13 =	vld [tilespmem:s31+$0xFFFFFFD0];
	v9 =	vshrl.u32 v9, $0x18;
	v4 =	vxor.u32 v4, v18;
	v18 =	vadd.s32 v2, v5  }
0xd8: {  	v23 =	vld [tilespmem:s31+$0xFFFFFF90];
	v5 =	vadd.f32 $0.0e+00, v14;
	v4 =	vshrl.u32 v4, $0x18;
	v17 =	vadd.f32 $0.0e+00, v17  }
0xd9: {  	v22 =	vadd.s32 v2, v9;
	v15 =	vadd.s32 v2, v4;
	v4 =	vshrl.u32 v10, $0x18;
	v10 =	vld [tilespmem:s31+$0xFFFFFFE0]  }
0xda: {  	v14 =	vld [tilespmem:s31+$0xFFFFFFF0];
	v6 =	vadd.f32 $0.0e+00, v12;
	v12 =	vshra.s32 v5, $0x1F;
	v8 =	vshra.s32 v17, $0x1F  }
0xdb: {  	[tilespmem:v16+s12+$0x0] =	vst.idx.add.s32.msk $0xffff, v3;
	v4 =	vadd.s32 v2, v4;
	v7 =	vadd.f32 $0.0e+00, v11;
	v9 =	vor.u32 $0x80000000, v8  }
0xdc: {  	[tilespmem:v19+s12+$0x0] =	vst.idx.add.s32.msk $0xffff, v3;
	v16 =	vshra.s32 v6, $0x1F;
	v8 =	vadd.f32 $0.0e+00, v13;
	v11 =	vxor.u32 v17, v9  }
0xdd: {  	[tilespmem:v21+s12+$0x0] =	vst.idx.add.s32.msk $0xffff, v3;
	v24 =	vshra.s32 v7, $0x1F;
	v13 =	vadd.f32 $0.0e+00, v23;
	v11 =	vshrl.u32 v11, $0x18  }
0xde: {  	[tilespmem:v20+s12+$0x0] =	vst.idx.add.s32.msk $0xffff, v3;
	v17 =	vor.u32 $0x80000000, v12;
	v9 =	vadd.f32 $0.0e+00, v10;
	v11 =	vadd.s32 v2, v11  }
0xdf: {  	[tilespmem:v18+s12+$0x0] =	vst.idx.add.s32.msk $0xffff, v3;
	v12 =	vor.u32 $0x80000000, v24;
	v25 =	vshra.s32 v8, $0x1F;
	v10 =	vadd.f32 $0.0e+00, v14  }
0xe0: {  	[tilespmem:v15+s12+$0x0] =	vst.idx.add.s32.msk $0xffff, v3;
	v15 =	vor.u32 $0x80000000, v16;
	v19 =	vshra.s32 v13, $0x1F;
	v14 =	vshra.s32 v9, $0x1F  }
0xe1: {  	s3 =	simm.s32 $0x4170;
	s0 =	simm.s32 $0x408;
	[tilespmem:v22+s12+$0x0] =	vst.idx.add.s32.msk $0xffff, v3;
	v16 =	vor.u32 $0x80000000, v25;
	v18 =	vshra.s32 v10, $0x1F;
	v14 =	vor.u32 $0x80000000, v14  }
.LBB2_9:
0xe2: {  	v20 =	vld [tilespmem:s3+$0x0];
	v19 =	vor.u32 $0x80000000, v19;
	v5 =	vxor.u32 v5, v17;
	v17 =	vor.u32 $0x80000000, v18  }
0xe3: {  	s0 =	sadd.s32 $0x8, s0;
	v6 =	vxor.u32 v6, v15;
	v13 =	vxor.u32 v13, v19;
	v5 =	vshrl.u32 v5, $0x18;
	[tilespmem:v11+s12+$0x0] =	vst.idx.add.s32.msk $0xffff, v3  }
0xe4: {  	v7 =	vxor.u32 v7, v12;
	v8 =	vxor.u32 v8, v16;
	v9 =	vxor.u32 v9, v14;
	p0 =	slt.u32 s0, $0x5F8;
	v11 =	vld [tilespmem:s3+$0xFFFFFFA0]  }
0xe5: {  	v6 =	vshrl.u32 v6, $0x18;
	v10 =	vxor.u32 v10, v17;
	v13 =	vshrl.u32 v13, $0x18;
	v12 =	vld [tilespmem:s3+$0xFFFFFFB0]  }
0xe6: {  	v7 =	vshrl.u32 v7, $0x18;
	v8 =	vshrl.u32 v8, $0x18;
	v9 =	vshrl.u32 v9, $0x18;
	v14 =	vld [tilespmem:s3+$0xFFFFFFC0]  }
0xe7: {  	v16 =	vadd.s32 v2, v5;
	v10 =	vshrl.u32 v10, $0x18;
	v13 =	vadd.s32 v2, v13;
	v15 =	vld [tilespmem:s3+$0xFFFFFFD0]  }
0xe8: {  	v19 =	vadd.s32 v2, v6;
	v18 =	vadd.f32 $0.0e+00, v20;
	v20 =	vadd.s32 v2, v7;
	v17 =	vld [tilespmem:s3+$0xFFFFFFE0]  }
0xe9: {  	v21 =	vadd.s32 v2, v8;
	v22 =	vadd.s32 v2, v9;
	v5 =	vadd.f32 $0.0e+00, v11;
	v11 =	vld [tilespmem:s3+$0xFFFFFFF0]  }
0xea: {  	v9 =	vadd.s32 v2, v10;
	v8 =	vshra.s32 v18, $0x1F;
	v23 =	vld [tilespmem:s3+$0xFFFFFF90];
	v6 =	vadd.f32 $0.0e+00, v12  }
0xeb: {  	v10 =	vor.u32 $0x80000000, v8;
	v12 =	vshra.s32 v5, $0x1F;
	v7 =	vadd.f32 $0.0e+00, v14;
	[tilespmem:v4+s12+$0x0] =	vst.idx.add.s32.msk $0xffff, v3;
	v4 =	vmovc v9  }
0xec: {  	v10 =	vxor.u32 v18, v10;
	v14 =	vshra.s32 v6, $0x1F;
	v8 =	vadd.f32 $0.0e+00, v15;
	[tilespmem:v13+s12+$0x0] =	vst.idx.add.s32.msk $0xffff, v3  }
.Ltmp5:
0xed: {  	v13 =	vshrl.u32 v10, $0x18;
	v18 =	vshra.s32 v7, $0x1F;
	v9 =	vadd.f32 $0.0e+00, v17;
	[tilespmem:v16+s12+$0x0] =	vst.idx.add.s32.msk $0xffff, v3;
	(pc) =	sbr.rel @p0 .LBB2_9-.Ltmp5, $4  }
0xee: {  	v16 =	vshra.s32 v8, $0x1F;
	v10 =	vadd.f32 $0.0e+00, v11;
	v11 =	vadd.s32 v2, v13;
	[tilespmem:v19+s12+$0x0] =	vst.idx.add.s32.msk $0xffff, v3  }
0xef: {  	v17 =	vor.u32 $0x80000000, v12;
	v13 =	vadd.f32 $0.0e+00, v23;
	v23 =	vshra.s32 v9, $0x1F;
	[tilespmem:v20+s12+$0x0] =	vst.idx.add.s32.msk $0xffff, v3  }
0xf0: {  	v15 =	vor.u32 $0x80000000, v14;
	v12 =	vor.u32 $0x80000000, v18;
	v18 =	vshra.s32 v10, $0x1F;
	[tilespmem:v21+s12+$0x0] =	vst.idx.add.s32.msk $0xffff, v3  }
0xf1: {  	s3 =	sadd.s32 $0x80, s3;
	v16 =	vor.u32 $0x80000000, v16;
	v14 =	vor.u32 $0x80000000, v23;
	v19 =	vshra.s32 v13, $0x1F;
	[tilespmem:v22+s12+$0x0] =	vst.idx.add.s32.msk $0xffff, v3  }
0xf2: {  	v19 =	vor.u32 $0x80000000, v19;
	v5 =	vxor.u32 v5, v17  }
0xf3: {  	v17 =	vor.u32 $0x80000000, v18;
	v6 =	vxor.u32 v6, v15;
	v5 =	vshrl.u32 v5, $0x18  }
0xf4: {  	v7 =	vxor.u32 v7, v12;
	v6 =	vshrl.u32 v6, $0x18;
	v5 =	vadd.s32 v2, v5  }
0xf5: {  	v8 =	vxor.u32 v8, v16;
	v7 =	vshrl.u32 v7, $0x18;
	v6 =	vadd.s32 v2, v6  }
0xf6: {  	v9 =	vxor.u32 v9, v14;
	v8 =	vshrl.u32 v8, $0x18;
	v7 =	vadd.s32 v2, v7  }
0xf7: {  	[tilespmem:v11+s12+$0x0] =	vst.idx.add.s32.msk $0xffff, v3;
	v13 =	vxor.u32 v13, v19;
	v9 =	vshrl.u32 v9, $0x18;
	v8 =	vadd.s32 v2, v8  }
0xf8: {  	[tilespmem:v4+s12+$0x0] =	vst.idx.add.s32.msk $0xffff, v3;
	v10 =	vxor.u32 v10, v17;
	v13 =	vshrl.u32 v13, $0x18;
	v9 =	vadd.s32 v2, v9  }
0xf9: {  	v4 =	vshrl.u32 v10, $0x18;
	v13 =	vadd.s32 v2, v13;
	[tilespmem:v5+s12+$0x0] =	vst.idx.add.s32.msk $0xffff, v3  }
0xfa: {  	v4 =	vadd.s32 v2, v4;
	[tilespmem:v6+s12+$0x0] =	vst.idx.add.s32.msk $0xffff, v3  }
0xfb: {  	[tilespmem:v7+s12+$0x0] =	vst.idx.add.s32.msk $0xffff, v3  }
0xfc: {  	[tilespmem:v8+s12+$0x0] =	vst.idx.add.s32.msk $0xffff, v3  }
0xfd: {  	[tilespmem:v9+s12+$0x0] =	vst.idx.add.s32.msk $0xffff, v3  }
0xfe: {  	[tilespmem:v13+s12+$0x0] =	vst.idx.add.s32.msk $0xffff, v3  }
0xff: {  	[tilespmem:v4+s12+$0x0] =	vst.idx.add.s32.msk $0xffff, v3  }
0x100: {  	_ =	swait.ge [sflag:s15], $0x2000  }
0x101: {  	[sflag:s15] =	ssyncset.done $0x0  }
0x102: {  	s0 =	simm.s32 $0x6070;
	[sflag:s15] =	ssyncadd.s32 $0xFFFFE000  }
0x103: {  	v4 =	vld [tilespmem:s0+$0x0]  }
0x104: {  	v5 =	vld [tilespmem:s0+$0xFFFFFFA0]  }
0x105: {  	v6 =	vld [tilespmem:s0+$0xFFFFFFB0]  }
0x106: {  	v7 =	vld [tilespmem:s0+$0xFFFFFFC0]  }
0x107: {  	v8 =	vld [tilespmem:s0+$0xFFFFFFD0]  }
0x108: {  	v9 =	vld [tilespmem:s0+$0xFFFFFFE0]  }
0x109: {  	v10 =	vld [tilespmem:s0+$0xFFFFFFF0];
	_ =	sdelay $0x1  }
0x10a: {  	v4 =	vadd.f32 $0.0e+00, v4  }
0x10b: {  	v5 =	vadd.f32 $0.0e+00, v5;
	v6 =	vadd.f32 $0.0e+00, v6  }
0x10c: {  	v7 =	vadd.f32 $0.0e+00, v7;
	v8 =	vadd.f32 $0.0e+00, v8  }
0x10d: {  	v9 =	vadd.f32 $0.0e+00, v9;
	v10 =	vadd.f32 $0.0e+00, v10  }
0x10e: {  	v11 =	vld [tilespmem:s0+$0xFFFFFF90];
	v12 =	vshra.s32 v4, $0x1F;
	v13 =	vshra.s32 v5, $0x1F;
	v14 =	vshra.s32 v6, $0x1F  }
0x10f: {  	v15 =	vshra.s32 v8, $0x1F;
	v17 =	vshra.s32 v10, $0x1F;
	v12 =	vor.u32 $0x80000000, v12  }
0x110: {  	v14 =	vor.u32 $0x80000000, v14;
	v15 =	vor.u32 $0x80000000, v15;
	v4 =	vxor.u32 v4, v12  }
0x111: {  	v12 =	vshra.s32 v7, $0x1F;
	v6 =	vxor.u32 v6, v14;
	v8 =	vxor.u32 v8, v15  }
0x112: {  	v4 =	vshrl.u32 v4, $0x18;
	v12 =	vor.u32 $0x80000000, v12;
	v6 =	vshrl.u32 v6, $0x18  }
0x113: {  	s31 =	simm.s32 $0x60F0;
	v8 =	vshrl.u32 v8, $0x18;
	v16 =	vadd.s32 v2, v4;
	v4 =	vadd.f32 $0.0e+00, v11  }
0x114: {  	v14 =	vld [tilespmem:s31+$0xFFFFFFA0];
	v11 =	vor.u32 $0x80000000, v13;
	v13 =	vshra.s32 v9, $0x1F;
	v7 =	vxor.u32 v7, v12  }
0x115: {  	v19 =	vadd.s32 v2, v6;
	v5 =	vxor.u32 v5, v11;
	v11 =	vor.u32 $0x80000000, v17;
	v17 =	vld [tilespmem:s31+$0x0]  }
0x116: {  	v21 =	vadd.s32 v2, v8;
	v13 =	vor.u32 $0x80000000, v13;
	v7 =	vshrl.u32 v7, $0x18  }
0x117: {  	v12 =	vld [tilespmem:s31+$0xFFFFFFB0];
	v18 =	vshra.s32 v4, $0x1F;
	v5 =	vshrl.u32 v5, $0x18;
	v9 =	vxor.u32 v9, v13  }
0x118: {  	v10 =	vxor.u32 v10, v11;
	v11 =	vld [tilespmem:s31+$0xFFFFFFC0];
	v20 =	vadd.s32 v2, v7;
	v18 =	vor.u32 $0x80000000, v18  }
0x119: {  	v13 =	vld [tilespmem:s31+$0xFFFFFFD0];
	v9 =	vshrl.u32 v9, $0x18;
	v4 =	vxor.u32 v4, v18;
	v18 =	vadd.s32 v2, v5  }
0x11a: {  	v23 =	vld [tilespmem:s31+$0xFFFFFF90];
	v5 =	vadd.f32 $0.0e+00, v14;
	v4 =	vshrl.u32 v4, $0x18;
	v17 =	vadd.f32 $0.0e+00, v17  }
0x11b: {  	v22 =	vadd.s32 v2, v9;
	v15 =	vadd.s32 v2, v4;
	v4 =	vshrl.u32 v10, $0x18;
	v10 =	vld [tilespmem:s31+$0xFFFFFFE0]  }
0x11c: {  	v14 =	vld [tilespmem:s31+$0xFFFFFFF0];
	v6 =	vadd.f32 $0.0e+00, v12;
	v12 =	vshra.s32 v5, $0x1F;
	v8 =	vshra.s32 v17, $0x1F  }
0x11d: {  	[tilespmem:v16+s12+$0x0] =	vst.idx.add.s32.msk $0xffff, v3;
	v4 =	vadd.s32 v2, v4;
	v7 =	vadd.f32 $0.0e+00, v11;
	v9 =	vor.u32 $0x80000000, v8  }
0x11e: {  	[tilespmem:v19+s12+$0x0] =	vst.idx.add.s32.msk $0xffff, v3;
	v16 =	vshra.s32 v6, $0x1F;
	v8 =	vadd.f32 $0.0e+00, v13;
	v11 =	vxor.u32 v17, v9  }
0x11f: {  	[tilespmem:v21+s12+$0x0] =	vst.idx.add.s32.msk $0xffff, v3;
	v24 =	vshra.s32 v7, $0x1F;
	v13 =	vadd.f32 $0.0e+00, v23;
	v11 =	vshrl.u32 v11, $0x18  }
0x120: {  	[tilespmem:v20+s12+$0x0] =	vst.idx.add.s32.msk $0xffff, v3;
	v17 =	vor.u32 $0x80000000, v12;
	v9 =	vadd.f32 $0.0e+00, v10;
	v11 =	vadd.s32 v2, v11  }
0x121: {  	[tilespmem:v18+s12+$0x0] =	vst.idx.add.s32.msk $0xffff, v3;
	v12 =	vor.u32 $0x80000000, v24;
	v25 =	vshra.s32 v8, $0x1F;
	v10 =	vadd.f32 $0.0e+00, v14  }
0x122: {  	[tilespmem:v15+s12+$0x0] =	vst.idx.add.s32.msk $0xffff, v3;
	v15 =	vor.u32 $0x80000000, v16;
	v19 =	vshra.s32 v13, $0x1F;
	v14 =	vshra.s32 v9, $0x1F  }
0x123: {  	s3 =	simm.s32 $0x6170;
	s0 =	simm.s32 $0x608;
	[tilespmem:v22+s12+$0x0] =	vst.idx.add.s32.msk $0xffff, v3;
	v16 =	vor.u32 $0x80000000, v25;
	v18 =	vshra.s32 v10, $0x1F;
	v14 =	vor.u32 $0x80000000, v14  }
.LBB2_11:
0x124: {  	v20 =	vld [tilespmem:s3+$0x0];
	v19 =	vor.u32 $0x80000000, v19;
	v5 =	vxor.u32 v5, v17;
	v17 =	vor.u32 $0x80000000, v18  }
0x125: {  	s0 =	sadd.s32 $0x8, s0;
	v6 =	vxor.u32 v6, v15;
	v13 =	vxor.u32 v13, v19;
	v5 =	vshrl.u32 v5, $0x18;
	[tilespmem:v11+s12+$0x0] =	vst.idx.add.s32.msk $0xffff, v3  }
0x126: {  	v7 =	vxor.u32 v7, v12;
	v8 =	vxor.u32 v8, v16;
	v9 =	vxor.u32 v9, v14;
	p0 =	slt.u32 s0, $0x7F8;
	v11 =	vld [tilespmem:s3+$0xFFFFFFA0]  }
0x127: {  	v6 =	vshrl.u32 v6, $0x18;
	v10 =	vxor.u32 v10, v17;
	v13 =	vshrl.u32 v13, $0x18;
	v12 =	vld [tilespmem:s3+$0xFFFFFFB0]  }
0x128: {  	v7 =	vshrl.u32 v7, $0x18;
	v8 =	vshrl.u32 v8, $0x18;
	v9 =	vshrl.u32 v9, $0x18;
	v14 =	vld [tilespmem:s3+$0xFFFFFFC0]  }
0x129: {  	v16 =	vadd.s32 v2, v5;
	v10 =	vshrl.u32 v10, $0x18;
	v13 =	vadd.s32 v2, v13;
	v15 =	vld [tilespmem:s3+$0xFFFFFFD0]  }
0x12a: {  	v19 =	vadd.s32 v2, v6;
	v18 =	vadd.f32 $0.0e+00, v20;
	v20 =	vadd.s32 v2, v7;
	v17 =	vld [tilespmem:s3+$0xFFFFFFE0]  }
0x12b: {  	v21 =	vadd.s32 v2, v8;
	v22 =	vadd.s32 v2, v9;
	v5 =	vadd.f32 $0.0e+00, v11;
	v11 =	vld [tilespmem:s3+$0xFFFFFFF0]  }
0x12c: {  	v9 =	vadd.s32 v2, v10;
	v8 =	vshra.s32 v18, $0x1F;
	v23 =	vld [tilespmem:s3+$0xFFFFFF90];
	v6 =	vadd.f32 $0.0e+00, v12  }
0x12d: {  	v10 =	vor.u32 $0x80000000, v8;
	v12 =	vshra.s32 v5, $0x1F;
	v7 =	vadd.f32 $0.0e+00, v14;
	[tilespmem:v4+s12+$0x0] =	vst.idx.add.s32.msk $0xffff, v3;
	v4 =	vmovc v9  }
0x12e: {  	v10 =	vxor.u32 v18, v10;
	v14 =	vshra.s32 v6, $0x1F;
	v8 =	vadd.f32 $0.0e+00, v15;
	[tilespmem:v13+s12+$0x0] =	vst.idx.add.s32.msk $0xffff, v3  }
.Ltmp6:
0x12f: {  	v13 =	vshrl.u32 v10, $0x18;
	v18 =	vshra.s32 v7, $0x1F;
	v9 =	vadd.f32 $0.0e+00, v17;
	[tilespmem:v16+s12+$0x0] =	vst.idx.add.s32.msk $0xffff, v3;
	(pc) =	sbr.rel @p0 .LBB2_11-.Ltmp6, $4  }
0x130: {  	v16 =	vshra.s32 v8, $0x1F;
	v10 =	vadd.f32 $0.0e+00, v11;
	v11 =	vadd.s32 v2, v13;
	[tilespmem:v19+s12+$0x0] =	vst.idx.add.s32.msk $0xffff, v3  }
0x131: {  	v17 =	vor.u32 $0x80000000, v12;
	v13 =	vadd.f32 $0.0e+00, v23;
	v23 =	vshra.s32 v9, $0x1F;
	[tilespmem:v20+s12+$0x0] =	vst.idx.add.s32.msk $0xffff, v3  }
0x132: {  	v15 =	vor.u32 $0x80000000, v14;
	v12 =	vor.u32 $0x80000000, v18;
	v18 =	vshra.s32 v10, $0x1F;
	[tilespmem:v21+s12+$0x0] =	vst.idx.add.s32.msk $0xffff, v3  }
0x133: {  	s3 =	sadd.s32 $0x80, s3;
	v16 =	vor.u32 $0x80000000, v16;
	v14 =	vor.u32 $0x80000000, v23;
	v19 =	vshra.s32 v13, $0x1F;
	[tilespmem:v22+s12+$0x0] =	vst.idx.add.s32.msk $0xffff, v3  }
0x134: {  	v19 =	vor.u32 $0x80000000, v19;
	v5 =	vxor.u32 v5, v17  }
0x135: {  	v63 =	vor.u32 $0x80000000, v18;
	v6 =	vxor.u32 v6, v15;
	v5 =	vshrl.u32 v5, $0x18  }
0x136: {  	v7 =	vxor.u32 v7, v12;
	v6 =	vshrl.u32 v6, $0x18;
	v5 =	vadd.s32 v2, v5  }
0x137: {  	v8 =	vxor.u32 v8, v16;
	v7 =	vshrl.u32 v7, $0x18;
	v6 =	vadd.s32 v2, v6  }
0x138: {  	v9 =	vxor.u32 v9, v14;
	v8 =	vshrl.u32 v8, $0x18;
	v7 =	vadd.s32 v2, v7  }
0x139: {  	[tilespmem:v11+s12+$0x0] =	vst.idx.add.s32.msk $0xffff, v3;
	v13 =	vxor.u32 v13, v19;
	v9 =	vshrl.u32 v9, $0x18;
	v8 =	vadd.s32 v2, v8  }
0x13a: {  	[tilespmem:v4+s12+$0x0] =	vst.idx.add.s32.msk $0xffff, v3;
	v10 =	vxor.u32 v10, v63;
	v13 =	vshrl.u32 v13, $0x18;
	v9 =	vadd.s32 v2, v9  }
0x13b: {  	v4 =	vshrl.u32 v10, $0x18;
	v13 =	vadd.s32 v2, v13;
	[tilespmem:v5+s12+$0x0] =	vst.idx.add.s32.msk $0xffff, v3  }
0x13c: {  	v4 =	vadd.s32 v2, v4;
	[tilespmem:v6+s12+$0x0] =	vst.idx.add.s32.msk $0xffff, v3  }
0x13d: {  	p1 =	por $0x1, $0x1;
	[tilespmem:v7+s12+$0x0] =	vst.idx.add.s32.msk $0xffff, v3  }
.Ltmp7:
0x13e: {  	[tilespmem:v8+s12+$0x0] =	vst.idx.add.s32.msk $0xffff, v3;
	(pc) =	sbr.rel @!p1 .LBB2_13-.Ltmp7, $4  }
0x13f: {  	[tilespmem:v9+s12+$0x0] =	vst.idx.add.s32.msk $0xffff, v3  }
0x140: {  	[tilespmem:v13+s12+$0x0] =	vst.idx.add.s32.msk $0xffff, v3  }
0x141: {  	s24 =	simm.s32 $0x0;
	[tilespmem:v4+s12+$0x0] =	vst.idx.add.s32.msk $0xffff, v3;
	v4 =	vimm.s32 $0x0  }
0x142: {  	p0 =	por $0x0, $0x0;
	v7 =	vld [tilespmem:s24+$0x10080];
	[tilespmem:s24+$0x10080] =	vst v4  }
0x143: {  	v5 =	vld [tilespmem:s24+$0x10181]  }
0x144: {  	[tilespmem:s24+$0x10181] =	vst v4;
	v6 =	vld [tilespmem:s24+$0x10282]  }
0x145: {  	[tilespmem:s24+$0x10282] =	vst v4;
	v8 =	vld [tilespmem:s24+$0x10383]  }
0x146: {  	[tilespmem:s24+$0x10383] =	vst v4;
	v9 =	vld [tilespmem:s24+$0x10484]  }
0x147: {  	[tilespmem:s24+$0x10484] =	vst v4;
	v10 =	vld [tilespmem:s24+$0x10585]  }
0x148: {  	[tilespmem:s24+$0x10585] =	vst v4;
	v11 =	vld [tilespmem:s24+$0x10686];
	v5 =	vadd.s32 v7, v5  }
0x149: {  	[tilespmem:s24+$0x10686] =	vst v4;
	v12 =	vld [tilespmem:s24+$0x10787];
	v5 =	vadd.s32 v6, v5  }
0x14a: {  	[tilespmem:s24+$0x10787] =	vst v4;
	v13 =	vld [tilespmem:s24+$0x10888];
	v5 =	vadd.s32 v8, v5  }
0x14b: {  	[tilespmem:s24+$0x10888] =	vst v4;
	v14 =	vld [tilespmem:s24+$0x10989];
	v5 =	vadd.s32 v9, v5  }
0x14c: {  	[tilespmem:s24+$0x10989] =	vst v4;
	v15 =	vld [tilespmem:s24+$0x10A8A];
	v5 =	vadd.s32 v10, v5  }
0x14d: {  	[tilespmem:s24+$0x10A8A] =	vst v4;
	v7 =	vld [tilespmem:s24+$0x10B8B];
	v6 =	vadd.s32 v11, v5  }
0x14e: {  	p1 =	por $0x1, $0x1;
	[tilespmem:s24+$0x10B8B] =	vst v4;
	v9 =	vld [tilespmem:s24+$0x10C8C];
	v6 =	vadd.s32 v12, v6  }
.Ltmp8:
0x14f: {  	[tilespmem:s24+$0x10C8C] =	vst v4;
	v5 =	vld [tilespmem:s24+$0x10D8D];
	v8 =	vadd.s32 v13, v6;
	(pc) =	sbr.rel @!p1 .LBB2_16-.Ltmp8, $4  }
0x150: {  	[tilespmem:s24+$0x10D8D] =	vst v4;
	v6 =	vld [tilespmem:s24+$0x10E8E];
	v8 =	vadd.s32 v14, v8  }
0x151: {  	[tilespmem:s24+$0x10E8E] =	vst v4;
	v10 =	vadd.s32 v15, v8;
	v8 =	vld [tilespmem:s24+$0x10F8F]  }
0x152: {  	s0 =	simm.s32 $0x10;
	[tilespmem:s24+$0x10F8F] =	vst v4;
	v10 =	vadd.s32 v7, v10  }
0x153: {  	s3 =	simm.s32 $0x80;
	p0 =	por $0x1, $0x1;
	v7 =	vld [tilespmem:s0+$0x10080];
	[tilespmem:s0+$0x10080] =	vst v4;
	v9 =	vadd.s32 v9, v10  }
.LBB2_15:
0x154: {  	p1 =	sne.s32 s3, $0x3C0;
	v10 =	vld [tilespmem:s0+$0x10181];
	[tilespmem:s0+$0x10181] =	vst v4;
	v5 =	vadd.s32 v5, v9  }
0x155: {  	v9 =	vld [tilespmem:s0+$0x10282];
	[tilespmem:s0+$0x10282] =	vst v4;
	v5 =	vadd.s32 v6, v5  }
0x156: {  	v6 =	vld [tilespmem:s0+$0x10383];
	[tilespmem:s0+$0x10383] =	vst v4;
	v5 =	vadd.s32 v8, v5  }
0x157: {  	v8 =	vld [tilespmem:s0+$0x10484];
	[tilespmem:s24+$0x11100] =	vst v5;
	s24 =	smov.u32 s0  }
0x158: {  	[tilespmem:s24+$0x10484] =	vst v4;
	v5 =	vld [tilespmem:s24+$0x10585]  }
0x159: {  	v7 =	vadd.s32 v7, v10;
	[tilespmem:s24+$0x10585] =	vst v4;
	v10 =	vld [tilespmem:s24+$0x10686]  }
0x15a: {  	v7 =	vadd.s32 v9, v7;
	[tilespmem:s24+$0x10686] =	vst v4;
	v9 =	vld [tilespmem:s24+$0x10787]  }
0x15b: {  	v6 =	vadd.s32 v6, v7;
	[tilespmem:s24+$0x10787] =	vst v4;
	v7 =	vld [tilespmem:s24+$0x10888]  }
0x15c: {  	v6 =	vadd.s32 v8, v6;
	[tilespmem:s24+$0x10888] =	vst v4;
	v8 =	vld [tilespmem:s24+$0x10989]  }
0x15d: {  	v5 =	vadd.s32 v5, v6;
	[tilespmem:s24+$0x10989] =	vst v4;
	v11 =	vld [tilespmem:s24+$0x10A8A]  }
0x15e: {  	v5 =	vadd.s32 v10, v5;
	[tilespmem:s24+$0x10A8A] =	vst v4;
	v10 =	vld [tilespmem:s24+$0x10B8B]  }
0x15f: {  	v5 =	vadd.s32 v9, v5;
	[tilespmem:s24+$0x10B8B] =	vst v4;
	v9 =	vld [tilespmem:s24+$0x10C8C]  }
.Ltmp9:
0x160: {  	v6 =	vadd.s32 v7, v5;
	[tilespmem:s24+$0x10C8C] =	vst v4;
	v5 =	vld [tilespmem:s24+$0x10D8D];
	(pc) =	sbr.rel @p1 .LBB2_15-.Ltmp9, $4  }
0x161: {  	v7 =	vadd.s32 v8, v6;
	[tilespmem:s24+$0x10D8D] =	vst v4;
	v6 =	vld [tilespmem:s24+$0x10E8E]  }
0x162: {  	v7 =	vadd.s32 v11, v7;
	[tilespmem:s24+$0x10E8E] =	vst v4;
	v8 =	vld [tilespmem:s24+$0x10F8F]  }
0x163: {  	s0 =	sshra.s32 s3, $0x2;
	v10 =	vadd.s32 v10, v7;
	[tilespmem:s24+$0x10F8F] =	vst v4;
	v4 =	vimm.s32 $0x0  }
0x164: {  	s3 =	sadd.s32 $0x40, s3;
	v7 =	vld [tilespmem:s0+$0x10080];
	[tilespmem:s0+$0x10080] =	vst v4;
	v9 =	vadd.s32 v9, v10  }
.LBB2_16:
0x165: {  	v10 =	vld [tilespmem:s0+$0x10181]  }
0x166: {  	v11 =	vld [tilespmem:s0+$0x10282]  }
0x167: {  	v12 =	vld [tilespmem:s0+$0x10383]  }
0x168: {  	v13 =	vld [tilespmem:s0+$0x10484]  }
0x169: {  	[tilespmem:s0+$0x10181] =	vst v4;
	v14 =	vld [tilespmem:s0+$0x10585]  }
0x16a: {  	[tilespmem:s0+$0x10282] =	vst v4;
	v15 =	vld [tilespmem:s0+$0x10686];
	v7 =	vadd.s32 v7, v10  }
0x16b: {  	[tilespmem:s0+$0x10383] =	vst v4;
	v16 =	vld [tilespmem:s0+$0x10787];
	v7 =	vadd.s32 v11, v7  }
0x16c: {  	[tilespmem:s0+$0x10484] =	vst v4;
	v17 =	vld [tilespmem:s0+$0x10888];
	v7 =	vadd.s32 v12, v7  }
0x16d: {  	[tilespmem:s0+$0x10585] =	vst v4;
	v18 =	vld [tilespmem:s0+$0x10989];
	v7 =	vadd.s32 v13, v7  }
0x16e: {  	[tilespmem:s0+$0x10686] =	vst v4;
	v19 =	vld [tilespmem:s0+$0x10A8A];
	v7 =	vadd.s32 v14, v7  }
0x16f: {  	[tilespmem:s0+$0x10787] =	vst v4;
	v10 =	vld [tilespmem:s0+$0x10B8B];
	v7 =	vadd.s32 v15, v7  }
0x170: {  	[tilespmem:s0+$0x10888] =	vst v4;
	v5 =	vadd.s32 @p0 v5, v9;
	v11 =	vld [tilespmem:s0+$0x10C8C];
	v7 =	vadd.s32 v16, v7  }
0x171: {  	[tilespmem:s0+$0x10989] =	vst v4;
	v5 =	vadd.s32 @p0 v6, v5;
	v12 =	vld [tilespmem:s0+$0x10D8D];
	v7 =	vadd.s32 v17, v7  }
0x172: {  	[tilespmem:s0+$0x10A8A] =	vst v4;
	v5 =	vadd.s32 @p0 v8, v5;
	v13 =	vld [tilespmem:s0+$0x10E8E];
	v7 =	vadd.s32 v18, v7  }
0x173: {  	[tilespmem:s24+$0x11100] =	vst @p0 v5;
	v14 =	vld [tilespmem:s0+$0x10F8F];
	v7 =	vadd.s32 v19, v7  }
0x174: {  	[tilespmem:s0+$0x10B8B] =	vst v4;
	v7 =	vadd.s32 v10, v7  }
0x175: {  	[tilespmem:s0+$0x10C8C] =	vst v4;
	v6 =	vadd.s32 v11, v7  }
0x176: {  	[tilespmem:s0+$0x10D8D] =	vst v4;
	v6 =	vadd.s32 v12, v6  }
0x177: {  	[tilespmem:s0+$0x10E8E] =	vst v4;
	v5 =	vadd.s32 v13, v6  }
0x178: {  	[tilespmem:s0+$0x10F8F] =	vst v4;
	v5 =	vadd.s32 v14, v5  }
0x179: {  	s24 =	simm.s32 $0xF0;
	[tilespmem:s0+$0x11100] =	vst v5  }
0x17a: {  	v9 =	vld [tilespmem:s24+$0x11100];
	_ =	sdelay $0x4  }
0x17b: {  	(xrf0) =	vadd.scan.msk.s32 $0xffff, v9;
	_ =	sdelay $0x5  }
0x17c: {  	v10, _, _ =	vpop (xrf0)  }
0x17d: {  	(v2sf) =	vpush v10, $0xF  }
0x17e: {  	s25 =	simm.s32 $0xE0  }
0x17f: {  	s28 =	simm.s32 $0xD0;
	v8 =	vld [tilespmem:s25+$0x11100]  }
0x180: {  	v5 =	vld [tilespmem:s28+$0x11100];
	_ =	sdelay $0x3  }
0x181: {  	(xrf0) =	vadd.scan.msk.s32 $0xffff, v8  }
0x182: {  	(xrf0) =	vadd.scan.msk.s32 $0xffff, v5;
	_ =	sdelay $0x4  }
0x183: {  	s0 =	simm.s32 $0xC0;
	v12, _, _ =	vpop (xrf0)  }
0x184: {  	v6 =	vld [tilespmem:s0+$0x11100];
	(v2sf) =	vpush v12, $0xF;
	v11, _, _ =	vpop (xrf0)  }
0x185: {  	s3 =	spop (v2sf);
	(v2sf) =	vpush v11, $0xF;
	_ =	sdelay $0x3  }
0x186: {  	s29 =	simm.s32 $0xB0;
	(xrf0) =	vadd.scan.msk.s32 $0xffff, v6  }
0x187: {  	v7 =	vld [tilespmem:s29+$0x11100];
	_ =	sdelay $0x2  }
0x188: {  	s6 =	simm.s32 $0x280;
	s3 =	sadd.s32 $0x0, s3  }
.LBB2_17:
0x189: {  	v13 =	vsub.s32 s3, v10  }
0x18a: {  	s17 =	sshra.s32 s6, $0x2;
	p0 =	sne.s32 s6, $0x0;
	s6 =	sadd.s32 $0xFFFFFFC0, s6;
	(xrf0) =	vadd.scan.msk.s32 $0xffff, v7;
	v10 =	vmov v12;
	v12 =	vmov v11;
	v11, _, _ =	vpop (xrf0);
	v14 =	vmov v7  }
.Ltmp10:
0x18b: {  	v7 =	vld [tilespmem:s17+$0x11100];
	(v2sf) =	vpush v11, $0xF;
	v13 =	vadd.s32 v9, v13;
	v9 =	vmovc v8;
	v8 =	vmovc v5;
	v5 =	vmov v6;
	(pc) =	sbr.rel @p0 .LBB2_17-.Ltmp10, $4  }
0x18c: {  	v6 =	vmov v14;
	[tilespmem:s24+$0x11280] =	vst v13;
	vm0 =	vgt.s32 v13, $0x31;
	s24 =	smov.u32 s25;
	s25 =	smov.u32 s28;
	s28 =	smov.u32 s0  }
0x18d: {  	s0 =	smov.u32 s29;
	s29 =	smov.u32 s17;
	v13 =	vmpcnt.ones.xlane vm0  }
0x18e: {  	s17 =	spop (v2sf)  }
0x18f: {  	s3 =	sadd.s32 s3, s17;
	v4 =	vadd.s32 v4, v13  }
0x190: {  	(xrf0) =	vadd.scan.msk.s32 $0xffff, v7;
	_ =	sdelay $0x4  }
0x191: {  	v13, _, _ =	vpop (xrf0)  }
0x192: {  	(v2sf) =	vpush v13, $0xF;
	v14, _, _ =	vpop (xrf0)  }
0x193: {  	(v2sf) =	vpush v14, $0xF;
	_ =	sdelay $0x9  }
0x194: {  	v10 =	vsub.s32 s3, v10  }
0x195: {  	s6 =	spop (v2sf);
	v9 =	vadd.s32 v9, v10  }
0x196: {  	s30 =	sadd.s32 s3, s6;
	vm0 =	vgt.s32 v9, $0x31  }
0x197: {  	v12 =	vsub.s32 s30, v12;
	v10 =	vmpcnt.ones.xlane vm0;
	s31 =	spop (v2sf)  }
0x198: {  	v8 =	vadd.s32 v8, v12;
	s3 =	sadd.s32 s30, s31;
	s17 =	spop (v2sf)  }
0x199: {  	vm0 =	vgt.s32 v8, $0x31;
	v4 =	vadd.s32 v4, v10;
	v10 =	vsub.s32 s3, v11;
	s3 =	sadd.s32 s3, s17;
	s18 =	spop (v2sf)  }
0x19a: {  	v11 =	vmpcnt.ones.xlane vm0;
	v5 =	vadd.s32 v5, v10;
	v10 =	vsub.s32 s3, v13;
	s3 =	sadd.s32 s3, s18  }
0x19b: {  	vm0 =	vgt.s32 v5, $0x31;
	v6 =	vadd.s32 v6, v10;
	v10 =	vsub.s32 s3, v14  }
0x19c: {  	v12 =	vmpcnt.ones.xlane vm0;
	vm0 =	vgt.s32 v6, $0x31;
	v7 =	vadd.s32 v7, v10  }
0x19d: {  	v4 =	vadd.s32 v4, v11;
	v10 =	vmpcnt.ones.xlane vm0;
	vm0 =	vgt.s32 v7, $0x31  }
0x19e: {  	v4 =	vadd.s32 v4, v12;
	v11 =	vmpcnt.ones.xlane vm0  }
0x19f: {  	v4 =	vadd.s32 v4, v10  }
0x1a0: {  	v4 =	vadd.s32 v4, v11  }
0x1a1: {  	(v2sf) =	vpush v4, $0x0;
	_ =	sdelay $0xb  }
0x1a2: {  	[tilespmem:s24+$0x11280] =	vst v9  }
0x1a3: {  	[tilespmem:s25+$0x11280] =	vst v8  }
0x1a4: {  	[tilespmem:s28+$0x11280] =	vst v5  }
0x1a5: {  	[tilespmem:s0+$0x11280] =	vst v6;
	s26 =	spop (v2sf)  }
0x1a6: {  	s31 =	simm.s32 $0x40;
	[tilespmem:s29+$0x11280] =	vst v7;
	s25 =	sadd.s32 $0xFFFFFFFF, s26;
	s30 =	sshll.u32 s26, $0x18  }
0x1a7: {  	s0 =	simm.s32 $0xFFFFFFFF;
	v18 =	vld [tilespmem:s31+$0xFFFFFFC0];
	s24 =	sshll.u32 s25, $0x18;
	p1 =	sgt.s32 s30, $0xFFFFFFFF  }
0x1a8: {  	s17 =	simm.s32 $0xFFFFFFFF;
	v20 =	vld [tilespmem:s31+$0xFFFFFFE0];
	p0 =	sgt.s32 s24, $0xFFFFFFFF;
	s0 =	simm.s32 @!p1 $0x80000000  }
0x1a9: {  	v21 =	vld [tilespmem:s31+$0xFFFFFFF0];
	s0 =	sxor.u32 s30, s0;
	s17 =	simm.s32 @!p0 $0x80000000  }
0x1aa: {  	v7 =	vld [tilespmem:s31+$0x10];
	s18 =	sxor.u32 s24, s17;
	v4 =	vmov s0  }
0x1ab: {  	v19 =	vld [tilespmem:s31+$0xFFFFFFD0];
	v5 =	vmov s18;
	v6 =	vbroadcast v4, $0x0  }
0x1ac: {  	p6 =	seq.s32 s25, $0xFF;
	s25 =	simm.s32 $0xC0;
	v4 =	vbroadcast v5, $0x0  }
0x1ad: {  	v8 =	vimm.s32 $0x0;
	v14 =	vld [tilespmem:s25+$0xFFFFFFC0];
	v5 =	vpsel p6, $0x7F800000, v6  }
0x1ae: {  	(v2sf) =	vpush v8, $0x0;
	vm0 =	vge.f32 v18, v4;
	vm1 =	vlt.f32 v18, v5  }
0x1af: {  	v6 =	vld [tilespmem:s31+$0x0];
	vm2 =	vlt.f32 v20, v5;
	vm3 =	vge.f32 v21, v4;
	vm5 =	vge.f32 v7, v4  }
0x1b0: {  	vm4 =	vmand vm0, vm1;
	vm0 =	vge.f32 v19, v4;
	vm1 =	vlt.f32 v19, v5  }
0x1b1: {  	v9 =	vmpcnt.ones.xlane vm4;
	vm0 =	vmand vm0, vm1;
	vm1 =	vge.f32 v20, v4  }
0x1b2: {  	vm7 =	vlt.f32 v14, v5;
	v10 =	vmpcnt.ones.xlane vm0;
	vm9 =	vmand vm1, vm2  }
0x1b3: {  	vm1 =	vlt.f32 v21, v5;
	vm10 =	vmmov vm0;
	v11 =	vadd.s32 v8, v9  }
0x1b4: {  	v8 =	vld [tilespmem:s31+$0x20];
	v9 =	vmpcnt.ones.xlane vm9;
	vm2 =	vlt.f32 v6, v5;
	vm8 =	vmand vm3, vm1  }
0x1b5: {  	vm1 =	vge.f32 v6, v4;
	vm3 =	vlt.f32 v7, v5;
	v10 =	vadd.s32 v11, v10  }
0x1b6: {  	vm1 =	vmand vm1, vm2;
	(v2sf) =	vpush v10, $0x0;
	v10 =	vadd.s32 v10, v9;
	v9 =	vld [tilespmem:s31+$0x30]  }
0x1b7: {  	vm2 =	vmand vm5, vm3;
	(v2sf) =	vpush v11, $0x0;
	v11 =	vmpcnt.ones.xlane vm8  }
0x1b8: {  	v12 =	vmpcnt.ones.xlane vm1;
	v13 =	vmpcnt.ones.xlane vm2;
	(v2sf) =	vpush v10, $0x0  }
0x1b9: {  	vm3 =	vlt.f32 v8, v5;
	vm5 =	vge.f32 v8, v4;
	v10 =	vadd.s32 v10, v11  }
0x1ba: {  	vm3 =	vmand vm5, vm3;
	v12 =	vadd.s32 v10, v12;
	(v2sf) =	vpush v10, $0x0  }
0x1bb: {  	v16 =	vld [tilespmem:s25+$0x0];
	v11 =	vmpcnt.ones.xlane vm3;
	vm0 =	vge.f32 v9, v4;
	vm5 =	vlt.f32 v9, v5  }
0x1bc: {  	v10 =	vld [tilespmem:s25+$0xFFFFFFD0];
	v15 =	vadd.s32 v12, v13;
	(v2sf) =	vpush v12, $0x0;
	vm0 =	vmand vm0, vm5  }
0x1bd: {  	v13 =	vld [tilespmem:s25+$0xFFFFFFE0];
	(v2sf) =	vpush v15, $0x0;
	v11 =	vadd.s32 v15, v11;
	v15 =	vmpcnt.ones.xlane vm0  }
0x1be: {  	vm6 =	vmmov vm2;
	vm2 =	vge.f32 v14, v4;
	(v2sf) =	vpush v11, $0x0  }
0x1bf: {  	vm2 =	vmand vm2, vm7;
	v12 =	vld [tilespmem:s25+$0xFFFFFFF0];
	v15 =	vadd.s32 v11, v15  }
0x1c0: {  	v22 =	vmpcnt.ones.xlane vm2;
	(v2sf) =	vpush v15, $0x0  }
0x1c1: {  	v17 =	vld [tilespmem:s25+$0x10];
	vm5 =	vmmov vm3;
	vm3 =	vge.f32 v10, v4;
	vm7 =	vlt.f32 v10, v5  }
0x1c2: {  	vm13 =	vlt.f32 v16, v5;
	v11 =	vld [tilespmem:s26+$0x110FF];
	vm7 =	vmand vm3, vm7;
	vm3 =	vge.f32 v13, v4  }
0x1c3: {  	s28 =	spop (v2sf);
	vm11 =	vlt.f32 v13, v5;
	v22 =	vadd.s32 v15, v22;
	v15 =	vld [tilespmem:s26+$0x1127F];
	v23 =	vmpcnt.ones.xlane vm7  }
0x1c4: {  	vm1 =	vmmov vm1;
	vm12 =	vge.f32 v12, v4;
	[tilespmem:s28+$0x8000] =	vst.msk vm4, v18;
	v18 =	vld [tilespmem:s25+$0x20];
	vm3 =	vmand vm3, vm11  }
0x1c5: {  	vm11 =	vlt.f32 v12, v5;
	v24 =	vmpcnt.ones.xlane vm3;
	v23 =	vadd.s32 v22, v23;
	s29 =	spop (v2sf)  }
0x1c6: {  	vm4 =	vmand vm12, vm11;
	vm11 =	vge.f32 v16, v4;
	(v2sf) =	vpush v23, $0x0;
	[tilespmem:s29+$0x8000] =	vst.msk vm9, v20;
	s30 =	spop (v2sf)  }
0x1c7: {  	(v2sf) =	vpush v22, $0x0;
	v20 =	vadd.s32 v23, v24;
	vm9 =	vlt.f32 v17, v5;
	[tilespmem:s30+$0x8000] =	vst.msk vm10, v19;
	s31 =	spop (v2sf);
	v19 =	vld [tilespmem:s25+$0x30]  }
0x1c8: {  	s26 =	simm.s32 $0x8;
	vm10 =	vge.f32 v17, v4;
	(v2sf) =	vpush v20, $0x0;
	[tilespmem:s31+$0x8000] =	vst.msk vm8, v21;
	vm8 =	vmand vm11, vm13  }
.LBB2_19:
0x1c9: {  	s26 =	sadd.s32 $0x8, s26;
	v21 =	vmpcnt.ones.xlane vm8;
	vm10 =	vmand vm10, vm9;
	vm9 =	vlt.f32 v18, v5  }
0x1ca: {  	v22 =	vmpcnt.ones.xlane vm4;
	vm11 =	vge.f32 v18, v4;
	p0 =	slt.u32 s26, $0x7F8;
	v23 =	vmpcnt.ones.xlane vm10;
	s0 =	spop (v2sf)  }
0x1cb: {  	vm11 =	vmand vm11, vm9;
	vm9 =	vmmov vm7;
	[tilespmem:s0+$0x8000] =	vst.msk vm1, v6;
	s0 =	spop (v2sf);
	v6 =	vmovc v16;
	vm1 =	vmmov vm8  }
0x1cc: {  	s25 =	sadd.s32 $0x80, s25;
	v16 =	vadd.s32 v20, v22;
	v20 =	vmpcnt.ones.xlane vm11;
	vm7 =	vge.f32 v19, v4;
	[tilespmem:s0+$0x8000] =	vst.msk vm6, v7;
	s0 =	spop (v2sf);
	v7 =	vmovc v17  }
0x1cd: {  	v21 =	vadd.s32 v16, v21;
	vm6 =	vlt.f32 v19, v5;
	v17 =	vld [tilespmem:s25+$0xFFFFFFC0];
	(v2sf) =	vpush v16, $0x0;
	[tilespmem:s0+$0x8000] =	vst.msk vm5, v8;
	s0 =	spop (v2sf);
	v8 =	vmovc v18  }
0x1ce: {  	v16 =	vadd.s32 v21, v23;
	v22 =	vld [tilespmem:s25+$0xFFFFFFD0];
	(v2sf) =	vpush v21, $0x0;
	[tilespmem:s0+$0x8000] =	vst.msk vm0, v9;
	vm0 =	vmand vm7, vm6;
	v9 =	vmovc v19  }
0x1cf: {  	v18 =	vadd.s32 v16, v20;
	v19 =	vld [tilespmem:s25+$0xFFFFFFE0];
	v20 =	vmpcnt.ones.xlane vm0;
	s0 =	spop (v2sf);
	(v2sf) =	vpush v16, $0x0  }
0x1d0: {  	vm5 =	vmmov vm11;
	vm6 =	vmmov vm10;
	v21 =	vld [tilespmem:s25+$0xFFFFFFF0];
	[tilespmem:s0+$0x8000] =	vst.msk vm2, v14;
	(v2sf) =	vpush v18, $0x0  }
0x1d1: {  	v18 =	vadd.s32 v18, v20  }
0x1d2: {  	vm2 =	vge.f32 v17, v4;
	vm7 =	vlt.f32 v17, v5;
	v16 =	vld [tilespmem:s25+$0x0];
	(v2sf) =	vpush v18, $0x0;
	v14 =	vmovc v17  }
0x1d3: {  	vm2 =	vmand vm2, vm7;
	vm7 =	vge.f32 v22, v4;
	vm8 =	vlt.f32 v22, v5  }
0x1d4: {  	v20 =	vmpcnt.ones.xlane vm2;
	vm7 =	vmand vm7, vm8;
	vm8 =	vge.f32 v19, v4;
	v17 =	vld [tilespmem:s25+$0x10]  }
0x1d5: {  	vm10 =	vlt.f32 v19, v5;
	v23 =	vmpcnt.ones.xlane vm7;
	vm11 =	vge.f32 v21, v4;
	s0 =	spop (v2sf)  }
.Ltmp11:
0x1d6: {  	vm12 =	vlt.f32 v21, v5;
	v24 =	vadd.s32 v18, v20;
	v18 =	vld [tilespmem:s25+$0x20];
	[tilespmem:s0+$0x8000] =	vst.msk vm3, v13;
	vm3 =	vmand vm8, vm10;
	s0 =	spop (v2sf);
	v13 =	vmovc v19;
	(pc) =	sbr.rel @p0 .LBB2_19-.Ltmp11, $4  }
0x1d7: {  	v19 =	vadd.s32 v24, v23;
	v20 =	vmpcnt.ones.xlane vm3;
	vm8 =	vlt.f32 v16, v5;
	[tilespmem:s0+$0x8000] =	vst.msk vm9, v10;
	s0 =	spop (v2sf);
	v10 =	vmovc v22  }
0x1d8: {  	vm10 =	vge.f32 v16, v4;
	(v2sf) =	vpush v19, $0x0;
	[tilespmem:s0+$0x8000] =	vst.msk vm4, v12;
	vm4 =	vmand vm11, vm12;
	v12 =	vmovc v21  }
0x1d9: {  	v20 =	vadd.s32 v19, v20;
	vm9 =	vlt.f32 v17, v5;
	v19 =	vld [tilespmem:s25+$0x30];
	(v2sf) =	vpush v24, $0x0  }
0x1da: {  	vm8 =	vmand vm10, vm8;
	vm10 =	vge.f32 v17, v4;
	(v2sf) =	vpush v20, $0x0  }
0x1db: {  	v21 =	vmpcnt.ones.xlane vm8;
	v22 =	vmpcnt.ones.xlane vm4  }
0x1dc: {  	vm10 =	vmand vm10, vm9;
	vm15 =	vlt.f32 v18, v5;
	vm11 =	vge.f32 v18, v4  }
0x1dd: {  	v23 =	vmpcnt.ones.xlane vm10;
	vm9 =	vmand vm11, vm15;
	v20 =	vadd.s32 v20, v22  }
0x1de: {  	v61 =	vmpcnt.ones.xlane vm9;
	v21 =	vadd.s32 v20, v21;
	(v2sf) =	vpush v20, $0x0  }
0x1df: {  	v62 =	vadd.s32 v21, v23;
	(v2sf) =	vpush v21, $0x0  }
0x1e0: {  	v63 =	vadd.s32 v62, v61;
	(v2sf) =	vpush v62, $0x0  }
0x1e1: {  	(v2sf) =	vpush v63, $0x0  }
0x1e2: {  	(v2sf) =	vpush v11, $0x0;
	_ =	sdelay $0x2  }
0x1e3: {  	s0 =	spop (v2sf)  }
0x1e4: {  	s3 =	spop (v2sf)  }
0x1e5: {  	s6 =	spop (v2sf)  }
0x1e6: {  	s17 =	spop (v2sf)  }
0x1e7: {  	s25 =	spop (v2sf)  }
0x1e8: {  	s26 =	spop (v2sf)  }
0x1e9: {  	s28 =	spop (v2sf)  }
0x1ea: {  	s29 =	spop (v2sf)  }
0x1eb: {  	s30 =	spop (v2sf)  }
0x1ec: {  	s31 =	spop (v2sf)  }
0x1ed: {  	(v2sf) =	vpush v15, $0x0;
	s18 =	spop (v2sf)  }
0x1ee: {  	[tilespmem:s3+$0x8000] =	vst.msk vm6, v7;
	s3 =	spop (v2sf)  }
0x1ef: {  	[tilespmem:s0+$0x8000] =	vst.msk vm1, v6;
	s0 =	spop (v2sf)  }
0x1f0: {  	[tilespmem:s6+$0x8000] =	vst.msk vm5, v8;
	s6 =	sadd.s32 $0x3F, s0  }
0x1f1: {  	[tilespmem:s25+$0x8000] =	vst.msk vm2, v14;
	s25 =	sand.u32 $0x3F, s6  }
0x1f2: {  	[tilespmem:s26+$0x8000] =	vst.msk vm3, v13;
	s26 =	sshra.s32 s6, $0x1F;
	p1 =	slt.s32 s6, $0x1;
	p0 =	sne.s32 s25, $0x0  }
0x1f3: {  	[tilespmem:s17+$0x8000] =	vst.msk vm0, v9;
	s17 =	sshrl.u32 s26, $0x1A;
	p0 =	por !p1, !p0  }
0x1f4: {  	s6 =	sadd.s32 s17, s6;
	s17 =	simm.s32 $0x1;
	p0 =	por !p0, !p0  }
0x1f5: {  	s6 =	sshra.s32 s6, $0x6;
	s17 =	simm.s32 @!p0 $0x0  }
0x1f6: {  	vm7 =	vmmov vm7;
	s26 =	ssub.s32 s6, s17  }
0x1f7: {  	[tilespmem:s28+$0x8000] =	vst.msk vm7, v10;
	p0 =	sgt.s32 s26, $0x0  }
.Ltmp12:
0x1f8: {  	vm11 =	vmmov vm8;
	[tilespmem:s29+$0x8000] =	vst.msk vm4, v12;
	(pc) =	sbr.rel @!p0 .LBB2_21-.Ltmp12, $4  }
0x1f9: {  	vm12 =	vmmov vm10;
	[tilespmem:s30+$0x8000] =	vst.msk vm11, v16  }
0x1fa: {  	vm15 =	vmmov vm9;
	vm13 =	vge.f32 v19, v4;
	vm14 =	vlt.f32 v19, v5;
	[tilespmem:s31+$0x8000] =	vst.msk vm12, v17  }
0x1fb: {  	vm0 =	vmand vm13, vm14;
	[tilespmem:s18+$0x8000] =	vst.msk vm15, v18  }
0x1fc: {  	v4 =	vbroadcast v11, $0x0;
	[tilespmem:s3+$0x8000] =	vst.msk vm0, v19;
	s3 =	spop (v2sf)  }
0x1fd: {  	s25 =	simm.s32 $0x0;
	s28 =	simm.s32 $0x8020;
	s29 =	smov.u32 s26  }
.LBB2_51:
0x1fe: {  	v5 =	vld [tilespmem:s28+$0xFFFFFFE0];
	_ =	sdelay $0x4  }
0x1ff: {  	v5 =	vadd.f32 $0.0e+00, v5;
	_ =	sdelay $0x1  }
0x200: {  	v6 =	vshra.s32 v5, $0x1F  }
0x201: {  	v5 =	vxor.u32 v5, v6  }
0x202: {  	v6 =	vor.u32 s25, v0;
	v5 =	vshrl.u32 v5, $0x10  }
0x203: {  	vm0 =	vlt.s32 v6, v4;
	v5 =	vand.u32 $0xFF, v5  }
0x204: {  	v5 =	vadd.s32 v2, v5;
	_ =	sdelay $0x4  }
0x205: {  	[tilespmem:v5+s12+$0x0] =	vst.idx.add.s32.msk vm0, v3  }
0x206: {  	v5 =	vld [tilespmem:s28+$0xFFFFFFF0];
	_ =	sdelay $0x4  }
0x207: {  	v5 =	vadd.f32 $0.0e+00, v5;
	_ =	sdelay $0x1  }
0x208: {  	v6 =	vshra.s32 v5, $0x1F  }
0x209: {  	s6 =	sadd.s32 $0x10, s25;
	v5 =	vxor.u32 v5, v6  }
0x20a: {  	v6 =	vor.u32 s6, v0;
	v5 =	vshrl.u32 v5, $0x10  }
0x20b: {  	vm13 =	vlt.s32 v6, v4;
	v5 =	vand.u32 $0xFF, v5  }
0x20c: {  	v5 =	vadd.s32 v2, v5;
	_ =	sdelay $0x4  }
0x20d: {  	[tilespmem:v5+s12+$0x0] =	vst.idx.add.s32.msk vm13, v3  }
0x20e: {  	v5 =	vld [tilespmem:s28+$0x0];
	_ =	sdelay $0x4  }
0x20f: {  	v5 =	vadd.f32 $0.0e+00, v5;
	_ =	sdelay $0x1  }
0x210: {  	v6 =	vshra.s32 v5, $0x1F  }
0x211: {  	s30 =	sadd.s32 $0x20, s25;
	v5 =	vxor.u32 v5, v6  }
0x212: {  	v6 =	vor.u32 s30, v0;
	v5 =	vshrl.u32 v5, $0x10  }
0x213: {  	vm14 =	vlt.s32 v6, v4;
	v5 =	vand.u32 $0xFF, v5  }
0x214: {  	v5 =	vadd.s32 v2, v5;
	_ =	sdelay $0x4  }
0x215: {  	[tilespmem:v5+s12+$0x0] =	vst.idx.add.s32.msk vm14, v3  }
0x216: {  	v5 =	vld [tilespmem:s28+$0x10];
	_ =	sdelay $0x4  }
0x217: {  	v5 =	vadd.f32 $0.0e+00, v5;
	_ =	sdelay $0x1  }
0x218: {  	v6 =	vshra.s32 v5, $0x1F  }
0x219: {  	s31 =	sadd.s32 $0x30, s25;
	v5 =	vxor.u32 v5, v6  }
0x21a: {  	v6 =	vor.u32 s31, v0;
	v5 =	vshrl.u32 v5, $0x10  }
0x21b: {  	vm15 =	vlt.s32 v6, v4;
	v5 =	vand.u32 $0xFF, v5  }
0x21c: {  	p1 =	seq.s32 s29, $0x1;
	v5 =	vadd.s32 v2, v5  }
.Ltmp13:
0x21d: {  	_ = 	snop;
	(pc) =	sbr.rel @!p1 .LBB2_51-.Ltmp13, $2  }
0x21e: {  	_ =	sdelay $0x2  }
0x21f: {  	s29 =	sadd.s32 $0xFFFFFFFF, s29;
	s25 =	sadd.s32 $0x40, s25;
	s28 =	sadd.s32 $0x40, s28;
	[tilespmem:v5+s12+$0x0] =	vst.idx.add.s32.msk vm15, v3  }
.LBB2_21:
0x220: {  	s25 =	simm.s32 $0x0  }
0x221: {  	v5 =	vld [tilespmem:s25+$0x10080]  }
0x222: {  	[tilespmem:s25+$0x10080] =	vst v1;
	v6 =	vld [tilespmem:s25+$0x10181]  }
0x223: {  	[tilespmem:s25+$0x10181] =	vst v1;
	v7 =	vld [tilespmem:s25+$0x10282]  }
0x224: {  	[tilespmem:s25+$0x10282] =	vst v1;
	v8 =	vld [tilespmem:s25+$0x10383]  }
0x225: {  	[tilespmem:s25+$0x10383] =	vst v1;
	v9 =	vld [tilespmem:s25+$0x10484]  }
0x226: {  	[tilespmem:s25+$0x10484] =	vst v1;
	v10 =	vld [tilespmem:s25+$0x10585]  }
0x227: {  	[tilespmem:s25+$0x10585] =	vst v1;
	v11 =	vld [tilespmem:s25+$0x10686];
	v5 =	vadd.s32 v5, v6  }
0x228: {  	[tilespmem:s25+$0x10686] =	vst v1;
	v12 =	vld [tilespmem:s25+$0x10787];
	v5 =	vadd.s32 v7, v5  }
0x229: {  	[tilespmem:s25+$0x10787] =	vst v1;
	v13 =	vld [tilespmem:s25+$0x10888];
	v5 =	vadd.s32 v8, v5  }
0x22a: {  	[tilespmem:s25+$0x10888] =	vst v1;
	v14 =	vld [tilespmem:s25+$0x10989];
	v5 =	vadd.s32 v9, v5  }
0x22b: {  	[tilespmem:s25+$0x10989] =	vst v1;
	v15 =	vld [tilespmem:s25+$0x10A8A];
	v5 =	vadd.s32 v10, v5  }
0x22c: {  	[tilespmem:s25+$0x10A8A] =	vst v1;
	v16 =	vld [tilespmem:s25+$0x10B8B];
	v6 =	vadd.s32 v11, v5  }
0x22d: {  	[tilespmem:s25+$0x10B8B] =	vst v1;
	v9 =	vld [tilespmem:s25+$0x10C8C];
	v6 =	vadd.s32 v12, v6  }
0x22e: {  	[tilespmem:s25+$0x10C8C] =	vst v1;
	v5 =	vld [tilespmem:s25+$0x10D8D];
	v7 =	vadd.s32 v13, v6  }
0x22f: {  	[tilespmem:s25+$0x10D8D] =	vst v1;
	v6 =	vld [tilespmem:s25+$0x10E8E];
	v7 =	vadd.s32 v14, v7  }
0x230: {  	s0 =	ssub.s32 s0, s3;
	[tilespmem:s25+$0x10E8E] =	vst v1;
	v8 =	vadd.s32 v15, v7;
	v7 =	vld [tilespmem:s25+$0x10F8F]  }
0x231: {  	s28 =	sadd.s32 $0x32, s0;
	s0 =	simm.s32 $0x10;
	[tilespmem:s25+$0x10F8F] =	vst v1;
	v10 =	vadd.s32 v16, v8  }
0x232: {  	s3 =	simm.s32 $0x80;
	v8 =	vld [tilespmem:s0+$0x10080];
	[tilespmem:s0+$0x10080] =	vst v1;
	v9 =	vadd.s32 v9, v10  }
.LBB2_22:
0x233: {  	p1 =	seq.s32 s3, $0x3C0;
	v10 =	vld [tilespmem:s0+$0x10181];
	[tilespmem:s0+$0x10181] =	vst v1;
	v5 =	vadd.s32 v5, v9  }
0x234: {  	v9 =	vld [tilespmem:s0+$0x10282];
	[tilespmem:s0+$0x10282] =	vst v1;
	v5 =	vadd.s32 v6, v5  }
0x235: {  	v6 =	vld [tilespmem:s0+$0x10383];
	[tilespmem:s0+$0x10383] =	vst v1;
	v5 =	vadd.s32 v7, v5  }
0x236: {  	v7 =	vld [tilespmem:s0+$0x10484];
	[tilespmem:s25+$0x11100] =	vst v5;
	s25 =	smov.u32 s0  }
0x237: {  	[tilespmem:s25+$0x10484] =	vst v1;
	v5 =	vld [tilespmem:s25+$0x10585]  }
0x238: {  	v8 =	vadd.s32 v8, v10;
	[tilespmem:s25+$0x10585] =	vst v1;
	v10 =	vld [tilespmem:s25+$0x10686]  }
0x239: {  	v8 =	vadd.s32 v9, v8;
	[tilespmem:s25+$0x10686] =	vst v1;
	v9 =	vld [tilespmem:s25+$0x10787]  }
0x23a: {  	v6 =	vadd.s32 v6, v8;
	[tilespmem:s25+$0x10787] =	vst v1;
	v8 =	vld [tilespmem:s25+$0x10888]  }
0x23b: {  	v6 =	vadd.s32 v7, v6;
	[tilespmem:s25+$0x10888] =	vst v1;
	v7 =	vld [tilespmem:s25+$0x10989]  }
0x23c: {  	v5 =	vadd.s32 v5, v6;
	[tilespmem:s25+$0x10989] =	vst v1;
	v11 =	vld [tilespmem:s25+$0x10A8A]  }
0x23d: {  	v5 =	vadd.s32 v10, v5;
	[tilespmem:s25+$0x10A8A] =	vst v1;
	v10 =	vld [tilespmem:s25+$0x10B8B]  }
0x23e: {  	v5 =	vadd.s32 v9, v5;
	[tilespmem:s25+$0x10B8B] =	vst v1;
	v9 =	vld [tilespmem:s25+$0x10C8C]  }
.Ltmp14:
0x23f: {  	v6 =	vadd.s32 v8, v5;
	[tilespmem:s25+$0x10C8C] =	vst v1;
	v5 =	vld [tilespmem:s25+$0x10D8D];
	(pc) =	sbr.rel @!p1 .LBB2_22-.Ltmp14, $4  }
0x240: {  	v7 =	vadd.s32 v7, v6;
	[tilespmem:s25+$0x10D8D] =	vst v1;
	v6 =	vld [tilespmem:s25+$0x10E8E]  }
0x241: {  	v8 =	vadd.s32 v11, v7;
	[tilespmem:s25+$0x10E8E] =	vst v1;
	v7 =	vld [tilespmem:s25+$0x10F8F]  }
0x242: {  	s0 =	sshra.s32 s3, $0x2;
	v10 =	vadd.s32 v10, v8;
	[tilespmem:s25+$0x10F8F] =	vst v1  }
0x243: {  	s3 =	sadd.s32 $0x40, s3;
	v8 =	vld [tilespmem:s0+$0x10080];
	[tilespmem:s0+$0x10080] =	vst v1;
	v9 =	vadd.s32 v9, v10  }
0x244: {  	v10 =	vld [tilespmem:s0+$0x10181]  }
0x245: {  	v11 =	vld [tilespmem:s0+$0x10282]  }
0x246: {  	v12 =	vld [tilespmem:s0+$0x10383]  }
0x247: {  	v13 =	vld [tilespmem:s0+$0x10484]  }
0x248: {  	[tilespmem:s0+$0x10181] =	vst v1;
	v14 =	vld [tilespmem:s0+$0x10585]  }
0x249: {  	[tilespmem:s0+$0x10282] =	vst v1;
	v15 =	vld [tilespmem:s0+$0x10686];
	v8 =	vadd.s32 v8, v10  }
0x24a: {  	[tilespmem:s0+$0x10383] =	vst v1;
	v16 =	vld [tilespmem:s0+$0x10787];
	v8 =	vadd.s32 v11, v8  }
0x24b: {  	[tilespmem:s0+$0x10484] =	vst v1;
	v17 =	vld [tilespmem:s0+$0x10888];
	v8 =	vadd.s32 v12, v8  }
0x24c: {  	[tilespmem:s0+$0x10585] =	vst v1;
	v18 =	vld [tilespmem:s0+$0x10989];
	v8 =	vadd.s32 v13, v8  }
0x24d: {  	[tilespmem:s0+$0x10686] =	vst v1;
	v19 =	vld [tilespmem:s0+$0x10A8A];
	v8 =	vadd.s32 v14, v8  }
0x24e: {  	[tilespmem:s0+$0x10787] =	vst v1;
	v10 =	vld [tilespmem:s0+$0x10B8B];
	v8 =	vadd.s32 v15, v8  }
0x24f: {  	[tilespmem:s0+$0x10888] =	vst v1;
	v5 =	vadd.s32 v5, v9;
	v11 =	vld [tilespmem:s0+$0x10C8C];
	v8 =	vadd.s32 v16, v8  }
0x250: {  	[tilespmem:s0+$0x10989] =	vst v1;
	v5 =	vadd.s32 v6, v5;
	v12 =	vld [tilespmem:s0+$0x10D8D];
	v8 =	vadd.s32 v17, v8  }
0x251: {  	[tilespmem:s0+$0x10A8A] =	vst v1;
	v5 =	vadd.s32 v7, v5;
	v13 =	vld [tilespmem:s0+$0x10E8E];
	v8 =	vadd.s32 v18, v8  }
0x252: {  	[tilespmem:s25+$0x11100] =	vst v5;
	v14 =	vld [tilespmem:s0+$0x10F8F];
	v8 =	vadd.s32 v19, v8  }
0x253: {  	[tilespmem:s0+$0x10B8B] =	vst v1;
	v8 =	vadd.s32 v10, v8  }
0x254: {  	[tilespmem:s0+$0x10C8C] =	vst v1;
	v6 =	vadd.s32 v11, v8  }
0x255: {  	[tilespmem:s0+$0x10D8D] =	vst v1;
	v6 =	vadd.s32 v12, v6  }
0x256: {  	[tilespmem:s0+$0x10E8E] =	vst v1;
	v5 =	vadd.s32 v13, v6  }
0x257: {  	[tilespmem:s0+$0x10F8F] =	vst v1;
	v5 =	vadd.s32 v14, v5  }
0x258: {  	s25 =	simm.s32 $0xF0;
	[tilespmem:s0+$0x11100] =	vst v5  }
0x259: {  	v11 =	vld [tilespmem:s25+$0x11100];
	_ =	sdelay $0x4  }
0x25a: {  	(xrf0) =	vadd.scan.msk.s32 $0xffff, v11;
	_ =	sdelay $0x5  }
0x25b: {  	v12, _, _ =	vpop (xrf0)  }
0x25c: {  	(v2sf) =	vpush v12, $0xF  }
0x25d: {  	s29 =	simm.s32 $0xE0  }
0x25e: {  	s0 =	simm.s32 $0xD0;
	v10 =	vld [tilespmem:s29+$0x11100]  }
0x25f: {  	v7 =	vld [tilespmem:s0+$0x11100];
	_ =	sdelay $0x3  }
0x260: {  	(xrf0) =	vadd.scan.msk.s32 $0xffff, v10  }
0x261: {  	(xrf0) =	vadd.scan.msk.s32 $0xffff, v7;
	_ =	sdelay $0x4  }
0x262: {  	s30 =	simm.s32 $0xC0;
	v14, _, _ =	vpop (xrf0)  }
0x263: {  	v8 =	vld [tilespmem:s30+$0x11100];
	(v2sf) =	vpush v14, $0xF;
	v13, _, _ =	vpop (xrf0)  }
0x264: {  	s3 =	spop (v2sf);
	(v2sf) =	vpush v13, $0xF;
	_ =	sdelay $0x3  }
0x265: {  	s31 =	simm.s32 $0xB0;
	(xrf0) =	vadd.scan.msk.s32 $0xffff, v8  }
0x266: {  	v9 =	vld [tilespmem:s31+$0x11100];
	_ =	sdelay $0x2  }
0x267: {  	s6 =	simm.s32 $0x280;
	v6 =	vimm.s32 $0x0;
	v5 =	vmov s28;
	s3 =	sadd.s32 $0x0, s3  }
.LBB2_24:
0x268: {  	v15 =	vsub.s32 s3, v12  }
0x269: {  	s17 =	sshra.s32 s6, $0x2;
	p1 =	sne.s32 s6, $0x0;
	s6 =	sadd.s32 $0xFFFFFFC0, s6;
	(xrf0) =	vadd.scan.msk.s32 $0xffff, v9;
	v12 =	vmov v14;
	v14 =	vmov v13;
	v13, _, _ =	vpop (xrf0);
	v16 =	vmov v9  }
.Ltmp15:
0x26a: {  	v9 =	vld [tilespmem:s17+$0x11100];
	(v2sf) =	vpush v13, $0xF;
	v15 =	vadd.s32 v11, v15;
	v11 =	vmovc v10;
	v10 =	vmovc v7;
	v7 =	vmov v8;
	(pc) =	sbr.rel @p1 .LBB2_24-.Ltmp15, $4  }
0x26b: {  	v8 =	vmov v16;
	[tilespmem:s25+$0x11280] =	vst v15;
	vm0 =	vge.s32 v15, v5;
	s25 =	smov.u32 s29;
	s29 =	smov.u32 s0;
	s0 =	smov.u32 s30  }
0x26c: {  	s30 =	smov.u32 s31;
	s31 =	smov.u32 s17;
	v15 =	vmpcnt.ones.xlane vm0  }
0x26d: {  	s17 =	spop (v2sf)  }
0x26e: {  	s3 =	sadd.s32 s3, s17;
	v6 =	vadd.s32 v6, v15  }
0x26f: {  	(xrf0) =	vadd.scan.msk.s32 $0xffff, v9;
	_ =	sdelay $0x4  }
0x270: {  	v15, _, _ =	vpop (xrf0)  }
0x271: {  	(v2sf) =	vpush v15, $0xF;
	v16, _, _ =	vpop (xrf0)  }
0x272: {  	(v2sf) =	vpush v16, $0xF;
	_ =	sdelay $0x9  }
0x273: {  	v12 =	vsub.s32 s3, v12  }
0x274: {  	s6 =	spop (v2sf);
	v11 =	vadd.s32 v11, v12  }
0x275: {  	s17 =	sadd.s32 s3, s6;
	vm0 =	vge.s32 v11, v5  }
0x276: {  	v56 =	vsub.s32 s17, v14;
	v57 =	vmpcnt.ones.xlane vm0;
	s18 =	spop (v2sf)  }
0x277: {  	v10 =	vadd.s32 v10, v56;
	s3 =	sadd.s32 s17, s18;
	s17 =	spop (v2sf)  }
0x278: {  	vm12 =	vge.s32 v10, v5;
	v6 =	vadd.s32 v6, v57;
	v13 =	vsub.s32 s3, v13;
	s6 =	sadd.s32 s3, s17;
	s18 =	spop (v2sf)  }
0x279: {  	v59 =	vmpcnt.ones.xlane vm12;
	v7 =	vadd.s32 v7, v13;
	v58 =	vsub.s32 s6, v15;
	s3 =	sadd.s32 s6, s18  }
0x27a: {  	vm13 =	vge.s32 v7, v5;
	v8 =	vadd.s32 v8, v58;
	v60 =	vsub.s32 s3, v16  }
0x27b: {  	v61 =	vmpcnt.ones.xlane vm13;
	vm14 =	vge.s32 v8, v5;
	v62 =	vadd.s32 v9, v60  }
0x27c: {  	v6 =	vadd.s32 v6, v59;
	v63 =	vmpcnt.ones.xlane vm14;
	vm15 =	vge.s32 v62, v5  }
0x27d: {  	v5 =	vadd.s32 v6, v61;
	v6 =	vmpcnt.ones.xlane vm15  }
0x27e: {  	v5 =	vadd.s32 v5, v63  }
0x27f: {  	v5 =	vadd.s32 v5, v6  }
0x280: {  	(v2sf) =	vpush v5, $0x0;
	_ =	sdelay $0xa  }
0x281: {  	[tilespmem:s25+$0x11280] =	vst v11  }
0x282: {  	[tilespmem:s29+$0x11280] =	vst v10  }
0x283: {  	[tilespmem:s0+$0x11280] =	vst v7  }
0x284: {  	[tilespmem:s30+$0x11280] =	vst v8  }
0x285: {  	[tilespmem:s31+$0x11280] =	vst v62;
	s31 =	spop (v2sf)  }
0x286: {  	v5 =	vld [tilespmem:s31+$0x110FF]  }
0x287: {  	v6 =	vld [tilespmem:s31+$0x1127F];
	_ =	sdelay $0x3  }
0x288: {  	(v2sf) =	vpush v5, $0x0  }
0x289: {  	(v2sf) =	vpush v6, $0x0;
	_ =	sdelay $0xa  }
.Ltmp16:
0x28a: {  	_ = 	snop;
	(pc) =	sbr.rel @!p0 .LBB2_28-.Ltmp16, $3  }
0x28b: {  	_ =	sdelay $0x1  }
0x28c: {  	s29 =	spop (v2sf)  }
0x28d: {  	s25 =	sadd.s32 $0xFFFFFFFF, s31;
	s0 =	spop (v2sf)  }
0x28e: {  	v6 =	vmov s25;
	v7 =	vimm.s32 $0x0;
	s3 =	simm.s32 $0x0;
	s30 =	simm.s32 $0x8020  }
.LBB2_27:
0x28f: {  	v8 =	vld [tilespmem:s30+$0xFFFFFFE0]  }
0x290: {  	(v2sf) =	vpush v7, $0x0;
	_ =	sdelay $0x3  }
0x291: {  	v9 =	vadd.f32 $0.0e+00, v8;
	_ =	sdelay $0x1  }
0x292: {  	v10 =	vshra.s32 v9, $0x1F  }
0x293: {  	v9 =	vxor.u32 v9, v10  }
0x294: {  	v10 =	vshrl.u32 v9, $0x10  }
0x295: {  	v11 =	vor.u32 s3, v0;
	v10 =	vand.u32 $0xFF, v10  }
0x296: {  	vm0 =	vlt.s32 v11, v4;
	v9 =	vshrl.u32 v9, $0x8;
	vm1 =	veq.s32 v10, v6  }
0x297: {  	v9 =	vand.u32 $0xFF, v9;
	vm0 =	vmand vm0, vm1  }
0x298: {  	v9 =	vadd.s32 v2, v9;
	_ =	sdelay $0x2  }
0x299: {  	s6 =	spop (v2sf)  }
0x29a: {  	[tilespmem:s6+$0x8000] =	vst.msk vm0, v8;
	v8 =	vmpcnt.ones.xlane vm0  }
0x29b: {  	[tilespmem:v9+s12+$0x0] =	vst.idx.add.s32.msk vm0, v3  }
0x29c: {  	v7 =	vadd.s32 v7, v8;
	v8 =	vld [tilespmem:s30+$0xFFFFFFF0]  }
0x29d: {  	(v2sf) =	vpush v7, $0x0;
	_ =	sdelay $0x3  }
0x29e: {  	v54 =	vadd.f32 $0.0e+00, v8;
	_ =	sdelay $0x1  }
0x29f: {  	v55 =	vshra.s32 v54, $0x1F  }
0x2a0: {  	v9 =	vxor.u32 v54, v55  }
0x2a1: {  	s17 =	sadd.s32 $0x10, s3;
	v10 =	vshrl.u32 v9, $0x10  }
0x2a2: {  	v56 =	vor.u32 s17, v0;
	v10 =	vand.u32 $0xFF, v10  }
0x2a3: {  	vm10 =	vlt.s32 v56, v4;
	v9 =	vshrl.u32 v9, $0x8;
	vm11 =	veq.s32 v10, v6  }
0x2a4: {  	v9 =	vand.u32 $0xFF, v9;
	vm0 =	vmand vm10, vm11  }
0x2a5: {  	v9 =	vadd.s32 v2, v9;
	_ =	sdelay $0x2  }
0x2a6: {  	s18 =	spop (v2sf)  }
0x2a7: {  	[tilespmem:s18+$0x8000] =	vst.msk vm0, v8;
	v8 =	vmpcnt.ones.xlane vm0  }
0x2a8: {  	[tilespmem:v9+s12+$0x0] =	vst.idx.add.s32.msk vm0, v3  }
0x2a9: {  	v7 =	vadd.s32 v7, v8;
	v8 =	vld [tilespmem:s30+$0x0]  }
0x2aa: {  	(v2sf) =	vpush v7, $0x0;
	_ =	sdelay $0x3  }
0x2ab: {  	v57 =	vadd.f32 $0.0e+00, v8;
	_ =	sdelay $0x1  }
0x2ac: {  	v58 =	vshra.s32 v57, $0x1F  }
0x2ad: {  	v9 =	vxor.u32 v57, v58  }
0x2ae: {  	s31 =	sadd.s32 $0x20, s3;
	v10 =	vshrl.u32 v9, $0x10  }
0x2af: {  	v59 =	vor.u32 s31, v0;
	v10 =	vand.u32 $0xFF, v10  }
0x2b0: {  	vm12 =	vlt.s32 v59, v4;
	v9 =	vshrl.u32 v9, $0x8;
	vm13 =	veq.s32 v10, v6  }
0x2b1: {  	v9 =	vand.u32 $0xFF, v9;
	vm0 =	vmand vm12, vm13  }
0x2b2: {  	v9 =	vadd.s32 v2, v9;
	_ =	sdelay $0x2  }
0x2b3: {  	s17 =	spop (v2sf)  }
0x2b4: {  	[tilespmem:s17+$0x8000] =	vst.msk vm0, v8;
	v8 =	vmpcnt.ones.xlane vm0  }
0x2b5: {  	[tilespmem:v9+s12+$0x0] =	vst.idx.add.s32.msk vm0, v3  }
0x2b6: {  	v7 =	vadd.s32 v7, v8;
	v8 =	vld [tilespmem:s30+$0x10]  }
0x2b7: {  	(v2sf) =	vpush v7, $0x0;
	_ =	sdelay $0x3  }
0x2b8: {  	v60 =	vadd.f32 $0.0e+00, v8;
	_ =	sdelay $0x1  }
0x2b9: {  	v61 =	vshra.s32 v60, $0x1F  }
0x2ba: {  	v9 =	vxor.u32 v60, v61  }
0x2bb: {  	s18 =	sadd.s32 $0x30, s3;
	v10 =	vshrl.u32 v9, $0x10  }
0x2bc: {  	v62 =	vor.u32 s18, v0;
	v10 =	vand.u32 $0xFF, v10  }
0x2bd: {  	vm14 =	vlt.s32 v62, v4;
	v9 =	vshrl.u32 v9, $0x8;
	vm15 =	veq.s32 v10, v6  }
0x2be: {  	v9 =	vand.u32 $0xFF, v9;
	vm0 =	vmand vm14, vm15  }
0x2bf: {  	p0 =	seq.s32 s26, $0x1;
	v9 =	vadd.s32 v2, v9  }
.Ltmp17:
0x2c0: {  	_ = 	snop;
	(pc) =	sbr.rel @!p0 .LBB2_27-.Ltmp17, $4  }
0x2c1: {  	_ = 	snop  }
0x2c2: {  	v63 =	vmpcnt.ones.xlane vm0;
	s31 =	spop (v2sf)  }
0x2c3: {  	[tilespmem:s31+$0x8000] =	vst.msk vm0, v8  }
0x2c4: {  	s26 =	sadd.s32 $0xFFFFFFFF, s26;
	s3 =	sadd.s32 $0x40, s3;
	s30 =	sadd.s32 $0x40, s30;
	v7 =	vadd.s32 v7, v63;
	[tilespmem:v9+s12+$0x0] =	vst.idx.add.s32.msk vm0, v3  }
.LBB2_28:
0x2c5: {  	s0 =	ssub.s32 s29, s0  }
0x2c6: {  	s26 =	sadd.s32 s28, s0;
	s28 =	simm.s32 $0x0  }
0x2c7: {  	v4 =	vld [tilespmem:s28+$0x10080]  }
0x2c8: {  	[tilespmem:s28+$0x10080] =	vst v1;
	v6 =	vld [tilespmem:s28+$0x10181]  }
0x2c9: {  	[tilespmem:s28+$0x10181] =	vst v1;
	v7 =	vld [tilespmem:s28+$0x10282]  }
0x2ca: {  	[tilespmem:s28+$0x10282] =	vst v1;
	v8 =	vld [tilespmem:s28+$0x10383]  }
0x2cb: {  	[tilespmem:s28+$0x10383] =	vst v1;
	v9 =	vld [tilespmem:s28+$0x10484]  }
0x2cc: {  	[tilespmem:s28+$0x10484] =	vst v1;
	v10 =	vld [tilespmem:s28+$0x10585]  }
0x2cd: {  	[tilespmem:s28+$0x10585] =	vst v1;
	v11 =	vld [tilespmem:s28+$0x10686];
	v4 =	vadd.s32 v4, v6  }
0x2ce: {  	[tilespmem:s28+$0x10686] =	vst v1;
	v12 =	vld [tilespmem:s28+$0x10787];
	v4 =	vadd.s32 v7, v4  }
0x2cf: {  	[tilespmem:s28+$0x10787] =	vst v1;
	v13 =	vld [tilespmem:s28+$0x10888];
	v4 =	vadd.s32 v8, v4  }
0x2d0: {  	[tilespmem:s28+$0x10888] =	vst v1;
	v14 =	vld [tilespmem:s28+$0x10989];
	v4 =	vadd.s32 v9, v4  }
0x2d1: {  	[tilespmem:s28+$0x10989] =	vst v1;
	v15 =	vld [tilespmem:s28+$0x10A8A];
	v4 =	vadd.s32 v10, v4  }
0x2d2: {  	[tilespmem:s28+$0x10A8A] =	vst v1;
	v16 =	vld [tilespmem:s28+$0x10B8B];
	v6 =	vadd.s32 v11, v4  }
0x2d3: {  	[tilespmem:s28+$0x10B8B] =	vst v1;
	v9 =	vld [tilespmem:s28+$0x10C8C];
	v6 =	vadd.s32 v12, v6  }
0x2d4: {  	[tilespmem:s28+$0x10C8C] =	vst v1;
	v4 =	vld [tilespmem:s28+$0x10D8D];
	v7 =	vadd.s32 v13, v6  }
0x2d5: {  	[tilespmem:s28+$0x10D8D] =	vst v1;
	v6 =	vld [tilespmem:s28+$0x10E8E];
	v7 =	vadd.s32 v14, v7  }
0x2d6: {  	[tilespmem:s28+$0x10E8E] =	vst v1;
	v8 =	vadd.s32 v15, v7;
	v7 =	vld [tilespmem:s28+$0x10F8F]  }
0x2d7: {  	s0 =	simm.s32 $0x10;
	[tilespmem:s28+$0x10F8F] =	vst v1;
	v10 =	vadd.s32 v16, v8  }
0x2d8: {  	s3 =	simm.s32 $0x80;
	v8 =	vld [tilespmem:s0+$0x10080];
	[tilespmem:s0+$0x10080] =	vst v1;
	v9 =	vadd.s32 v9, v10  }
.LBB2_29:
0x2d9: {  	p0 =	seq.s32 s3, $0x3C0;
	v10 =	vld [tilespmem:s0+$0x10181];
	[tilespmem:s0+$0x10181] =	vst v1;
	v4 =	vadd.s32 v4, v9  }
0x2da: {  	v9 =	vld [tilespmem:s0+$0x10282];
	[tilespmem:s0+$0x10282] =	vst v1;
	v4 =	vadd.s32 v6, v4  }
0x2db: {  	v6 =	vld [tilespmem:s0+$0x10383];
	[tilespmem:s0+$0x10383] =	vst v1;
	v4 =	vadd.s32 v7, v4  }
0x2dc: {  	v7 =	vld [tilespmem:s0+$0x10484];
	[tilespmem:s28+$0x11100] =	vst v4;
	s28 =	smov.u32 s0  }
0x2dd: {  	[tilespmem:s28+$0x10484] =	vst v1;
	v4 =	vld [tilespmem:s28+$0x10585]  }
0x2de: {  	v8 =	vadd.s32 v8, v10;
	[tilespmem:s28+$0x10585] =	vst v1;
	v10 =	vld [tilespmem:s28+$0x10686]  }
0x2df: {  	v8 =	vadd.s32 v9, v8;
	[tilespmem:s28+$0x10686] =	vst v1;
	v9 =	vld [tilespmem:s28+$0x10787]  }
0x2e0: {  	v6 =	vadd.s32 v6, v8;
	[tilespmem:s28+$0x10787] =	vst v1;
	v8 =	vld [tilespmem:s28+$0x10888]  }
0x2e1: {  	v6 =	vadd.s32 v7, v6;
	[tilespmem:s28+$0x10888] =	vst v1;
	v7 =	vld [tilespmem:s28+$0x10989]  }
0x2e2: {  	v4 =	vadd.s32 v4, v6;
	[tilespmem:s28+$0x10989] =	vst v1;
	v11 =	vld [tilespmem:s28+$0x10A8A]  }
0x2e3: {  	v4 =	vadd.s32 v10, v4;
	[tilespmem:s28+$0x10A8A] =	vst v1;
	v10 =	vld [tilespmem:s28+$0x10B8B]  }
0x2e4: {  	v4 =	vadd.s32 v9, v4;
	[tilespmem:s28+$0x10B8B] =	vst v1;
	v9 =	vld [tilespmem:s28+$0x10C8C]  }
.Ltmp18:
0x2e5: {  	v6 =	vadd.s32 v8, v4;
	[tilespmem:s28+$0x10C8C] =	vst v1;
	v4 =	vld [tilespmem:s28+$0x10D8D];
	(pc) =	sbr.rel @!p0 .LBB2_29-.Ltmp18, $4  }
0x2e6: {  	v7 =	vadd.s32 v7, v6;
	[tilespmem:s28+$0x10D8D] =	vst v1;
	v6 =	vld [tilespmem:s28+$0x10E8E]  }
0x2e7: {  	v8 =	vadd.s32 v11, v7;
	[tilespmem:s28+$0x10E8E] =	vst v1;
	v7 =	vld [tilespmem:s28+$0x10F8F]  }
0x2e8: {  	s0 =	sshra.s32 s3, $0x2;
	v10 =	vadd.s32 v10, v8;
	[tilespmem:s28+$0x10F8F] =	vst v1  }
0x2e9: {  	s3 =	sadd.s32 $0x40, s3;
	v8 =	vld [tilespmem:s0+$0x10080];
	[tilespmem:s0+$0x10080] =	vst v1;
	v9 =	vadd.s32 v9, v10  }
0x2ea: {  	v10 =	vld [tilespmem:s0+$0x10181]  }
0x2eb: {  	v11 =	vld [tilespmem:s0+$0x10282]  }
0x2ec: {  	v12 =	vld [tilespmem:s0+$0x10383]  }
0x2ed: {  	v13 =	vld [tilespmem:s0+$0x10484]  }
0x2ee: {  	[tilespmem:s0+$0x10181] =	vst v1;
	v14 =	vld [tilespmem:s0+$0x10585]  }
0x2ef: {  	[tilespmem:s0+$0x10282] =	vst v1;
	v15 =	vld [tilespmem:s0+$0x10686];
	v8 =	vadd.s32 v8, v10  }
0x2f0: {  	[tilespmem:s0+$0x10383] =	vst v1;
	v16 =	vld [tilespmem:s0+$0x10787];
	v8 =	vadd.s32 v11, v8  }
0x2f1: {  	[tilespmem:s0+$0x10484] =	vst v1;
	v17 =	vld [tilespmem:s0+$0x10888];
	v8 =	vadd.s32 v12, v8  }
0x2f2: {  	[tilespmem:s0+$0x10585] =	vst v1;
	v18 =	vld [tilespmem:s0+$0x10989];
	v8 =	vadd.s32 v13, v8  }
0x2f3: {  	[tilespmem:s0+$0x10686] =	vst v1;
	v19 =	vld [tilespmem:s0+$0x10A8A];
	v8 =	vadd.s32 v14, v8  }
0x2f4: {  	[tilespmem:s0+$0x10787] =	vst v1;
	v10 =	vld [tilespmem:s0+$0x10B8B];
	v8 =	vadd.s32 v15, v8  }
0x2f5: {  	[tilespmem:s0+$0x10888] =	vst v1;
	v4 =	vadd.s32 v4, v9;
	v11 =	vld [tilespmem:s0+$0x10C8C];
	v8 =	vadd.s32 v16, v8  }
0x2f6: {  	[tilespmem:s0+$0x10989] =	vst v1;
	v4 =	vadd.s32 v6, v4;
	v12 =	vld [tilespmem:s0+$0x10D8D];
	v8 =	vadd.s32 v17, v8  }
0x2f7: {  	[tilespmem:s0+$0x10A8A] =	vst v1;
	v4 =	vadd.s32 v7, v4;
	v13 =	vld [tilespmem:s0+$0x10E8E];
	v8 =	vadd.s32 v18, v8  }
0x2f8: {  	[tilespmem:s28+$0x11100] =	vst v4;
	v14 =	vld [tilespmem:s0+$0x10F8F];
	v8 =	vadd.s32 v19, v8  }
0x2f9: {  	[tilespmem:s0+$0x10B8B] =	vst v1;
	v8 =	vadd.s32 v10, v8  }
0x2fa: {  	[tilespmem:s0+$0x10C8C] =	vst v1;
	v6 =	vadd.s32 v11, v8  }
0x2fb: {  	[tilespmem:s0+$0x10D8D] =	vst v1;
	v6 =	vadd.s32 v12, v6  }
0x2fc: {  	[tilespmem:s0+$0x10E8E] =	vst v1;
	v4 =	vadd.s32 v13, v6  }
0x2fd: {  	[tilespmem:s0+$0x10F8F] =	vst v1;
	v4 =	vadd.s32 v14, v4  }
0x2fe: {  	s28 =	simm.s32 $0xF0;
	[tilespmem:s0+$0x11100] =	vst v4  }
0x2ff: {  	v11 =	vld [tilespmem:s28+$0x11100];
	_ =	sdelay $0x4  }
0x300: {  	(xrf0) =	vadd.scan.msk.s32 $0xffff, v11;
	_ =	sdelay $0x5  }
0x301: {  	v12, _, _ =	vpop (xrf0)  }
0x302: {  	(v2sf) =	vpush v12, $0xF  }
0x303: {  	s30 =	simm.s32 $0xE0  }
0x304: {  	s0 =	simm.s32 $0xD0;
	v10 =	vld [tilespmem:s30+$0x11100]  }
0x305: {  	v7 =	vld [tilespmem:s0+$0x11100];
	_ =	sdelay $0x3  }
0x306: {  	(xrf0) =	vadd.scan.msk.s32 $0xffff, v10  }
0x307: {  	(xrf0) =	vadd.scan.msk.s32 $0xffff, v7;
	_ =	sdelay $0x4  }
0x308: {  	s31 =	simm.s32 $0xC0;
	v14, _, _ =	vpop (xrf0)  }
0x309: {  	v8 =	vld [tilespmem:s31+$0x11100];
	(v2sf) =	vpush v14, $0xF;
	v13, _, _ =	vpop (xrf0)  }
0x30a: {  	s6 =	spop (v2sf);
	(v2sf) =	vpush v13, $0xF;
	_ =	sdelay $0x3  }
0x30b: {  	s3 =	simm.s32 $0xB0;
	(xrf0) =	vadd.scan.msk.s32 $0xffff, v8  }
0x30c: {  	v9 =	vld [tilespmem:s3+$0x11100];
	_ =	sdelay $0x2  }
0x30d: {  	s17 =	simm.s32 $0x280;
	v6 =	vimm.s32 $0x0;
	v4 =	vmov s26;
	s6 =	sadd.s32 $0x0, s6  }
.LBB2_31:
0x30e: {  	v15 =	vsub.s32 s6, v12  }
0x30f: {  	s18 =	sshra.s32 s17, $0x2;
	p0 =	sne.s32 s17, $0x0;
	s17 =	sadd.s32 $0xFFFFFFC0, s17;
	(xrf0) =	vadd.scan.msk.s32 $0xffff, v9;
	v12 =	vmov v14;
	v14 =	vmov v13;
	v13, _, _ =	vpop (xrf0);
	v16 =	vmov v9  }
.Ltmp19:
0x310: {  	v9 =	vld [tilespmem:s18+$0x11100];
	(v2sf) =	vpush v13, $0xF;
	v15 =	vadd.s32 v11, v15;
	v11 =	vmovc v10;
	v10 =	vmovc v7;
	v7 =	vmov v8;
	(pc) =	sbr.rel @p0 .LBB2_31-.Ltmp19, $4  }
0x311: {  	v8 =	vmov v16;
	[tilespmem:s28+$0x11280] =	vst v15;
	vm0 =	vge.s32 v15, v4;
	s28 =	smov.u32 s30;
	s30 =	smov.u32 s0;
	s0 =	smov.u32 s31  }
0x312: {  	s31 =	smov.u32 s3;
	s3 =	smov.u32 s18;
	v15 =	vmpcnt.ones.xlane vm0  }
0x313: {  	s18 =	spop (v2sf)  }
0x314: {  	s6 =	sadd.s32 s6, s18;
	v6 =	vadd.s32 v6, v15  }
0x315: {  	(xrf0) =	vadd.scan.msk.s32 $0xffff, v9;
	_ =	sdelay $0x4  }
0x316: {  	v15, _, _ =	vpop (xrf0)  }
0x317: {  	(v2sf) =	vpush v15, $0xF;
	v16, _, _ =	vpop (xrf0)  }
0x318: {  	(v2sf) =	vpush v16, $0xF;
	_ =	sdelay $0x9  }
0x319: {  	v12 =	vsub.s32 s6, v12  }
0x31a: {  	s17 =	spop (v2sf);
	v11 =	vadd.s32 v11, v12  }
0x31b: {  	s17 =	sadd.s32 s6, s17;
	vm0 =	vge.s32 v11, v4  }
0x31c: {  	v56 =	vsub.s32 s17, v14;
	v57 =	vmpcnt.ones.xlane vm0;
	s18 =	spop (v2sf)  }
0x31d: {  	v10 =	vadd.s32 v10, v56;
	s6 =	sadd.s32 s17, s18;
	s18 =	spop (v2sf)  }
0x31e: {  	vm12 =	vge.s32 v10, v4;
	v6 =	vadd.s32 v6, v57;
	v13 =	vsub.s32 s6, v13;
	s17 =	sadd.s32 s6, s18;
	s18 =	spop (v2sf)  }
0x31f: {  	v59 =	vmpcnt.ones.xlane vm12;
	v7 =	vadd.s32 v7, v13;
	v58 =	vsub.s32 s17, v15;
	s6 =	sadd.s32 s17, s18  }
0x320: {  	vm13 =	vge.s32 v7, v4;
	v8 =	vadd.s32 v8, v58;
	v60 =	vsub.s32 s6, v16  }
0x321: {  	v61 =	vmpcnt.ones.xlane vm13;
	vm14 =	vge.s32 v8, v4;
	v62 =	vadd.s32 v9, v60  }
0x322: {  	v6 =	vadd.s32 v6, v59;
	v63 =	vmpcnt.ones.xlane vm14;
	vm15 =	vge.s32 v62, v4  }
0x323: {  	v4 =	vadd.s32 v6, v61;
	v6 =	vmpcnt.ones.xlane vm15  }
0x324: {  	v4 =	vadd.s32 v4, v63  }
0x325: {  	v4 =	vadd.s32 v4, v6  }
0x326: {  	(v2sf) =	vpush v4, $0x0;
	_ =	sdelay $0xa  }
0x327: {  	[tilespmem:s28+$0x11280] =	vst v11  }
0x328: {  	[tilespmem:s30+$0x11280] =	vst v10  }
0x329: {  	[tilespmem:s0+$0x11280] =	vst v7  }
0x32a: {  	[tilespmem:s31+$0x11280] =	vst v8  }
0x32b: {  	[tilespmem:s3+$0x11280] =	vst v62;
	s6 =	spop (v2sf)  }
0x32c: {  	v4 =	vld [tilespmem:s6+$0x110FF]  }
0x32d: {  	v6 =	vld [tilespmem:s6+$0x1127F];
	_ =	sdelay $0x3  }
0x32e: {  	(v2sf) =	vpush v4, $0x0  }
0x32f: {  	(v2sf) =	vpush v6, $0x0;
	_ =	sdelay $0x2  }
0x330: {  	s0 =	sadd.s32 $0x3F, s29  }
0x331: {  	s18 =	sand.u32 $0x3F, s0  }
0x332: {  	s30 =	sshra.s32 s0, $0x1F;
	p0 =	slt.s32 s0, $0x1;
	p1 =	sne.s32 s18, $0x0  }
0x333: {  	s31 =	sshrl.u32 s30, $0x1A;
	p0 =	por !p0, !p1  }
0x334: {  	s0 =	sadd.s32 s31, s0;
	p0 =	por !p0, !p0;
	s3 =	simm.s32 $0x1  }
0x335: {  	s0 =	sshra.s32 s0, $0x6;
	s3 =	simm.s32 @!p0 $0x0  }
0x336: {  	s3 =	ssub.s32 s0, s3  }
0x337: {  	p0 =	sgt.s32 s3, $0x0  }
.Ltmp20:
0x338: {  	_ = 	snop;
	(pc) =	sbr.rel @!p0 .LBB2_35-.Ltmp20, $3  }
0x339: {  	_ =	sdelay $0x1  }
0x33a: {  	s0 =	spop (v2sf)  }
0x33b: {  	s28 =	sadd.s32 $0xFFFFFFFF, s6;
	s29 =	spop (v2sf)  }
0x33c: {  	v4 =	vbroadcast v5, $0x0;
	v5 =	vmov s28;
	s30 =	simm.s32 $0x0;
	s31 =	simm.s32 $0x8020  }
.LBB2_34:
0x33d: {  	v6 =	vld [tilespmem:s31+$0xFFFFFFE0];
	_ =	sdelay $0x4  }
0x33e: {  	v6 =	vadd.f32 $0.0e+00, v6;
	_ =	sdelay $0x1  }
0x33f: {  	v7 =	vshra.s32 v6, $0x1F  }
0x340: {  	v6 =	vxor.u32 v6, v7  }
0x341: {  	v7 =	vshrl.u32 v6, $0x8  }
0x342: {  	v8 =	vor.u32 s30, v0;
	v7 =	vand.u32 $0xFF, v7  }
0x343: {  	vm0 =	vlt.s32 v8, v4;
	vm1 =	veq.s32 v7, v5  }
0x344: {  	v6 =	vand.u32 $0xFF, v6;
	vm0 =	vmand vm0, vm1  }
0x345: {  	v6 =	vadd.s32 v2, v6;
	_ =	sdelay $0x4  }
0x346: {  	[tilespmem:v6+s12+$0x0] =	vst.idx.add.s32.msk vm0, v3  }
0x347: {  	v6 =	vld [tilespmem:s31+$0xFFFFFFF0];
	_ =	sdelay $0x4  }
0x348: {  	v6 =	vadd.f32 $0.0e+00, v6;
	_ =	sdelay $0x1  }
0x349: {  	v7 =	vshra.s32 v6, $0x1F  }
0x34a: {  	v6 =	vxor.u32 v6, v7  }
0x34b: {  	s6 =	sadd.s32 $0x10, s30;
	v7 =	vshrl.u32 v6, $0x8  }
0x34c: {  	v61 =	vor.u32 s6, v0;
	v7 =	vand.u32 $0xFF, v7  }
0x34d: {  	vm10 =	vlt.s32 v61, v4;
	vm11 =	veq.s32 v7, v5  }
0x34e: {  	v6 =	vand.u32 $0xFF, v6;
	vm0 =	vmand vm10, vm11  }
0x34f: {  	v6 =	vadd.s32 v2, v6;
	_ =	sdelay $0x4  }
0x350: {  	[tilespmem:v6+s12+$0x0] =	vst.idx.add.s32.msk vm0, v3  }
0x351: {  	v6 =	vld [tilespmem:s31+$0x0];
	_ =	sdelay $0x4  }
0x352: {  	v6 =	vadd.f32 $0.0e+00, v6;
	_ =	sdelay $0x1  }
0x353: {  	v7 =	vshra.s32 v6, $0x1F  }
0x354: {  	v6 =	vxor.u32 v6, v7  }
0x355: {  	s17 =	sadd.s32 $0x20, s30;
	v7 =	vshrl.u32 v6, $0x8  }
0x356: {  	v62 =	vor.u32 s17, v0;
	v7 =	vand.u32 $0xFF, v7  }
0x357: {  	vm12 =	vlt.s32 v62, v4;
	vm13 =	veq.s32 v7, v5  }
0x358: {  	v6 =	vand.u32 $0xFF, v6;
	vm0 =	vmand vm12, vm13  }
0x359: {  	v6 =	vadd.s32 v2, v6;
	_ =	sdelay $0x4  }
0x35a: {  	[tilespmem:v6+s12+$0x0] =	vst.idx.add.s32.msk vm0, v3  }
0x35b: {  	v6 =	vld [tilespmem:s31+$0x10];
	_ =	sdelay $0x4  }
0x35c: {  	v6 =	vadd.f32 $0.0e+00, v6;
	_ =	sdelay $0x1  }
0x35d: {  	v7 =	vshra.s32 v6, $0x1F  }
0x35e: {  	v6 =	vxor.u32 v6, v7  }
0x35f: {  	s18 =	sadd.s32 $0x30, s30;
	v7 =	vshrl.u32 v6, $0x8  }
0x360: {  	v63 =	vor.u32 s18, v0;
	v7 =	vand.u32 $0xFF, v7  }
0x361: {  	vm14 =	vlt.s32 v63, v4;
	vm15 =	veq.s32 v7, v5  }
0x362: {  	v6 =	vand.u32 $0xFF, v6;
	vm0 =	vmand vm14, vm15  }
0x363: {  	p0 =	seq.s32 s3, $0x1;
	v6 =	vadd.s32 v2, v6  }
.Ltmp21:
0x364: {  	_ = 	snop;
	(pc) =	sbr.rel @!p0 .LBB2_34-.Ltmp21, $2  }
0x365: {  	_ =	sdelay $0x2  }
0x366: {  	s30 =	sadd.s32 $0x40, s30;
	s3 =	sadd.s32 $0xFFFFFFFF, s3;
	s31 =	sadd.s32 $0x40, s31;
	[tilespmem:v6+s12+$0x0] =	vst.idx.add.s32.msk vm0, v3  }
.LBB2_35:
0x367: {  	s0 =	sadd.s32 s26, s0  }
0x368: {  	s26 =	ssub.s32 s0, s29;
	s29 =	simm.s32 $0x0  }
0x369: {  	v4 =	vld [tilespmem:s29+$0x10080]  }
0x36a: {  	[tilespmem:s29+$0x10080] =	vst v1;
	v5 =	vld [tilespmem:s29+$0x10181]  }
0x36b: {  	[tilespmem:s29+$0x10181] =	vst v1;
	v6 =	vld [tilespmem:s29+$0x10282]  }
0x36c: {  	[tilespmem:s29+$0x10282] =	vst v1;
	v7 =	vld [tilespmem:s29+$0x10383]  }
0x36d: {  	[tilespmem:s29+$0x10383] =	vst v1;
	v8 =	vld [tilespmem:s29+$0x10484]  }
0x36e: {  	[tilespmem:s29+$0x10484] =	vst v1;
	v9 =	vld [tilespmem:s29+$0x10585]  }
0x36f: {  	[tilespmem:s29+$0x10585] =	vst v1;
	v10 =	vld [tilespmem:s29+$0x10686];
	v4 =	vadd.s32 v4, v5  }
0x370: {  	[tilespmem:s29+$0x10686] =	vst v1;
	v11 =	vld [tilespmem:s29+$0x10787];
	v4 =	vadd.s32 v6, v4  }
0x371: {  	[tilespmem:s29+$0x10787] =	vst v1;
	v12 =	vld [tilespmem:s29+$0x10888];
	v4 =	vadd.s32 v7, v4  }
0x372: {  	[tilespmem:s29+$0x10888] =	vst v1;
	v13 =	vld [tilespmem:s29+$0x10989];
	v4 =	vadd.s32 v8, v4  }
0x373: {  	[tilespmem:s29+$0x10989] =	vst v1;
	v14 =	vld [tilespmem:s29+$0x10A8A];
	v4 =	vadd.s32 v9, v4  }
0x374: {  	[tilespmem:s29+$0x10A8A] =	vst v1;
	v15 =	vld [tilespmem:s29+$0x10B8B];
	v5 =	vadd.s32 v10, v4  }
0x375: {  	[tilespmem:s29+$0x10B8B] =	vst v1;
	v8 =	vld [tilespmem:s29+$0x10C8C];
	v5 =	vadd.s32 v11, v5  }
0x376: {  	[tilespmem:s29+$0x10C8C] =	vst v1;
	v4 =	vld [tilespmem:s29+$0x10D8D];
	v6 =	vadd.s32 v12, v5  }
0x377: {  	[tilespmem:s29+$0x10D8D] =	vst v1;
	v5 =	vld [tilespmem:s29+$0x10E8E];
	v6 =	vadd.s32 v13, v6  }
0x378: {  	[tilespmem:s29+$0x10E8E] =	vst v1;
	v7 =	vadd.s32 v14, v6;
	v6 =	vld [tilespmem:s29+$0x10F8F]  }
0x379: {  	s0 =	simm.s32 $0x10;
	[tilespmem:s29+$0x10F8F] =	vst v1;
	v9 =	vadd.s32 v15, v7  }
0x37a: {  	s3 =	simm.s32 $0x80;
	v7 =	vld [tilespmem:s0+$0x10080];
	[tilespmem:s0+$0x10080] =	vst v1;
	v8 =	vadd.s32 v8, v9  }
.LBB2_36:
0x37b: {  	p0 =	seq.s32 s3, $0x3C0;
	v9 =	vld [tilespmem:s0+$0x10181];
	[tilespmem:s0+$0x10181] =	vst v1;
	v4 =	vadd.s32 v4, v8  }
0x37c: {  	v8 =	vld [tilespmem:s0+$0x10282];
	[tilespmem:s0+$0x10282] =	vst v1;
	v4 =	vadd.s32 v5, v4  }
0x37d: {  	v5 =	vld [tilespmem:s0+$0x10383];
	[tilespmem:s0+$0x10383] =	vst v1;
	v4 =	vadd.s32 v6, v4  }
0x37e: {  	v6 =	vld [tilespmem:s0+$0x10484];
	[tilespmem:s29+$0x11100] =	vst v4;
	s29 =	smov.u32 s0  }
0x37f: {  	[tilespmem:s29+$0x10484] =	vst v1;
	v4 =	vld [tilespmem:s29+$0x10585]  }
0x380: {  	v7 =	vadd.s32 v7, v9;
	[tilespmem:s29+$0x10585] =	vst v1;
	v9 =	vld [tilespmem:s29+$0x10686]  }
0x381: {  	v7 =	vadd.s32 v8, v7;
	[tilespmem:s29+$0x10686] =	vst v1;
	v8 =	vld [tilespmem:s29+$0x10787]  }
0x382: {  	v5 =	vadd.s32 v5, v7;
	[tilespmem:s29+$0x10787] =	vst v1;
	v7 =	vld [tilespmem:s29+$0x10888]  }
0x383: {  	v5 =	vadd.s32 v6, v5;
	[tilespmem:s29+$0x10888] =	vst v1;
	v6 =	vld [tilespmem:s29+$0x10989]  }
0x384: {  	v4 =	vadd.s32 v4, v5;
	[tilespmem:s29+$0x10989] =	vst v1;
	v10 =	vld [tilespmem:s29+$0x10A8A]  }
0x385: {  	v4 =	vadd.s32 v9, v4;
	[tilespmem:s29+$0x10A8A] =	vst v1;
	v9 =	vld [tilespmem:s29+$0x10B8B]  }
0x386: {  	v4 =	vadd.s32 v8, v4;
	[tilespmem:s29+$0x10B8B] =	vst v1;
	v8 =	vld [tilespmem:s29+$0x10C8C]  }
.Ltmp22:
0x387: {  	v5 =	vadd.s32 v7, v4;
	[tilespmem:s29+$0x10C8C] =	vst v1;
	v4 =	vld [tilespmem:s29+$0x10D8D];
	(pc) =	sbr.rel @!p0 .LBB2_36-.Ltmp22, $4  }
0x388: {  	v6 =	vadd.s32 v6, v5;
	[tilespmem:s29+$0x10D8D] =	vst v1;
	v5 =	vld [tilespmem:s29+$0x10E8E]  }
0x389: {  	v7 =	vadd.s32 v10, v6;
	[tilespmem:s29+$0x10E8E] =	vst v1;
	v6 =	vld [tilespmem:s29+$0x10F8F]  }
0x38a: {  	s0 =	sshra.s32 s3, $0x2;
	v9 =	vadd.s32 v9, v7;
	[tilespmem:s29+$0x10F8F] =	vst v1  }
0x38b: {  	s3 =	sadd.s32 $0x40, s3;
	v7 =	vld [tilespmem:s0+$0x10080];
	[tilespmem:s0+$0x10080] =	vst v1;
	v8 =	vadd.s32 v8, v9  }
0x38c: {  	v9 =	vld [tilespmem:s0+$0x10181]  }
0x38d: {  	v10 =	vld [tilespmem:s0+$0x10282]  }
0x38e: {  	v11 =	vld [tilespmem:s0+$0x10383]  }
0x38f: {  	v12 =	vld [tilespmem:s0+$0x10484]  }
0x390: {  	[tilespmem:s0+$0x10181] =	vst v1;
	v13 =	vld [tilespmem:s0+$0x10585]  }
0x391: {  	[tilespmem:s0+$0x10282] =	vst v1;
	v14 =	vld [tilespmem:s0+$0x10686];
	v7 =	vadd.s32 v7, v9  }
0x392: {  	[tilespmem:s0+$0x10383] =	vst v1;
	v15 =	vld [tilespmem:s0+$0x10787];
	v7 =	vadd.s32 v10, v7  }
0x393: {  	[tilespmem:s0+$0x10484] =	vst v1;
	v16 =	vld [tilespmem:s0+$0x10888];
	v7 =	vadd.s32 v11, v7  }
0x394: {  	[tilespmem:s0+$0x10585] =	vst v1;
	v17 =	vld [tilespmem:s0+$0x10989];
	v7 =	vadd.s32 v12, v7  }
0x395: {  	[tilespmem:s0+$0x10686] =	vst v1;
	v18 =	vld [tilespmem:s0+$0x10A8A];
	v7 =	vadd.s32 v13, v7  }
0x396: {  	[tilespmem:s0+$0x10787] =	vst v1;
	v9 =	vld [tilespmem:s0+$0x10B8B];
	v7 =	vadd.s32 v14, v7  }
0x397: {  	[tilespmem:s0+$0x10888] =	vst v1;
	v4 =	vadd.s32 v4, v8;
	v10 =	vld [tilespmem:s0+$0x10C8C];
	v7 =	vadd.s32 v15, v7  }
0x398: {  	[tilespmem:s0+$0x10989] =	vst v1;
	v4 =	vadd.s32 v5, v4;
	v11 =	vld [tilespmem:s0+$0x10D8D];
	v7 =	vadd.s32 v16, v7  }
0x399: {  	[tilespmem:s0+$0x10A8A] =	vst v1;
	v4 =	vadd.s32 v6, v4;
	v12 =	vld [tilespmem:s0+$0x10E8E];
	v7 =	vadd.s32 v17, v7  }
0x39a: {  	[tilespmem:s29+$0x11100] =	vst v4;
	v13 =	vld [tilespmem:s0+$0x10F8F];
	v7 =	vadd.s32 v18, v7  }
0x39b: {  	[tilespmem:s0+$0x10B8B] =	vst v1;
	v7 =	vadd.s32 v9, v7  }
0x39c: {  	[tilespmem:s0+$0x10C8C] =	vst v1;
	v5 =	vadd.s32 v10, v7  }
0x39d: {  	[tilespmem:s0+$0x10D8D] =	vst v1;
	v5 =	vadd.s32 v11, v5  }
0x39e: {  	[tilespmem:s0+$0x10E8E] =	vst v1;
	v4 =	vadd.s32 v12, v5  }
0x39f: {  	[tilespmem:s0+$0x10F8F] =	vst v1;
	v4 =	vadd.s32 v13, v4  }
0x3a0: {  	s29 =	simm.s32 $0xF0;
	[tilespmem:s0+$0x11100] =	vst v4  }
0x3a1: {  	v10 =	vld [tilespmem:s29+$0x11100];
	_ =	sdelay $0x4  }
0x3a2: {  	(xrf0) =	vadd.scan.msk.s32 $0xffff, v10;
	_ =	sdelay $0x5  }
0x3a3: {  	v11, _, _ =	vpop (xrf0)  }
0x3a4: {  	(v2sf) =	vpush v11, $0xF  }
0x3a5: {  	s30 =	simm.s32 $0xE0  }
0x3a6: {  	v4 =	vmov s26;
	s26 =	simm.s32 $0xD0;
	v9 =	vld [tilespmem:s30+$0x11100]  }
0x3a7: {  	v6 =	vld [tilespmem:s26+$0x11100];
	_ =	sdelay $0x3  }
0x3a8: {  	(xrf0) =	vadd.scan.msk.s32 $0xffff, v9  }
0x3a9: {  	(xrf0) =	vadd.scan.msk.s32 $0xffff, v6;
	_ =	sdelay $0x4  }
0x3aa: {  	s31 =	simm.s32 $0xC0;
	v13, _, _ =	vpop (xrf0)  }
0x3ab: {  	v7 =	vld [tilespmem:s31+$0x11100];
	(v2sf) =	vpush v13, $0xF;
	v12, _, _ =	vpop (xrf0)  }
0x3ac: {  	s3 =	spop (v2sf);
	(v2sf) =	vpush v12, $0xF;
	_ =	sdelay $0x3  }
0x3ad: {  	s0 =	simm.s32 $0xB0;
	(xrf0) =	vadd.scan.msk.s32 $0xffff, v7  }
0x3ae: {  	v8 =	vld [tilespmem:s0+$0x11100];
	_ =	sdelay $0x2  }
0x3af: {  	s6 =	simm.s32 $0x280;
	v5 =	vimm.s32 $0x0;
	s3 =	sadd.s32 $0x0, s3  }
.LBB2_38:
0x3b0: {  	v14 =	vsub.s32 s3, v11  }
0x3b1: {  	s17 =	sshra.s32 s6, $0x2;
	p0 =	sne.s32 s6, $0x0;
	s6 =	sadd.s32 $0xFFFFFFC0, s6;
	(xrf0) =	vadd.scan.msk.s32 $0xffff, v8;
	v11 =	vmov v13;
	v13 =	vmov v12;
	v12, _, _ =	vpop (xrf0);
	v15 =	vmov v8  }
.Ltmp23:
0x3b2: {  	v8 =	vld [tilespmem:s17+$0x11100];
	(v2sf) =	vpush v12, $0xF;
	v14 =	vadd.s32 v10, v14;
	v10 =	vmovc v9;
	v9 =	vmovc v6;
	v6 =	vmov v7;
	(pc) =	sbr.rel @p0 .LBB2_38-.Ltmp23, $4  }
0x3b3: {  	v7 =	vmov v15;
	[tilespmem:s29+$0x11280] =	vst v14;
	vm0 =	vge.s32 v14, v4;
	s29 =	smov.u32 s30;
	s30 =	smov.u32 s26;
	s26 =	smov.u32 s31  }
0x3b4: {  	s31 =	smov.u32 s0;
	s0 =	smov.u32 s17;
	v14 =	vmpcnt.ones.xlane vm0  }
0x3b5: {  	s17 =	spop (v2sf)  }
0x3b6: {  	s3 =	sadd.s32 s3, s17;
	v5 =	vadd.s32 v5, v14  }
0x3b7: {  	(xrf0) =	vadd.scan.msk.s32 $0xffff, v8;
	_ =	sdelay $0x4  }
0x3b8: {  	v14, _, _ =	vpop (xrf0)  }
0x3b9: {  	(v2sf) =	vpush v14, $0xF;
	v15, _, _ =	vpop (xrf0)  }
0x3ba: {  	(v2sf) =	vpush v15, $0xF;
	_ =	sdelay $0x9  }
0x3bb: {  	s6 =	spop (v2sf);
	v11 =	vsub.s32 s3, v11  }
0x3bc: {  	v10 =	vadd.s32 v10, v11;
	s17 =	sadd.s32 s3, s6  }
0x3bd: {  	vm0 =	vge.s32 v10, v4;
	v11 =	vsub.s32 s17, v13  }
0x3be: {  	v9 =	vadd.s32 v9, v11;
	v11 =	vmpcnt.ones.xlane vm0;
	s18 =	spop (v2sf)  }
0x3bf: {  	s3 =	sadd.s32 s17, s18;
	s17 =	spop (v2sf)  }
0x3c0: {  	vm0 =	vge.s32 v9, v4;
	v5 =	vadd.s32 v5, v11;
	v12 =	vsub.s32 s3, v12;
	s6 =	sadd.s32 s3, s17;
	s18 =	spop (v2sf)  }
0x3c1: {  	v11 =	vmpcnt.ones.xlane vm0;
	v6 =	vadd.s32 v6, v12;
	v60 =	vsub.s32 s6, v14;
	s3 =	sadd.s32 s6, s18  }
0x3c2: {  	vm0 =	vge.s32 v6, v4;
	v7 =	vadd.s32 v7, v60;
	v61 =	vsub.s32 s3, v15  }
0x3c3: {  	v62 =	vmpcnt.ones.xlane vm0;
	vm0 =	vge.s32 v7, v4;
	v8 =	vadd.s32 v8, v61  }
0x3c4: {  	v5 =	vadd.s32 v5, v11;
	v11 =	vmpcnt.ones.xlane vm0;
	vm0 =	vge.s32 v8, v4  }
0x3c5: {  	v4 =	vadd.s32 v5, v62;
	v5 =	vmpcnt.ones.xlane vm0  }
0x3c6: {  	v4 =	vadd.s32 v4, v11  }
0x3c7: {  	v4 =	vadd.s32 v4, v5  }
0x3c8: {  	(v2sf) =	vpush v4, $0x0;
	_ =	sdelay $0xc  }
0x3c9: {  	s25 =	sshll.u32 s25, $0x10  }
0x3ca: {  	[tilespmem:s29+$0x11280] =	vst v10;
	s29 =	sshll.u32 s28, $0x8;
	s3 =	sadd.s32 s25, s24  }
0x3cb: {  	[tilespmem:s30+$0x11280] =	vst v9;
	s3 =	sadd.s32 s29, s3;
	s17 =	spop (v2sf)  }
0x3cc: {  	[tilespmem:s26+$0x11280] =	vst v6;
	s3 =	sadd.s32 s17, s3  }
0x3cd: {  	[tilespmem:s31+$0x11280] =	vst v7;
	s3 =	sadd.s32 $0xFFFFFFFF, s3  }
0x3ce: {  	s6 =	simm.s32 $0xFFFFFFFF;
	[tilespmem:s0+$0x11280] =	vst v8;
	s0 =	simm.s32 $0x40;
	p0 =	sgt.s32 s3, $0xFFFFFFFF  }
0x3cf: {  	v8 =	vld [tilespmem:s0+$0x30];
	s6 =	simm.s32 @!p0 $0x80000000  }
0x3d0: {  	v11 =	vld [tilespmem:s0+$0xFFFFFFD0];
	s3 =	sxor.u32 s3, s6  }
0x3d1: {  	v10 =	vld [tilespmem:s0+$0xFFFFFFE0];
	v4 =	vmov s3  }
0x3d2: {  	v9 =	vld [tilespmem:s0+$0xFFFFFFF0];
	v4 =	vbroadcast v4, $0x0  }
0x3d3: {  	v7 =	vld [tilespmem:s0+$0x0]  }
0x3d4: {  	v6 =	vld [tilespmem:s0+$0x10];
	vm0 =	vlt.f32 v8, v4  }
0x3d5: {  	v5 =	vld [tilespmem:s0+$0x20];
	vm1 =	vlt.f32 v11, v4;
	v63 =	vsel vm0, $0xFF800000, v8  }
0x3d6: {  	s6 =	simm.s32 $0xC0;
	s3 =	simm.s32 $0x0;
	v8 =	vld [tilespmem:s0+$0xFFFFFFC0];
	v11 =	vsel vm1, $0xFF800000, v11;
	vm0 =	vlt.f32 v10, v4;
	[tilespmem:s0+$0x30] =	vst v63  }
.LBB2_40:
0x3d7: {  	v12 =	vld [tilespmem:s6+$0x30];
	s3 =	sadd.s32 $0x8, s3;
	[tilespmem:s0+$0xFFFFFFD0] =	vst v11;
	v10 =	vsel vm0, $0xFF800000, v10;
	vm0 =	vlt.f32 v9, v4  }
0x3d8: {  	v11 =	vld [tilespmem:s6+$0xFFFFFFD0];
	p0 =	slt.u32 s3, $0x1F8;
	[tilespmem:s0+$0xFFFFFFE0] =	vst v10;
	v9 =	vsel vm0, $0xFF800000, v9;
	vm0 =	vlt.f32 v7, v4  }
0x3d9: {  	v10 =	vld [tilespmem:s6+$0xFFFFFFE0];
	[tilespmem:s0+$0xFFFFFFF0] =	vst v9;
	v7 =	vsel vm0, $0xFF800000, v7;
	vm0 =	vlt.f32 v6, v4  }
.Ltmp24:
0x3da: {  	v9 =	vld [tilespmem:s6+$0xFFFFFFF0];
	[tilespmem:s0+$0x0] =	vst v7;
	v6 =	vsel vm0, $0xFF800000, v6;
	vm0 =	vlt.f32 v5, v4;
	(pc) =	sbr.rel @p0 .LBB2_40-.Ltmp24, $4  }
0x3db: {  	v7 =	vld [tilespmem:s6+$0x0];
	vm1 =	vlt.f32 v8, v4;
	[tilespmem:s0+$0x10] =	vst v6;
	v5 =	vsel vm0, $0xFF800000, v5  }
0x3dc: {  	v6 =	vld [tilespmem:s6+$0x10];
	vm0 =	vlt.f32 v12, v4;
	v8 =	vsel vm1, $0xFF800000, v8;
	[tilespmem:s0+$0x20] =	vst v5  }
0x3dd: {  	vm1 =	vlt.f32 v11, v4;
	v5 =	vld [tilespmem:s6+$0x20];
	v12 =	vsel vm0, $0xFF800000, v12;
	[tilespmem:s0+$0xFFFFFFC0] =	vst v8;
	s0 =	smov.u32 s6  }
0x3de: {  	s6 =	sadd.s32 $0x80, s6;
	v8 =	vld [tilespmem:s0+$0xFFFFFFC0];
	v11 =	vsel vm1, $0xFF800000, v11;
	vm0 =	vlt.f32 v10, v4;
	[tilespmem:s0+$0x30] =	vst v12  }
0x3df: {  	[tilespmem:s0+$0xFFFFFFD0] =	vst v11;
	v10 =	vsel vm0, $0xFF800000, v10;
	vm0 =	vlt.f32 v9, v4  }
0x3e0: {  	[tilespmem:s0+$0xFFFFFFE0] =	vst v10;
	v9 =	vsel vm0, $0xFF800000, v9;
	vm0 =	vlt.f32 v7, v4  }
0x3e1: {  	[tilespmem:s0+$0xFFFFFFF0] =	vst v9;
	v7 =	vsel vm0, $0xFF800000, v7;
	vm0 =	vlt.f32 v6, v4  }
0x3e2: {  	[tilespmem:s0+$0x0] =	vst v7;
	v6 =	vsel vm0, $0xFF800000, v6;
	vm0 =	vlt.f32 v5, v4  }
0x3e3: {  	vm1 =	vlt.f32 v8, v4;
	[tilespmem:s0+$0x10] =	vst v6;
	v5 =	vsel vm0, $0xFF800000, v5  }
0x3e4: {  	v6 =	vsel vm1, $0xFF800000, v8;
	[tilespmem:s0+$0x20] =	vst v5  }
0x3e5: {  	s23 =	sadd.s32 s2, s23;
	[tilespmem:s0+$0xFFFFFFC0] =	vst v6;
	s0 =	simm.s32 $0x2070  }
0x3e6: {  	[hbm4b:s23+s7] =	stream.strided.scatter [tilespmem:s4], [sflag:$0x5], $0x2000, s8, s7, $0x38;
	[tilespmem:$0x11400] =	vst v63  }
0x3e7: {  	v8 =	vld [tilespmem:s0+$0x0]  }
0x3e8: {  	v11 =	vld [tilespmem:s0+$0xFFFFFFA0]  }
0x3e9: {  	v10 =	vld [tilespmem:s0+$0xFFFFFFB0]  }
0x3ea: {  	v9 =	vld [tilespmem:s0+$0xFFFFFFC0]  }
0x3eb: {  	v7 =	vld [tilespmem:s0+$0xFFFFFFD0]  }
0x3ec: {  	v6 =	vld [tilespmem:s0+$0xFFFFFFE0];
	vm0 =	vlt.f32 v8, v4  }
0x3ed: {  	v5 =	vld [tilespmem:s0+$0xFFFFFFF0];
	vm1 =	vlt.f32 v11, v4;
	v12 =	vsel vm0, $0xFF800000, v8  }
0x3ee: {  	s3 =	simm.s32 $0x200;
	s6 =	simm.s32 $0x20F0;
	v8 =	vld [tilespmem:s0+$0xFFFFFF90];
	v11 =	vsel vm1, $0xFF800000, v11;
	vm0 =	vlt.f32 v10, v4;
	[tilespmem:s0+$0x0] =	vst v12  }
.LBB2_42:
0x3ef: {  	v12 =	vld [tilespmem:s6+$0x0];
	s3 =	sadd.s32 $0x8, s3;
	[tilespmem:s0+$0xFFFFFFA0] =	vst v11;
	v10 =	vsel vm0, $0xFF800000, v10;
	vm0 =	vlt.f32 v9, v4  }
0x3f0: {  	v11 =	vld [tilespmem:s6+$0xFFFFFFA0];
	p0 =	slt.u32 s3, $0x3F8;
	[tilespmem:s0+$0xFFFFFFB0] =	vst v10;
	v9 =	vsel vm0, $0xFF800000, v9;
	vm0 =	vlt.f32 v7, v4  }
0x3f1: {  	v10 =	vld [tilespmem:s6+$0xFFFFFFB0];
	[tilespmem:s0+$0xFFFFFFC0] =	vst v9;
	v7 =	vsel vm0, $0xFF800000, v7;
	vm0 =	vlt.f32 v6, v4  }
.Ltmp25:
0x3f2: {  	v9 =	vld [tilespmem:s6+$0xFFFFFFC0];
	[tilespmem:s0+$0xFFFFFFD0] =	vst v7;
	v6 =	vsel vm0, $0xFF800000, v6;
	vm0 =	vlt.f32 v5, v4;
	(pc) =	sbr.rel @p0 .LBB2_42-.Ltmp25, $4  }
0x3f3: {  	v7 =	vld [tilespmem:s6+$0xFFFFFFD0];
	vm1 =	vlt.f32 v8, v4;
	[tilespmem:s0+$0xFFFFFFE0] =	vst v6;
	v5 =	vsel vm0, $0xFF800000, v5  }
0x3f4: {  	v6 =	vld [tilespmem:s6+$0xFFFFFFE0];
	vm0 =	vlt.f32 v12, v4;
	v8 =	vsel vm1, $0xFF800000, v8;
	[tilespmem:s0+$0xFFFFFFF0] =	vst v5  }
0x3f5: {  	vm1 =	vlt.f32 v11, v4;
	v5 =	vld [tilespmem:s6+$0xFFFFFFF0];
	v12 =	vsel vm0, $0xFF800000, v12;
	[tilespmem:s0+$0xFFFFFF90] =	vst v8;
	s0 =	smov.u32 s6  }
0x3f6: {  	s6 =	sadd.s32 $0x80, s6;
	v8 =	vld [tilespmem:s0+$0xFFFFFF90];
	v11 =	vsel vm1, $0xFF800000, v11;
	vm0 =	vlt.f32 v10, v4;
	[tilespmem:s0+$0x0] =	vst v12  }
0x3f7: {  	[tilespmem:s0+$0xFFFFFFA0] =	vst v11;
	v10 =	vsel vm0, $0xFF800000, v10;
	vm0 =	vlt.f32 v9, v4  }
0x3f8: {  	[tilespmem:s0+$0xFFFFFFB0] =	vst v10;
	v9 =	vsel vm0, $0xFF800000, v9;
	vm0 =	vlt.f32 v7, v4  }
0x3f9: {  	[tilespmem:s0+$0xFFFFFFC0] =	vst v9;
	v7 =	vsel vm0, $0xFF800000, v7;
	vm0 =	vlt.f32 v6, v4  }
0x3fa: {  	[tilespmem:s0+$0xFFFFFFD0] =	vst v7;
	v6 =	vsel vm0, $0xFF800000, v6;
	vm0 =	vlt.f32 v5, v4  }
0x3fb: {  	vm1 =	vlt.f32 v8, v4;
	[tilespmem:s0+$0xFFFFFFE0] =	vst v6;
	v5 =	vsel vm0, $0xFF800000, v5  }
0x3fc: {  	v6 =	vsel vm1, $0xFF800000, v8;
	[tilespmem:s0+$0xFFFFFFF0] =	vst v5  }
0x3fd: {  	s31 =	sadd.s32 $0x2000, s23;
	[tilespmem:s0+$0xFFFFFF90] =	vst v6;
	s0 =	simm.s32 $0x4070  }
0x3fe: {  	[hbm4b:s31+s7] =	stream.strided.scatter [tilespmem:s16], [sflag:$0x6], $0x2000, s8, s7, $0x38;
	[tilespmem:$0x11400] =	vst v63  }
0x3ff: {  	v8 =	vld [tilespmem:s0+$0x0]  }
0x400: {  	v11 =	vld [tilespmem:s0+$0xFFFFFFA0]  }
0x401: {  	v10 =	vld [tilespmem:s0+$0xFFFFFFB0]  }
0x402: {  	v9 =	vld [tilespmem:s0+$0xFFFFFFC0]  }
0x403: {  	v7 =	vld [tilespmem:s0+$0xFFFFFFD0]  }
0x404: {  	v6 =	vld [tilespmem:s0+$0xFFFFFFE0];
	vm0 =	vlt.f32 v8, v4  }
0x405: {  	v5 =	vld [tilespmem:s0+$0xFFFFFFF0];
	vm1 =	vlt.f32 v11, v4;
	v12 =	vsel vm0, $0xFF800000, v8  }
0x406: {  	s3 =	simm.s32 $0x400;
	s6 =	simm.s32 $0x40F0;
	v8 =	vld [tilespmem:s0+$0xFFFFFF90];
	v11 =	vsel vm1, $0xFF800000, v11;
	vm0 =	vlt.f32 v10, v4;
	[tilespmem:s0+$0x0] =	vst v12  }
.LBB2_44:
0x407: {  	v12 =	vld [tilespmem:s6+$0x0];
	s3 =	sadd.s32 $0x8, s3;
	[tilespmem:s0+$0xFFFFFFA0] =	vst v11;
	v10 =	vsel vm0, $0xFF800000, v10;
	vm0 =	vlt.f32 v9, v4  }
0x408: {  	v11 =	vld [tilespmem:s6+$0xFFFFFFA0];
	p0 =	slt.u32 s3, $0x5F8;
	[tilespmem:s0+$0xFFFFFFB0] =	vst v10;
	v9 =	vsel vm0, $0xFF800000, v9;
	vm0 =	vlt.f32 v7, v4  }
0x409: {  	v10 =	vld [tilespmem:s6+$0xFFFFFFB0];
	[tilespmem:s0+$0xFFFFFFC0] =	vst v9;
	v7 =	vsel vm0, $0xFF800000, v7;
	vm0 =	vlt.f32 v6, v4  }
.Ltmp26:
0x40a: {  	v9 =	vld [tilespmem:s6+$0xFFFFFFC0];
	[tilespmem:s0+$0xFFFFFFD0] =	vst v7;
	v6 =	vsel vm0, $0xFF800000, v6;
	vm0 =	vlt.f32 v5, v4;
	(pc) =	sbr.rel @p0 .LBB2_44-.Ltmp26, $4  }
0x40b: {  	v7 =	vld [tilespmem:s6+$0xFFFFFFD0];
	vm1 =	vlt.f32 v8, v4;
	[tilespmem:s0+$0xFFFFFFE0] =	vst v6;
	v5 =	vsel vm0, $0xFF800000, v5  }
0x40c: {  	v6 =	vld [tilespmem:s6+$0xFFFFFFE0];
	vm0 =	vlt.f32 v12, v4;
	v8 =	vsel vm1, $0xFF800000, v8;
	[tilespmem:s0+$0xFFFFFFF0] =	vst v5  }
0x40d: {  	vm1 =	vlt.f32 v11, v4;
	v5 =	vld [tilespmem:s6+$0xFFFFFFF0];
	v12 =	vsel vm0, $0xFF800000, v12;
	[tilespmem:s0+$0xFFFFFF90] =	vst v8;
	s0 =	smov.u32 s6  }
0x40e: {  	s6 =	sadd.s32 $0x80, s6;
	v8 =	vld [tilespmem:s0+$0xFFFFFF90];
	v11 =	vsel vm1, $0xFF800000, v11;
	vm0 =	vlt.f32 v10, v4;
	[tilespmem:s0+$0x0] =	vst v12  }
0x40f: {  	[tilespmem:s0+$0xFFFFFFA0] =	vst v11;
	v10 =	vsel vm0, $0xFF800000, v10;
	vm0 =	vlt.f32 v9, v4  }
0x410: {  	[tilespmem:s0+$0xFFFFFFB0] =	vst v10;
	v9 =	vsel vm0, $0xFF800000, v9;
	vm0 =	vlt.f32 v7, v4  }
0x411: {  	[tilespmem:s0+$0xFFFFFFC0] =	vst v9;
	v7 =	vsel vm0, $0xFF800000, v7;
	vm0 =	vlt.f32 v6, v4  }
0x412: {  	[tilespmem:s0+$0xFFFFFFD0] =	vst v7;
	v6 =	vsel vm0, $0xFF800000, v6;
	vm0 =	vlt.f32 v5, v4  }
0x413: {  	vm1 =	vlt.f32 v8, v4;
	[tilespmem:s0+$0xFFFFFFE0] =	vst v6;
	v5 =	vsel vm0, $0xFF800000, v5  }
0x414: {  	v6 =	vsel vm1, $0xFF800000, v8;
	[tilespmem:s0+$0xFFFFFFF0] =	vst v5  }
0x415: {  	s31 =	sadd.s32 $0x4000, s23;
	[tilespmem:s0+$0xFFFFFF90] =	vst v6;
	s0 =	simm.s32 $0x6070  }
0x416: {  	[hbm4b:s31+s7] =	stream.strided.scatter [tilespmem:s9], [sflag:$0x7], $0x2000, s8, s7, $0x38;
	[tilespmem:$0x11400] =	vst v63  }
0x417: {  	v8 =	vld [tilespmem:s0+$0x0]  }
0x418: {  	v11 =	vld [tilespmem:s0+$0xFFFFFFA0]  }
0x419: {  	v10 =	vld [tilespmem:s0+$0xFFFFFFB0]  }
0x41a: {  	v9 =	vld [tilespmem:s0+$0xFFFFFFC0]  }
0x41b: {  	v7 =	vld [tilespmem:s0+$0xFFFFFFD0]  }
0x41c: {  	v6 =	vld [tilespmem:s0+$0xFFFFFFE0];
	vm0 =	vlt.f32 v8, v4  }
0x41d: {  	v5 =	vld [tilespmem:s0+$0xFFFFFFF0];
	vm1 =	vlt.f32 v11, v4;
	v12 =	vsel vm0, $0xFF800000, v8  }
0x41e: {  	s3 =	simm.s32 $0x600;
	s6 =	simm.s32 $0x60F0;
	v8 =	vld [tilespmem:s0+$0xFFFFFF90];
	v11 =	vsel vm1, $0xFF800000, v11;
	vm0 =	vlt.f32 v10, v4;
	[tilespmem:s0+$0x0] =	vst v12  }
.LBB2_46:
0x41f: {  	v12 =	vld [tilespmem:s6+$0x0];
	s3 =	sadd.s32 $0x8, s3;
	[tilespmem:s0+$0xFFFFFFA0] =	vst v11;
	v10 =	vsel vm0, $0xFF800000, v10;
	vm0 =	vlt.f32 v9, v4  }
0x420: {  	v11 =	vld [tilespmem:s6+$0xFFFFFFA0];
	p0 =	slt.u32 s3, $0x7F8;
	[tilespmem:s0+$0xFFFFFFB0] =	vst v10;
	v9 =	vsel vm0, $0xFF800000, v9;
	vm0 =	vlt.f32 v7, v4  }
0x421: {  	v10 =	vld [tilespmem:s6+$0xFFFFFFB0];
	[tilespmem:s0+$0xFFFFFFC0] =	vst v9;
	v7 =	vsel vm0, $0xFF800000, v7;
	vm0 =	vlt.f32 v6, v4  }
.Ltmp27:
0x422: {  	v9 =	vld [tilespmem:s6+$0xFFFFFFC0];
	[tilespmem:s0+$0xFFFFFFD0] =	vst v7;
	v6 =	vsel vm0, $0xFF800000, v6;
	vm0 =	vlt.f32 v5, v4;
	(pc) =	sbr.rel @p0 .LBB2_46-.Ltmp27, $4  }
0x423: {  	v7 =	vld [tilespmem:s6+$0xFFFFFFD0];
	vm1 =	vlt.f32 v8, v4;
	[tilespmem:s0+$0xFFFFFFE0] =	vst v6;
	v5 =	vsel vm0, $0xFF800000, v5  }
0x424: {  	v6 =	vld [tilespmem:s6+$0xFFFFFFE0];
	vm0 =	vlt.f32 v12, v4;
	v8 =	vsel vm1, $0xFF800000, v8;
	[tilespmem:s0+$0xFFFFFFF0] =	vst v5  }
0x425: {  	vm1 =	vlt.f32 v11, v4;
	v5 =	vld [tilespmem:s6+$0xFFFFFFF0];
	v12 =	vsel vm0, $0xFF800000, v12;
	[tilespmem:s0+$0xFFFFFF90] =	vst v8;
	s0 =	smov.u32 s6  }
0x426: {  	s6 =	sadd.s32 $0x80, s6;
	v8 =	vld [tilespmem:s0+$0xFFFFFF90];
	v11 =	vsel vm1, $0xFF800000, v11;
	vm0 =	vlt.f32 v10, v4;
	[tilespmem:s0+$0x0] =	vst v12  }
0x427: {  	[tilespmem:s0+$0xFFFFFFA0] =	vst v11;
	v10 =	vsel vm0, $0xFF800000, v10;
	vm12 =	vlt.f32 v9, v4  }
0x428: {  	s22 =	sadd.s32 $0x1, s22;
	[tilespmem:s0+$0xFFFFFFB0] =	vst v10;
	v9 =	vsel vm12, $0xFF800000, v9;
	vm13 =	vlt.f32 v7, v4  }
0x429: {  	p0 =	sne.s32 s22, $0x4;
	[tilespmem:s0+$0xFFFFFFC0] =	vst v9;
	v7 =	vsel vm13, $0xFF800000, v7;
	vm14 =	vlt.f32 v6, v4  }
.Ltmp28:
0x42a: {  	[tilespmem:s0+$0xFFFFFFD0] =	vst v7;
	v6 =	vsel vm14, $0xFF800000, v6;
	vm15 =	vlt.f32 v5, v4;
	(pc) =	sbr.rel @p0 .LBB2_4-.Ltmp28, $4  }
.Ltmp29:
0x42b: {  	vm1 =	vlt.f32 v8, v4;
	[tilespmem:s0+$0xFFFFFFE0] =	vst v6;
	v4 =	vsel vm15, $0xFF800000, v5;
	(pc) =	sbr.rel @!p0 .LBB2_48-.Ltmp29, $4  }
0x42c: {  	v5 =	vsel vm1, $0xFF800000, v8;
	[tilespmem:s0+$0xFFFFFFF0] =	vst v4  }
0x42d: {  	s31 =	sadd.s32 $0x6000, s23;
	[tilespmem:s0+$0xFFFFFF90] =	vst v5  }
0x42e: {  	[hbm4b:s31+s7] =	stream.strided.scatter [tilespmem:s10], [sflag:$0x8], $0x2000, s8, s7, $0x38;
	[tilespmem:$0x11400] =	vst v63  }
0x42f: {  	_ = 	snop  }
.LBB2_13:
.Ltmp30:
0x430: {  	(pc) =	sbr.rel .LBB2_16-.Ltmp30, $2  }
0x431: {  	_ =	sdelay $0x2  }
0x432: {  	s0 =	simm.s32 $0x0  }
.LBB2_49:
0x433: {  	_ =	sfence.sel $0x180000  }
0x434: {  	[bflag:$0x0] =	sbarrier.arrive $0xFFFF  }
0x435: {  	_ =	strace $0x90000047  }
0x436: {  	s0 =	stileid.u32;
	[bflag:$0x2] =	sbarrier.arrive $0xFFFF  }
0x437: {  	p0 =	sne.s32 s0, $0x0;
	s0 =	rddreg [dreg:$0x2]  }
0x438: {  	s0 =	sadd.s32 @!p0 $0x100000, s0  }
0x439: {  	[sflag:s0] =	ssyncadd.tile.s32 @!p0 $0x1;
	_ =	shalt  }
.Lfunc_end2:
_tile_overlayer_lowered:
.L_overlay_start_2:
0x43a: {  	(tag) =	ssettag $0x2  }
0x43b: {  	s0 =	rddreg [dreg:$0x0];
	s2 =	stileid.u32  }
0x43c: {  	s1 =	rddreg [dreg:$0x1];
	p0 =	sne.s32 s2, $0x0  }
0x43d: {  	s3 =	rddreg [dreg:$0x2];
	[bflag:$0x3] =	sbarrier.arrive $0xFFFF;
	s2 =	simm.s32 @!p0 $0x1C09  }
0x43e: {  	[timem:s3], [sflag:s2] =	dma.local @!p0 [hbm:s0], s1  }
0x43f: {  	s0 =	simm.s32 @!p0 $0x9  }
0x440: {  	_ =	swait.ge @!p0 [sflag:s0], s1  }
0x441: {  	s1 =	ssub.s32 @!p0 $0x0, s1;
	[sflag:s0] =	ssyncset.done @!p0 $0x0  }
0x442: {  	[sflag:s0] =	ssyncadd.s32 @!p0 s1  }
0x443: {  	[bflag:$0x3] =	sbarrier.arrive $0xFFFF  }
0x444: {  	_ =	shalt  }

</sc_bundles>
